<compile_context>
chip_gen: v7x
topology: tpu7x:2x2x1
jax: 0.10.2.dev20260603
libtpu: 0.0.44.dev20260713+nightly
codegen_flags: <defaults>
</compile_context>

<pallas_src>
import functools

import jax
import jax.numpy as jnp
from jax import lax
from jax.experimental import pallas as pl
from jax.experimental.pallas import tpu as pltpu
from jax.experimental.pallas import tpu_sc as plsc

EMB = 128
R0, R1, R2 = 6, 7, 3
NT = R0 * R1 * R2
NC, NS = 2, 16
NW = NC * NS
CHUNK = 128
LANES = 16


def _fuse_tables_kernel(w0_ref, w1_ref, w2_ref, t_ref):
    r = lax.broadcasted_iota(jnp.int32, (NT, 1), 0)
    a = r // (R1 * R2)
    b = (r // R2) % R1
    c = r % R2
    oh0 = (a == lax.broadcasted_iota(jnp.int32, (NT, R0), 1)).astype(jnp.float32)
    oh1 = (b == lax.broadcasted_iota(jnp.int32, (NT, R1), 1)).astype(jnp.float32)
    oh2 = (c == lax.broadcasted_iota(jnp.int32, (NT, R2), 1)).astype(jnp.float32)
    acc = jnp.dot(oh0, w0_ref[...], preferred_element_type=jnp.float32)
    acc = acc + jnp.dot(oh1, w1_ref[...], preferred_element_type=jnp.float32)
    acc = acc + jnp.dot(oh2, w2_ref[...], preferred_element_type=jnp.float32)
    t_ref[...] = acc


def _fuse_tables(W0, W1, W2):
    return pl.pallas_call(
        _fuse_tables_kernel,
        out_shape=jax.ShapeDtypeStruct((NT, EMB), jnp.float32),
    )(W0, W1, W2)


NBUF = 7


def _sc_lookup_body(num_chunks, num_edges, ea_hbm, t_hbm, out_hbm, t_sh,
                    ea_v0, ea_v1, ea_v2, ea_v3, ea_v4, ea_v5, ea_v6,
                    idx_v0, idx_v1, idx_v2, idx_v3, idx_v4, idx_v5, idx_v6,
                    rows_v0, rows_v1, rows_v2, rows_v3, rows_v4, rows_v5,
                    rows_v6,
                    in_sem0, in_sem1, in_sem2, in_sem3, in_sem4, in_sem5,
                    in_sem6,
                    gat_sem0, gat_sem1, gat_sem2, gat_sem3, gat_sem4, gat_sem5,
                    gat_sem6,
                    out_sem0, out_sem1, out_sem2, out_sem3, out_sem4,
                    out_sem5, out_sem6):
    wid = lax.axis_index("s") * NC + lax.axis_index("c")

    @pl.when(lax.axis_index("s") == 0)
    def _():
        pltpu.sync_copy(t_hbm, t_sh)

    plsc.subcore_barrier()
    base_n = num_chunks // NW
    rem = num_chunks - base_n * NW
    n = base_n + jnp.where(wid < rem, 1, 0).astype(jnp.int32)

    ea_bufs = (ea_v0, ea_v1, ea_v2, ea_v3, ea_v4, ea_v5, ea_v6)
    idx_bufs = (idx_v0, idx_v1, idx_v2, idx_v3, idx_v4, idx_v5, idx_v6)
    rows_bufs = (rows_v0, rows_v1, rows_v2, rows_v3, rows_v4, rows_v5, rows_v6)
    in_sems = (in_sem0, in_sem1, in_sem2, in_sem3, in_sem4, in_sem5, in_sem6)
    gat_sems = (gat_sem0, gat_sem1, gat_sem2, gat_sem3, gat_sem4, gat_sem5, gat_sem6)
    out_sems = (out_sem0, out_sem1, out_sem2, out_sem3, out_sem4, out_sem5, out_sem6)

    def start_in(i, b):
        ebase = (wid + i * NW) * CHUNK
        for k in range(3):
            pltpu.async_copy(
                ea_hbm.at[pl.ds(pl.multiple_of(k * num_edges + ebase, 8),
                                CHUNK)],
                ea_bufs[b].at[pl.ds(k * CHUNK, CHUNK)], in_sems[b])

    def wait_in(b):
        pltpu.make_async_copy(ea_hbm.at[pl.ds(0, CHUNK * 3)],
                              ea_bufs[b], in_sems[b]).wait()

    def start_out(i, b):
        ebase = (wid + i * NW) * CHUNK
        pltpu.async_copy(rows_bufs[b], out_hbm.at[pl.ds(ebase, CHUNK)],
                         out_sems[b])

    def wait_out(b):
        pltpu.make_async_copy(rows_bufs[b], out_hbm.at[pl.ds(0, CHUNK)],
                              out_sems[b]).wait()

    def start_gather(b):
        pltpu.async_copy(t_sh.at[idx_bufs[b]], rows_bufs[b], gat_sems[b])

    def wait_gather(b):
        pltpu.make_async_copy(t_sh.at[idx_bufs[b]], rows_bufs[b],
                              gat_sems[b]).wait()

    @pl.when(n > 0)
    def _():
        start_in(0, 0)

    @pl.when(n > 1)
    def _():
        start_in(1, 1)

    def step(i, b):
        bp = (b - 3) % NBUF

        @pl.when((i >= 3) & (i <= n + 2))
        def _():
            wait_gather(bp)
            start_out(i - 3, bp)

        @pl.when(i < n)
        def _():
            wait_in(b)
            for k in range(CHUNK // LANES):
                i0 = ea_bufs[b][pl.ds(k * LANES, LANES)]
                i1 = ea_bufs[b][pl.ds(CHUNK + k * LANES, LANES)]
                i2 = ea_bufs[b][pl.ds(2 * CHUNK + k * LANES, LANES)]
                i0 = jnp.clip(i0, 0, R0 - 1)
                i1 = jnp.clip(i1, 0, R1 - 1)
                i2 = jnp.clip(i2, 0, R2 - 1)
                idx_bufs[b][pl.ds(k * LANES, LANES)] = \
                    (i0 * R1 + i1) * R2 + i2

            @pl.when(i >= NBUF)
            def _():
                wait_out(b)

            start_gather(b)

            @pl.when(i + 2 < n)
            def _():
                start_in(i + 2, (b + 2) % NBUF)

    def gbody(g, carry):
        for b in range(NBUF):
            i = g * NBUF + b
            step(i, b)
        return carry

    lax.fori_loop(0, (n + 2) // NBUF + 1, gbody, 0)

    for k in range(NBUF):
        @pl.when(n > k)
        def _():
            wait_out(k)


def _sc_lookup(ea_flat, T, E):
    num_chunks = E // CHUNK
    mesh = plsc.VectorSubcoreMesh(core_axis_name="c", subcore_axis_name="s")
    return pl.kernel(
        functools.partial(_sc_lookup_body, num_chunks, E),
        out_type=jax.ShapeDtypeStruct((E, EMB), jnp.float32),
        mesh=mesh,
        compiler_params=pltpu.CompilerParams(needs_layout_passes=False),
        scratch_types=(
            [pltpu.VMEM_SHARED((NT, EMB), jnp.float32)]
            + [pltpu.VMEM((CHUNK * 3,), jnp.int32)] * NBUF
            + [pltpu.VMEM((CHUNK,), jnp.int32)] * NBUF
            + [pltpu.VMEM((CHUNK, EMB), jnp.float32)] * NBUF
            + [pltpu.SemaphoreType.DMA] * (3 * NBUF)
        ),
    )(ea_flat, T)


def kernel(edge_attr, W0, W1, W2):
    E = edge_attr.shape[0]
    T = _fuse_tables(W0, W1, W2)
    ea_t = edge_attr.T.reshape(-1)
    return _sc_lookup(ea_t, T, E)

# --- scband reference (transcript-rebuilt; emitter-appended) ---
"""Pipeline reference for scband-bond-encoder-custom-90065464197236 (READ-ONLY COPY).

The authoritative reference and input builder live on the scoring server;
editing this copy changes nothing except your own understanding.
"""

import jax, jax.numpy as jnp
import numpy as np

EMB_DIM = 128
BOND_FEATURE_DIMS = [5, 6, 2]  # ogb.utils.features.get_bond_feature_dims()
E = 320000


def _xavier_uniform(key, shape):
    fan_in, fan_out = shape[0], shape[1]
    bound = float(np.sqrt(6.0 / (fan_in + fan_out)))
    return jax.random.uniform(key, shape, dtype=jnp.float32, minval=-bound, maxval=bound)


def setup_inputs(seed: int = 0) -> dict:
    key = jax.random.key(seed)
    k_idx, k0, k1, k2 = jax.random.split(key, 4)
    edge_attr = jax.random.randint(k_idx, (E, 3), 0, 3, dtype=jnp.int32)
    W0 = _xavier_uniform(k0, (BOND_FEATURE_DIMS[0] + 1, EMB_DIM))
    W1 = _xavier_uniform(k1, (BOND_FEATURE_DIMS[1] + 1, EMB_DIM))
    W2 = _xavier_uniform(k2, (BOND_FEATURE_DIMS[2] + 1, EMB_DIM))
    return {"edge_attr": edge_attr, "W0": W0, "W1": W1, "W2": W2}


def reference(edge_attr, W0, W1, W2):
    # bond_embedding = sum_i embedding_i(edge_attr[:, i])
    bond_embedding = jnp.take(W0, edge_attr[:, 0], axis=0)
    bond_embedding = bond_embedding + jnp.take(W1, edge_attr[:, 1], axis=0)
    bond_embedding = bond_embedding + jnp.take(W2, edge_attr[:, 2], axis=0)
    return bond_embedding

if __name__ == "__main__":
    import jax
    _d = setup_inputs()
    print(jax.jit(kernel)(*tuple(_d.values())))

</pallas_src>

<mosaic_0001>
#map = affine_map<(d0, d1) -> (0)>
#map1 = affine_map<(d0, d1) -> (0, 0)>
module attributes {stable_mosaic.version = 14 : i64} {
  func.func @_sc_lookup_body(%arg0: i32, %arg1: i32, %arg2: memref<960000xi32, #tpu.memory_space<hbm>>, %arg3: memref<126x128xf32, #tpu.memory_space<hbm>>, %arg4: memref<320000x128xf32, #tpu.memory_space<hbm>>, %arg5: memref<126x128xf32, #tpu.memory_space<vmem_shared>>, %arg6: memref<384xi32, #tpu.memory_space<vmem>>, %arg7: memref<384xi32, #tpu.memory_space<vmem>>, %arg8: memref<384xi32, #tpu.memory_space<vmem>>, %arg9: memref<384xi32, #tpu.memory_space<vmem>>, %arg10: memref<384xi32, #tpu.memory_space<vmem>>, %arg11: memref<384xi32, #tpu.memory_space<vmem>>, %arg12: memref<384xi32, #tpu.memory_space<vmem>>, %arg13: memref<128xi32, #tpu.memory_space<vmem>>, %arg14: memref<128xi32, #tpu.memory_space<vmem>>, %arg15: memref<128xi32, #tpu.memory_space<vmem>>, %arg16: memref<128xi32, #tpu.memory_space<vmem>>, %arg17: memref<128xi32, #tpu.memory_space<vmem>>, %arg18: memref<128xi32, #tpu.memory_space<vmem>>, %arg19: memref<128xi32, #tpu.memory_space<vmem>>, %arg20: memref<128x128xf32, #tpu.memory_space<vmem>>, %arg21: memref<128x128xf32, #tpu.memory_space<vmem>>, %arg22: memref<128x128xf32, #tpu.memory_space<vmem>>, %arg23: memref<128x128xf32, #tpu.memory_space<vmem>>, %arg24: memref<128x128xf32, #tpu.memory_space<vmem>>, %arg25: memref<128x128xf32, #tpu.memory_space<vmem>>, %arg26: memref<128x128xf32, #tpu.memory_space<vmem>>, %arg27: memref<!tpu.dma_semaphore, #tpu.memory_space<semaphore_mem>>, %arg28: memref<!tpu.dma_semaphore, #tpu.memory_space<semaphore_mem>>, %arg29: memref<!tpu.dma_semaphore, #tpu.memory_space<semaphore_mem>>, %arg30: memref<!tpu.dma_semaphore, #tpu.memory_space<semaphore_mem>>, %arg31: memref<!tpu.dma_semaphore, #tpu.memory_space<semaphore_mem>>, %arg32: memref<!tpu.dma_semaphore, #tpu.memory_space<semaphore_mem>>, %arg33: memref<!tpu.dma_semaphore, #tpu.memory_space<semaphore_mem>>, %arg34: memref<!tpu.dma_semaphore, #tpu.memory_space<semaphore_mem>>, %arg35: memref<!tpu.dma_semaphore, #tpu.memory_space<semaphore_mem>>, %arg36: memref<!tpu.dma_semaphore, #tpu.memory_space<semaphore_mem>>, %arg37: memref<!tpu.dma_semaphore, #tpu.memory_space<semaphore_mem>>, %arg38: memref<!tpu.dma_semaphore, #tpu.memory_space<semaphore_mem>>, %arg39: memref<!tpu.dma_semaphore, #tpu.memory_space<semaphore_mem>>, %arg40: memref<!tpu.dma_semaphore, #tpu.memory_space<semaphore_mem>>, %arg41: memref<!tpu.dma_semaphore, #tpu.memory_space<semaphore_mem>>, %arg42: memref<!tpu.dma_semaphore, #tpu.memory_space<semaphore_mem>>, %arg43: memref<!tpu.dma_semaphore, #tpu.memory_space<semaphore_mem>>, %arg44: memref<!tpu.dma_semaphore, #tpu.memory_space<semaphore_mem>>, %arg45: memref<!tpu.dma_semaphore, #tpu.memory_space<semaphore_mem>>, %arg46: memref<!tpu.dma_semaphore, #tpu.memory_space<semaphore_mem>>, %arg47: memref<!tpu.dma_semaphore, #tpu.memory_space<semaphore_mem>>) attributes {dimension_semantics = [#tpu.dimension_semantics<core_parallel>, #tpu.dimension_semantics<subcore_parallel>], iteration_bounds = array<i64: 2, 16>, scalar_prefetch = 0 : i64, scratch_operands = 43 : i64, tpu.core_type = #tpu.core_type<sc_vector_subcore>, window_params = [{transform_indices = #map}, {transform_indices = #map1}, {transform_indices = #map1}]} {
    %mul3A = arith.constant 2 : i32
    %mul3A_0 = arith.muli %arg1, %mul3A : i32
    %add3A = arith.addi %mul3A_0, %arg0 : i32
    %eq3A = arith.constant 0 : i32
    %eq3A_1 = arith.cmpi eq, %arg1, %eq3A : i32
    %convert_element_type3A = arith.extui %eq3A_1 : i1 to i32
    %cond3A = arith.constant 0 : i32
    %cond3A_2 = arith.cmpi ne, %convert_element_type3A, %cond3A : i32
    scf.if %cond3A_2 {
      "tpu.region"() ({
        %run_scoped3A = tpu.sem_alloc : memref<!tpu.dma_semaphore, #tpu.memory_space<semaphore_mem>>
        tpu.enqueue_dma source(%arg3 : memref<126x128xf32, #tpu.memory_space<hbm>>) target(%arg5 : memref<126x128xf32, #tpu.memory_space<vmem_shared>>) target_semaphore(%run_scoped3A : memref<!tpu.dma_semaphore, #tpu.memory_space<semaphore_mem>>)
        tpu.wait_dma2 semaphore(%run_scoped3A : memref<!tpu.dma_semaphore, #tpu.memory_space<semaphore_mem>>) src(%arg3 : memref<126x128xf32, #tpu.memory_space<hbm>>) dst(%arg5 : memref<126x128xf32, #tpu.memory_space<vmem_shared>>)
        tpu.yield
      }) : () -> ()
    } else {
    }
    %barrier3A = arith.constant 0 : index
    tpu.barrier barrier_id(%barrier3A)
    %lt3A = arith.constant 4 : i32
    %lt3A_3 = arith.cmpi slt, %add3A, %lt3A : i32
    %jit3A = arith.constant 1 : i32
    %jit3A_4 = arith.constant 0 : i32
    %select_n3A = arith.select %lt3A_3, %jit3A, %jit3A_4 : i32
    %add3A_5 = arith.constant 78 : i32
    %add3A_6 = arith.addi %add3A_5, %select_n3A : i32
    %gt3A = arith.constant 0 : i32
    %gt3A_7 = arith.cmpi sgt, %add3A_6, %gt3A : i32
    %convert_element_type3A_8 = arith.extui %gt3A_7 : i1 to i32
    %cond3A_9 = arith.constant 0 : i32
    %cond3A_10 = arith.cmpi ne, %convert_element_type3A_8, %cond3A_9 : i32
    scf.if %cond3A_10 {
      %add3A_82 = arith.constant 0 : i32
      %add3A_83 = arith.addi %add3A, %add3A_82 : i32
      %mul3A_84 = arith.constant 128 : i32
      %mul3A_85 = arith.muli %add3A_83, %mul3A_84 : i32
      %add3A_86 = arith.constant 0 : i32
      %add3A_87 = arith.addi %add3A_86, %mul3A_85 : i32
      %multiple_of3A = tpu.assume_multiple %add3A_87, 8 : i32
      %dma_start3A = arith.constant 0 : i32
      %dma_start3A_88 = tpu.memref_slice %arg6[%dma_start3A] : memref<384xi32, #tpu.memory_space<vmem>> -> memref<128xi32, #tpu.memory_space<vmem>>
      %dma_start3A_89 = tpu.memref_slice %arg2[%multiple_of3A] : memref<960000xi32, #tpu.memory_space<hbm>> -> memref<128xi32, #tpu.memory_space<hbm>>
      %dma_start3A_90 = arith.constant 0 : i32
      %dma_start3A_91 = tpu.memref_slice %arg6[%dma_start3A_90] : memref<384xi32, #tpu.memory_space<vmem>> -> memref<128xi32, #tpu.memory_space<vmem>>
      %dma_start3A_92 = tpu.memref_slice %arg2[%multiple_of3A] : memref<960000xi32, #tpu.memory_space<hbm>> -> memref<128xi32, #tpu.memory_space<hbm>>
      tpu.enqueue_dma source(%dma_start3A_92 : memref<128xi32, #tpu.memory_space<hbm>>) target(%dma_start3A_91 : memref<128xi32, #tpu.memory_space<vmem>>) target_semaphore(%arg27 : memref<!tpu.dma_semaphore, #tpu.memory_space<semaphore_mem>>)
      %add3A_93 = arith.constant 320000 : i32
      %add3A_94 = arith.addi %add3A_93, %mul3A_85 : i32
      %multiple_of3A_95 = tpu.assume_multiple %add3A_94, 8 : i32
      %dma_start3A_96 = arith.constant 128 : i32
      %dma_start3A_97 = tpu.memref_slice %arg6[%dma_start3A_96] : memref<384xi32, #tpu.memory_space<vmem>> -> memref<128xi32, #tpu.memory_space<vmem>>
      %dma_start3A_98 = tpu.memref_slice %arg2[%multiple_of3A_95] : memref<960000xi32, #tpu.memory_space<hbm>> -> memref<128xi32, #tpu.memory_space<hbm>>
      %dma_start3A_99 = arith.constant 128 : i32
      %dma_start3A_100 = tpu.memref_slice %arg6[%dma_start3A_99] : memref<384xi32, #tpu.memory_space<vmem>> -> memref<128xi32, #tpu.memory_space<vmem>>
      %dma_start3A_101 = tpu.memref_slice %arg2[%multiple_of3A_95] : memref<960000xi32, #tpu.memory_space<hbm>> -> memref<128xi32, #tpu.memory_space<hbm>>
      tpu.enqueue_dma source(%dma_start3A_101 : memref<128xi32, #tpu.memory_space<hbm>>) target(%dma_start3A_100 : memref<128xi32, #tpu.memory_space<vmem>>) target_semaphore(%arg27 : memref<!tpu.dma_semaphore, #tpu.memory_space<semaphore_mem>>)
      %add3A_102 = arith.constant 640000 : i32
      %add3A_103 = arith.addi %add3A_102, %mul3A_85 : i32
      %multiple_of3A_104 = tpu.assume_multiple %add3A_103, 8 : i32
      %dma_start3A_105 = arith.constant 256 : i32
      %dma_start3A_106 = tpu.memref_slice %arg6[%dma_start3A_105] : memref<384xi32, #tpu.memory_space<vmem>> -> memref<128xi32, #tpu.memory_space<vmem>>
      %dma_start3A_107 = tpu.memref_slice %arg2[%multiple_of3A_104] : memref<960000xi32, #tpu.memory_space<hbm>> -> memref<128xi32, #tpu.memory_space<hbm>>
      %dma_start3A_108 = arith.constant 256 : i32
      %dma_start3A_109 = tpu.memref_slice %arg6[%dma_start3A_108] : memref<384xi32, #tpu.memory_space<vmem>> -> memref<128xi32, #tpu.memory_space<vmem>>
      %dma_start3A_110 = tpu.memref_slice %arg2[%multiple_of3A_104] : memref<960000xi32, #tpu.memory_space<hbm>> -> memref<128xi32, #tpu.memory_space<hbm>>
      tpu.enqueue_dma source(%dma_start3A_110 : memref<128xi32, #tpu.memory_space<hbm>>) target(%dma_start3A_109 : memref<128xi32, #tpu.memory_space<vmem>>) target_semaphore(%arg27 : memref<!tpu.dma_semaphore, #tpu.memory_space<semaphore_mem>>)
    } else {
    }
    %gt3A_11 = arith.constant 1 : i32
    %gt3A_12 = arith.cmpi sgt, %add3A_6, %gt3A_11 : i32
    %convert_element_type3A_13 = arith.extui %gt3A_12 : i1 to i32
    %cond3A_14 = arith.constant 0 : i32
    %cond3A_15 = arith.cmpi ne, %convert_element_type3A_13, %cond3A_14 : i32
    scf.if %cond3A_15 {
      %add3A_82 = arith.constant 32 : i32
      %add3A_83 = arith.addi %add3A, %add3A_82 : i32
      %mul3A_84 = arith.constant 128 : i32
      %mul3A_85 = arith.muli %add3A_83, %mul3A_84 : i32
      %add3A_86 = arith.constant 0 : i32
      %add3A_87 = arith.addi %add3A_86, %mul3A_85 : i32
      %multiple_of3A = tpu.assume_multiple %add3A_87, 8 : i32
      %dma_start3A = arith.constant 0 : i32
      %dma_start3A_88 = tpu.memref_slice %arg7[%dma_start3A] : memref<384xi32, #tpu.memory_space<vmem>> -> memref<128xi32, #tpu.memory_space<vmem>>
      %dma_start3A_89 = tpu.memref_slice %arg2[%multiple_of3A] : memref<960000xi32, #tpu.memory_space<hbm>> -> memref<128xi32, #tpu.memory_space<hbm>>
      %dma_start3A_90 = arith.constant 0 : i32
      %dma_start3A_91 = tpu.memref_slice %arg7[%dma_start3A_90] : memref<384xi32, #tpu.memory_space<vmem>> -> memref<128xi32, #tpu.memory_space<vmem>>
      %dma_start3A_92 = tpu.memref_slice %arg2[%multiple_of3A] : memref<960000xi32, #tpu.memory_space<hbm>> -> memref<128xi32, #tpu.memory_space<hbm>>
      tpu.enqueue_dma source(%dma_start3A_92 : memref<128xi32, #tpu.memory_space<hbm>>) target(%dma_start3A_91 : memref<128xi32, #tpu.memory_space<vmem>>) target_semaphore(%arg28 : memref<!tpu.dma_semaphore, #tpu.memory_space<semaphore_mem>>)
      %add3A_93 = arith.constant 320000 : i32
      %add3A_94 = arith.addi %add3A_93, %mul3A_85 : i32
      %multiple_of3A_95 = tpu.assume_multiple %add3A_94, 8 : i32
      %dma_start3A_96 = arith.constant 128 : i32
      %dma_start3A_97 = tpu.memref_slice %arg7[%dma_start3A_96] : memref<384xi32, #tpu.memory_space<vmem>> -> memref<128xi32, #tpu.memory_space<vmem>>
      %dma_start3A_98 = tpu.memref_slice %arg2[%multiple_of3A_95] : memref<960000xi32, #tpu.memory_space<hbm>> -> memref<128xi32, #tpu.memory_space<hbm>>
      %dma_start3A_99 = arith.constant 128 : i32
      %dma_start3A_100 = tpu.memref_slice %arg7[%dma_start3A_99] : memref<384xi32, #tpu.memory_space<vmem>> -> memref<128xi32, #tpu.memory_space<vmem>>
      %dma_start3A_101 = tpu.memref_slice %arg2[%multiple_of3A_95] : memref<960000xi32, #tpu.memory_space<hbm>> -> memref<128xi32, #tpu.memory_space<hbm>>
      tpu.enqueue_dma source(%dma_start3A_101 : memref<128xi32, #tpu.memory_space<hbm>>) target(%dma_start3A_100 : memref<128xi32, #tpu.memory_space<vmem>>) target_semaphore(%arg28 : memref<!tpu.dma_semaphore, #tpu.memory_space<semaphore_mem>>)
      %add3A_102 = arith.constant 640000 : i32
      %add3A_103 = arith.addi %add3A_102, %mul3A_85 : i32
      %multiple_of3A_104 = tpu.assume_multiple %add3A_103, 8 : i32
      %dma_start3A_105 = arith.constant 256 : i32
      %dma_start3A_106 = tpu.memref_slice %arg7[%dma_start3A_105] : memref<384xi32, #tpu.memory_space<vmem>> -> memref<128xi32, #tpu.memory_space<vmem>>
      %dma_start3A_107 = tpu.memref_slice %arg2[%multiple_of3A_104] : memref<960000xi32, #tpu.memory_space<hbm>> -> memref<128xi32, #tpu.memory_space<hbm>>
      %dma_start3A_108 = arith.constant 256 : i32
      %dma_start3A_109 = tpu.memref_slice %arg7[%dma_start3A_108] : memref<384xi32, #tpu.memory_space<vmem>> -> memref<128xi32, #tpu.memory_space<vmem>>
      %dma_start3A_110 = tpu.memref_slice %arg2[%multiple_of3A_104] : memref<960000xi32, #tpu.memory_space<hbm>> -> memref<128xi32, #tpu.memory_space<hbm>>
      tpu.enqueue_dma source(%dma_start3A_110 : memref<128xi32, #tpu.memory_space<hbm>>) target(%dma_start3A_109 : memref<128xi32, #tpu.memory_space<vmem>>) target_semaphore(%arg28 : memref<!tpu.dma_semaphore, #tpu.memory_space<semaphore_mem>>)
    } else {
    }
    %add3A_16 = arith.constant 2 : i32
    %add3A_17 = arith.addi %add3A_6, %add3A_16 : i32
    %jit3A_18 = arith.constant 7 : i32
    %div3A = arith.divsi %add3A_17, %jit3A_18 : i32
    %sign3A = arith.constant 0 : i32
    %sign3A_19 = arith.cmpi sgt, %add3A_17, %sign3A : i32
    %sign3A_20 = arith.extui %sign3A_19 : i1 to i32
    %sign3A_21 = arith.constant 0 : i32
    %sign3A_22 = arith.cmpi slt, %add3A_17, %sign3A_21 : i32
    %sign3A_23 = arith.extui %sign3A_22 : i1 to i32
    %sign3A_24 = arith.subi %sign3A_20, %sign3A_23 : i32
    %sign3A_25 = arith.constant 0 : i32
    %sign3A_26 = arith.cmpi sgt, %jit3A_18, %sign3A_25 : i32
    %sign3A_27 = arith.extui %sign3A_26 : i1 to i32
    %sign3A_28 = arith.constant 0 : i32
    %sign3A_29 = arith.cmpi slt, %jit3A_18, %sign3A_28 : i32
    %sign3A_30 = arith.extui %sign3A_29 : i1 to i32
    %sign3A_31 = arith.subi %sign3A_27, %sign3A_30 : i32
    %ne3A = arith.cmpi ne, %sign3A_24, %sign3A_31 : i32
    %rem3A = arith.remsi %add3A_17, %jit3A_18 : i32
    %ne3A_32 = arith.constant 0 : i32
    %ne3A_33 = arith.cmpi ne, %rem3A, %ne3A_32 : i32
    %and3A = arith.andi %ne3A, %ne3A_33 : i1
    %sub3A = arith.constant 1 : i32
    %sub3A_34 = arith.subi %div3A, %sub3A : i32
    %select_n3A_35 = arith.select %and3A, %sub3A_34, %div3A : i32
    %add3A_36 = arith.constant 1 : i32
    %add3A_37 = arith.addi %select_n3A_35, %add3A_36 : i32
    %while3A = arith.constant 0 : i32
    %while3A_38 = arith.constant 0 : i32
    %while3A_39 = arith.subi %add3A_37, %while3A_38 : i32
    %while3A_40 = arith.addi %while3A_38, %while3A_39 : i32
    %while3A_41 = arith.constant 1 : i32
    %while3A_42 = arith.divsi %while3A_39, %while3A_41 : i32
    %while3A_43 = arith.muli %while3A_42, %while3A_41 : i32
    %while3A_44 = arith.addi %while3A_38, %while3A_43 : i32
    %while3A_45 = arith.constant 1 : i32
    scf.for %while3A_82 = %while3A_38 to %while3A_44 step %while3A_45  : i32 {
      %mul3A_83 = arith.constant 7 : i32
      %mul3A_84 = arith.muli %while3A_82, %mul3A_83 : i32
      %add3A_85 = arith.constant 0 : i32
      %add3A_86 = arith.addi %mul3A_84, %add3A_85 : i32
      %ge3A = arith.constant 3 : i32
      %ge3A_87 = arith.cmpi sge, %add3A_86, %ge3A : i32
      %add3A_88 = arith.constant 2 : i32
      %add3A_89 = arith.addi %add3A_6, %add3A_88 : i32
      %le3A = arith.cmpi sle, %add3A_86, %add3A_89 : i32
      %and3A_90 = arith.andi %ge3A_87, %le3A : i1
      %convert_element_type3A_91 = arith.extui %and3A_90 : i1 to i32
      %cond3A_92 = arith.constant 0 : i32
      %cond3A_93 = arith.cmpi ne, %convert_element_type3A_91, %cond3A_92 : i32
      scf.if %cond3A_93 {
        %dma_wait3A = arith.constant 0 : i32
        %dma_wait3A_200 = arith.constant 0 : i32
        %dma_wait3A_201 = tpu.memref_slice %arg5[%dma_wait3A, %dma_wait3A_200] : memref<126x128xf32, #tpu.memory_space<vmem_shared>> -> memref<126x128xf32, #tpu.memory_space<vmem_shared>>
        tpu.wait_indirect_dma semaphore(%arg38 : memref<!tpu.dma_semaphore, #tpu.memory_space<semaphore_mem>>) src(%dma_wait3A_201 : memref<126x128xf32, #tpu.memory_space<vmem_shared>>) dst(%arg24 : memref<128x128xf32, #tpu.memory_space<vmem>>)
        %sub3A_202 = arith.constant 3 : i32
        %sub3A_203 = arith.subi %add3A_86, %sub3A_202 : i32
        %mul3A_204 = arith.constant 32 : i32
        %mul3A_205 = arith.muli %sub3A_203, %mul3A_204 : i32
        %add3A_206 = arith.addi %add3A, %mul3A_205 : i32
        %mul3A_207 = arith.constant 128 : i32
        %mul3A_208 = arith.muli %add3A_206, %mul3A_207 : i32
        %dma_start3A = arith.constant 0 : i32
        %dma_start3A_209 = tpu.memref_slice %arg4[%mul3A_208, %dma_start3A] : memref<320000x128xf32, #tpu.memory_space<hbm>> -> memref<128x128xf32, #tpu.memory_space<hbm>>
        %dma_start3A_210 = arith.constant 0 : i32
        %dma_start3A_211 = tpu.memref_slice %arg4[%mul3A_208, %dma_start3A_210] : memref<320000x128xf32, #tpu.memory_space<hbm>> -> memref<128x128xf32, #tpu.memory_space<hbm>>
        tpu.enqueue_dma source(%arg24 : memref<128x128xf32, #tpu.memory_space<vmem>>) target(%dma_start3A_211 : memref<128x128xf32, #tpu.memory_space<hbm>>) target_semaphore(%arg45 : memref<!tpu.dma_semaphore, #tpu.memory_space<semaphore_mem>>)
      } else {
      }
      %lt3A_94 = arith.cmpi slt, %add3A_86, %add3A_6 : i32
      %convert_element_type3A_95 = arith.extui %lt3A_94 : i1 to i32
      %cond3A_96 = arith.constant 0 : i32
      %cond3A_97 = arith.cmpi ne, %convert_element_type3A_95, %cond3A_96 : i32
      scf.if %cond3A_97 {
        %dma_wait3A = arith.constant 0 : i32
        %dma_wait3A_200 = tpu.memref_slice %arg2[%dma_wait3A] : memref<960000xi32, #tpu.memory_space<hbm>> -> memref<384xi32, #tpu.memory_space<hbm>>
        %dma_wait3A_201 = arith.constant 0 : i32
        %dma_wait3A_202 = tpu.memref_slice %arg2[%dma_wait3A_201] : memref<960000xi32, #tpu.memory_space<hbm>> -> memref<384xi32, #tpu.memory_space<hbm>>
        tpu.wait_dma2 semaphore(%arg27 : memref<!tpu.dma_semaphore, #tpu.memory_space<semaphore_mem>>) src(%dma_wait3A_202 : memref<384xi32, #tpu.memory_space<hbm>>) dst(%arg6 : memref<384xi32, #tpu.memory_space<vmem>>)
        %get3A = arith.constant 0 : index
        %get3A_203 = tpu.vector_load %arg6[%get3A] {strides = array<i32>} : memref<384xi32, #tpu.memory_space<vmem>>, vector<16xi32>,
        %get3A_204 = arith.constant 128 : index
        %get3A_205 = tpu.vector_load %arg6[%get3A_204] {strides = array<i32>} : memref<384xi32, #tpu.memory_space<vmem>>, vector<16xi32>,
        %get3A_206 = arith.constant 256 : index
        %get3A_207 = tpu.vector_load %arg6[%get3A_206] {strides = array<i32>} : memref<384xi32, #tpu.memory_space<vmem>>, vector<16xi32>,
        %jit3A_208 = arith.constant 0 : i32
        %jit3A_209 = arith.constant 5 : i32
        %max3A = vector.broadcast %jit3A_208 : i32 to vector<16xi32>
        %max3A_210 = arith.maxsi %max3A, %get3A_203 : vector<16xi32>
        %min3A = vector.broadcast %jit3A_209 : i32 to vector<16xi32>
        %min3A_211 = arith.minsi %min3A, %max3A_210 : vector<16xi32>
        %jit3A_212 = arith.constant 0 : i32
        %jit3A_213 = arith.constant 6 : i32
        %max3A_214 = vector.broadcast %jit3A_212 : i32 to vector<16xi32>
        %max3A_215 = arith.maxsi %max3A_214, %get3A_205 : vector<16xi32>
        %min3A_216 = vector.broadcast %jit3A_213 : i32 to vector<16xi32>
        %min3A_217 = arith.minsi %min3A_216, %max3A_215 : vector<16xi32>
        %jit3A_218 = arith.constant 0 : i32
        %jit3A_219 = arith.constant 2 : i32
        %max3A_220 = vector.broadcast %jit3A_218 : i32 to vector<16xi32>
        %max3A_221 = arith.maxsi %max3A_220, %get3A_207 : vector<16xi32>
        %min3A_222 = vector.broadcast %jit3A_219 : i32 to vector<16xi32>
        %min3A_223 = arith.minsi %min3A_222, %max3A_221 : vector<16xi32>
        %mul3A_224 = arith.constant 7 : i32
        %mul3A_225 = vector.broadcast %mul3A_224 : i32 to vector<16xi32>
        %mul3A_226 = arith.muli %min3A_211, %mul3A_225 : vector<16xi32>
        %add3A_227 = arith.addi %mul3A_226, %min3A_217 : vector<16xi32>
        %mul3A_228 = arith.constant 3 : i32
        %mul3A_229 = vector.broadcast %mul3A_228 : i32 to vector<16xi32>
        %mul3A_230 = arith.muli %add3A_227, %mul3A_229 : vector<16xi32>
        %add3A_231 = arith.addi %mul3A_230, %min3A_223 : vector<16xi32>
        %swap3A = arith.constant 0 : index
        %swap3A_232 = tpu.vector_load %arg13[%swap3A] {strides = array<i32>} : memref<128xi32, #tpu.memory_space<vmem>>, vector<16xi32>,
        tpu.vector_store %arg13[%swap3A], %add3A_231 {strides = array<i32>} : memref<128xi32, #tpu.memory_space<vmem>>, vector<16xi32>,
        %get3A_233 = arith.constant 16 : index
        %get3A_234 = tpu.vector_load %arg6[%get3A_233] {strides = array<i32>} : memref<384xi32, #tpu.memory_space<vmem>>, vector<16xi32>,
        %get3A_235 = arith.constant 144 : index
        %get3A_236 = tpu.vector_load %arg6[%get3A_235] {strides = array<i32>} : memref<384xi32, #tpu.memory_space<vmem>>, vector<16xi32>,
        %get3A_237 = arith.constant 272 : index
        %get3A_238 = tpu.vector_load %arg6[%get3A_237] {strides = array<i32>} : memref<384xi32, #tpu.memory_space<vmem>>, vector<16xi32>,
        %jit3A_239 = arith.constant 0 : i32
        %jit3A_240 = arith.constant 5 : i32
        %max3A_241 = vector.broadcast %jit3A_239 : i32 to vector<16xi32>
        %max3A_242 = arith.maxsi %max3A_241, %get3A_234 : vector<16xi32>
        %min3A_243 = vector.broadcast %jit3A_240 : i32 to vector<16xi32>
        %min3A_244 = arith.minsi %min3A_243, %max3A_242 : vector<16xi32>
        %jit3A_245 = arith.constant 0 : i32
        %jit3A_246 = arith.constant 6 : i32
        %max3A_247 = vector.broadcast %jit3A_245 : i32 to vector<16xi32>
        %max3A_248 = arith.maxsi %max3A_247, %get3A_236 : vector<16xi32>
        %min3A_249 = vector.broadcast %jit3A_246 : i32 to vector<16xi32>
        %min3A_250 = arith.minsi %min3A_249, %max3A_248 : vector<16xi32>
        %jit3A_251 = arith.constant 0 : i32
        %jit3A_252 = arith.constant 2 : i32
        %max3A_253 = vector.broadcast %jit3A_251 : i32 to vector<16xi32>
        %max3A_254 = arith.maxsi %max3A_253, %get3A_238 : vector<16xi32>
        %min3A_255 = vector.broadcast %jit3A_252 : i32 to vector<16xi32>
        %min3A_256 = arith.minsi %min3A_255, %max3A_254 : vector<16xi32>
        %mul3A_257 = arith.constant 7 : i32
        %mul3A_258 = vector.broadcast %mul3A_257 : i32 to vector<16xi32>
        %mul3A_259 = arith.muli %min3A_244, %mul3A_258 : vector<16xi32>
        %add3A_260 = arith.addi %mul3A_259, %min3A_250 : vector<16xi32>
        %mul3A_261 = arith.constant 3 : i32
        %mul3A_262 = vector.broadcast %mul3A_261 : i32 to vector<16xi32>
        %mul3A_263 = arith.muli %add3A_260, %mul3A_262 : vector<16xi32>
        %add3A_264 = arith.addi %mul3A_263, %min3A_256 : vector<16xi32>
        %swap3A_265 = arith.constant 16 : index
        %swap3A_266 = tpu.vector_load %arg13[%swap3A_265] {strides = array<i32>} : memref<128xi32, #tpu.memory_space<vmem>>, vector<16xi32>,
        tpu.vector_store %arg13[%swap3A_265], %add3A_264 {strides = array<i32>} : memref<128xi32, #tpu.memory_space<vmem>>, vector<16xi32>,
        %get3A_267 = arith.constant 32 : index
        %get3A_268 = tpu.vector_load %arg6[%get3A_267] {strides = array<i32>} : memref<384xi32, #tpu.memory_space<vmem>>, vector<16xi32>,
        %get3A_269 = arith.constant 160 : index
        %get3A_270 = tpu.vector_load %arg6[%get3A_269] {strides = array<i32>} : memref<384xi32, #tpu.memory_space<vmem>>, vector<16xi32>,
        %get3A_271 = arith.constant 288 : index
        %get3A_272 = tpu.vector_load %arg6[%get3A_271] {strides = array<i32>} : memref<384xi32, #tpu.memory_space<vmem>>, vector<16xi32>,
        %jit3A_273 = arith.constant 0 : i32
        %jit3A_274 = arith.constant 5 : i32
        %max3A_275 = vector.broadcast %jit3A_273 : i32 to vector<16xi32>
        %max3A_276 = arith.maxsi %max3A_275, %get3A_268 : vector<16xi32>
        %min3A_277 = vector.broadcast %jit3A_274 : i32 to vector<16xi32>
        %min3A_278 = arith.minsi %min3A_277, %max3A_276 : vector<16xi32>
        %jit3A_279 = arith.constant 0 : i32
        %jit3A_280 = arith.constant 6 : i32
        %max3A_281 = vector.broadcast %jit3A_279 : i32 to vector<16xi32>
        %max3A_282 = arith.maxsi %max3A_281, %get3A_270 : vector<16xi32>
        %min3A_283 = vector.broadcast %jit3A_280 : i32 to vector<16xi32>
        %min3A_284 = arith.minsi %min3A_283, %max3A_282 : vector<16xi32>
        %jit3A_285 = arith.constant 0 : i32
        %jit3A_286 = arith.constant 2 : i32
        %max3A_287 = vector.broadcast %jit3A_285 : i32 to vector<16xi32>
        %max3A_288 = arith.maxsi %max3A_287, %get3A_272 : vector<16xi32>
        %min3A_289 = vector.broadcast %jit3A_286 : i32 to vector<16xi32>
        %min3A_290 = arith.minsi %min3A_289, %max3A_288 : vector<16xi32>
        %mul3A_291 = arith.constant 7 : i32
        %mul3A_292 = vector.broadcast %mul3A_291 : i32 to vector<16xi32>
        %mul3A_293 = arith.muli %min3A_278, %mul3A_292 : vector<16xi32>
        %add3A_294 = arith.addi %mul3A_293, %min3A_284 : vector<16xi32>
        %mul3A_295 = arith.constant 3 : i32
        %mul3A_296 = vector.broadcast %mul3A_295 : i32 to vector<16xi32>
        %mul3A_297 = arith.muli %add3A_294, %mul3A_296 : vector<16xi32>
        %add3A_298 = arith.addi %mul3A_297, %min3A_290 : vector<16xi32>
        %swap3A_299 = arith.constant 32 : index
        %swap3A_300 = tpu.vector_load %arg13[%swap3A_299] {strides = array<i32>} : memref<128xi32, #tpu.memory_space<vmem>>, vector<16xi32>,
        tpu.vector_store %arg13[%swap3A_299], %add3A_298 {strides = array<i32>} : memref<128xi32, #tpu.memory_space<vmem>>, vector<16xi32>,
        %get3A_301 = arith.constant 48 : index
        %get3A_302 = tpu.vector_load %arg6[%get3A_301] {strides = array<i32>} : memref<384xi32, #tpu.memory_space<vmem>>, vector<16xi32>,
        %get3A_303 = arith.constant 176 : index
        %get3A_304 = tpu.vector_load %arg6[%get3A_303] {strides = array<i32>} : memref<384xi32, #tpu.memory_space<vmem>>, vector<16xi32>,
        %get3A_305 = arith.constant 304 : index
        %get3A_306 = tpu.vector_load %arg6[%get3A_305] {strides = array<i32>} : memref<384xi32, #tpu.memory_space<vmem>>, vector<16xi32>,
        %jit3A_307 = arith.constant 0 : i32
        %jit3A_308 = arith.constant 5 : i32
        %max3A_309 = vector.broadcast %jit3A_307 : i32 to vector<16xi32>
        %max3A_310 = arith.maxsi %max3A_309, %get3A_302 : vector<16xi32>
        %min3A_311 = vector.broadcast %jit3A_308 : i32 to vector<16xi32>
        %min3A_312 = arith.minsi %min3A_311, %max3A_310 : vector<16xi32>
        %jit3A_313 = arith.constant 0 : i32
        %jit3A_314 = arith.constant 6 : i32
        %max3A_315 = vector.broadcast %jit3A_313 : i32 to vector<16xi32>
        %max3A_316 = arith.maxsi %max3A_315, %get3A_304 : vector<16xi32>
        %min3A_317 = vector.broadcast %jit3A_314 : i32 to vector<16xi32>
        %min3A_318 = arith.minsi %min3A_317, %max3A_316 : vector<16xi32>
        %jit3A_319 = arith.constant 0 : i32
        %jit3A_320 = arith.constant 2 : i32
        %max3A_321 = vector.broadcast %jit3A_319 : i32 to vector<16xi32>
        %max3A_322 = arith.maxsi %max3A_321, %get3A_306 : vector<16xi32>
        %min3A_323 = vector.broadcast %jit3A_320 : i32 to vector<16xi32>
        %min3A_324 = arith.minsi %min3A_323, %max3A_322 : vector<16xi32>
        %mul3A_325 = arith.constant 7 : i32
        %mul3A_326 = vector.broadcast %mul3A_325 : i32 to vector<16xi32>
        %mul3A_327 = arith.muli %min3A_312, %mul3A_326 : vector<16xi32>
        %add3A_328 = arith.addi %mul3A_327, %min3A_318 : vector<16xi32>
        %mul3A_329 = arith.constant 3 : i32
        %mul3A_330 = vector.broadcast %mul3A_329 : i32 to vector<16xi32>
        %mul3A_331 = arith.muli %add3A_328, %mul3A_330 : vector<16xi32>
        %add3A_332 = arith.addi %mul3A_331, %min3A_324 : vector<16xi32>
        %swap3A_333 = arith.constant 48 : index
        %swap3A_334 = tpu.vector_load %arg13[%swap3A_333] {strides = array<i32>} : memref<128xi32, #tpu.memory_space<vmem>>, vector<16xi32>,
        tpu.vector_store %arg13[%swap3A_333], %add3A_332 {strides = array<i32>} : memref<128xi32, #tpu.memory_space<vmem>>, vector<16xi32>,
        %get3A_335 = arith.constant 64 : index
        %get3A_336 = tpu.vector_load %arg6[%get3A_335] {strides = array<i32>} : memref<384xi32, #tpu.memory_space<vmem>>, vector<16xi32>,
        %get3A_337 = arith.constant 192 : index
        %get3A_338 = tpu.vector_load %arg6[%get3A_337] {strides = array<i32>} : memref<384xi32, #tpu.memory_space<vmem>>, vector<16xi32>,
        %get3A_339 = arith.constant 320 : index
        %get3A_340 = tpu.vector_load %arg6[%get3A_339] {strides = array<i32>} : memref<384xi32, #tpu.memory_space<vmem>>, vector<16xi32>,
        %jit3A_341 = arith.constant 0 : i32
        %jit3A_342 = arith.constant 5 : i32
        %max3A_343 = vector.broadcast %jit3A_341 : i32 to vector<16xi32>
        %max3A_344 = arith.maxsi %max3A_343, %get3A_336 : vector<16xi32>
        %min3A_345 = vector.broadcast %jit3A_342 : i32 to vector<16xi32>
        %min3A_346 = arith.minsi %min3A_345, %max3A_344 : vector<16xi32>
        %jit3A_347 = arith.constant 0 : i32
        %jit3A_348 = arith.constant 6 : i32
        %max3A_349 = vector.broadcast %jit3A_347 : i32 to vector<16xi32>
        %max3A_350 = arith.maxsi %max3A_349, %get3A_338 : vector<16xi32>
        %min3A_351 = vector.broadcast %jit3A_348 : i32 to vector<16xi32>
        %min3A_352 = arith.minsi %min3A_351, %max3A_350 : vector<16xi32>
        %jit3A_353 = arith.constant 0 : i32
        %jit3A_354 = arith.constant 2 : i32
        %max3A_355 = vector.broadcast %jit3A_353 : i32 to vector<16xi32>
        %max3A_356 = arith.maxsi %max3A_355, %get3A_340 : vector<16xi32>
        %min3A_357 = vector.broadcast %jit3A_354 : i32 to vector<16xi32>
        %min3A_358 = arith.minsi %min3A_357, %max3A_356 : vector<16xi32>
        %mul3A_359 = arith.constant 7 : i32
        %mul3A_360 = vector.broadcast %mul3A_359 : i32 to vector<16xi32>
        %mul3A_361 = arith.muli %min3A_346, %mul3A_360 : vector<16xi32>
        %add3A_362 = arith.addi %mul3A_361, %min3A_352 : vector<16xi32>
        %mul3A_363 = arith.constant 3 : i32
        %mul3A_364 = vector.broadcast %mul3A_363 : i32 to vector<16xi32>
        %mul3A_365 = arith.muli %add3A_362, %mul3A_364 : vector<16xi32>
        %add3A_366 = arith.addi %mul3A_365, %min3A_358 : vector<16xi32>
        %swap3A_367 = arith.constant 64 : index
        %swap3A_368 = tpu.vector_load %arg13[%swap3A_367] {strides = array<i32>} : memref<128xi32, #tpu.memory_space<vmem>>, vector<16xi32>,
        tpu.vector_store %arg13[%swap3A_367], %add3A_366 {strides = array<i32>} : memref<128xi32, #tpu.memory_space<vmem>>, vector<16xi32>,
        %get3A_369 = arith.constant 80 : index
        %get3A_370 = tpu.vector_load %arg6[%get3A_369] {strides = array<i32>} : memref<384xi32, #tpu.memory_space<vmem>>, vector<16xi32>,
        %get3A_371 = arith.constant 208 : index
        %get3A_372 = tpu.vector_load %arg6[%get3A_371] {strides = array<i32>} : memref<384xi32, #tpu.memory_space<vmem>>, vector<16xi32>,
        %get3A_373 = arith.constant 336 : index
        %get3A_374 = tpu.vector_load %arg6[%get3A_373] {strides = array<i32>} : memref<384xi32, #tpu.memory_space<vmem>>, vector<16xi32>,
        %jit3A_375 = arith.constant 0 : i32
        %jit3A_376 = arith.constant 5 : i32
        %max3A_377 = vector.broadcast %jit3A_375 : i32 to vector<16xi32>
        %max3A_378 = arith.maxsi %max3A_377, %get3A_370 : vector<16xi32>
        %min3A_379 = vector.broadcast %jit3A_376 : i32 to vector<16xi32>
        %min3A_380 = arith.minsi %min3A_379, %max3A_378 : vector<16xi32>
        %jit3A_381 = arith.constant 0 : i32
        %jit3A_382 = arith.constant 6 : i32
        %max3A_383 = vector.broadcast %jit3A_381 : i32 to vector<16xi32>
        %max3A_384 = arith.maxsi %max3A_383, %get3A_372 : vector<16xi32>
        %min3A_385 = vector.broadcast %jit3A_382 : i32 to vector<16xi32>
        %min3A_386 = arith.minsi %min3A_385, %max3A_384 : vector<16xi32>
        %jit3A_387 = arith.constant 0 : i32
        %jit3A_388 = arith.constant 2 : i32
        %max3A_389 = vector.broadcast %jit3A_387 : i32 to vector<16xi32>
        %max3A_390 = arith.maxsi %max3A_389, %get3A_374 : vector<16xi32>
        %min3A_391 = vector.broadcast %jit3A_388 : i32 to vector<16xi32>
        %min3A_392 = arith.minsi %min3A_391, %max3A_390 : vector<16xi32>
        %mul3A_393 = arith.constant 7 : i32
        %mul3A_394 = vector.broadcast %mul3A_393 : i32 to vector<16xi32>
        %mul3A_395 = arith.muli %min3A_380, %mul3A_394 : vector<16xi32>
        %add3A_396 = arith.addi %mul3A_395, %min3A_386 : vector<16xi32>
        %mul3A_397 = arith.constant 3 : i32
        %mul3A_398 = vector.broadcast %mul3A_397 : i32 to vector<16xi32>
        %mul3A_399 = arith.muli %add3A_396, %mul3A_398 : vector<16xi32>
        %add3A_400 = arith.addi %mul3A_399, %min3A_392 : vector<16xi32>
        %swap3A_401 = arith.constant 80 : index
        %swap3A_402 = tpu.vector_load %arg13[%swap3A_401] {strides = array<i32>} : memref<128xi32, #tpu.memory_space<vmem>>, vector<16xi32>,
        tpu.vector_store %arg13[%swap3A_401], %add3A_400 {strides = array<i32>} : memref<128xi32, #tpu.memory_space<vmem>>, vector<16xi32>,
        %get3A_403 = arith.constant 96 : index
        %get3A_404 = tpu.vector_load %arg6[%get3A_403] {strides = array<i32>} : memref<384xi32, #tpu.memory_space<vmem>>, vector<16xi32>,
        %get3A_405 = arith.constant 224 : index
        %get3A_406 = tpu.vector_load %arg6[%get3A_405] {strides = array<i32>} : memref<384xi32, #tpu.memory_space<vmem>>, vector<16xi32>,
        %get3A_407 = arith.constant 352 : index
        %get3A_408 = tpu.vector_load %arg6[%get3A_407] {strides = array<i32>} : memref<384xi32, #tpu.memory_space<vmem>>, vector<16xi32>,
        %jit3A_409 = arith.constant 0 : i32
        %jit3A_410 = arith.constant 5 : i32
        %max3A_411 = vector.broadcast %jit3A_409 : i32 to vector<16xi32>
        %max3A_412 = arith.maxsi %max3A_411, %get3A_404 : vector<16xi32>
        %min3A_413 = vector.broadcast %jit3A_410 : i32 to vector<16xi32>
        %min3A_414 = arith.minsi %min3A_413, %max3A_412 : vector<16xi32>
        %jit3A_415 = arith.constant 0 : i32
        %jit3A_416 = arith.constant 6 : i32
        %max3A_417 = vector.broadcast %jit3A_415 : i32 to vector<16xi32>
        %max3A_418 = arith.maxsi %max3A_417, %get3A_406 : vector<16xi32>
        %min3A_419 = vector.broadcast %jit3A_416 : i32 to vector<16xi32>
        %min3A_420 = arith.minsi %min3A_419, %max3A_418 : vector<16xi32>
        %jit3A_421 = arith.constant 0 : i32
        %jit3A_422 = arith.constant 2 : i32
        %max3A_423 = vector.broadcast %jit3A_421 : i32 to vector<16xi32>
        %max3A_424 = arith.maxsi %max3A_423, %get3A_408 : vector<16xi32>
        %min3A_425 = vector.broadcast %jit3A_422 : i32 to vector<16xi32>
        %min3A_426 = arith.minsi %min3A_425, %max3A_424 : vector<16xi32>
        %mul3A_427 = arith.constant 7 : i32
        %mul3A_428 = vector.broadcast %mul3A_427 : i32 to vector<16xi32>
        %mul3A_429 = arith.muli %min3A_414, %mul3A_428 : vector<16xi32>
        %add3A_430 = arith.addi %mul3A_429, %min3A_420 : vector<16xi32>
        %mul3A_431 = arith.constant 3 : i32
        %mul3A_432 = vector.broadcast %mul3A_431 : i32 to vector<16xi32>
        %mul3A_433 = arith.muli %add3A_430, %mul3A_432 : vector<16xi32>
        %add3A_434 = arith.addi %mul3A_433, %min3A_426 : vector<16xi32>
        %swap3A_435 = arith.constant 96 : index
        %swap3A_436 = tpu.vector_load %arg13[%swap3A_435] {strides = array<i32>} : memref<128xi32, #tpu.memory_space<vmem>>, vector<16xi32>,
        tpu.vector_store %arg13[%swap3A_435], %add3A_434 {strides = array<i32>} : memref<128xi32, #tpu.memory_space<vmem>>, vector<16xi32>,
        %get3A_437 = arith.constant 112 : index
        %get3A_438 = tpu.vector_load %arg6[%get3A_437] {strides = array<i32>} : memref<384xi32, #tpu.memory_space<vmem>>, vector<16xi32>,
        %get3A_439 = arith.constant 240 : index
        %get3A_440 = tpu.vector_load %arg6[%get3A_439] {strides = array<i32>} : memref<384xi32, #tpu.memory_space<vmem>>, vector<16xi32>,
        %get3A_441 = arith.constant 368 : index
        %get3A_442 = tpu.vector_load %arg6[%get3A_441] {strides = array<i32>} : memref<384xi32, #tpu.memory_space<vmem>>, vector<16xi32>,
        %jit3A_443 = arith.constant 0 : i32
        %jit3A_444 = arith.constant 5 : i32
        %max3A_445 = vector.broadcast %jit3A_443 : i32 to vector<16xi32>
        %max3A_446 = arith.maxsi %max3A_445, %get3A_438 : vector<16xi32>
        %min3A_447 = vector.broadcast %jit3A_444 : i32 to vector<16xi32>
        %min3A_448 = arith.minsi %min3A_447, %max3A_446 : vector<16xi32>
        %jit3A_449 = arith.constant 0 : i32
        %jit3A_450 = arith.constant 6 : i32
        %max3A_451 = vector.broadcast %jit3A_449 : i32 to vector<16xi32>
        %max3A_452 = arith.maxsi %max3A_451, %get3A_440 : vector<16xi32>
        %min3A_453 = vector.broadcast %jit3A_450 : i32 to vector<16xi32>
        %min3A_454 = arith.minsi %min3A_453, %max3A_452 : vector<16xi32>
        %jit3A_455 = arith.constant 0 : i32
        %jit3A_456 = arith.constant 2 : i32
        %max3A_457 = vector.broadcast %jit3A_455 : i32 to vector<16xi32>
        %max3A_458 = arith.maxsi %max3A_457, %get3A_442 : vector<16xi32>
        %min3A_459 = vector.broadcast %jit3A_456 : i32 to vector<16xi32>
        %min3A_460 = arith.minsi %min3A_459, %max3A_458 : vector<16xi32>
        %mul3A_461 = arith.constant 7 : i32
        %mul3A_462 = vector.broadcast %mul3A_461 : i32 to vector<16xi32>
        %mul3A_463 = arith.muli %min3A_448, %mul3A_462 : vector<16xi32>
        %add3A_464 = arith.addi %mul3A_463, %min3A_454 : vector<16xi32>
        %mul3A_465 = arith.constant 3 : i32
        %mul3A_466 = vector.broadcast %mul3A_465 : i32 to vector<16xi32>
        %mul3A_467 = arith.muli %add3A_464, %mul3A_466 : vector<16xi32>
        %add3A_468 = arith.addi %mul3A_467, %min3A_460 : vector<16xi32>
        %swap3A_469 = arith.constant 112 : index
        %swap3A_470 = tpu.vector_load %arg13[%swap3A_469] {strides = array<i32>} : memref<128xi32, #tpu.memory_space<vmem>>, vector<16xi32>,
        tpu.vector_store %arg13[%swap3A_469], %add3A_468 {strides = array<i32>} : memref<128xi32, #tpu.memory_space<vmem>>, vector<16xi32>,
        %ge3A_471 = arith.constant 7 : i32
        %ge3A_472 = arith.cmpi sge, %add3A_86, %ge3A_471 : i32
        %convert_element_type3A_473 = arith.extui %ge3A_472 : i1 to i32
        %cond3A_474 = arith.constant 0 : i32
        %cond3A_475 = arith.cmpi ne, %convert_element_type3A_473, %cond3A_474 : i32
        scf.if %cond3A_475 {
          %dma_wait3A_484 = arith.constant 0 : i32
          %dma_wait3A_485 = arith.constant 0 : i32
          %dma_wait3A_486 = tpu.memref_slice %arg4[%dma_wait3A_484, %dma_wait3A_485] : memref<320000x128xf32, #tpu.memory_space<hbm>> -> memref<128x128xf32, #tpu.memory_space<hbm>>
          %dma_wait3A_487 = arith.constant 0 : i32
          %dma_wait3A_488 = arith.constant 0 : i32
          %dma_wait3A_489 = tpu.memref_slice %arg4[%dma_wait3A_487, %dma_wait3A_488] : memref<320000x128xf32, #tpu.memory_space<hbm>> -> memref<128x128xf32, #tpu.memory_space<hbm>>
          tpu.wait_dma2 semaphore(%arg41 : memref<!tpu.dma_semaphore, #tpu.memory_space<semaphore_mem>>) src(%arg20 : memref<128x128xf32, #tpu.memory_space<vmem>>) dst(%dma_wait3A_489 : memref<128x128xf32, #tpu.memory_space<hbm>>)
        } else {
        }
        %dma_start3A = arith.constant 0 : i32
        %dma_start3A_476 = arith.constant 0 : i32
        %dma_start3A_477 = tpu.memref_slice %arg5[%dma_start3A, %dma_start3A_476] : memref<126x128xf32, #tpu.memory_space<vmem_shared>> -> memref<126x128xf32, #tpu.memory_space<vmem_shared>>
        tpu.enqueue_indirect_dma source(%dma_start3A_477 : memref<126x128xf32, #tpu.memory_space<vmem_shared>>) target(%arg20 : memref<128x128xf32, #tpu.memory_space<vmem>>) offsets(%arg13 : memref<128xi32, #tpu.memory_space<vmem>>) semaphore(%arg34 : memref<!tpu.dma_semaphore, #tpu.memory_space<semaphore_mem>>)
        %add3A_478 = arith.constant 2 : i32
        %add3A_479 = arith.addi %add3A_86, %add3A_478 : i32
        %lt3A_480 = arith.cmpi slt, %add3A_479, %add3A_6 : i32
        %convert_element_type3A_481 = arith.extui %lt3A_480 : i1 to i32
        %cond3A_482 = arith.constant 0 : i32
        %cond3A_483 = arith.cmpi ne, %convert_element_type3A_481, %cond3A_482 : i32
        scf.if %cond3A_483 {
          %add3A_484 = arith.constant 2 : i32
          %add3A_485 = arith.addi %add3A_86, %add3A_484 : i32
          %mul3A_486 = arith.constant 32 : i32
          %mul3A_487 = arith.muli %add3A_485, %mul3A_486 : i32
          %add3A_488 = arith.addi %add3A, %mul3A_487 : i32
          %mul3A_489 = arith.constant 128 : i32
          %mul3A_490 = arith.muli %add3A_488, %mul3A_489 : i32
          %add3A_491 = arith.constant 0 : i32
          %add3A_492 = arith.addi %add3A_491, %mul3A_490 : i32
          %multiple_of3A = tpu.assume_multiple %add3A_492, 8 : i32
          %dma_start3A_493 = arith.constant 0 : i32
          %dma_start3A_494 = tpu.memref_slice %arg8[%dma_start3A_493] : memref<384xi32, #tpu.memory_space<vmem>> -> memref<128xi32, #tpu.memory_space<vmem>>
          %dma_start3A_495 = tpu.memref_slice %arg2[%multiple_of3A] : memref<960000xi32, #tpu.memory_space<hbm>> -> memref<128xi32, #tpu.memory_space<hbm>>
          %dma_start3A_496 = arith.constant 0 : i32
          %dma_start3A_497 = tpu.memref_slice %arg8[%dma_start3A_496] : memref<384xi32, #tpu.memory_space<vmem>> -> memref<128xi32, #tpu.memory_space<vmem>>
          %dma_start3A_498 = tpu.memref_slice %arg2[%multiple_of3A] : memref<960000xi32, #tpu.memory_space<hbm>> -> memref<128xi32, #tpu.memory_space<hbm>>
          tpu.enqueue_dma source(%dma_start3A_498 : memref<128xi32, #tpu.memory_space<hbm>>) target(%dma_start3A_497 : memref<128xi32, #tpu.memory_space<vmem>>) target_semaphore(%arg29 : memref<!tpu.dma_semaphore, #tpu.memory_space<semaphore_mem>>)
          %add3A_499 = arith.constant 320000 : i32
          %add3A_500 = arith.addi %add3A_499, %mul3A_490 : i32
          %multiple_of3A_501 = tpu.assume_multiple %add3A_500, 8 : i32
          %dma_start3A_502 = arith.constant 128 : i32
          %dma_start3A_503 = tpu.memref_slice %arg8[%dma_start3A_502] : memref<384xi32, #tpu.memory_space<vmem>> -> memref<128xi32, #tpu.memory_space<vmem>>
          %dma_start3A_504 = tpu.memref_slice %arg2[%multiple_of3A_501] : memref<960000xi32, #tpu.memory_space<hbm>> -> memref<128xi32, #tpu.memory_space<hbm>>
          %dma_start3A_505 = arith.constant 128 : i32
          %dma_start3A_506 = tpu.memref_slice %arg8[%dma_start3A_505] : memref<384xi32, #tpu.memory_space<vmem>> -> memref<128xi32, #tpu.memory_space<vmem>>
          %dma_start3A_507 = tpu.memref_slice %arg2[%multiple_of3A_501] : memref<960000xi32, #tpu.memory_space<hbm>> -> memref<128xi32, #tpu.memory_space<hbm>>
          tpu.enqueue_dma source(%dma_start3A_507 : memref<128xi32, #tpu.memory_space<hbm>>) target(%dma_start3A_506 : memref<128xi32, #tpu.memory_space<vmem>>) target_semaphore(%arg29 : memref<!tpu.dma_semaphore, #tpu.memory_space<semaphore_mem>>)
          %add3A_508 = arith.constant 640000 : i32
          %add3A_509 = arith.addi %add3A_508, %mul3A_490 : i32
          %multiple_of3A_510 = tpu.assume_multiple %add3A_509, 8 : i32
          %dma_start3A_511 = arith.constant 256 : i32
          %dma_start3A_512 = tpu.memref_slice %arg8[%dma_start3A_511] : memref<384xi32, #tpu.memory_space<vmem>> -> memref<128xi32, #tpu.memory_space<vmem>>
          %dma_start3A_513 = tpu.memref_slice %arg2[%multiple_of3A_510] : memref<960000xi32, #tpu.memory_space<hbm>> -> memref<128xi32, #tpu.memory_space<hbm>>
          %dma_start3A_514 = arith.constant 256 : i32
          %dma_start3A_515 = tpu.memref_slice %arg8[%dma_start3A_514] : memref<384xi32, #tpu.memory_space<vmem>> -> memref<128xi32, #tpu.memory_space<vmem>>
          %dma_start3A_516 = tpu.memref_slice %arg2[%multiple_of3A_510] : memref<960000xi32, #tpu.memory_space<hbm>> -> memref<128xi32, #tpu.memory_space<hbm>>
          tpu.enqueue_dma source(%dma_start3A_516 : memref<128xi32, #tpu.memory_space<hbm>>) target(%dma_start3A_515 : memref<128xi32, #tpu.memory_space<vmem>>) target_semaphore(%arg29 : memref<!tpu.dma_semaphore, #tpu.memory_space<semaphore_mem>>)
        } else {
        }
      } else {
      }
      %mul3A_98 = arith.constant 7 : i32
      %mul3A_99 = arith.muli %while3A_82, %mul3A_98 : i32
      %add3A_100 = arith.constant 1 : i32
      %add3A_101 = arith.addi %mul3A_99, %add3A_100 : i32
      %ge3A_102 = arith.constant 3 : i32
      %ge3A_103 = arith.cmpi sge, %add3A_101, %ge3A_102 : i32
      %add3A_104 = arith.constant 2 : i32
      %add3A_105 = arith.addi %add3A_6, %add3A_104 : i32
      %le3A_106 = arith.cmpi sle, %add3A_101, %add3A_105 : i32
      %and3A_107 = arith.andi %ge3A_103, %le3A_106 : i1
      %convert_element_type3A_108 = arith.extui %and3A_107 : i1 to i32
      %cond3A_109 = arith.constant 0 : i32
      %cond3A_110 = arith.cmpi ne, %convert_element_type3A_108, %cond3A_109 : i32
      scf.if %cond3A_110 {
        %dma_wait3A = arith.constant 0 : i32
        %dma_wait3A_200 = arith.constant 0 : i32
        %dma_wait3A_201 = tpu.memref_slice %arg5[%dma_wait3A, %dma_wait3A_200] : memref<126x128xf32, #tpu.memory_space<vmem_shared>> -> memref<126x128xf32, #tpu.memory_space<vmem_shared>>
        tpu.wait_indirect_dma semaphore(%arg39 : memref<!tpu.dma_semaphore, #tpu.memory_space<semaphore_mem>>) src(%dma_wait3A_201 : memref<126x128xf32, #tpu.memory_space<vmem_shared>>) dst(%arg25 : memref<128x128xf32, #tpu.memory_space<vmem>>)
        %sub3A_202 = arith.constant 3 : i32
        %sub3A_203 = arith.subi %add3A_101, %sub3A_202 : i32
        %mul3A_204 = arith.constant 32 : i32
        %mul3A_205 = arith.muli %sub3A_203, %mul3A_204 : i32
        %add3A_206 = arith.addi %add3A, %mul3A_205 : i32
        %mul3A_207 = arith.constant 128 : i32
        %mul3A_208 = arith.muli %add3A_206, %mul3A_207 : i32
        %dma_start3A = arith.constant 0 : i32
        %dma_start3A_209 = tpu.memref_slice %arg4[%mul3A_208, %dma_start3A] : memref<320000x128xf32, #tpu.memory_space<hbm>> -> memref<128x128xf32, #tpu.memory_space<hbm>>
        %dma_start3A_210 = arith.constant 0 : i32
        %dma_start3A_211 = tpu.memref_slice %arg4[%mul3A_208, %dma_start3A_210] : memref<320000x128xf32, #tpu.memory_space<hbm>> -> memref<128x128xf32, #tpu.memory_space<hbm>>
        tpu.enqueue_dma source(%arg25 : memref<128x128xf32, #tpu.memory_space<vmem>>) target(%dma_start3A_211 : memref<128x128xf32, #tpu.memory_space<hbm>>) target_semaphore(%arg46 : memref<!tpu.dma_semaphore, #tpu.memory_space<semaphore_mem>>)
      } else {
      }
      %lt3A_111 = arith.cmpi slt, %add3A_101, %add3A_6 : i32
      %convert_element_type3A_112 = arith.extui %lt3A_111 : i1 to i32
      %cond3A_113 = arith.constant 0 : i32
      %cond3A_114 = arith.cmpi ne, %convert_element_type3A_112, %cond3A_113 : i32
      scf.if %cond3A_114 {
        %dma_wait3A = arith.constant 0 : i32
        %dma_wait3A_200 = tpu.memref_slice %arg2[%dma_wait3A] : memref<960000xi32, #tpu.memory_space<hbm>> -> memref<384xi32, #tpu.memory_space<hbm>>
        %dma_wait3A_201 = arith.constant 0 : i32
        %dma_wait3A_202 = tpu.memref_slice %arg2[%dma_wait3A_201] : memref<960000xi32, #tpu.memory_space<hbm>> -> memref<384xi32, #tpu.memory_space<hbm>>
        tpu.wait_dma2 semaphore(%arg28 : memref<!tpu.dma_semaphore, #tpu.memory_space<semaphore_mem>>) src(%dma_wait3A_202 : memref<384xi32, #tpu.memory_space<hbm>>) dst(%arg7 : memref<384xi32, #tpu.memory_space<vmem>>)
        %get3A = arith.constant 0 : index
        %get3A_203 = tpu.vector_load %arg7[%get3A] {strides = array<i32>} : memref<384xi32, #tpu.memory_space<vmem>>, vector<16xi32>,
        %get3A_204 = arith.constant 128 : index
        %get3A_205 = tpu.vector_load %arg7[%get3A_204] {strides = array<i32>} : memref<384xi32, #tpu.memory_space<vmem>>, vector<16xi32>,
        %get3A_206 = arith.constant 256 : index
        %get3A_207 = tpu.vector_load %arg7[%get3A_206] {strides = array<i32>} : memref<384xi32, #tpu.memory_space<vmem>>, vector<16xi32>,
        %jit3A_208 = arith.constant 0 : i32
        %jit3A_209 = arith.constant 5 : i32
        %max3A = vector.broadcast %jit3A_208 : i32 to vector<16xi32>
        %max3A_210 = arith.maxsi %max3A, %get3A_203 : vector<16xi32>
        %min3A = vector.broadcast %jit3A_209 : i32 to vector<16xi32>
        %min3A_211 = arith.minsi %min3A, %max3A_210 : vector<16xi32>
        %jit3A_212 = arith.constant 0 : i32
        %jit3A_213 = arith.constant 6 : i32
        %max3A_214 = vector.broadcast %jit3A_212 : i32 to vector<16xi32>
        %max3A_215 = arith.maxsi %max3A_214, %get3A_205 : vector<16xi32>
        %min3A_216 = vector.broadcast %jit3A_213 : i32 to vector<16xi32>
        %min3A_217 = arith.minsi %min3A_216, %max3A_215 : vector<16xi32>
        %jit3A_218 = arith.constant 0 : i32
        %jit3A_219 = arith.constant 2 : i32
        %max3A_220 = vector.broadcast %jit3A_218 : i32 to vector<16xi32>
        %max3A_221 = arith.maxsi %max3A_220, %get3A_207 : vector<16xi32>
        %min3A_222 = vector.broadcast %jit3A_219 : i32 to vector<16xi32>
        %min3A_223 = arith.minsi %min3A_222, %max3A_221 : vector<16xi32>
        %mul3A_224 = arith.constant 7 : i32
        %mul3A_225 = vector.broadcast %mul3A_224 : i32 to vector<16xi32>
        %mul3A_226 = arith.muli %min3A_211, %mul3A_225 : vector<16xi32>
        %add3A_227 = arith.addi %mul3A_226, %min3A_217 : vector<16xi32>
        %mul3A_228 = arith.constant 3 : i32
        %mul3A_229 = vector.broadcast %mul3A_228 : i32 to vector<16xi32>
        %mul3A_230 = arith.muli %add3A_227, %mul3A_229 : vector<16xi32>
        %add3A_231 = arith.addi %mul3A_230, %min3A_223 : vector<16xi32>
        %swap3A = arith.constant 0 : index
        %swap3A_232 = tpu.vector_load %arg14[%swap3A] {strides = array<i32>} : memref<128xi32, #tpu.memory_space<vmem>>, vector<16xi32>,
        tpu.vector_store %arg14[%swap3A], %add3A_231 {strides = array<i32>} : memref<128xi32, #tpu.memory_space<vmem>>, vector<16xi32>,
        %get3A_233 = arith.constant 16 : index
        %get3A_234 = tpu.vector_load %arg7[%get3A_233] {strides = array<i32>} : memref<384xi32, #tpu.memory_space<vmem>>, vector<16xi32>,
        %get3A_235 = arith.constant 144 : index
        %get3A_236 = tpu.vector_load %arg7[%get3A_235] {strides = array<i32>} : memref<384xi32, #tpu.memory_space<vmem>>, vector<16xi32>,
        %get3A_237 = arith.constant 272 : index
        %get3A_238 = tpu.vector_load %arg7[%get3A_237] {strides = array<i32>} : memref<384xi32, #tpu.memory_space<vmem>>, vector<16xi32>,
        %jit3A_239 = arith.constant 0 : i32
        %jit3A_240 = arith.constant 5 : i32
        %max3A_241 = vector.broadcast %jit3A_239 : i32 to vector<16xi32>
        %max3A_242 = arith.maxsi %max3A_241, %get3A_234 : vector<16xi32>
        %min3A_243 = vector.broadcast %jit3A_240 : i32 to vector<16xi32>
        %min3A_244 = arith.minsi %min3A_243, %max3A_242 : vector<16xi32>
        %jit3A_245 = arith.constant 0 : i32
        %jit3A_246 = arith.constant 6 : i32
        %max3A_247 = vector.broadcast %jit3A_245 : i32 to vector<16xi32>
        %max3A_248 = arith.maxsi %max3A_247, %get3A_236 : vector<16xi32>
        %min3A_249 = vector.broadcast %jit3A_246 : i32 to vector<16xi32>
        %min3A_250 = arith.minsi %min3A_249, %max3A_248 : vector<16xi32>
        %jit3A_251 = arith.constant 0 : i32
        %jit3A_252 = arith.constant 2 : i32
        %max3A_253 = vector.broadcast %jit3A_251 : i32 to vector<16xi32>
        %max3A_254 = arith.maxsi %max3A_253, %get3A_238 : vector<16xi32>
        %min3A_255 = vector.broadcast %jit3A_252 : i32 to vector<16xi32>
        %min3A_256 = arith.minsi %min3A_255, %max3A_254 : vector<16xi32>
        %mul3A_257 = arith.constant 7 : i32
        %mul3A_258 = vector.broadcast %mul3A_257 : i32 to vector<16xi32>
        %mul3A_259 = arith.muli %min3A_244, %mul3A_258 : vector<16xi32>
        %add3A_260 = arith.addi %mul3A_259, %min3A_250 : vector<16xi32>
        %mul3A_261 = arith.constant 3 : i32
        %mul3A_262 = vector.broadcast %mul3A_261 : i32 to vector<16xi32>
        %mul3A_263 = arith.muli %add3A_260, %mul3A_262 : vector<16xi32>
        %add3A_264 = arith.addi %mul3A_263, %min3A_256 : vector<16xi32>
        %swap3A_265 = arith.constant 16 : index
        %swap3A_266 = tpu.vector_load %arg14[%swap3A_265] {strides = array<i32>} : memref<128xi32, #tpu.memory_space<vmem>>, vector<16xi32>,
        tpu.vector_store %arg14[%swap3A_265], %add3A_264 {strides = array<i32>} : memref<128xi32, #tpu.memory_space<vmem>>, vector<16xi32>,
        %get3A_267 = arith.constant 32 : index
        %get3A_268 = tpu.vector_load %arg7[%get3A_267] {strides = array<i32>} : memref<384xi32, #tpu.memory_space<vmem>>, vector<16xi32>,
        %get3A_269 = arith.constant 160 : index
        %get3A_270 = tpu.vector_load %arg7[%get3A_269] {strides = array<i32>} : memref<384xi32, #tpu.memory_space<vmem>>, vector<16xi32>,
        %get3A_271 = arith.constant 288 : index
        %get3A_272 = tpu.vector_load %arg7[%get3A_271] {strides = array<i32>} : memref<384xi32, #tpu.memory_space<vmem>>, vector<16xi32>,
        %jit3A_273 = arith.constant 0 : i32
        %jit3A_274 = arith.constant 5 : i32
        %max3A_275 = vector.broadcast %jit3A_273 : i32 to vector<16xi32>
        %max3A_276 = arith.maxsi %max3A_275, %get3A_268 : vector<16xi32>
        %min3A_277 = vector.broadcast %jit3A_274 : i32 to vector<16xi32>
        %min3A_278 = arith.minsi %min3A_277, %max3A_276 : vector<16xi32>
        %jit3A_279 = arith.constant 0 : i32
        %jit3A_280 = arith.constant 6 : i32
        %max3A_281 = vector.broadcast %jit3A_279 : i32 to vector<16xi32>
        %max3A_282 = arith.maxsi %max3A_281, %get3A_270 : vector<16xi32>
        %min3A_283 = vector.broadcast %jit3A_280 : i32 to vector<16xi32>
        %min3A_284 = arith.minsi %min3A_283, %max3A_282 : vector<16xi32>
        %jit3A_285 = arith.constant 0 : i32
        %jit3A_286 = arith.constant 2 : i32
        %max3A_287 = vector.broadcast %jit3A_285 : i32 to vector<16xi32>
        %max3A_288 = arith.maxsi %max3A_287, %get3A_272 : vector<16xi32>
        %min3A_289 = vector.broadcast %jit3A_286 : i32 to vector<16xi32>
        %min3A_290 = arith.minsi %min3A_289, %max3A_288 : vector<16xi32>
        %mul3A_291 = arith.constant 7 : i32
        %mul3A_292 = vector.broadcast %mul3A_291 : i32 to vector<16xi32>
        %mul3A_293 = arith.muli %min3A_278, %mul3A_292 : vector<16xi32>
        %add3A_294 = arith.addi %mul3A_293, %min3A_284 : vector<16xi32>
        %mul3A_295 = arith.constant 3 : i32
        %mul3A_296 = vector.broadcast %mul3A_295 : i32 to vector<16xi32>
        %mul3A_297 = arith.muli %add3A_294, %mul3A_296 : vector<16xi32>
        %add3A_298 = arith.addi %mul3A_297, %min3A_290 : vector<16xi32>
        %swap3A_299 = arith.constant 32 : index
        %swap3A_300 = tpu.vector_load %arg14[%swap3A_299] {strides = array<i32>} : memref<128xi32, #tpu.memory_space<vmem>>, vector<16xi32>,
        tpu.vector_store %arg14[%swap3A_299], %add3A_298 {strides = array<i32>} : memref<128xi32, #tpu.memory_space<vmem>>, vector<16xi32>,
        %get3A_301 = arith.constant 48 : index
        %get3A_302 = tpu.vector_load %arg7[%get3A_301] {strides = array<i32>} : memref<384xi32, #tpu.memory_space<vmem>>, vector<16xi32>,
        %get3A_303 = arith.constant 176 : index
        %get3A_304 = tpu.vector_load %arg7[%get3A_303] {strides = array<i32>} : memref<384xi32, #tpu.memory_space<vmem>>, vector<16xi32>,
        %get3A_305 = arith.constant 304 : index
        %get3A_306 = tpu.vector_load %arg7[%get3A_305] {strides = array<i32>} : memref<384xi32, #tpu.memory_space<vmem>>, vector<16xi32>,
        %jit3A_307 = arith.constant 0 : i32
        %jit3A_308 = arith.constant 5 : i32
        %max3A_309 = vector.broadcast %jit3A_307 : i32 to vector<16xi32>
        %max3A_310 = arith.maxsi %max3A_309, %get3A_302 : vector<16xi32>
        %min3A_311 = vector.broadcast %jit3A_308 : i32 to vector<16xi32>
        %min3A_312 = arith.minsi %min3A_311, %max3A_310 : vector<16xi32>
        %jit3A_313 = arith.constant 0 : i32
        %jit3A_314 = arith.constant 6 : i32
        %max3A_315 = vector.broadcast %jit3A_313 : i32 to vector<16xi32>
        %max3A_316 = arith.maxsi %max3A_315, %get3A_304 : vector<16xi32>
        %min3A_317 = vector.broadcast %jit3A_314 : i32 to vector<16xi32>
        %min3A_318 = arith.minsi %min3A_317, %max3A_316 : vector<16xi32>
        %jit3A_319 = arith.constant 0 : i32
        %jit3A_320 = arith.constant 2 : i32
        %max3A_321 = vector.broadcast %jit3A_319 : i32 to vector<16xi32>
        %max3A_322 = arith.maxsi %max3A_321, %get3A_306 : vector<16xi32>
        %min3A_323 = vector.broadcast %jit3A_320 : i32 to vector<16xi32>
        %min3A_324 = arith.minsi %min3A_323, %max3A_322 : vector<16xi32>
        %mul3A_325 = arith.constant 7 : i32
        %mul3A_326 = vector.broadcast %mul3A_325 : i32 to vector<16xi32>
        %mul3A_327 = arith.muli %min3A_312, %mul3A_326 : vector<16xi32>
        %add3A_328 = arith.addi %mul3A_327, %min3A_318 : vector<16xi32>
        %mul3A_329 = arith.constant 3 : i32
        %mul3A_330 = vector.broadcast %mul3A_329 : i32 to vector<16xi32>
        %mul3A_331 = arith.muli %add3A_328, %mul3A_330 : vector<16xi32>
        %add3A_332 = arith.addi %mul3A_331, %min3A_324 : vector<16xi32>
        %swap3A_333 = arith.constant 48 : index
        %swap3A_334 = tpu.vector_load %arg14[%swap3A_333] {strides = array<i32>} : memref<128xi32, #tpu.memory_space<vmem>>, vector<16xi32>,
        tpu.vector_store %arg14[%swap3A_333], %add3A_332 {strides = array<i32>} : memref<128xi32, #tpu.memory_space<vmem>>, vector<16xi32>,
        %get3A_335 = arith.constant 64 : index
        %get3A_336 = tpu.vector_load %arg7[%get3A_335] {strides = array<i32>} : memref<384xi32, #tpu.memory_space<vmem>>, vector<16xi32>,
        %get3A_337 = arith.constant 192 : index
        %get3A_338 = tpu.vector_load %arg7[%get3A_337] {strides = array<i32>} : memref<384xi32, #tpu.memory_space<vmem>>, vector<16xi32>,
        %get3A_339 = arith.constant 320 : index
        %get3A_340 = tpu.vector_load %arg7[%get3A_339] {strides = array<i32>} : memref<384xi32, #tpu.memory_space<vmem>>, vector<16xi32>,
        %jit3A_341 = arith.constant 0 : i32
        %jit3A_342 = arith.constant 5 : i32
        %max3A_343 = vector.broadcast %jit3A_341 : i32 to vector<16xi32>
        %max3A_344 = arith.maxsi %max3A_343, %get3A_336 : vector<16xi32>
        %min3A_345 = vector.broadcast %jit3A_342 : i32 to vector<16xi32>
        %min3A_346 = arith.minsi %min3A_345, %max3A_344 : vector<16xi32>
        %jit3A_347 = arith.constant 0 : i32
        %jit3A_348 = arith.constant 6 : i32
        %max3A_349 = vector.broadcast %jit3A_347 : i32 to vector<16xi32>
        %max3A_350 = arith.maxsi %max3A_349, %get3A_338 : vector<16xi32>
        %min3A_351 = vector.broadcast %jit3A_348 : i32 to vector<16xi32>
        %min3A_352 = arith.minsi %min3A_351, %max3A_350 : vector<16xi32>
        %jit3A_353 = arith.constant 0 : i32
        %jit3A_354 = arith.constant 2 : i32
        %max3A_355 = vector.broadcast %jit3A_353 : i32 to vector<16xi32>
        %max3A_356 = arith.maxsi %max3A_355, %get3A_340 : vector<16xi32>
        %min3A_357 = vector.broadcast %jit3A_354 : i32 to vector<16xi32>
        %min3A_358 = arith.minsi %min3A_357, %max3A_356 : vector<16xi32>
        %mul3A_359 = arith.constant 7 : i32
        %mul3A_360 = vector.broadcast %mul3A_359 : i32 to vector<16xi32>
        %mul3A_361 = arith.muli %min3A_346, %mul3A_360 : vector<16xi32>
        %add3A_362 = arith.addi %mul3A_361, %min3A_352 : vector<16xi32>
        %mul3A_363 = arith.constant 3 : i32
        %mul3A_364 = vector.broadcast %mul3A_363 : i32 to vector<16xi32>
        %mul3A_365 = arith.muli %add3A_362, %mul3A_364 : vector<16xi32>
        %add3A_366 = arith.addi %mul3A_365, %min3A_358 : vector<16xi32>
        %swap3A_367 = arith.constant 64 : index
        %swap3A_368 = tpu.vector_load %arg14[%swap3A_367] {strides = array<i32>} : memref<128xi32, #tpu.memory_space<vmem>>, vector<16xi32>,
        tpu.vector_store %arg14[%swap3A_367], %add3A_366 {strides = array<i32>} : memref<128xi32, #tpu.memory_space<vmem>>, vector<16xi32>,
        %get3A_369 = arith.constant 80 : index
        %get3A_370 = tpu.vector_load %arg7[%get3A_369] {strides = array<i32>} : memref<384xi32, #tpu.memory_space<vmem>>, vector<16xi32>,
        %get3A_371 = arith.constant 208 : index
        %get3A_372 = tpu.vector_load %arg7[%get3A_371] {strides = array<i32>} : memref<384xi32, #tpu.memory_space<vmem>>, vector<16xi32>,
        %get3A_373 = arith.constant 336 : index
        %get3A_374 = tpu.vector_load %arg7[%get3A_373] {strides = array<i32>} : memref<384xi32, #tpu.memory_space<vmem>>, vector<16xi32>,
        %jit3A_375 = arith.constant 0 : i32
        %jit3A_376 = arith.constant 5 : i32
        %max3A_377 = vector.broadcast %jit3A_375 : i32 to vector<16xi32>
        %max3A_378 = arith.maxsi %max3A_377, %get3A_370 : vector<16xi32>
        %min3A_379 = vector.broadcast %jit3A_376 : i32 to vector<16xi32>
        %min3A_380 = arith.minsi %min3A_379, %max3A_378 : vector<16xi32>
        %jit3A_381 = arith.constant 0 : i32
        %jit3A_382 = arith.constant 6 : i32
        %max3A_383 = vector.broadcast %jit3A_381 : i32 to vector<16xi32>
        %max3A_384 = arith.maxsi %max3A_383, %get3A_372 : vector<16xi32>
        %min3A_385 = vector.broadcast %jit3A_382 : i32 to vector<16xi32>
        %min3A_386 = arith.minsi %min3A_385, %max3A_384 : vector<16xi32>
        %jit3A_387 = arith.constant 0 : i32
        %jit3A_388 = arith.constant 2 : i32
        %max3A_389 = vector.broadcast %jit3A_387 : i32 to vector<16xi32>
        %max3A_390 = arith.maxsi %max3A_389, %get3A_374 : vector<16xi32>
        %min3A_391 = vector.broadcast %jit3A_388 : i32 to vector<16xi32>
        %min3A_392 = arith.minsi %min3A_391, %max3A_390 : vector<16xi32>
        %mul3A_393 = arith.constant 7 : i32
        %mul3A_394 = vector.broadcast %mul3A_393 : i32 to vector<16xi32>
        %mul3A_395 = arith.muli %min3A_380, %mul3A_394 : vector<16xi32>
        %add3A_396 = arith.addi %mul3A_395, %min3A_386 : vector<16xi32>
        %mul3A_397 = arith.constant 3 : i32
        %mul3A_398 = vector.broadcast %mul3A_397 : i32 to vector<16xi32>
        %mul3A_399 = arith.muli %add3A_396, %mul3A_398 : vector<16xi32>
        %add3A_400 = arith.addi %mul3A_399, %min3A_392 : vector<16xi32>
        %swap3A_401 = arith.constant 80 : index
        %swap3A_402 = tpu.vector_load %arg14[%swap3A_401] {strides = array<i32>} : memref<128xi32, #tpu.memory_space<vmem>>, vector<16xi32>,
        tpu.vector_store %arg14[%swap3A_401], %add3A_400 {strides = array<i32>} : memref<128xi32, #tpu.memory_space<vmem>>, vector<16xi32>,
        %get3A_403 = arith.constant 96 : index
        %get3A_404 = tpu.vector_load %arg7[%get3A_403] {strides = array<i32>} : memref<384xi32, #tpu.memory_space<vmem>>, vector<16xi32>,
        %get3A_405 = arith.constant 224 : index
        %get3A_406 = tpu.vector_load %arg7[%get3A_405] {strides = array<i32>} : memref<384xi32, #tpu.memory_space<vmem>>, vector<16xi32>,
        %get3A_407 = arith.constant 352 : index
        %get3A_408 = tpu.vector_load %arg7[%get3A_407] {strides = array<i32>} : memref<384xi32, #tpu.memory_space<vmem>>, vector<16xi32>,
        %jit3A_409 = arith.constant 0 : i32
        %jit3A_410 = arith.constant 5 : i32
        %max3A_411 = vector.broadcast %jit3A_409 : i32 to vector<16xi32>
        %max3A_412 = arith.maxsi %max3A_411, %get3A_404 : vector<16xi32>
        %min3A_413 = vector.broadcast %jit3A_410 : i32 to vector<16xi32>
        %min3A_414 = arith.minsi %min3A_413, %max3A_412 : vector<16xi32>
        %jit3A_415 = arith.constant 0 : i32
        %jit3A_416 = arith.constant 6 : i32
        %max3A_417 = vector.broadcast %jit3A_415 : i32 to vector<16xi32>
        %max3A_418 = arith.maxsi %max3A_417, %get3A_406 : vector<16xi32>
        %min3A_419 = vector.broadcast %jit3A_416 : i32 to vector<16xi32>
        %min3A_420 = arith.minsi %min3A_419, %max3A_418 : vector<16xi32>
        %jit3A_421 = arith.constant 0 : i32
        %jit3A_422 = arith.constant 2 : i32
        %max3A_423 = vector.broadcast %jit3A_421 : i32 to vector<16xi32>
        %max3A_424 = arith.maxsi %max3A_423, %get3A_408 : vector<16xi32>
        %min3A_425 = vector.broadcast %jit3A_422 : i32 to vector<16xi32>
        %min3A_426 = arith.minsi %min3A_425, %max3A_424 : vector<16xi32>
        %mul3A_427 = arith.constant 7 : i32
        %mul3A_428 = vector.broadcast %mul3A_427 : i32 to vector<16xi32>
        %mul3A_429 = arith.muli %min3A_414, %mul3A_428 : vector<16xi32>
        %add3A_430 = arith.addi %mul3A_429, %min3A_420 : vector<16xi32>
        %mul3A_431 = arith.constant 3 : i32
        %mul3A_432 = vector.broadcast %mul3A_431 : i32 to vector<16xi32>
        %mul3A_433 = arith.muli %add3A_430, %mul3A_432 : vector<16xi32>
        %add3A_434 = arith.addi %mul3A_433, %min3A_426 : vector<16xi32>
        %swap3A_435 = arith.constant 96 : index
        %swap3A_436 = tpu.vector_load %arg14[%swap3A_435] {strides = array<i32>} : memref<128xi32, #tpu.memory_space<vmem>>, vector<16xi32>,
        tpu.vector_store %arg14[%swap3A_435], %add3A_434 {strides = array<i32>} : memref<128xi32, #tpu.memory_space<vmem>>, vector<16xi32>,
        %get3A_437 = arith.constant 112 : index
        %get3A_438 = tpu.vector_load %arg7[%get3A_437] {strides = array<i32>} : memref<384xi32, #tpu.memory_space<vmem>>, vector<16xi32>,
        %get3A_439 = arith.constant 240 : index
        %get3A_440 = tpu.vector_load %arg7[%get3A_439] {strides = array<i32>} : memref<384xi32, #tpu.memory_space<vmem>>, vector<16xi32>,
        %get3A_441 = arith.constant 368 : index
        %get3A_442 = tpu.vector_load %arg7[%get3A_441] {strides = array<i32>} : memref<384xi32, #tpu.memory_space<vmem>>, vector<16xi32>,
        %jit3A_443 = arith.constant 0 : i32
        %jit3A_444 = arith.constant 5 : i32
        %max3A_445 = vector.broadcast %jit3A_443 : i32 to vector<16xi32>
        %max3A_446 = arith.maxsi %max3A_445, %get3A_438 : vector<16xi32>
        %min3A_447 = vector.broadcast %jit3A_444 : i32 to vector<16xi32>
        %min3A_448 = arith.minsi %min3A_447, %max3A_446 : vector<16xi32>
        %jit3A_449 = arith.constant 0 : i32
        %jit3A_450 = arith.constant 6 : i32
        %max3A_451 = vector.broadcast %jit3A_449 : i32 to vector<16xi32>
        %max3A_452 = arith.maxsi %max3A_451, %get3A_440 : vector<16xi32>
        %min3A_453 = vector.broadcast %jit3A_450 : i32 to vector<16xi32>
        %min3A_454 = arith.minsi %min3A_453, %max3A_452 : vector<16xi32>
        %jit3A_455 = arith.constant 0 : i32
        %jit3A_456 = arith.constant 2 : i32
        %max3A_457 = vector.broadcast %jit3A_455 : i32 to vector<16xi32>
        %max3A_458 = arith.maxsi %max3A_457, %get3A_442 : vector<16xi32>
        %min3A_459 = vector.broadcast %jit3A_456 : i32 to vector<16xi32>
        %min3A_460 = arith.minsi %min3A_459, %max3A_458 : vector<16xi32>
        %mul3A_461 = arith.constant 7 : i32
        %mul3A_462 = vector.broadcast %mul3A_461 : i32 to vector<16xi32>
        %mul3A_463 = arith.muli %min3A_448, %mul3A_462 : vector<16xi32>
        %add3A_464 = arith.addi %mul3A_463, %min3A_454 : vector<16xi32>
        %mul3A_465 = arith.constant 3 : i32
        %mul3A_466 = vector.broadcast %mul3A_465 : i32 to vector<16xi32>
        %mul3A_467 = arith.muli %add3A_464, %mul3A_466 : vector<16xi32>
        %add3A_468 = arith.addi %mul3A_467, %min3A_460 : vector<16xi32>
        %swap3A_469 = arith.constant 112 : index
        %swap3A_470 = tpu.vector_load %arg14[%swap3A_469] {strides = array<i32>} : memref<128xi32, #tpu.memory_space<vmem>>, vector<16xi32>,
        tpu.vector_store %arg14[%swap3A_469], %add3A_468 {strides = array<i32>} : memref<128xi32, #tpu.memory_space<vmem>>, vector<16xi32>,
        %ge3A_471 = arith.constant 7 : i32
        %ge3A_472 = arith.cmpi sge, %add3A_101, %ge3A_471 : i32
        %convert_element_type3A_473 = arith.extui %ge3A_472 : i1 to i32
        %cond3A_474 = arith.constant 0 : i32
        %cond3A_475 = arith.cmpi ne, %convert_element_type3A_473, %cond3A_474 : i32
        scf.if %cond3A_475 {
          %dma_wait3A_484 = arith.constant 0 : i32
          %dma_wait3A_485 = arith.constant 0 : i32
          %dma_wait3A_486 = tpu.memref_slice %arg4[%dma_wait3A_484, %dma_wait3A_485] : memref<320000x128xf32, #tpu.memory_space<hbm>> -> memref<128x128xf32, #tpu.memory_space<hbm>>
          %dma_wait3A_487 = arith.constant 0 : i32
          %dma_wait3A_488 = arith.constant 0 : i32
          %dma_wait3A_489 = tpu.memref_slice %arg4[%dma_wait3A_487, %dma_wait3A_488] : memref<320000x128xf32, #tpu.memory_space<hbm>> -> memref<128x128xf32, #tpu.memory_space<hbm>>
          tpu.wait_dma2 semaphore(%arg42 : memref<!tpu.dma_semaphore, #tpu.memory_space<semaphore_mem>>) src(%arg21 : memref<128x128xf32, #tpu.memory_space<vmem>>) dst(%dma_wait3A_489 : memref<128x128xf32, #tpu.memory_space<hbm>>)
        } else {
        }
        %dma_start3A = arith.constant 0 : i32
        %dma_start3A_476 = arith.constant 0 : i32
        %dma_start3A_477 = tpu.memref_slice %arg5[%dma_start3A, %dma_start3A_476] : memref<126x128xf32, #tpu.memory_space<vmem_shared>> -> memref<126x128xf32, #tpu.memory_space<vmem_shared>>
        tpu.enqueue_indirect_dma source(%dma_start3A_477 : memref<126x128xf32, #tpu.memory_space<vmem_shared>>) target(%arg21 : memref<128x128xf32, #tpu.memory_space<vmem>>) offsets(%arg14 : memref<128xi32, #tpu.memory_space<vmem>>) semaphore(%arg35 : memref<!tpu.dma_semaphore, #tpu.memory_space<semaphore_mem>>)
        %add3A_478 = arith.constant 2 : i32
        %add3A_479 = arith.addi %add3A_101, %add3A_478 : i32
        %lt3A_480 = arith.cmpi slt, %add3A_479, %add3A_6 : i32
        %convert_element_type3A_481 = arith.extui %lt3A_480 : i1 to i32
        %cond3A_482 = arith.constant 0 : i32
        %cond3A_483 = arith.cmpi ne, %convert_element_type3A_481, %cond3A_482 : i32
        scf.if %cond3A_483 {
          %add3A_484 = arith.constant 2 : i32
          %add3A_485 = arith.addi %add3A_101, %add3A_484 : i32
          %mul3A_486 = arith.constant 32 : i32
          %mul3A_487 = arith.muli %add3A_485, %mul3A_486 : i32
          %add3A_488 = arith.addi %add3A, %mul3A_487 : i32
          %mul3A_489 = arith.constant 128 : i32
          %mul3A_490 = arith.muli %add3A_488, %mul3A_489 : i32
          %add3A_491 = arith.constant 0 : i32
          %add3A_492 = arith.addi %add3A_491, %mul3A_490 : i32
          %multiple_of3A = tpu.assume_multiple %add3A_492, 8 : i32
          %dma_start3A_493 = arith.constant 0 : i32
          %dma_start3A_494 = tpu.memref_slice %arg9[%dma_start3A_493] : memref<384xi32, #tpu.memory_space<vmem>> -> memref<128xi32, #tpu.memory_space<vmem>>
          %dma_start3A_495 = tpu.memref_slice %arg2[%multiple_of3A] : memref<960000xi32, #tpu.memory_space<hbm>> -> memref<128xi32, #tpu.memory_space<hbm>>
          %dma_start3A_496 = arith.constant 0 : i32
          %dma_start3A_497 = tpu.memref_slice %arg9[%dma_start3A_496] : memref<384xi32, #tpu.memory_space<vmem>> -> memref<128xi32, #tpu.memory_space<vmem>>
          %dma_start3A_498 = tpu.memref_slice %arg2[%multiple_of3A] : memref<960000xi32, #tpu.memory_space<hbm>> -> memref<128xi32, #tpu.memory_space<hbm>>
          tpu.enqueue_dma source(%dma_start3A_498 : memref<128xi32, #tpu.memory_space<hbm>>) target(%dma_start3A_497 : memref<128xi32, #tpu.memory_space<vmem>>) target_semaphore(%arg30 : memref<!tpu.dma_semaphore, #tpu.memory_space<semaphore_mem>>)
          %add3A_499 = arith.constant 320000 : i32
          %add3A_500 = arith.addi %add3A_499, %mul3A_490 : i32
          %multiple_of3A_501 = tpu.assume_multiple %add3A_500, 8 : i32
          %dma_start3A_502 = arith.constant 128 : i32
          %dma_start3A_503 = tpu.memref_slice %arg9[%dma_start3A_502] : memref<384xi32, #tpu.memory_space<vmem>> -> memref<128xi32, #tpu.memory_space<vmem>>
          %dma_start3A_504 = tpu.memref_slice %arg2[%multiple_of3A_501] : memref<960000xi32, #tpu.memory_space<hbm>> -> memref<128xi32, #tpu.memory_space<hbm>>
          %dma_start3A_505 = arith.constant 128 : i32
          %dma_start3A_506 = tpu.memref_slice %arg9[%dma_start3A_505] : memref<384xi32, #tpu.memory_space<vmem>> -> memref<128xi32, #tpu.memory_space<vmem>>
          %dma_start3A_507 = tpu.memref_slice %arg2[%multiple_of3A_501] : memref<960000xi32, #tpu.memory_space<hbm>> -> memref<128xi32, #tpu.memory_space<hbm>>
          tpu.enqueue_dma source(%dma_start3A_507 : memref<128xi32, #tpu.memory_space<hbm>>) target(%dma_start3A_506 : memref<128xi32, #tpu.memory_space<vmem>>) target_semaphore(%arg30 : memref<!tpu.dma_semaphore, #tpu.memory_space<semaphore_mem>>)
          %add3A_508 = arith.constant 640000 : i32
          %add3A_509 = arith.addi %add3A_508, %mul3A_490 : i32
          %multiple_of3A_510 = tpu.assume_multiple %add3A_509, 8 : i32
          %dma_start3A_511 = arith.constant 256 : i32
          %dma_start3A_512 = tpu.memref_slice %arg9[%dma_start3A_511] : memref<384xi32, #tpu.memory_space<vmem>> -> memref<128xi32, #tpu.memory_space<vmem>>
          %dma_start3A_513 = tpu.memref_slice %arg2[%multiple_of3A_510] : memref<960000xi32, #tpu.memory_space<hbm>> -> memref<128xi32, #tpu.memory_space<hbm>>
          %dma_start3A_514 = arith.constant 256 : i32
          %dma_start3A_515 = tpu.memref_slice %arg9[%dma_start3A_514] : memref<384xi32, #tpu.memory_space<vmem>> -> memref<128xi32, #tpu.memory_space<vmem>>
          %dma_start3A_516 = tpu.memref_slice %arg2[%multiple_of3A_510] : memref<960000xi32, #tpu.memory_space<hbm>> -> memref<128xi32, #tpu.memory_space<hbm>>
          tpu.enqueue_dma source(%dma_start3A_516 : memref<128xi32, #tpu.memory_space<hbm>>) target(%dma_start3A_515 : memref<128xi32, #tpu.memory_space<vmem>>) target_semaphore(%arg30 : memref<!tpu.dma_semaphore, #tpu.memory_space<semaphore_mem>>)
        } else {
        }
      } else {
      }
      %mul3A_115 = arith.constant 7 : i32
      %mul3A_116 = arith.muli %while3A_82, %mul3A_115 : i32
      %add3A_117 = arith.constant 2 : i32
      %add3A_118 = arith.addi %mul3A_116, %add3A_117 : i32
      %ge3A_119 = arith.constant 3 : i32
      %ge3A_120 = arith.cmpi sge, %add3A_118, %ge3A_119 : i32
      %add3A_121 = arith.constant 2 : i32
      %add3A_122 = arith.addi %add3A_6, %add3A_121 : i32
      %le3A_123 = arith.cmpi sle, %add3A_118, %add3A_122 : i32
      %and3A_124 = arith.andi %ge3A_120, %le3A_123 : i1
      %convert_element_type3A_125 = arith.extui %and3A_124 : i1 to i32
      %cond3A_126 = arith.constant 0 : i32
      %cond3A_127 = arith.cmpi ne, %convert_element_type3A_125, %cond3A_126 : i32
      scf.if %cond3A_127 {
        %dma_wait3A = arith.constant 0 : i32
        %dma_wait3A_200 = arith.constant 0 : i32
        %dma_wait3A_201 = tpu.memref_slice %arg5[%dma_wait3A, %dma_wait3A_200] : memref<126x128xf32, #tpu.memory_space<vmem_shared>> -> memref<126x128xf32, #tpu.memory_space<vmem_shared>>
        tpu.wait_indirect_dma semaphore(%arg40 : memref<!tpu.dma_semaphore, #tpu.memory_space<semaphore_mem>>) src(%dma_wait3A_201 : memref<126x128xf32, #tpu.memory_space<vmem_shared>>) dst(%arg26 : memref<128x128xf32, #tpu.memory_space<vmem>>)
        %sub3A_202 = arith.constant 3 : i32
        %sub3A_203 = arith.subi %add3A_118, %sub3A_202 : i32
        %mul3A_204 = arith.constant 32 : i32
        %mul3A_205 = arith.muli %sub3A_203, %mul3A_204 : i32
        %add3A_206 = arith.addi %add3A, %mul3A_205 : i32
        %mul3A_207 = arith.constant 128 : i32
        %mul3A_208 = arith.muli %add3A_206, %mul3A_207 : i32
        %dma_start3A = arith.constant 0 : i32
        %dma_start3A_209 = tpu.memref_slice %arg4[%mul3A_208, %dma_start3A] : memref<320000x128xf32, #tpu.memory_space<hbm>> -> memref<128x128xf32, #tpu.memory_space<hbm>>
        %dma_start3A_210 = arith.constant 0 : i32
        %dma_start3A_211 = tpu.memref_slice %arg4[%mul3A_208, %dma_start3A_210] : memref<320000x128xf32, #tpu.memory_space<hbm>> -> memref<128x128xf32, #tpu.memory_space<hbm>>
        tpu.enqueue_dma source(%arg26 : memref<128x128xf32, #tpu.memory_space<vmem>>) target(%dma_start3A_211 : memref<128x128xf32, #tpu.memory_space<hbm>>) target_semaphore(%arg47 : memref<!tpu.dma_semaphore, #tpu.memory_space<semaphore_mem>>)
      } else {
      }
      %lt3A_128 = arith.cmpi slt, %add3A_118, %add3A_6 : i32
      %convert_element_type3A_129 = arith.extui %lt3A_128 : i1 to i32
      %cond3A_130 = arith.constant 0 : i32
      %cond3A_131 = arith.cmpi ne, %convert_element_type3A_129, %cond3A_130 : i32
      scf.if %cond3A_131 {
        %dma_wait3A = arith.constant 0 : i32
        %dma_wait3A_200 = tpu.memref_slice %arg2[%dma_wait3A] : memref<960000xi32, #tpu.memory_space<hbm>> -> memref<384xi32, #tpu.memory_space<hbm>>
        %dma_wait3A_201 = arith.constant 0 : i32
        %dma_wait3A_202 = tpu.memref_slice %arg2[%dma_wait3A_201] : memref<960000xi32, #tpu.memory_space<hbm>> -> memref<384xi32, #tpu.memory_space<hbm>>
        tpu.wait_dma2 semaphore(%arg29 : memref<!tpu.dma_semaphore, #tpu.memory_space<semaphore_mem>>) src(%dma_wait3A_202 : memref<384xi32, #tpu.memory_space<hbm>>) dst(%arg8 : memref<384xi32, #tpu.memory_space<vmem>>)
        %get3A = arith.constant 0 : index
        %get3A_203 = tpu.vector_load %arg8[%get3A] {strides = array<i32>} : memref<384xi32, #tpu.memory_space<vmem>>, vector<16xi32>,
        %get3A_204 = arith.constant 128 : index
        %get3A_205 = tpu.vector_load %arg8[%get3A_204] {strides = array<i32>} : memref<384xi32, #tpu.memory_space<vmem>>, vector<16xi32>,
        %get3A_206 = arith.constant 256 : index
        %get3A_207 = tpu.vector_load %arg8[%get3A_206] {strides = array<i32>} : memref<384xi32, #tpu.memory_space<vmem>>, vector<16xi32>,
        %jit3A_208 = arith.constant 0 : i32
        %jit3A_209 = arith.constant 5 : i32
        %max3A = vector.broadcast %jit3A_208 : i32 to vector<16xi32>
        %max3A_210 = arith.maxsi %max3A, %get3A_203 : vector<16xi32>
        %min3A = vector.broadcast %jit3A_209 : i32 to vector<16xi32>
        %min3A_211 = arith.minsi %min3A, %max3A_210 : vector<16xi32>
        %jit3A_212 = arith.constant 0 : i32
        %jit3A_213 = arith.constant 6 : i32
        %max3A_214 = vector.broadcast %jit3A_212 : i32 to vector<16xi32>
        %max3A_215 = arith.maxsi %max3A_214, %get3A_205 : vector<16xi32>
        %min3A_216 = vector.broadcast %jit3A_213 : i32 to vector<16xi32>
        %min3A_217 = arith.minsi %min3A_216, %max3A_215 : vector<16xi32>
        %jit3A_218 = arith.constant 0 : i32
        %jit3A_219 = arith.constant 2 : i32
        %max3A_220 = vector.broadcast %jit3A_218 : i32 to vector<16xi32>
        %max3A_221 = arith.maxsi %max3A_220, %get3A_207 : vector<16xi32>
        %min3A_222 = vector.broadcast %jit3A_219 : i32 to vector<16xi32>
        %min3A_223 = arith.minsi %min3A_222, %max3A_221 : vector<16xi32>
        %mul3A_224 = arith.constant 7 : i32
        %mul3A_225 = vector.broadcast %mul3A_224 : i32 to vector<16xi32>
        %mul3A_226 = arith.muli %min3A_211, %mul3A_225 : vector<16xi32>
        %add3A_227 = arith.addi %mul3A_226, %min3A_217 : vector<16xi32>
        %mul3A_228 = arith.constant 3 : i32
        %mul3A_229 = vector.broadcast %mul3A_228 : i32 to vector<16xi32>
        %mul3A_230 = arith.muli %add3A_227, %mul3A_229 : vector<16xi32>
        %add3A_231 = arith.addi %mul3A_230, %min3A_223 : vector<16xi32>
        %swap3A = arith.constant 0 : index
        %swap3A_232 = tpu.vector_load %arg15[%swap3A] {strides = array<i32>} : memref<128xi32, #tpu.memory_space<vmem>>, vector<16xi32>,
        tpu.vector_store %arg15[%swap3A], %add3A_231 {strides = array<i32>} : memref<128xi32, #tpu.memory_space<vmem>>, vector<16xi32>,
        %get3A_233 = arith.constant 16 : index
        %get3A_234 = tpu.vector_load %arg8[%get3A_233] {strides = array<i32>} : memref<384xi32, #tpu.memory_space<vmem>>, vector<16xi32>,
        %get3A_235 = arith.constant 144 : index
        %get3A_236 = tpu.vector_load %arg8[%get3A_235] {strides = array<i32>} : memref<384xi32, #tpu.memory_space<vmem>>, vector<16xi32>,
        %get3A_237 = arith.constant 272 : index
        %get3A_238 = tpu.vector_load %arg8[%get3A_237] {strides = array<i32>} : memref<384xi32, #tpu.memory_space<vmem>>, vector<16xi32>,
        %jit3A_239 = arith.constant 0 : i32
        %jit3A_240 = arith.constant 5 : i32
        %max3A_241 = vector.broadcast %jit3A_239 : i32 to vector<16xi32>
        %max3A_242 = arith.maxsi %max3A_241, %get3A_234 : vector<16xi32>
        %min3A_243 = vector.broadcast %jit3A_240 : i32 to vector<16xi32>
        %min3A_244 = arith.minsi %min3A_243, %max3A_242 : vector<16xi32>
        %jit3A_245 = arith.constant 0 : i32
        %jit3A_246 = arith.constant 6 : i32
        %max3A_247 = vector.broadcast %jit3A_245 : i32 to vector<16xi32>
        %max3A_248 = arith.maxsi %max3A_247, %get3A_236 : vector<16xi32>
        %min3A_249 = vector.broadcast %jit3A_246 : i32 to vector<16xi32>
        %min3A_250 = arith.minsi %min3A_249, %max3A_248 : vector<16xi32>
        %jit3A_251 = arith.constant 0 : i32
        %jit3A_252 = arith.constant 2 : i32
        %max3A_253 = vector.broadcast %jit3A_251 : i32 to vector<16xi32>
        %max3A_254 = arith.maxsi %max3A_253, %get3A_238 : vector<16xi32>
        %min3A_255 = vector.broadcast %jit3A_252 : i32 to vector<16xi32>
        %min3A_256 = arith.minsi %min3A_255, %max3A_254 : vector<16xi32>
        %mul3A_257 = arith.constant 7 : i32
        %mul3A_258 = vector.broadcast %mul3A_257 : i32 to vector<16xi32>
        %mul3A_259 = arith.muli %min3A_244, %mul3A_258 : vector<16xi32>
        %add3A_260 = arith.addi %mul3A_259, %min3A_250 : vector<16xi32>
        %mul3A_261 = arith.constant 3 : i32
        %mul3A_262 = vector.broadcast %mul3A_261 : i32 to vector<16xi32>
        %mul3A_263 = arith.muli %add3A_260, %mul3A_262 : vector<16xi32>
        %add3A_264 = arith.addi %mul3A_263, %min3A_256 : vector<16xi32>
        %swap3A_265 = arith.constant 16 : index
        %swap3A_266 = tpu.vector_load %arg15[%swap3A_265] {strides = array<i32>} : memref<128xi32, #tpu.memory_space<vmem>>, vector<16xi32>,
        tpu.vector_store %arg15[%swap3A_265], %add3A_264 {strides = array<i32>} : memref<128xi32, #tpu.memory_space<vmem>>, vector<16xi32>,
        %get3A_267 = arith.constant 32 : index
        %get3A_268 = tpu.vector_load %arg8[%get3A_267] {strides = array<i32>} : memref<384xi32, #tpu.memory_space<vmem>>, vector<16xi32>,
        %get3A_269 = arith.constant 160 : index
        %get3A_270 = tpu.vector_load %arg8[%get3A_269] {strides = array<i32>} : memref<384xi32, #tpu.memory_space<vmem>>, vector<16xi32>,
        %get3A_271 = arith.constant 288 : index
        %get3A_272 = tpu.vector_load %arg8[%get3A_271] {strides = array<i32>} : memref<384xi32, #tpu.memory_space<vmem>>, vector<16xi32>,
        %jit3A_273 = arith.constant 0 : i32
        %jit3A_274 = arith.constant 5 : i32
        %max3A_275 = vector.broadcast %jit3A_273 : i32 to vector<16xi32>
        %max3A_276 = arith.maxsi %max3A_275, %get3A_268 : vector<16xi32>
        %min3A_277 = vector.broadcast %jit3A_274 : i32 to vector<16xi32>
        %min3A_278 = arith.minsi %min3A_277, %max3A_276 : vector<16xi32>
        %jit3A_279 = arith.constant 0 : i32
        %jit3A_280 = arith.constant 6 : i32
        %max3A_281 = vector.broadcast %jit3A_279 : i32 to vector<16xi32>
        %max3A_282 = arith.maxsi %max3A_281, %get3A_270 : vector<16xi32>
        %min3A_283 = vector.broadcast %jit3A_280 : i32 to vector<16xi32>
        %min3A_284 = arith.minsi %min3A_283, %max3A_282 : vector<16xi32>
        %jit3A_285 = arith.constant 0 : i32
        %jit3A_286 = arith.constant 2 : i32
        %max3A_287 = vector.broadcast %jit3A_285 : i32 to vector<16xi32>
        %max3A_288 = arith.maxsi %max3A_287, %get3A_272 : vector<16xi32>
        %min3A_289 = vector.broadcast %jit3A_286 : i32 to vector<16xi32>
        %min3A_290 = arith.minsi %min3A_289, %max3A_288 : vector<16xi32>
        %mul3A_291 = arith.constant 7 : i32
        %mul3A_292 = vector.broadcast %mul3A_291 : i32 to vector<16xi32>
        %mul3A_293 = arith.muli %min3A_278, %mul3A_292 : vector<16xi32>
        %add3A_294 = arith.addi %mul3A_293, %min3A_284 : vector<16xi32>
        %mul3A_295 = arith.constant 3 : i32
        %mul3A_296 = vector.broadcast %mul3A_295 : i32 to vector<16xi32>
        %mul3A_297 = arith.muli %add3A_294, %mul3A_296 : vector<16xi32>
        %add3A_298 = arith.addi %mul3A_297, %min3A_290 : vector<16xi32>
        %swap3A_299 = arith.constant 32 : index
        %swap3A_300 = tpu.vector_load %arg15[%swap3A_299] {strides = array<i32>} : memref<128xi32, #tpu.memory_space<vmem>>, vector<16xi32>,
        tpu.vector_store %arg15[%swap3A_299], %add3A_298 {strides = array<i32>} : memref<128xi32, #tpu.memory_space<vmem>>, vector<16xi32>,
        %get3A_301 = arith.constant 48 : index
        %get3A_302 = tpu.vector_load %arg8[%get3A_301] {strides = array<i32>} : memref<384xi32, #tpu.memory_space<vmem>>, vector<16xi32>,
        %get3A_303 = arith.constant 176 : index
        %get3A_304 = tpu.vector_load %arg8[%get3A_303] {strides = array<i32>} : memref<384xi32, #tpu.memory_space<vmem>>, vector<16xi32>,
        %get3A_305 = arith.constant 304 : index
        %get3A_306 = tpu.vector_load %arg8[%get3A_305] {strides = array<i32>} : memref<384xi32, #tpu.memory_space<vmem>>, vector<16xi32>,
        %jit3A_307 = arith.constant 0 : i32
        %jit3A_308 = arith.constant 5 : i32
        %max3A_309 = vector.broadcast %jit3A_307 : i32 to vector<16xi32>
        %max3A_310 = arith.maxsi %max3A_309, %get3A_302 : vector<16xi32>
        %min3A_311 = vector.broadcast %jit3A_308 : i32 to vector<16xi32>
        %min3A_312 = arith.minsi %min3A_311, %max3A_310 : vector<16xi32>
        %jit3A_313 = arith.constant 0 : i32
        %jit3A_314 = arith.constant 6 : i32
        %max3A_315 = vector.broadcast %jit3A_313 : i32 to vector<16xi32>
        %max3A_316 = arith.maxsi %max3A_315, %get3A_304 : vector<16xi32>
        %min3A_317 = vector.broadcast %jit3A_314 : i32 to vector<16xi32>
        %min3A_318 = arith.minsi %min3A_317, %max3A_316 : vector<16xi32>
        %jit3A_319 = arith.constant 0 : i32
        %jit3A_320 = arith.constant 2 : i32
        %max3A_321 = vector.broadcast %jit3A_319 : i32 to vector<16xi32>
        %max3A_322 = arith.maxsi %max3A_321, %get3A_306 : vector<16xi32>
        %min3A_323 = vector.broadcast %jit3A_320 : i32 to vector<16xi32>
        %min3A_324 = arith.minsi %min3A_323, %max3A_322 : vector<16xi32>
        %mul3A_325 = arith.constant 7 : i32
        %mul3A_326 = vector.broadcast %mul3A_325 : i32 to vector<16xi32>
        %mul3A_327 = arith.muli %min3A_312, %mul3A_326 : vector<16xi32>
        %add3A_328 = arith.addi %mul3A_327, %min3A_318 : vector<16xi32>
        %mul3A_329 = arith.constant 3 : i32
        %mul3A_330 = vector.broadcast %mul3A_329 : i32 to vector<16xi32>
        %mul3A_331 = arith.muli %add3A_328, %mul3A_330 : vector<16xi32>
        %add3A_332 = arith.addi %mul3A_331, %min3A_324 : vector<16xi32>
        %swap3A_333 = arith.constant 48 : index
        %swap3A_334 = tpu.vector_load %arg15[%swap3A_333] {strides = array<i32>} : memref<128xi32, #tpu.memory_space<vmem>>, vector<16xi32>,
        tpu.vector_store %arg15[%swap3A_333], %add3A_332 {strides = array<i32>} : memref<128xi32, #tpu.memory_space<vmem>>, vector<16xi32>,
        %get3A_335 = arith.constant 64 : index
        %get3A_336 = tpu.vector_load %arg8[%get3A_335] {strides = array<i32>} : memref<384xi32, #tpu.memory_space<vmem>>, vector<16xi32>,
        %get3A_337 = arith.constant 192 : index
        %get3A_338 = tpu.vector_load %arg8[%get3A_337] {strides = array<i32>} : memref<384xi32, #tpu.memory_space<vmem>>, vector<16xi32>,
        %get3A_339 = arith.constant 320 : index
        %get3A_340 = tpu.vector_load %arg8[%get3A_339] {strides = array<i32>} : memref<384xi32, #tpu.memory_space<vmem>>, vector<16xi32>,
        %jit3A_341 = arith.constant 0 : i32
        %jit3A_342 = arith.constant 5 : i32
        %max3A_343 = vector.broadcast %jit3A_341 : i32 to vector<16xi32>
        %max3A_344 = arith.maxsi %max3A_343, %get3A_336 : vector<16xi32>
        %min3A_345 = vector.broadcast %jit3A_342 : i32 to vector<16xi32>
        %min3A_346 = arith.minsi %min3A_345, %max3A_344 : vector<16xi32>
        %jit3A_347 = arith.constant 0 : i32
        %jit3A_348 = arith.constant 6 : i32
        %max3A_349 = vector.broadcast %jit3A_347 : i32 to vector<16xi32>
        %max3A_350 = arith.maxsi %max3A_349, %get3A_338 : vector<16xi32>
        %min3A_351 = vector.broadcast %jit3A_348 : i32 to vector<16xi32>
        %min3A_352 = arith.minsi %min3A_351, %max3A_350 : vector<16xi32>
        %jit3A_353 = arith.constant 0 : i32
        %jit3A_354 = arith.constant 2 : i32
        %max3A_355 = vector.broadcast %jit3A_353 : i32 to vector<16xi32>
        %max3A_356 = arith.maxsi %max3A_355, %get3A_340 : vector<16xi32>
        %min3A_357 = vector.broadcast %jit3A_354 : i32 to vector<16xi32>
        %min3A_358 = arith.minsi %min3A_357, %max3A_356 : vector<16xi32>
        %mul3A_359 = arith.constant 7 : i32
        %mul3A_360 = vector.broadcast %mul3A_359 : i32 to vector<16xi32>
        %mul3A_361 = arith.muli %min3A_346, %mul3A_360 : vector<16xi32>
        %add3A_362 = arith.addi %mul3A_361, %min3A_352 : vector<16xi32>
        %mul3A_363 = arith.constant 3 : i32
        %mul3A_364 = vector.broadcast %mul3A_363 : i32 to vector<16xi32>
        %mul3A_365 = arith.muli %add3A_362, %mul3A_364 : vector<16xi32>
        %add3A_366 = arith.addi %mul3A_365, %min3A_358 : vector<16xi32>
        %swap3A_367 = arith.constant 64 : index
        %swap3A_368 = tpu.vector_load %arg15[%swap3A_367] {strides = array<i32>} : memref<128xi32, #tpu.memory_space<vmem>>, vector<16xi32>,
        tpu.vector_store %arg15[%swap3A_367], %add3A_366 {strides = array<i32>} : memref<128xi32, #tpu.memory_space<vmem>>, vector<16xi32>,
        %get3A_369 = arith.constant 80 : index
        %get3A_370 = tpu.vector_load %arg8[%get3A_369] {strides = array<i32>} : memref<384xi32, #tpu.memory_space<vmem>>, vector<16xi32>,
        %get3A_371 = arith.constant 208 : index
        %get3A_372 = tpu.vector_load %arg8[%get3A_371] {strides = array<i32>} : memref<384xi32, #tpu.memory_space<vmem>>, vector<16xi32>,
        %get3A_373 = arith.constant 336 : index
        %get3A_374 = tpu.vector_load %arg8[%get3A_373] {strides = array<i32>} : memref<384xi32, #tpu.memory_space<vmem>>, vector<16xi32>,
        %jit3A_375 = arith.constant 0 : i32
        %jit3A_376 = arith.constant 5 : i32
        %max3A_377 = vector.broadcast %jit3A_375 : i32 to vector<16xi32>
        %max3A_378 = arith.maxsi %max3A_377, %get3A_370 : vector<16xi32>
        %min3A_379 = vector.broadcast %jit3A_376 : i32 to vector<16xi32>
        %min3A_380 = arith.minsi %min3A_379, %max3A_378 : vector<16xi32>
        %jit3A_381 = arith.constant 0 : i32
        %jit3A_382 = arith.constant 6 : i32
        %max3A_383 = vector.broadcast %jit3A_381 : i32 to vector<16xi32>
        %max3A_384 = arith.maxsi %max3A_383, %get3A_372 : vector<16xi32>
        %min3A_385 = vector.broadcast %jit3A_382 : i32 to vector<16xi32>
        %min3A_386 = arith.minsi %min3A_385, %max3A_384 : vector<16xi32>
        %jit3A_387 = arith.constant 0 : i32
        %jit3A_388 = arith.constant 2 : i32
        %max3A_389 = vector.broadcast %jit3A_387 : i32 to vector<16xi32>
        %max3A_390 = arith.maxsi %max3A_389, %get3A_374 : vector<16xi32>
        %min3A_391 = vector.broadcast %jit3A_388 : i32 to vector<16xi32>
        %min3A_392 = arith.minsi %min3A_391, %max3A_390 : vector<16xi32>
        %mul3A_393 = arith.constant 7 : i32
        %mul3A_394 = vector.broadcast %mul3A_393 : i32 to vector<16xi32>
        %mul3A_395 = arith.muli %min3A_380, %mul3A_394 : vector<16xi32>
        %add3A_396 = arith.addi %mul3A_395, %min3A_386 : vector<16xi32>
        %mul3A_397 = arith.constant 3 : i32
        %mul3A_398 = vector.broadcast %mul3A_397 : i32 to vector<16xi32>
        %mul3A_399 = arith.muli %add3A_396, %mul3A_398 : vector<16xi32>
        %add3A_400 = arith.addi %mul3A_399, %min3A_392 : vector<16xi32>
        %swap3A_401 = arith.constant 80 : index
        %swap3A_402 = tpu.vector_load %arg15[%swap3A_401] {strides = array<i32>} : memref<128xi32, #tpu.memory_space<vmem>>, vector<16xi32>,
        tpu.vector_store %arg15[%swap3A_401], %add3A_400 {strides = array<i32>} : memref<128xi32, #tpu.memory_space<vmem>>, vector<16xi32>,
        %get3A_403 = arith.constant 96 : index
        %get3A_404 = tpu.vector_load %arg8[%get3A_403] {strides = array<i32>} : memref<384xi32, #tpu.memory_space<vmem>>, vector<16xi32>,
        %get3A_405 = arith.constant 224 : index
        %get3A_406 = tpu.vector_load %arg8[%get3A_405] {strides = array<i32>} : memref<384xi32, #tpu.memory_space<vmem>>, vector<16xi32>,
        %get3A_407 = arith.constant 352 : index
        %get3A_408 = tpu.vector_load %arg8[%get3A_407] {strides = array<i32>} : memref<384xi32, #tpu.memory_space<vmem>>, vector<16xi32>,
        %jit3A_409 = arith.constant 0 : i32
        %jit3A_410 = arith.constant 5 : i32
        %max3A_411 = vector.broadcast %jit3A_409 : i32 to vector<16xi32>
        %max3A_412 = arith.maxsi %max3A_411, %get3A_404 : vector<16xi32>
        %min3A_413 = vector.broadcast %jit3A_410 : i32 to vector<16xi32>
        %min3A_414 = arith.minsi %min3A_413, %max3A_412 : vector<16xi32>
        %jit3A_415 = arith.constant 0 : i32
        %jit3A_416 = arith.constant 6 : i32
        %max3A_417 = vector.broadcast %jit3A_415 : i32 to vector<16xi32>
        %max3A_418 = arith.maxsi %max3A_417, %get3A_406 : vector<16xi32>
        %min3A_419 = vector.broadcast %jit3A_416 : i32 to vector<16xi32>
        %min3A_420 = arith.minsi %min3A_419, %max3A_418 : vector<16xi32>
        %jit3A_421 = arith.constant 0 : i32
        %jit3A_422 = arith.constant 2 : i32
        %max3A_423 = vector.broadcast %jit3A_421 : i32 to vector<16xi32>
        %max3A_424 = arith.maxsi %max3A_423, %get3A_408 : vector<16xi32>
        %min3A_425 = vector.broadcast %jit3A_422 : i32 to vector<16xi32>
        %min3A_426 = arith.minsi %min3A_425, %max3A_424 : vector<16xi32>
        %mul3A_427 = arith.constant 7 : i32
        %mul3A_428 = vector.broadcast %mul3A_427 : i32 to vector<16xi32>
        %mul3A_429 = arith.muli %min3A_414, %mul3A_428 : vector<16xi32>
        %add3A_430 = arith.addi %mul3A_429, %min3A_420 : vector<16xi32>
        %mul3A_431 = arith.constant 3 : i32
        %mul3A_432 = vector.broadcast %mul3A_431 : i32 to vector<16xi32>
        %mul3A_433 = arith.muli %add3A_430, %mul3A_432 : vector<16xi32>
        %add3A_434 = arith.addi %mul3A_433, %min3A_426 : vector<16xi32>
        %swap3A_435 = arith.constant 96 : index
        %swap3A_436 = tpu.vector_load %arg15[%swap3A_435] {strides = array<i32>} : memref<128xi32, #tpu.memory_space<vmem>>, vector<16xi32>,
        tpu.vector_store %arg15[%swap3A_435], %add3A_434 {strides = array<i32>} : memref<128xi32, #tpu.memory_space<vmem>>, vector<16xi32>,
        %get3A_437 = arith.constant 112 : index
        %get3A_438 = tpu.vector_load %arg8[%get3A_437] {strides = array<i32>} : memref<384xi32, #tpu.memory_space<vmem>>, vector<16xi32>,
        %get3A_439 = arith.constant 240 : index
        %get3A_440 = tpu.vector_load %arg8[%get3A_439] {strides = array<i32>} : memref<384xi32, #tpu.memory_space<vmem>>, vector<16xi32>,
        %get3A_441 = arith.constant 368 : index
        %get3A_442 = tpu.vector_load %arg8[%get3A_441] {strides = array<i32>} : memref<384xi32, #tpu.memory_space<vmem>>, vector<16xi32>,
        %jit3A_443 = arith.constant 0 : i32
        %jit3A_444 = arith.constant 5 : i32
        %max3A_445 = vector.broadcast %jit3A_443 : i32 to vector<16xi32>
        %max3A_446 = arith.maxsi %max3A_445, %get3A_438 : vector<16xi32>
        %min3A_447 = vector.broadcast %jit3A_444 : i32 to vector<16xi32>
        %min3A_448 = arith.minsi %min3A_447, %max3A_446 : vector<16xi32>
        %jit3A_449 = arith.constant 0 : i32
        %jit3A_450 = arith.constant 6 : i32
        %max3A_451 = vector.broadcast %jit3A_449 : i32 to vector<16xi32>
        %max3A_452 = arith.maxsi %max3A_451, %get3A_440 : vector<16xi32>
        %min3A_453 = vector.broadcast %jit3A_450 : i32 to vector<16xi32>
        %min3A_454 = arith.minsi %min3A_453, %max3A_452 : vector<16xi32>
        %jit3A_455 = arith.constant 0 : i32
        %jit3A_456 = arith.constant 2 : i32
        %max3A_457 = vector.broadcast %jit3A_455 : i32 to vector<16xi32>
        %max3A_458 = arith.maxsi %max3A_457, %get3A_442 : vector<16xi32>
        %min3A_459 = vector.broadcast %jit3A_456 : i32 to vector<16xi32>
        %min3A_460 = arith.minsi %min3A_459, %max3A_458 : vector<16xi32>
        %mul3A_461 = arith.constant 7 : i32
        %mul3A_462 = vector.broadcast %mul3A_461 : i32 to vector<16xi32>
        %mul3A_463 = arith.muli %min3A_448, %mul3A_462 : vector<16xi32>
        %add3A_464 = arith.addi %mul3A_463, %min3A_454 : vector<16xi32>
        %mul3A_465 = arith.constant 3 : i32
        %mul3A_466 = vector.broadcast %mul3A_465 : i32 to vector<16xi32>
        %mul3A_467 = arith.muli %add3A_464, %mul3A_466 : vector<16xi32>
        %add3A_468 = arith.addi %mul3A_467, %min3A_460 : vector<16xi32>
        %swap3A_469 = arith.constant 112 : index
        %swap3A_470 = tpu.vector_load %arg15[%swap3A_469] {strides = array<i32>} : memref<128xi32, #tpu.memory_space<vmem>>, vector<16xi32>,
        tpu.vector_store %arg15[%swap3A_469], %add3A_468 {strides = array<i32>} : memref<128xi32, #tpu.memory_space<vmem>>, vector<16xi32>,
        %ge3A_471 = arith.constant 7 : i32
        %ge3A_472 = arith.cmpi sge, %add3A_118, %ge3A_471 : i32
        %convert_element_type3A_473 = arith.extui %ge3A_472 : i1 to i32
        %cond3A_474 = arith.constant 0 : i32
        %cond3A_475 = arith.cmpi ne, %convert_element_type3A_473, %cond3A_474 : i32
        scf.if %cond3A_475 {
          %dma_wait3A_484 = arith.constant 0 : i32
          %dma_wait3A_485 = arith.constant 0 : i32
          %dma_wait3A_486 = tpu.memref_slice %arg4[%dma_wait3A_484, %dma_wait3A_485] : memref<320000x128xf32, #tpu.memory_space<hbm>> -> memref<128x128xf32, #tpu.memory_space<hbm>>
          %dma_wait3A_487 = arith.constant 0 : i32
          %dma_wait3A_488 = arith.constant 0 : i32
          %dma_wait3A_489 = tpu.memref_slice %arg4[%dma_wait3A_487, %dma_wait3A_488] : memref<320000x128xf32, #tpu.memory_space<hbm>> -> memref<128x128xf32, #tpu.memory_space<hbm>>
          tpu.wait_dma2 semaphore(%arg43 : memref<!tpu.dma_semaphore, #tpu.memory_space<semaphore_mem>>) src(%arg22 : memref<128x128xf32, #tpu.memory_space<vmem>>) dst(%dma_wait3A_489 : memref<128x128xf32, #tpu.memory_space<hbm>>)
        } else {
        }
        %dma_start3A = arith.constant 0 : i32
        %dma_start3A_476 = arith.constant 0 : i32
        %dma_start3A_477 = tpu.memref_slice %arg5[%dma_start3A, %dma_start3A_476] : memref<126x128xf32, #tpu.memory_space<vmem_shared>> -> memref<126x128xf32, #tpu.memory_space<vmem_shared>>
        tpu.enqueue_indirect_dma source(%dma_start3A_477 : memref<126x128xf32, #tpu.memory_space<vmem_shared>>) target(%arg22 : memref<128x128xf32, #tpu.memory_space<vmem>>) offsets(%arg15 : memref<128xi32, #tpu.memory_space<vmem>>) semaphore(%arg36 : memref<!tpu.dma_semaphore, #tpu.memory_space<semaphore_mem>>)
        %add3A_478 = arith.constant 2 : i32
        %add3A_479 = arith.addi %add3A_118, %add3A_478 : i32
        %lt3A_480 = arith.cmpi slt, %add3A_479, %add3A_6 : i32
        %convert_element_type3A_481 = arith.extui %lt3A_480 : i1 to i32
        %cond3A_482 = arith.constant 0 : i32
        %cond3A_483 = arith.cmpi ne, %convert_element_type3A_481, %cond3A_482 : i32
        scf.if %cond3A_483 {
          %add3A_484 = arith.constant 2 : i32
          %add3A_485 = arith.addi %add3A_118, %add3A_484 : i32
          %mul3A_486 = arith.constant 32 : i32
          %mul3A_487 = arith.muli %add3A_485, %mul3A_486 : i32
          %add3A_488 = arith.addi %add3A, %mul3A_487 : i32
          %mul3A_489 = arith.constant 128 : i32
          %mul3A_490 = arith.muli %add3A_488, %mul3A_489 : i32
          %add3A_491 = arith.constant 0 : i32
          %add3A_492 = arith.addi %add3A_491, %mul3A_490 : i32
          %multiple_of3A = tpu.assume_multiple %add3A_492, 8 : i32
          %dma_start3A_493 = arith.constant 0 : i32
          %dma_start3A_494 = tpu.memref_slice %arg10[%dma_start3A_493] : memref<384xi32, #tpu.memory_space<vmem>> -> memref<128xi32, #tpu.memory_space<vmem>>
          %dma_start3A_495 = tpu.memref_slice %arg2[%multiple_of3A] : memref<960000xi32, #tpu.memory_space<hbm>> -> memref<128xi32, #tpu.memory_space<hbm>>
          %dma_start3A_496 = arith.constant 0 : i32
          %dma_start3A_497 = tpu.memref_slice %arg10[%dma_start3A_496] : memref<384xi32, #tpu.memory_space<vmem>> -> memref<128xi32, #tpu.memory_space<vmem>>
          %dma_start3A_498 = tpu.memref_slice %arg2[%multiple_of3A] : memref<960000xi32, #tpu.memory_space<hbm>> -> memref<128xi32, #tpu.memory_space<hbm>>
          tpu.enqueue_dma source(%dma_start3A_498 : memref<128xi32, #tpu.memory_space<hbm>>) target(%dma_start3A_497 : memref<128xi32, #tpu.memory_space<vmem>>) target_semaphore(%arg31 : memref<!tpu.dma_semaphore, #tpu.memory_space<semaphore_mem>>)
          %add3A_499 = arith.constant 320000 : i32
          %add3A_500 = arith.addi %add3A_499, %mul3A_490 : i32
          %multiple_of3A_501 = tpu.assume_multiple %add3A_500, 8 : i32
          %dma_start3A_502 = arith.constant 128 : i32
          %dma_start3A_503 = tpu.memref_slice %arg10[%dma_start3A_502] : memref<384xi32, #tpu.memory_space<vmem>> -> memref<128xi32, #tpu.memory_space<vmem>>
          %dma_start3A_504 = tpu.memref_slice %arg2[%multiple_of3A_501] : memref<960000xi32, #tpu.memory_space<hbm>> -> memref<128xi32, #tpu.memory_space<hbm>>
          %dma_start3A_505 = arith.constant 128 : i32
          %dma_start3A_506 = tpu.memref_slice %arg10[%dma_start3A_505] : memref<384xi32, #tpu.memory_space<vmem>> -> memref<128xi32, #tpu.memory_space<vmem>>
          %dma_start3A_507 = tpu.memref_slice %arg2[%multiple_of3A_501] : memref<960000xi32, #tpu.memory_space<hbm>> -> memref<128xi32, #tpu.memory_space<hbm>>
          tpu.enqueue_dma source(%dma_start3A_507 : memref<128xi32, #tpu.memory_space<hbm>>) target(%dma_start3A_506 : memref<128xi32, #tpu.memory_space<vmem>>) target_semaphore(%arg31 : memref<!tpu.dma_semaphore, #tpu.memory_space<semaphore_mem>>)
          %add3A_508 = arith.constant 640000 : i32
          %add3A_509 = arith.addi %add3A_508, %mul3A_490 : i32
          %multiple_of3A_510 = tpu.assume_multiple %add3A_509, 8 : i32
          %dma_start3A_511 = arith.constant 256 : i32
          %dma_start3A_512 = tpu.memref_slice %arg10[%dma_start3A_511] : memref<384xi32, #tpu.memory_space<vmem>> -> memref<128xi32, #tpu.memory_space<vmem>>
          %dma_start3A_513 = tpu.memref_slice %arg2[%multiple_of3A_510] : memref<960000xi32, #tpu.memory_space<hbm>> -> memref<128xi32, #tpu.memory_space<hbm>>
          %dma_start3A_514 = arith.constant 256 : i32
          %dma_start3A_515 = tpu.memref_slice %arg10[%dma_start3A_514] : memref<384xi32, #tpu.memory_space<vmem>> -> memref<128xi32, #tpu.memory_space<vmem>>
          %dma_start3A_516 = tpu.memref_slice %arg2[%multiple_of3A_510] : memref<960000xi32, #tpu.memory_space<hbm>> -> memref<128xi32, #tpu.memory_space<hbm>>
          tpu.enqueue_dma source(%dma_start3A_516 : memref<128xi32, #tpu.memory_space<hbm>>) target(%dma_start3A_515 : memref<128xi32, #tpu.memory_space<vmem>>) target_semaphore(%arg31 : memref<!tpu.dma_semaphore, #tpu.memory_space<semaphore_mem>>)
        } else {
        }
      } else {
      }
      %mul3A_132 = arith.constant 7 : i32
      %mul3A_133 = arith.muli %while3A_82, %mul3A_132 : i32
      %add3A_134 = arith.constant 3 : i32
      %add3A_135 = arith.addi %mul3A_133, %add3A_134 : i32
      %ge3A_136 = arith.constant 3 : i32
      %ge3A_137 = arith.cmpi sge, %add3A_135, %ge3A_136 : i32
      %add3A_138 = arith.constant 2 : i32
      %add3A_139 = arith.addi %add3A_6, %add3A_138 : i32
      %le3A_140 = arith.cmpi sle, %add3A_135, %add3A_139 : i32
      %and3A_141 = arith.andi %ge3A_137, %le3A_140 : i1
      %convert_element_type3A_142 = arith.extui %and3A_141 : i1 to i32
      %cond3A_143 = arith.constant 0 : i32
      %cond3A_144 = arith.cmpi ne, %convert_element_type3A_142, %cond3A_143 : i32
      scf.if %cond3A_144 {
        %dma_wait3A = arith.constant 0 : i32
        %dma_wait3A_200 = arith.constant 0 : i32
        %dma_wait3A_201 = tpu.memref_slice %arg5[%dma_wait3A, %dma_wait3A_200] : memref<126x128xf32, #tpu.memory_space<vmem_shared>> -> memref<126x128xf32, #tpu.memory_space<vmem_shared>>
        tpu.wait_indirect_dma semaphore(%arg34 : memref<!tpu.dma_semaphore, #tpu.memory_space<semaphore_mem>>) src(%dma_wait3A_201 : memref<126x128xf32, #tpu.memory_space<vmem_shared>>) dst(%arg20 : memref<128x128xf32, #tpu.memory_space<vmem>>)
        %sub3A_202 = arith.constant 3 : i32
        %sub3A_203 = arith.subi %add3A_135, %sub3A_202 : i32
        %mul3A_204 = arith.constant 32 : i32
        %mul3A_205 = arith.muli %sub3A_203, %mul3A_204 : i32
        %add3A_206 = arith.addi %add3A, %mul3A_205 : i32
        %mul3A_207 = arith.constant 128 : i32
        %mul3A_208 = arith.muli %add3A_206, %mul3A_207 : i32
        %dma_start3A = arith.constant 0 : i32
        %dma_start3A_209 = tpu.memref_slice %arg4[%mul3A_208, %dma_start3A] : memref<320000x128xf32, #tpu.memory_space<hbm>> -> memref<128x128xf32, #tpu.memory_space<hbm>>
        %dma_start3A_210 = arith.constant 0 : i32
        %dma_start3A_211 = tpu.memref_slice %arg4[%mul3A_208, %dma_start3A_210] : memref<320000x128xf32, #tpu.memory_space<hbm>> -> memref<128x128xf32, #tpu.memory_space<hbm>>
        tpu.enqueue_dma source(%arg20 : memref<128x128xf32, #tpu.memory_space<vmem>>) target(%dma_start3A_211 : memref<128x128xf32, #tpu.memory_space<hbm>>) target_semaphore(%arg41 : memref<!tpu.dma_semaphore, #tpu.memory_space<semaphore_mem>>)
      } else {
      }
      %lt3A_145 = arith.cmpi slt, %add3A_135, %add3A_6 : i32
      %convert_element_type3A_146 = arith.extui %lt3A_145 : i1 to i32
      %cond3A_147 = arith.constant 0 : i32
      %cond3A_148 = arith.cmpi ne, %convert_element_type3A_146, %cond3A_147 : i32
      scf.if %cond3A_148 {
        %dma_wait3A = arith.constant 0 : i32
        %dma_wait3A_200 = tpu.memref_slice %arg2[%dma_wait3A] : memref<960000xi32, #tpu.memory_space<hbm>> -> memref<384xi32, #tpu.memory_space<hbm>>
        %dma_wait3A_201 = arith.constant 0 : i32
        %dma_wait3A_202 = tpu.memref_slice %arg2[%dma_wait3A_201] : memref<960000xi32, #tpu.memory_space<hbm>> -> memref<384xi32, #tpu.memory_space<hbm>>
        tpu.wait_dma2 semaphore(%arg30 : memref<!tpu.dma_semaphore, #tpu.memory_space<semaphore_mem>>) src(%dma_wait3A_202 : memref<384xi32, #tpu.memory_space<hbm>>) dst(%arg9 : memref<384xi32, #tpu.memory_space<vmem>>)
        %get3A = arith.constant 0 : index
        %get3A_203 = tpu.vector_load %arg9[%get3A] {strides = array<i32>} : memref<384xi32, #tpu.memory_space<vmem>>, vector<16xi32>,
        %get3A_204 = arith.constant 128 : index
        %get3A_205 = tpu.vector_load %arg9[%get3A_204] {strides = array<i32>} : memref<384xi32, #tpu.memory_space<vmem>>, vector<16xi32>,
        %get3A_206 = arith.constant 256 : index
        %get3A_207 = tpu.vector_load %arg9[%get3A_206] {strides = array<i32>} : memref<384xi32, #tpu.memory_space<vmem>>, vector<16xi32>,
        %jit3A_208 = arith.constant 0 : i32
        %jit3A_209 = arith.constant 5 : i32
        %max3A = vector.broadcast %jit3A_208 : i32 to vector<16xi32>
        %max3A_210 = arith.maxsi %max3A, %get3A_203 : vector<16xi32>
        %min3A = vector.broadcast %jit3A_209 : i32 to vector<16xi32>
        %min3A_211 = arith.minsi %min3A, %max3A_210 : vector<16xi32>
        %jit3A_212 = arith.constant 0 : i32
        %jit3A_213 = arith.constant 6 : i32
        %max3A_214 = vector.broadcast %jit3A_212 : i32 to vector<16xi32>
        %max3A_215 = arith.maxsi %max3A_214, %get3A_205 : vector<16xi32>
        %min3A_216 = vector.broadcast %jit3A_213 : i32 to vector<16xi32>
        %min3A_217 = arith.minsi %min3A_216, %max3A_215 : vector<16xi32>
        %jit3A_218 = arith.constant 0 : i32
        %jit3A_219 = arith.constant 2 : i32
        %max3A_220 = vector.broadcast %jit3A_218 : i32 to vector<16xi32>
        %max3A_221 = arith.maxsi %max3A_220, %get3A_207 : vector<16xi32>
        %min3A_222 = vector.broadcast %jit3A_219 : i32 to vector<16xi32>
        %min3A_223 = arith.minsi %min3A_222, %max3A_221 : vector<16xi32>
        %mul3A_224 = arith.constant 7 : i32
        %mul3A_225 = vector.broadcast %mul3A_224 : i32 to vector<16xi32>
        %mul3A_226 = arith.muli %min3A_211, %mul3A_225 : vector<16xi32>
        %add3A_227 = arith.addi %mul3A_226, %min3A_217 : vector<16xi32>
        %mul3A_228 = arith.constant 3 : i32
        %mul3A_229 = vector.broadcast %mul3A_228 : i32 to vector<16xi32>
        %mul3A_230 = arith.muli %add3A_227, %mul3A_229 : vector<16xi32>
        %add3A_231 = arith.addi %mul3A_230, %min3A_223 : vector<16xi32>
        %swap3A = arith.constant 0 : index
        %swap3A_232 = tpu.vector_load %arg16[%swap3A] {strides = array<i32>} : memref<128xi32, #tpu.memory_space<vmem>>, vector<16xi32>,
        tpu.vector_store %arg16[%swap3A], %add3A_231 {strides = array<i32>} : memref<128xi32, #tpu.memory_space<vmem>>, vector<16xi32>,
        %get3A_233 = arith.constant 16 : index
        %get3A_234 = tpu.vector_load %arg9[%get3A_233] {strides = array<i32>} : memref<384xi32, #tpu.memory_space<vmem>>, vector<16xi32>,
        %get3A_235 = arith.constant 144 : index
        %get3A_236 = tpu.vector_load %arg9[%get3A_235] {strides = array<i32>} : memref<384xi32, #tpu.memory_space<vmem>>, vector<16xi32>,
        %get3A_237 = arith.constant 272 : index
        %get3A_238 = tpu.vector_load %arg9[%get3A_237] {strides = array<i32>} : memref<384xi32, #tpu.memory_space<vmem>>, vector<16xi32>,
        %jit3A_239 = arith.constant 0 : i32
        %jit3A_240 = arith.constant 5 : i32
        %max3A_241 = vector.broadcast %jit3A_239 : i32 to vector<16xi32>
        %max3A_242 = arith.maxsi %max3A_241, %get3A_234 : vector<16xi32>
        %min3A_243 = vector.broadcast %jit3A_240 : i32 to vector<16xi32>
        %min3A_244 = arith.minsi %min3A_243, %max3A_242 : vector<16xi32>
        %jit3A_245 = arith.constant 0 : i32
        %jit3A_246 = arith.constant 6 : i32
        %max3A_247 = vector.broadcast %jit3A_245 : i32 to vector<16xi32>
        %max3A_248 = arith.maxsi %max3A_247, %get3A_236 : vector<16xi32>
        %min3A_249 = vector.broadcast %jit3A_246 : i32 to vector<16xi32>
        %min3A_250 = arith.minsi %min3A_249, %max3A_248 : vector<16xi32>
        %jit3A_251 = arith.constant 0 : i32
        %jit3A_252 = arith.constant 2 : i32
        %max3A_253 = vector.broadcast %jit3A_251 : i32 to vector<16xi32>
        %max3A_254 = arith.maxsi %max3A_253, %get3A_238 : vector<16xi32>
        %min3A_255 = vector.broadcast %jit3A_252 : i32 to vector<16xi32>
        %min3A_256 = arith.minsi %min3A_255, %max3A_254 : vector<16xi32>
        %mul3A_257 = arith.constant 7 : i32
        %mul3A_258 = vector.broadcast %mul3A_257 : i32 to vector<16xi32>
        %mul3A_259 = arith.muli %min3A_244, %mul3A_258 : vector<16xi32>
        %add3A_260 = arith.addi %mul3A_259, %min3A_250 : vector<16xi32>
        %mul3A_261 = arith.constant 3 : i32
        %mul3A_262 = vector.broadcast %mul3A_261 : i32 to vector<16xi32>
        %mul3A_263 = arith.muli %add3A_260, %mul3A_262 : vector<16xi32>
        %add3A_264 = arith.addi %mul3A_263, %min3A_256 : vector<16xi32>
        %swap3A_265 = arith.constant 16 : index
        %swap3A_266 = tpu.vector_load %arg16[%swap3A_265] {strides = array<i32>} : memref<128xi32, #tpu.memory_space<vmem>>, vector<16xi32>,
        tpu.vector_store %arg16[%swap3A_265], %add3A_264 {strides = array<i32>} : memref<128xi32, #tpu.memory_space<vmem>>, vector<16xi32>,
        %get3A_267 = arith.constant 32 : index
        %get3A_268 = tpu.vector_load %arg9[%get3A_267] {strides = array<i32>} : memref<384xi32, #tpu.memory_space<vmem>>, vector<16xi32>,
        %get3A_269 = arith.constant 160 : index
        %get3A_270 = tpu.vector_load %arg9[%get3A_269] {strides = array<i32>} : memref<384xi32, #tpu.memory_space<vmem>>, vector<16xi32>,
        %get3A_271 = arith.constant 288 : index
        %get3A_272 = tpu.vector_load %arg9[%get3A_271] {strides = array<i32>} : memref<384xi32, #tpu.memory_space<vmem>>, vector<16xi32>,
        %jit3A_273 = arith.constant 0 : i32
        %jit3A_274 = arith.constant 5 : i32
        %max3A_275 = vector.broadcast %jit3A_273 : i32 to vector<16xi32>
        %max3A_276 = arith.maxsi %max3A_275, %get3A_268 : vector<16xi32>
        %min3A_277 = vector.broadcast %jit3A_274 : i32 to vector<16xi32>
        %min3A_278 = arith.minsi %min3A_277, %max3A_276 : vector<16xi32>
        %jit3A_279 = arith.constant 0 : i32
        %jit3A_280 = arith.constant 6 : i32
        %max3A_281 = vector.broadcast %jit3A_279 : i32 to vector<16xi32>
        %max3A_282 = arith.maxsi %max3A_281, %get3A_270 : vector<16xi32>
        %min3A_283 = vector.broadcast %jit3A_280 : i32 to vector<16xi32>
        %min3A_284 = arith.minsi %min3A_283, %max3A_282 : vector<16xi32>
        %jit3A_285 = arith.constant 0 : i32
        %jit3A_286 = arith.constant 2 : i32
        %max3A_287 = vector.broadcast %jit3A_285 : i32 to vector<16xi32>
        %max3A_288 = arith.maxsi %max3A_287, %get3A_272 : vector<16xi32>
        %min3A_289 = vector.broadcast %jit3A_286 : i32 to vector<16xi32>
        %min3A_290 = arith.minsi %min3A_289, %max3A_288 : vector<16xi32>
        %mul3A_291 = arith.constant 7 : i32
        %mul3A_292 = vector.broadcast %mul3A_291 : i32 to vector<16xi32>
        %mul3A_293 = arith.muli %min3A_278, %mul3A_292 : vector<16xi32>
        %add3A_294 = arith.addi %mul3A_293, %min3A_284 : vector<16xi32>
        %mul3A_295 = arith.constant 3 : i32
        %mul3A_296 = vector.broadcast %mul3A_295 : i32 to vector<16xi32>
        %mul3A_297 = arith.muli %add3A_294, %mul3A_296 : vector<16xi32>
        %add3A_298 = arith.addi %mul3A_297, %min3A_290 : vector<16xi32>
        %swap3A_299 = arith.constant 32 : index
        %swap3A_300 = tpu.vector_load %arg16[%swap3A_299] {strides = array<i32>} : memref<128xi32, #tpu.memory_space<vmem>>, vector<16xi32>,
        tpu.vector_store %arg16[%swap3A_299], %add3A_298 {strides = array<i32>} : memref<128xi32, #tpu.memory_space<vmem>>, vector<16xi32>,
        %get3A_301 = arith.constant 48 : index
        %get3A_302 = tpu.vector_load %arg9[%get3A_301] {strides = array<i32>} : memref<384xi32, #tpu.memory_space<vmem>>, vector<16xi32>,
        %get3A_303 = arith.constant 176 : index
        %get3A_304 = tpu.vector_load %arg9[%get3A_303] {strides = array<i32>} : memref<384xi32, #tpu.memory_space<vmem>>, vector<16xi32>,
        %get3A_305 = arith.constant 304 : index
        %get3A_306 = tpu.vector_load %arg9[%get3A_305] {strides = array<i32>} : memref<384xi32, #tpu.memory_space<vmem>>, vector<16xi32>,
        %jit3A_307 = arith.constant 0 : i32
        %jit3A_308 = arith.constant 5 : i32
        %max3A_309 = vector.broadcast %jit3A_307 : i32 to vector<16xi32>
        %max3A_310 = arith.maxsi %max3A_309, %get3A_302 : vector<16xi32>
        %min3A_311 = vector.broadcast %jit3A_308 : i32 to vector<16xi32>
        %min3A_312 = arith.minsi %min3A_311, %max3A_310 : vector<16xi32>
        %jit3A_313 = arith.constant 0 : i32
        %jit3A_314 = arith.constant 6 : i32
        %max3A_315 = vector.broadcast %jit3A_313 : i32 to vector<16xi32>
        %max3A_316 = arith.maxsi %max3A_315, %get3A_304 : vector<16xi32>
        %min3A_317 = vector.broadcast %jit3A_314 : i32 to vector<16xi32>
        %min3A_318 = arith.minsi %min3A_317, %max3A_316 : vector<16xi32>
        %jit3A_319 = arith.constant 0 : i32
        %jit3A_320 = arith.constant 2 : i32
        %max3A_321 = vector.broadcast %jit3A_319 : i32 to vector<16xi32>
        %max3A_322 = arith.maxsi %max3A_321, %get3A_306 : vector<16xi32>
        %min3A_323 = vector.broadcast %jit3A_320 : i32 to vector<16xi32>
        %min3A_324 = arith.minsi %min3A_323, %max3A_322 : vector<16xi32>
        %mul3A_325 = arith.constant 7 : i32
        %mul3A_326 = vector.broadcast %mul3A_325 : i32 to vector<16xi32>
        %mul3A_327 = arith.muli %min3A_312, %mul3A_326 : vector<16xi32>
        %add3A_328 = arith.addi %mul3A_327, %min3A_318 : vector<16xi32>
        %mul3A_329 = arith.constant 3 : i32
        %mul3A_330 = vector.broadcast %mul3A_329 : i32 to vector<16xi32>
        %mul3A_331 = arith.muli %add3A_328, %mul3A_330 : vector<16xi32>
        %add3A_332 = arith.addi %mul3A_331, %min3A_324 : vector<16xi32>
        %swap3A_333 = arith.constant 48 : index
        %swap3A_334 = tpu.vector_load %arg16[%swap3A_333] {strides = array<i32>} : memref<128xi32, #tpu.memory_space<vmem>>, vector<16xi32>,
        tpu.vector_store %arg16[%swap3A_333], %add3A_332 {strides = array<i32>} : memref<128xi32, #tpu.memory_space<vmem>>, vector<16xi32>,
        %get3A_335 = arith.constant 64 : index
        %get3A_336 = tpu.vector_load %arg9[%get3A_335] {strides = array<i32>} : memref<384xi32, #tpu.memory_space<vmem>>, vector<16xi32>,
        %get3A_337 = arith.constant 192 : index
        %get3A_338 = tpu.vector_load %arg9[%get3A_337] {strides = array<i32>} : memref<384xi32, #tpu.memory_space<vmem>>, vector<16xi32>,
        %get3A_339 = arith.constant 320 : index
        %get3A_340 = tpu.vector_load %arg9[%get3A_339] {strides = array<i32>} : memref<384xi32, #tpu.memory_space<vmem>>, vector<16xi32>,
        %jit3A_341 = arith.constant 0 : i32
        %jit3A_342 = arith.constant 5 : i32
        %max3A_343 = vector.broadcast %jit3A_341 : i32 to vector<16xi32>
        %max3A_344 = arith.maxsi %max3A_343, %get3A_336 : vector<16xi32>
        %min3A_345 = vector.broadcast %jit3A_342 : i32 to vector<16xi32>
        %min3A_346 = arith.minsi %min3A_345, %max3A_344 : vector<16xi32>
        %jit3A_347 = arith.constant 0 : i32
        %jit3A_348 = arith.constant 6 : i32
        %max3A_349 = vector.broadcast %jit3A_347 : i32 to vector<16xi32>
        %max3A_350 = arith.maxsi %max3A_349, %get3A_338 : vector<16xi32>
        %min3A_351 = vector.broadcast %jit3A_348 : i32 to vector<16xi32>
        %min3A_352 = arith.minsi %min3A_351, %max3A_350 : vector<16xi32>
        %jit3A_353 = arith.constant 0 : i32
        %jit3A_354 = arith.constant 2 : i32
        %max3A_355 = vector.broadcast %jit3A_353 : i32 to vector<16xi32>
        %max3A_356 = arith.maxsi %max3A_355, %get3A_340 : vector<16xi32>
        %min3A_357 = vector.broadcast %jit3A_354 : i32 to vector<16xi32>
        %min3A_358 = arith.minsi %min3A_357, %max3A_356 : vector<16xi32>
        %mul3A_359 = arith.constant 7 : i32
        %mul3A_360 = vector.broadcast %mul3A_359 : i32 to vector<16xi32>
        %mul3A_361 = arith.muli %min3A_346, %mul3A_360 : vector<16xi32>
        %add3A_362 = arith.addi %mul3A_361, %min3A_352 : vector<16xi32>
        %mul3A_363 = arith.constant 3 : i32
        %mul3A_364 = vector.broadcast %mul3A_363 : i32 to vector<16xi32>
        %mul3A_365 = arith.muli %add3A_362, %mul3A_364 : vector<16xi32>
        %add3A_366 = arith.addi %mul3A_365, %min3A_358 : vector<16xi32>
        %swap3A_367 = arith.constant 64 : index
        %swap3A_368 = tpu.vector_load %arg16[%swap3A_367] {strides = array<i32>} : memref<128xi32, #tpu.memory_space<vmem>>, vector<16xi32>,
        tpu.vector_store %arg16[%swap3A_367], %add3A_366 {strides = array<i32>} : memref<128xi32, #tpu.memory_space<vmem>>, vector<16xi32>,
        %get3A_369 = arith.constant 80 : index
        %get3A_370 = tpu.vector_load %arg9[%get3A_369] {strides = array<i32>} : memref<384xi32, #tpu.memory_space<vmem>>, vector<16xi32>,
        %get3A_371 = arith.constant 208 : index
        %get3A_372 = tpu.vector_load %arg9[%get3A_371] {strides = array<i32>} : memref<384xi32, #tpu.memory_space<vmem>>, vector<16xi32>,
        %get3A_373 = arith.constant 336 : index
        %get3A_374 = tpu.vector_load %arg9[%get3A_373] {strides = array<i32>} : memref<384xi32, #tpu.memory_space<vmem>>, vector<16xi32>,
        %jit3A_375 = arith.constant 0 : i32
        %jit3A_376 = arith.constant 5 : i32
        %max3A_377 = vector.broadcast %jit3A_375 : i32 to vector<16xi32>
        %max3A_378 = arith.maxsi %max3A_377, %get3A_370 : vector<16xi32>
        %min3A_379 = vector.broadcast %jit3A_376 : i32 to vector<16xi32>
        %min3A_380 = arith.minsi %min3A_379, %max3A_378 : vector<16xi32>
        %jit3A_381 = arith.constant 0 : i32
        %jit3A_382 = arith.constant 6 : i32
        %max3A_383 = vector.broadcast %jit3A_381 : i32 to vector<16xi32>
        %max3A_384 = arith.maxsi %max3A_383, %get3A_372 : vector<16xi32>
        %min3A_385 = vector.broadcast %jit3A_382 : i32 to vector<16xi32>
        %min3A_386 = arith.minsi %min3A_385, %max3A_384 : vector<16xi32>
        %jit3A_387 = arith.constant 0 : i32
        %jit3A_388 = arith.constant 2 : i32
        %max3A_389 = vector.broadcast %jit3A_387 : i32 to vector<16xi32>
        %max3A_390 = arith.maxsi %max3A_389, %get3A_374 : vector<16xi32>
        %min3A_391 = vector.broadcast %jit3A_388 : i32 to vector<16xi32>
        %min3A_392 = arith.minsi %min3A_391, %max3A_390 : vector<16xi32>
        %mul3A_393 = arith.constant 7 : i32
        %mul3A_394 = vector.broadcast %mul3A_393 : i32 to vector<16xi32>
        %mul3A_395 = arith.muli %min3A_380, %mul3A_394 : vector<16xi32>
        %add3A_396 = arith.addi %mul3A_395, %min3A_386 : vector<16xi32>
        %mul3A_397 = arith.constant 3 : i32
        %mul3A_398 = vector.broadcast %mul3A_397 : i32 to vector<16xi32>
        %mul3A_399 = arith.muli %add3A_396, %mul3A_398 : vector<16xi32>
        %add3A_400 = arith.addi %mul3A_399, %min3A_392 : vector<16xi32>
        %swap3A_401 = arith.constant 80 : index
        %swap3A_402 = tpu.vector_load %arg16[%swap3A_401] {strides = array<i32>} : memref<128xi32, #tpu.memory_space<vmem>>, vector<16xi32>,
        tpu.vector_store %arg16[%swap3A_401], %add3A_400 {strides = array<i32>} : memref<128xi32, #tpu.memory_space<vmem>>, vector<16xi32>,
        %get3A_403 = arith.constant 96 : index
        %get3A_404 = tpu.vector_load %arg9[%get3A_403] {strides = array<i32>} : memref<384xi32, #tpu.memory_space<vmem>>, vector<16xi32>,
        %get3A_405 = arith.constant 224 : index
        %get3A_406 = tpu.vector_load %arg9[%get3A_405] {strides = array<i32>} : memref<384xi32, #tpu.memory_space<vmem>>, vector<16xi32>,
        %get3A_407 = arith.constant 352 : index
        %get3A_408 = tpu.vector_load %arg9[%get3A_407] {strides = array<i32>} : memref<384xi32, #tpu.memory_space<vmem>>, vector<16xi32>,
        %jit3A_409 = arith.constant 0 : i32
        %jit3A_410 = arith.constant 5 : i32
        %max3A_411 = vector.broadcast %jit3A_409 : i32 to vector<16xi32>
        %max3A_412 = arith.maxsi %max3A_411, %get3A_404 : vector<16xi32>
        %min3A_413 = vector.broadcast %jit3A_410 : i32 to vector<16xi32>
        %min3A_414 = arith.minsi %min3A_413, %max3A_412 : vector<16xi32>
        %jit3A_415 = arith.constant 0 : i32
        %jit3A_416 = arith.constant 6 : i32
        %max3A_417 = vector.broadcast %jit3A_415 : i32 to vector<16xi32>
        %max3A_418 = arith.maxsi %max3A_417, %get3A_406 : vector<16xi32>
        %min3A_419 = vector.broadcast %jit3A_416 : i32 to vector<16xi32>
        %min3A_420 = arith.minsi %min3A_419, %max3A_418 : vector<16xi32>
        %jit3A_421 = arith.constant 0 : i32
        %jit3A_422 = arith.constant 2 : i32
        %max3A_423 = vector.broadcast %jit3A_421 : i32 to vector<16xi32>
        %max3A_424 = arith.maxsi %max3A_423, %get3A_408 : vector<16xi32>
        %min3A_425 = vector.broadcast %jit3A_422 : i32 to vector<16xi32>
        %min3A_426 = arith.minsi %min3A_425, %max3A_424 : vector<16xi32>
        %mul3A_427 = arith.constant 7 : i32
        %mul3A_428 = vector.broadcast %mul3A_427 : i32 to vector<16xi32>
        %mul3A_429 = arith.muli %min3A_414, %mul3A_428 : vector<16xi32>
        %add3A_430 = arith.addi %mul3A_429, %min3A_420 : vector<16xi32>
        %mul3A_431 = arith.constant 3 : i32
        %mul3A_432 = vector.broadcast %mul3A_431 : i32 to vector<16xi32>
        %mul3A_433 = arith.muli %add3A_430, %mul3A_432 : vector<16xi32>
        %add3A_434 = arith.addi %mul3A_433, %min3A_426 : vector<16xi32>
        %swap3A_435 = arith.constant 96 : index
        %swap3A_436 = tpu.vector_load %arg16[%swap3A_435] {strides = array<i32>} : memref<128xi32, #tpu.memory_space<vmem>>, vector<16xi32>,
        tpu.vector_store %arg16[%swap3A_435], %add3A_434 {strides = array<i32>} : memref<128xi32, #tpu.memory_space<vmem>>, vector<16xi32>,
        %get3A_437 = arith.constant 112 : index
        %get3A_438 = tpu.vector_load %arg9[%get3A_437] {strides = array<i32>} : memref<384xi32, #tpu.memory_space<vmem>>, vector<16xi32>,
        %get3A_439 = arith.constant 240 : index
        %get3A_440 = tpu.vector_load %arg9[%get3A_439] {strides = array<i32>} : memref<384xi32, #tpu.memory_space<vmem>>, vector<16xi32>,
        %get3A_441 = arith.constant 368 : index
        %get3A_442 = tpu.vector_load %arg9[%get3A_441] {strides = array<i32>} : memref<384xi32, #tpu.memory_space<vmem>>, vector<16xi32>,
        %jit3A_443 = arith.constant 0 : i32
        %jit3A_444 = arith.constant 5 : i32
        %max3A_445 = vector.broadcast %jit3A_443 : i32 to vector<16xi32>
        %max3A_446 = arith.maxsi %max3A_445, %get3A_438 : vector<16xi32>
        %min3A_447 = vector.broadcast %jit3A_444 : i32 to vector<16xi32>
        %min3A_448 = arith.minsi %min3A_447, %max3A_446 : vector<16xi32>
        %jit3A_449 = arith.constant 0 : i32
        %jit3A_450 = arith.constant 6 : i32
        %max3A_451 = vector.broadcast %jit3A_449 : i32 to vector<16xi32>
        %max3A_452 = arith.maxsi %max3A_451, %get3A_440 : vector<16xi32>
        %min3A_453 = vector.broadcast %jit3A_450 : i32 to vector<16xi32>
        %min3A_454 = arith.minsi %min3A_453, %max3A_452 : vector<16xi32>
        %jit3A_455 = arith.constant 0 : i32
        %jit3A_456 = arith.constant 2 : i32
        %max3A_457 = vector.broadcast %jit3A_455 : i32 to vector<16xi32>
        %max3A_458 = arith.maxsi %max3A_457, %get3A_442 : vector<16xi32>
        %min3A_459 = vector.broadcast %jit3A_456 : i32 to vector<16xi32>
        %min3A_460 = arith.minsi %min3A_459, %max3A_458 : vector<16xi32>
        %mul3A_461 = arith.constant 7 : i32
        %mul3A_462 = vector.broadcast %mul3A_461 : i32 to vector<16xi32>
        %mul3A_463 = arith.muli %min3A_448, %mul3A_462 : vector<16xi32>
        %add3A_464 = arith.addi %mul3A_463, %min3A_454 : vector<16xi32>
        %mul3A_465 = arith.constant 3 : i32
        %mul3A_466 = vector.broadcast %mul3A_465 : i32 to vector<16xi32>
        %mul3A_467 = arith.muli %add3A_464, %mul3A_466 : vector<16xi32>
        %add3A_468 = arith.addi %mul3A_467, %min3A_460 : vector<16xi32>
        %swap3A_469 = arith.constant 112 : index
        %swap3A_470 = tpu.vector_load %arg16[%swap3A_469] {strides = array<i32>} : memref<128xi32, #tpu.memory_space<vmem>>, vector<16xi32>,
        tpu.vector_store %arg16[%swap3A_469], %add3A_468 {strides = array<i32>} : memref<128xi32, #tpu.memory_space<vmem>>, vector<16xi32>,
        %ge3A_471 = arith.constant 7 : i32
        %ge3A_472 = arith.cmpi sge, %add3A_135, %ge3A_471 : i32
        %convert_element_type3A_473 = arith.extui %ge3A_472 : i1 to i32
        %cond3A_474 = arith.constant 0 : i32
        %cond3A_475 = arith.cmpi ne, %convert_element_type3A_473, %cond3A_474 : i32
        scf.if %cond3A_475 {
          %dma_wait3A_484 = arith.constant 0 : i32
          %dma_wait3A_485 = arith.constant 0 : i32
          %dma_wait3A_486 = tpu.memref_slice %arg4[%dma_wait3A_484, %dma_wait3A_485] : memref<320000x128xf32, #tpu.memory_space<hbm>> -> memref<128x128xf32, #tpu.memory_space<hbm>>
          %dma_wait3A_487 = arith.constant 0 : i32
          %dma_wait3A_488 = arith.constant 0 : i32
          %dma_wait3A_489 = tpu.memref_slice %arg4[%dma_wait3A_487, %dma_wait3A_488] : memref<320000x128xf32, #tpu.memory_space<hbm>> -> memref<128x128xf32, #tpu.memory_space<hbm>>
          tpu.wait_dma2 semaphore(%arg44 : memref<!tpu.dma_semaphore, #tpu.memory_space<semaphore_mem>>) src(%arg23 : memref<128x128xf32, #tpu.memory_space<vmem>>) dst(%dma_wait3A_489 : memref<128x128xf32, #tpu.memory_space<hbm>>)
        } else {
        }
        %dma_start3A = arith.constant 0 : i32
        %dma_start3A_476 = arith.constant 0 : i32
        %dma_start3A_477 = tpu.memref_slice %arg5[%dma_start3A, %dma_start3A_476] : memref<126x128xf32, #tpu.memory_space<vmem_shared>> -> memref<126x128xf32, #tpu.memory_space<vmem_shared>>
        tpu.enqueue_indirect_dma source(%dma_start3A_477 : memref<126x128xf32, #tpu.memory_space<vmem_shared>>) target(%arg23 : memref<128x128xf32, #tpu.memory_space<vmem>>) offsets(%arg16 : memref<128xi32, #tpu.memory_space<vmem>>) semaphore(%arg37 : memref<!tpu.dma_semaphore, #tpu.memory_space<semaphore_mem>>)
        %add3A_478 = arith.constant 2 : i32
        %add3A_479 = arith.addi %add3A_135, %add3A_478 : i32
        %lt3A_480 = arith.cmpi slt, %add3A_479, %add3A_6 : i32
        %convert_element_type3A_481 = arith.extui %lt3A_480 : i1 to i32
        %cond3A_482 = arith.constant 0 : i32
        %cond3A_483 = arith.cmpi ne, %convert_element_type3A_481, %cond3A_482 : i32
        scf.if %cond3A_483 {
          %add3A_484 = arith.constant 2 : i32
          %add3A_485 = arith.addi %add3A_135, %add3A_484 : i32
          %mul3A_486 = arith.constant 32 : i32
          %mul3A_487 = arith.muli %add3A_485, %mul3A_486 : i32
          %add3A_488 = arith.addi %add3A, %mul3A_487 : i32
          %mul3A_489 = arith.constant 128 : i32
          %mul3A_490 = arith.muli %add3A_488, %mul3A_489 : i32
          %add3A_491 = arith.constant 0 : i32
          %add3A_492 = arith.addi %add3A_491, %mul3A_490 : i32
          %multiple_of3A = tpu.assume_multiple %add3A_492, 8 : i32
          %dma_start3A_493 = arith.constant 0 : i32
          %dma_start3A_494 = tpu.memref_slice %arg11[%dma_start3A_493] : memref<384xi32, #tpu.memory_space<vmem>> -> memref<128xi32, #tpu.memory_space<vmem>>
          %dma_start3A_495 = tpu.memref_slice %arg2[%multiple_of3A] : memref<960000xi32, #tpu.memory_space<hbm>> -> memref<128xi32, #tpu.memory_space<hbm>>
          %dma_start3A_496 = arith.constant 0 : i32
          %dma_start3A_497 = tpu.memref_slice %arg11[%dma_start3A_496] : memref<384xi32, #tpu.memory_space<vmem>> -> memref<128xi32, #tpu.memory_space<vmem>>
          %dma_start3A_498 = tpu.memref_slice %arg2[%multiple_of3A] : memref<960000xi32, #tpu.memory_space<hbm>> -> memref<128xi32, #tpu.memory_space<hbm>>
          tpu.enqueue_dma source(%dma_start3A_498 : memref<128xi32, #tpu.memory_space<hbm>>) target(%dma_start3A_497 : memref<128xi32, #tpu.memory_space<vmem>>) target_semaphore(%arg32 : memref<!tpu.dma_semaphore, #tpu.memory_space<semaphore_mem>>)
          %add3A_499 = arith.constant 320000 : i32
          %add3A_500 = arith.addi %add3A_499, %mul3A_490 : i32
          %multiple_of3A_501 = tpu.assume_multiple %add3A_500, 8 : i32
          %dma_start3A_502 = arith.constant 128 : i32
          %dma_start3A_503 = tpu.memref_slice %arg11[%dma_start3A_502] : memref<384xi32, #tpu.memory_space<vmem>> -> memref<128xi32, #tpu.memory_space<vmem>>
          %dma_start3A_504 = tpu.memref_slice %arg2[%multiple_of3A_501] : memref<960000xi32, #tpu.memory_space<hbm>> -> memref<128xi32, #tpu.memory_space<hbm>>
          %dma_start3A_505 = arith.constant 128 : i32
          %dma_start3A_506 = tpu.memref_slice %arg11[%dma_start3A_505] : memref<384xi32, #tpu.memory_space<vmem>> -> memref<128xi32, #tpu.memory_space<vmem>>
          %dma_start3A_507 = tpu.memref_slice %arg2[%multiple_of3A_501] : memref<960000xi32, #tpu.memory_space<hbm>> -> memref<128xi32, #tpu.memory_space<hbm>>
          tpu.enqueue_dma source(%dma_start3A_507 : memref<128xi32, #tpu.memory_space<hbm>>) target(%dma_start3A_506 : memref<128xi32, #tpu.memory_space<vmem>>) target_semaphore(%arg32 : memref<!tpu.dma_semaphore, #tpu.memory_space<semaphore_mem>>)
          %add3A_508 = arith.constant 640000 : i32
          %add3A_509 = arith.addi %add3A_508, %mul3A_490 : i32
          %multiple_of3A_510 = tpu.assume_multiple %add3A_509, 8 : i32
          %dma_start3A_511 = arith.constant 256 : i32
          %dma_start3A_512 = tpu.memref_slice %arg11[%dma_start3A_511] : memref<384xi32, #tpu.memory_space<vmem>> -> memref<128xi32, #tpu.memory_space<vmem>>
          %dma_start3A_513 = tpu.memref_slice %arg2[%multiple_of3A_510] : memref<960000xi32, #tpu.memory_space<hbm>> -> memref<128xi32, #tpu.memory_space<hbm>>
          %dma_start3A_514 = arith.constant 256 : i32
          %dma_start3A_515 = tpu.memref_slice %arg11[%dma_start3A_514] : memref<384xi32, #tpu.memory_space<vmem>> -> memref<128xi32, #tpu.memory_space<vmem>>
          %dma_start3A_516 = tpu.memref_slice %arg2[%multiple_of3A_510] : memref<960000xi32, #tpu.memory_space<hbm>> -> memref<128xi32, #tpu.memory_space<hbm>>
          tpu.enqueue_dma source(%dma_start3A_516 : memref<128xi32, #tpu.memory_space<hbm>>) target(%dma_start3A_515 : memref<128xi32, #tpu.memory_space<vmem>>) target_semaphore(%arg32 : memref<!tpu.dma_semaphore, #tpu.memory_space<semaphore_mem>>)
        } else {
        }
      } else {
      }
      %mul3A_149 = arith.constant 7 : i32
      %mul3A_150 = arith.muli %while3A_82, %mul3A_149 : i32
      %add3A_151 = arith.constant 4 : i32
      %add3A_152 = arith.addi %mul3A_150, %add3A_151 : i32
      %ge3A_153 = arith.constant 3 : i32
      %ge3A_154 = arith.cmpi sge, %add3A_152, %ge3A_153 : i32
      %add3A_155 = arith.constant 2 : i32
      %add3A_156 = arith.addi %add3A_6, %add3A_155 : i32
      %le3A_157 = arith.cmpi sle, %add3A_152, %add3A_156 : i32
      %and3A_158 = arith.andi %ge3A_154, %le3A_157 : i1
      %convert_element_type3A_159 = arith.extui %and3A_158 : i1 to i32
      %cond3A_160 = arith.constant 0 : i32
      %cond3A_161 = arith.cmpi ne, %convert_element_type3A_159, %cond3A_160 : i32
      scf.if %cond3A_161 {
        %dma_wait3A = arith.constant 0 : i32
        %dma_wait3A_200 = arith.constant 0 : i32
        %dma_wait3A_201 = tpu.memref_slice %arg5[%dma_wait3A, %dma_wait3A_200] : memref<126x128xf32, #tpu.memory_space<vmem_shared>> -> memref<126x128xf32, #tpu.memory_space<vmem_shared>>
        tpu.wait_indirect_dma semaphore(%arg35 : memref<!tpu.dma_semaphore, #tpu.memory_space<semaphore_mem>>) src(%dma_wait3A_201 : memref<126x128xf32, #tpu.memory_space<vmem_shared>>) dst(%arg21 : memref<128x128xf32, #tpu.memory_space<vmem>>)
        %sub3A_202 = arith.constant 3 : i32
        %sub3A_203 = arith.subi %add3A_152, %sub3A_202 : i32
        %mul3A_204 = arith.constant 32 : i32
        %mul3A_205 = arith.muli %sub3A_203, %mul3A_204 : i32
        %add3A_206 = arith.addi %add3A, %mul3A_205 : i32
        %mul3A_207 = arith.constant 128 : i32
        %mul3A_208 = arith.muli %add3A_206, %mul3A_207 : i32
        %dma_start3A = arith.constant 0 : i32
        %dma_start3A_209 = tpu.memref_slice %arg4[%mul3A_208, %dma_start3A] : memref<320000x128xf32, #tpu.memory_space<hbm>> -> memref<128x128xf32, #tpu.memory_space<hbm>>
        %dma_start3A_210 = arith.constant 0 : i32
        %dma_start3A_211 = tpu.memref_slice %arg4[%mul3A_208, %dma_start3A_210] : memref<320000x128xf32, #tpu.memory_space<hbm>> -> memref<128x128xf32, #tpu.memory_space<hbm>>
        tpu.enqueue_dma source(%arg21 : memref<128x128xf32, #tpu.memory_space<vmem>>) target(%dma_start3A_211 : memref<128x128xf32, #tpu.memory_space<hbm>>) target_semaphore(%arg42 : memref<!tpu.dma_semaphore, #tpu.memory_space<semaphore_mem>>)
      } else {
      }
      %lt3A_162 = arith.cmpi slt, %add3A_152, %add3A_6 : i32
      %convert_element_type3A_163 = arith.extui %lt3A_162 : i1 to i32
      %cond3A_164 = arith.constant 0 : i32
      %cond3A_165 = arith.cmpi ne, %convert_element_type3A_163, %cond3A_164 : i32
      scf.if %cond3A_165 {
        %dma_wait3A = arith.constant 0 : i32
        %dma_wait3A_200 = tpu.memref_slice %arg2[%dma_wait3A] : memref<960000xi32, #tpu.memory_space<hbm>> -> memref<384xi32, #tpu.memory_space<hbm>>
        %dma_wait3A_201 = arith.constant 0 : i32
        %dma_wait3A_202 = tpu.memref_slice %arg2[%dma_wait3A_201] : memref<960000xi32, #tpu.memory_space<hbm>> -> memref<384xi32, #tpu.memory_space<hbm>>
        tpu.wait_dma2 semaphore(%arg31 : memref<!tpu.dma_semaphore, #tpu.memory_space<semaphore_mem>>) src(%dma_wait3A_202 : memref<384xi32, #tpu.memory_space<hbm>>) dst(%arg10 : memref<384xi32, #tpu.memory_space<vmem>>)
        %get3A = arith.constant 0 : index
        %get3A_203 = tpu.vector_load %arg10[%get3A] {strides = array<i32>} : memref<384xi32, #tpu.memory_space<vmem>>, vector<16xi32>,
        %get3A_204 = arith.constant 128 : index
        %get3A_205 = tpu.vector_load %arg10[%get3A_204] {strides = array<i32>} : memref<384xi32, #tpu.memory_space<vmem>>, vector<16xi32>,
        %get3A_206 = arith.constant 256 : index
        %get3A_207 = tpu.vector_load %arg10[%get3A_206] {strides = array<i32>} : memref<384xi32, #tpu.memory_space<vmem>>, vector<16xi32>,
        %jit3A_208 = arith.constant 0 : i32
        %jit3A_209 = arith.constant 5 : i32
        %max3A = vector.broadcast %jit3A_208 : i32 to vector<16xi32>
        %max3A_210 = arith.maxsi %max3A, %get3A_203 : vector<16xi32>
        %min3A = vector.broadcast %jit3A_209 : i32 to vector<16xi32>
        %min3A_211 = arith.minsi %min3A, %max3A_210 : vector<16xi32>
        %jit3A_212 = arith.constant 0 : i32
        %jit3A_213 = arith.constant 6 : i32
        %max3A_214 = vector.broadcast %jit3A_212 : i32 to vector<16xi32>
        %max3A_215 = arith.maxsi %max3A_214, %get3A_205 : vector<16xi32>
        %min3A_216 = vector.broadcast %jit3A_213 : i32 to vector<16xi32>
        %min3A_217 = arith.minsi %min3A_216, %max3A_215 : vector<16xi32>
        %jit3A_218 = arith.constant 0 : i32
        %jit3A_219 = arith.constant 2 : i32
        %max3A_220 = vector.broadcast %jit3A_218 : i32 to vector<16xi32>
        %max3A_221 = arith.maxsi %max3A_220, %get3A_207 : vector<16xi32>
        %min3A_222 = vector.broadcast %jit3A_219 : i32 to vector<16xi32>
        %min3A_223 = arith.minsi %min3A_222, %max3A_221 : vector<16xi32>
        %mul3A_224 = arith.constant 7 : i32
        %mul3A_225 = vector.broadcast %mul3A_224 : i32 to vector<16xi32>
        %mul3A_226 = arith.muli %min3A_211, %mul3A_225 : vector<16xi32>
        %add3A_227 = arith.addi %mul3A_226, %min3A_217 : vector<16xi32>
        %mul3A_228 = arith.constant 3 : i32
        %mul3A_229 = vector.broadcast %mul3A_228 : i32 to vector<16xi32>
        %mul3A_230 = arith.muli %add3A_227, %mul3A_229 : vector<16xi32>
        %add3A_231 = arith.addi %mul3A_230, %min3A_223 : vector<16xi32>
        %swap3A = arith.constant 0 : index
        %swap3A_232 = tpu.vector_load %arg17[%swap3A] {strides = array<i32>} : memref<128xi32, #tpu.memory_space<vmem>>, vector<16xi32>,
        tpu.vector_store %arg17[%swap3A], %add3A_231 {strides = array<i32>} : memref<128xi32, #tpu.memory_space<vmem>>, vector<16xi32>,
        %get3A_233 = arith.constant 16 : index
        %get3A_234 = tpu.vector_load %arg10[%get3A_233] {strides = array<i32>} : memref<384xi32, #tpu.memory_space<vmem>>, vector<16xi32>,
        %get3A_235 = arith.constant 144 : index
        %get3A_236 = tpu.vector_load %arg10[%get3A_235] {strides = array<i32>} : memref<384xi32, #tpu.memory_space<vmem>>, vector<16xi32>,
        %get3A_237 = arith.constant 272 : index
        %get3A_238 = tpu.vector_load %arg10[%get3A_237] {strides = array<i32>} : memref<384xi32, #tpu.memory_space<vmem>>, vector<16xi32>,
        %jit3A_239 = arith.constant 0 : i32
        %jit3A_240 = arith.constant 5 : i32
        %max3A_241 = vector.broadcast %jit3A_239 : i32 to vector<16xi32>
        %max3A_242 = arith.maxsi %max3A_241, %get3A_234 : vector<16xi32>
        %min3A_243 = vector.broadcast %jit3A_240 : i32 to vector<16xi32>
        %min3A_244 = arith.minsi %min3A_243, %max3A_242 : vector<16xi32>
        %jit3A_245 = arith.constant 0 : i32
        %jit3A_246 = arith.constant 6 : i32
        %max3A_247 = vector.broadcast %jit3A_245 : i32 to vector<16xi32>
        %max3A_248 = arith.maxsi %max3A_247, %get3A_236 : vector<16xi32>
        %min3A_249 = vector.broadcast %jit3A_246 : i32 to vector<16xi32>
        %min3A_250 = arith.minsi %min3A_249, %max3A_248 : vector<16xi32>
        %jit3A_251 = arith.constant 0 : i32
        %jit3A_252 = arith.constant 2 : i32
        %max3A_253 = vector.broadcast %jit3A_251 : i32 to vector<16xi32>
        %max3A_254 = arith.maxsi %max3A_253, %get3A_238 : vector<16xi32>
        %min3A_255 = vector.broadcast %jit3A_252 : i32 to vector<16xi32>
        %min3A_256 = arith.minsi %min3A_255, %max3A_254 : vector<16xi32>
        %mul3A_257 = arith.constant 7 : i32
        %mul3A_258 = vector.broadcast %mul3A_257 : i32 to vector<16xi32>
        %mul3A_259 = arith.muli %min3A_244, %mul3A_258 : vector<16xi32>
        %add3A_260 = arith.addi %mul3A_259, %min3A_250 : vector<16xi32>
        %mul3A_261 = arith.constant 3 : i32
        %mul3A_262 = vector.broadcast %mul3A_261 : i32 to vector<16xi32>
        %mul3A_263 = arith.muli %add3A_260, %mul3A_262 : vector<16xi32>
        %add3A_264 = arith.addi %mul3A_263, %min3A_256 : vector<16xi32>
        %swap3A_265 = arith.constant 16 : index
        %swap3A_266 = tpu.vector_load %arg17[%swap3A_265] {strides = array<i32>} : memref<128xi32, #tpu.memory_space<vmem>>, vector<16xi32>,
        tpu.vector_store %arg17[%swap3A_265], %add3A_264 {strides = array<i32>} : memref<128xi32, #tpu.memory_space<vmem>>, vector<16xi32>,
        %get3A_267 = arith.constant 32 : index
        %get3A_268 = tpu.vector_load %arg10[%get3A_267] {strides = array<i32>} : memref<384xi32, #tpu.memory_space<vmem>>, vector<16xi32>,
        %get3A_269 = arith.constant 160 : index
        %get3A_270 = tpu.vector_load %arg10[%get3A_269] {strides = array<i32>} : memref<384xi32, #tpu.memory_space<vmem>>, vector<16xi32>,
        %get3A_271 = arith.constant 288 : index
        %get3A_272 = tpu.vector_load %arg10[%get3A_271] {strides = array<i32>} : memref<384xi32, #tpu.memory_space<vmem>>, vector<16xi32>,
        %jit3A_273 = arith.constant 0 : i32
        %jit3A_274 = arith.constant 5 : i32
        %max3A_275 = vector.broadcast %jit3A_273 : i32 to vector<16xi32>
        %max3A_276 = arith.maxsi %max3A_275, %get3A_268 : vector<16xi32>
        %min3A_277 = vector.broadcast %jit3A_274 : i32 to vector<16xi32>
        %min3A_278 = arith.minsi %min3A_277, %max3A_276 : vector<16xi32>
        %jit3A_279 = arith.constant 0 : i32
        %jit3A_280 = arith.constant 6 : i32
        %max3A_281 = vector.broadcast %jit3A_279 : i32 to vector<16xi32>
        %max3A_282 = arith.maxsi %max3A_281, %get3A_270 : vector<16xi32>
        %min3A_283 = vector.broadcast %jit3A_280 : i32 to vector<16xi32>
        %min3A_284 = arith.minsi %min3A_283, %max3A_282 : vector<16xi32>
        %jit3A_285 = arith.constant 0 : i32
        %jit3A_286 = arith.constant 2 : i32
        %max3A_287 = vector.broadcast %jit3A_285 : i32 to vector<16xi32>
        %max3A_288 = arith.maxsi %max3A_287, %get3A_272 : vector<16xi32>
        %min3A_289 = vector.broadcast %jit3A_286 : i32 to vector<16xi32>
        %min3A_290 = arith.minsi %min3A_289, %max3A_288 : vector<16xi32>
        %mul3A_291 = arith.constant 7 : i32
        %mul3A_292 = vector.broadcast %mul3A_291 : i32 to vector<16xi32>
        %mul3A_293 = arith.muli %min3A_278, %mul3A_292 : vector<16xi32>
        %add3A_294 = arith.addi %mul3A_293, %min3A_284 : vector<16xi32>
        %mul3A_295 = arith.constant 3 : i32
        %mul3A_296 = vector.broadcast %mul3A_295 : i32 to vector<16xi32>
        %mul3A_297 = arith.muli %add3A_294, %mul3A_296 : vector<16xi32>
        %add3A_298 = arith.addi %mul3A_297, %min3A_290 : vector<16xi32>
        %swap3A_299 = arith.constant 32 : index
        %swap3A_300 = tpu.vector_load %arg17[%swap3A_299] {strides = array<i32>} : memref<128xi32, #tpu.memory_space<vmem>>, vector<16xi32>,
        tpu.vector_store %arg17[%swap3A_299], %add3A_298 {strides = array<i32>} : memref<128xi32, #tpu.memory_space<vmem>>, vector<16xi32>,
        %get3A_301 = arith.constant 48 : index
        %get3A_302 = tpu.vector_load %arg10[%get3A_301] {strides = array<i32>} : memref<384xi32, #tpu.memory_space<vmem>>, vector<16xi32>,
        %get3A_303 = arith.constant 176 : index
        %get3A_304 = tpu.vector_load %arg10[%get3A_303] {strides = array<i32>} : memref<384xi32, #tpu.memory_space<vmem>>, vector<16xi32>,
        %get3A_305 = arith.constant 304 : index
        %get3A_306 = tpu.vector_load %arg10[%get3A_305] {strides = array<i32>} : memref<384xi32, #tpu.memory_space<vmem>>, vector<16xi32>,
        %jit3A_307 = arith.constant 0 : i32
        %jit3A_308 = arith.constant 5 : i32
        %max3A_309 = vector.broadcast %jit3A_307 : i32 to vector<16xi32>
        %max3A_310 = arith.maxsi %max3A_309, %get3A_302 : vector<16xi32>
        %min3A_311 = vector.broadcast %jit3A_308 : i32 to vector<16xi32>
        %min3A_312 = arith.minsi %min3A_311, %max3A_310 : vector<16xi32>
        %jit3A_313 = arith.constant 0 : i32
        %jit3A_314 = arith.constant 6 : i32
        %max3A_315 = vector.broadcast %jit3A_313 : i32 to vector<16xi32>
        %max3A_316 = arith.maxsi %max3A_315, %get3A_304 : vector<16xi32>
        %min3A_317 = vector.broadcast %jit3A_314 : i32 to vector<16xi32>
        %min3A_318 = arith.minsi %min3A_317, %max3A_316 : vector<16xi32>
        %jit3A_319 = arith.constant 0 : i32
        %jit3A_320 = arith.constant 2 : i32
        %max3A_321 = vector.broadcast %jit3A_319 : i32 to vector<16xi32>
        %max3A_322 = arith.maxsi %max3A_321, %get3A_306 : vector<16xi32>
        %min3A_323 = vector.broadcast %jit3A_320 : i32 to vector<16xi32>
        %min3A_324 = arith.minsi %min3A_323, %max3A_322 : vector<16xi32>
        %mul3A_325 = arith.constant 7 : i32
        %mul3A_326 = vector.broadcast %mul3A_325 : i32 to vector<16xi32>
        %mul3A_327 = arith.muli %min3A_312, %mul3A_326 : vector<16xi32>
        %add3A_328 = arith.addi %mul3A_327, %min3A_318 : vector<16xi32>
        %mul3A_329 = arith.constant 3 : i32
        %mul3A_330 = vector.broadcast %mul3A_329 : i32 to vector<16xi32>
        %mul3A_331 = arith.muli %add3A_328, %mul3A_330 : vector<16xi32>
        %add3A_332 = arith.addi %mul3A_331, %min3A_324 : vector<16xi32>
        %swap3A_333 = arith.constant 48 : index
        %swap3A_334 = tpu.vector_load %arg17[%swap3A_333] {strides = array<i32>} : memref<128xi32, #tpu.memory_space<vmem>>, vector<16xi32>,
        tpu.vector_store %arg17[%swap3A_333], %add3A_332 {strides = array<i32>} : memref<128xi32, #tpu.memory_space<vmem>>, vector<16xi32>,
        %get3A_335 = arith.constant 64 : index
        %get3A_336 = tpu.vector_load %arg10[%get3A_335] {strides = array<i32>} : memref<384xi32, #tpu.memory_space<vmem>>, vector<16xi32>,
        %get3A_337 = arith.constant 192 : index
        %get3A_338 = tpu.vector_load %arg10[%get3A_337] {strides = array<i32>} : memref<384xi32, #tpu.memory_space<vmem>>, vector<16xi32>,
        %get3A_339 = arith.constant 320 : index
        %get3A_340 = tpu.vector_load %arg10[%get3A_339] {strides = array<i32>} : memref<384xi32, #tpu.memory_space<vmem>>, vector<16xi32>,
        %jit3A_341 = arith.constant 0 : i32
        %jit3A_342 = arith.constant 5 : i32
        %max3A_343 = vector.broadcast %jit3A_341 : i32 to vector<16xi32>
        %max3A_344 = arith.maxsi %max3A_343, %get3A_336 : vector<16xi32>
        %min3A_345 = vector.broadcast %jit3A_342 : i32 to vector<16xi32>
        %min3A_346 = arith.minsi %min3A_345, %max3A_344 : vector<16xi32>
        %jit3A_347 = arith.constant 0 : i32
        %jit3A_348 = arith.constant 6 : i32
        %max3A_349 = vector.broadcast %jit3A_347 : i32 to vector<16xi32>
        %max3A_350 = arith.maxsi %max3A_349, %get3A_338 : vector<16xi32>
        %min3A_351 = vector.broadcast %jit3A_348 : i32 to vector<16xi32>
        %min3A_352 = arith.minsi %min3A_351, %max3A_350 : vector<16xi32>
        %jit3A_353 = arith.constant 0 : i32
        %jit3A_354 = arith.constant 2 : i32
        %max3A_355 = vector.broadcast %jit3A_353 : i32 to vector<16xi32>
        %max3A_356 = arith.maxsi %max3A_355, %get3A_340 : vector<16xi32>
        %min3A_357 = vector.broadcast %jit3A_354 : i32 to vector<16xi32>
        %min3A_358 = arith.minsi %min3A_357, %max3A_356 : vector<16xi32>
        %mul3A_359 = arith.constant 7 : i32
        %mul3A_360 = vector.broadcast %mul3A_359 : i32 to vector<16xi32>
        %mul3A_361 = arith.muli %min3A_346, %mul3A_360 : vector<16xi32>
        %add3A_362 = arith.addi %mul3A_361, %min3A_352 : vector<16xi32>
        %mul3A_363 = arith.constant 3 : i32
        %mul3A_364 = vector.broadcast %mul3A_363 : i32 to vector<16xi32>
        %mul3A_365 = arith.muli %add3A_362, %mul3A_364 : vector<16xi32>
        %add3A_366 = arith.addi %mul3A_365, %min3A_358 : vector<16xi32>
        %swap3A_367 = arith.constant 64 : index
        %swap3A_368 = tpu.vector_load %arg17[%swap3A_367] {strides = array<i32>} : memref<128xi32, #tpu.memory_space<vmem>>, vector<16xi32>,
        tpu.vector_store %arg17[%swap3A_367], %add3A_366 {strides = array<i32>} : memref<128xi32, #tpu.memory_space<vmem>>, vector<16xi32>,
        %get3A_369 = arith.constant 80 : index
        %get3A_370 = tpu.vector_load %arg10[%get3A_369] {strides = array<i32>} : memref<384xi32, #tpu.memory_space<vmem>>, vector<16xi32>,
        %get3A_371 = arith.constant 208 : index
        %get3A_372 = tpu.vector_load %arg10[%get3A_371] {strides = array<i32>} : memref<384xi32, #tpu.memory_space<vmem>>, vector<16xi32>,
        %get3A_373 = arith.constant 336 : index
        %get3A_374 = tpu.vector_load %arg10[%get3A_373] {strides = array<i32>} : memref<384xi32, #tpu.memory_space<vmem>>, vector<16xi32>,
        %jit3A_375 = arith.constant 0 : i32
        %jit3A_376 = arith.constant 5 : i32
        %max3A_377 = vector.broadcast %jit3A_375 : i32 to vector<16xi32>
        %max3A_378 = arith.maxsi %max3A_377, %get3A_370 : vector<16xi32>
        %min3A_379 = vector.broadcast %jit3A_376 : i32 to vector<16xi32>
        %min3A_380 = arith.minsi %min3A_379, %max3A_378 : vector<16xi32>
        %jit3A_381 = arith.constant 0 : i32
        %jit3A_382 = arith.constant 6 : i32
        %max3A_383 = vector.broadcast %jit3A_381 : i32 to vector<16xi32>
        %max3A_384 = arith.maxsi %max3A_383, %get3A_372 : vector<16xi32>
        %min3A_385 = vector.broadcast %jit3A_382 : i32 to vector<16xi32>
        %min3A_386 = arith.minsi %min3A_385, %max3A_384 : vector<16xi32>
        %jit3A_387 = arith.constant 0 : i32
        %jit3A_388 = arith.constant 2 : i32
        %max3A_389 = vector.broadcast %jit3A_387 : i32 to vector<16xi32>
        %max3A_390 = arith.maxsi %max3A_389, %get3A_374 : vector<16xi32>
        %min3A_391 = vector.broadcast %jit3A_388 : i32 to vector<16xi32>
        %min3A_392 = arith.minsi %min3A_391, %max3A_390 : vector<16xi32>
        %mul3A_393 = arith.constant 7 : i32
        %mul3A_394 = vector.broadcast %mul3A_393 : i32 to vector<16xi32>
        %mul3A_395 = arith.muli %min3A_380, %mul3A_394 : vector<16xi32>
        %add3A_396 = arith.addi %mul3A_395, %min3A_386 : vector<16xi32>
        %mul3A_397 = arith.constant 3 : i32
        %mul3A_398 = vector.broadcast %mul3A_397 : i32 to vector<16xi32>
        %mul3A_399 = arith.muli %add3A_396, %mul3A_398 : vector<16xi32>
        %add3A_400 = arith.addi %mul3A_399, %min3A_392 : vector<16xi32>
        %swap3A_401 = arith.constant 80 : index
        %swap3A_402 = tpu.vector_load %arg17[%swap3A_401] {strides = array<i32>} : memref<128xi32, #tpu.memory_space<vmem>>, vector<16xi32>,
        tpu.vector_store %arg17[%swap3A_401], %add3A_400 {strides = array<i32>} : memref<128xi32, #tpu.memory_space<vmem>>, vector<16xi32>,
        %get3A_403 = arith.constant 96 : index
        %get3A_404 = tpu.vector_load %arg10[%get3A_403] {strides = array<i32>} : memref<384xi32, #tpu.memory_space<vmem>>, vector<16xi32>,
        %get3A_405 = arith.constant 224 : index
        %get3A_406 = tpu.vector_load %arg10[%get3A_405] {strides = array<i32>} : memref<384xi32, #tpu.memory_space<vmem>>, vector<16xi32>,
        %get3A_407 = arith.constant 352 : index
        %get3A_408 = tpu.vector_load %arg10[%get3A_407] {strides = array<i32>} : memref<384xi32, #tpu.memory_space<vmem>>, vector<16xi32>,
        %jit3A_409 = arith.constant 0 : i32
        %jit3A_410 = arith.constant 5 : i32
        %max3A_411 = vector.broadcast %jit3A_409 : i32 to vector<16xi32>
        %max3A_412 = arith.maxsi %max3A_411, %get3A_404 : vector<16xi32>
        %min3A_413 = vector.broadcast %jit3A_410 : i32 to vector<16xi32>
        %min3A_414 = arith.minsi %min3A_413, %max3A_412 : vector<16xi32>
        %jit3A_415 = arith.constant 0 : i32
        %jit3A_416 = arith.constant 6 : i32
        %max3A_417 = vector.broadcast %jit3A_415 : i32 to vector<16xi32>
        %max3A_418 = arith.maxsi %max3A_417, %get3A_406 : vector<16xi32>
        %min3A_419 = vector.broadcast %jit3A_416 : i32 to vector<16xi32>
        %min3A_420 = arith.minsi %min3A_419, %max3A_418 : vector<16xi32>
        %jit3A_421 = arith.constant 0 : i32
        %jit3A_422 = arith.constant 2 : i32
        %max3A_423 = vector.broadcast %jit3A_421 : i32 to vector<16xi32>
        %max3A_424 = arith.maxsi %max3A_423, %get3A_408 : vector<16xi32>
        %min3A_425 = vector.broadcast %jit3A_422 : i32 to vector<16xi32>
        %min3A_426 = arith.minsi %min3A_425, %max3A_424 : vector<16xi32>
        %mul3A_427 = arith.constant 7 : i32
        %mul3A_428 = vector.broadcast %mul3A_427 : i32 to vector<16xi32>
        %mul3A_429 = arith.muli %min3A_414, %mul3A_428 : vector<16xi32>
        %add3A_430 = arith.addi %mul3A_429, %min3A_420 : vector<16xi32>
        %mul3A_431 = arith.constant 3 : i32
        %mul3A_432 = vector.broadcast %mul3A_431 : i32 to vector<16xi32>
        %mul3A_433 = arith.muli %add3A_430, %mul3A_432 : vector<16xi32>
        %add3A_434 = arith.addi %mul3A_433, %min3A_426 : vector<16xi32>
        %swap3A_435 = arith.constant 96 : index
        %swap3A_436 = tpu.vector_load %arg17[%swap3A_435] {strides = array<i32>} : memref<128xi32, #tpu.memory_space<vmem>>, vector<16xi32>,
        tpu.vector_store %arg17[%swap3A_435], %add3A_434 {strides = array<i32>} : memref<128xi32, #tpu.memory_space<vmem>>, vector<16xi32>,
        %get3A_437 = arith.constant 112 : index
        %get3A_438 = tpu.vector_load %arg10[%get3A_437] {strides = array<i32>} : memref<384xi32, #tpu.memory_space<vmem>>, vector<16xi32>,
        %get3A_439 = arith.constant 240 : index
        %get3A_440 = tpu.vector_load %arg10[%get3A_439] {strides = array<i32>} : memref<384xi32, #tpu.memory_space<vmem>>, vector<16xi32>,
        %get3A_441 = arith.constant 368 : index
        %get3A_442 = tpu.vector_load %arg10[%get3A_441] {strides = array<i32>} : memref<384xi32, #tpu.memory_space<vmem>>, vector<16xi32>,
        %jit3A_443 = arith.constant 0 : i32
        %jit3A_444 = arith.constant 5 : i32
        %max3A_445 = vector.broadcast %jit3A_443 : i32 to vector<16xi32>
        %max3A_446 = arith.maxsi %max3A_445, %get3A_438 : vector<16xi32>
        %min3A_447 = vector.broadcast %jit3A_444 : i32 to vector<16xi32>
        %min3A_448 = arith.minsi %min3A_447, %max3A_446 : vector<16xi32>
        %jit3A_449 = arith.constant 0 : i32
        %jit3A_450 = arith.constant 6 : i32
        %max3A_451 = vector.broadcast %jit3A_449 : i32 to vector<16xi32>
        %max3A_452 = arith.maxsi %max3A_451, %get3A_440 : vector<16xi32>
        %min3A_453 = vector.broadcast %jit3A_450 : i32 to vector<16xi32>
        %min3A_454 = arith.minsi %min3A_453, %max3A_452 : vector<16xi32>
        %jit3A_455 = arith.constant 0 : i32
        %jit3A_456 = arith.constant 2 : i32
        %max3A_457 = vector.broadcast %jit3A_455 : i32 to vector<16xi32>
        %max3A_458 = arith.maxsi %max3A_457, %get3A_442 : vector<16xi32>
        %min3A_459 = vector.broadcast %jit3A_456 : i32 to vector<16xi32>
        %min3A_460 = arith.minsi %min3A_459, %max3A_458 : vector<16xi32>
        %mul3A_461 = arith.constant 7 : i32
        %mul3A_462 = vector.broadcast %mul3A_461 : i32 to vector<16xi32>
        %mul3A_463 = arith.muli %min3A_448, %mul3A_462 : vector<16xi32>
        %add3A_464 = arith.addi %mul3A_463, %min3A_454 : vector<16xi32>
        %mul3A_465 = arith.constant 3 : i32
        %mul3A_466 = vector.broadcast %mul3A_465 : i32 to vector<16xi32>
        %mul3A_467 = arith.muli %add3A_464, %mul3A_466 : vector<16xi32>
        %add3A_468 = arith.addi %mul3A_467, %min3A_460 : vector<16xi32>
        %swap3A_469 = arith.constant 112 : index
        %swap3A_470 = tpu.vector_load %arg17[%swap3A_469] {strides = array<i32>} : memref<128xi32, #tpu.memory_space<vmem>>, vector<16xi32>,
        tpu.vector_store %arg17[%swap3A_469], %add3A_468 {strides = array<i32>} : memref<128xi32, #tpu.memory_space<vmem>>, vector<16xi32>,
        %ge3A_471 = arith.constant 7 : i32
        %ge3A_472 = arith.cmpi sge, %add3A_152, %ge3A_471 : i32
        %convert_element_type3A_473 = arith.extui %ge3A_472 : i1 to i32
        %cond3A_474 = arith.constant 0 : i32
        %cond3A_475 = arith.cmpi ne, %convert_element_type3A_473, %cond3A_474 : i32
        scf.if %cond3A_475 {
          %dma_wait3A_484 = arith.constant 0 : i32
          %dma_wait3A_485 = arith.constant 0 : i32
          %dma_wait3A_486 = tpu.memref_slice %arg4[%dma_wait3A_484, %dma_wait3A_485] : memref<320000x128xf32, #tpu.memory_space<hbm>> -> memref<128x128xf32, #tpu.memory_space<hbm>>
          %dma_wait3A_487 = arith.constant 0 : i32
          %dma_wait3A_488 = arith.constant 0 : i32
          %dma_wait3A_489 = tpu.memref_slice %arg4[%dma_wait3A_487, %dma_wait3A_488] : memref<320000x128xf32, #tpu.memory_space<hbm>> -> memref<128x128xf32, #tpu.memory_space<hbm>>
          tpu.wait_dma2 semaphore(%arg45 : memref<!tpu.dma_semaphore, #tpu.memory_space<semaphore_mem>>) src(%arg24 : memref<128x128xf32, #tpu.memory_space<vmem>>) dst(%dma_wait3A_489 : memref<128x128xf32, #tpu.memory_space<hbm>>)
        } else {
        }
        %dma_start3A = arith.constant 0 : i32
        %dma_start3A_476 = arith.constant 0 : i32
        %dma_start3A_477 = tpu.memref_slice %arg5[%dma_start3A, %dma_start3A_476] : memref<126x128xf32, #tpu.memory_space<vmem_shared>> -> memref<126x128xf32, #tpu.memory_space<vmem_shared>>
        tpu.enqueue_indirect_dma source(%dma_start3A_477 : memref<126x128xf32, #tpu.memory_space<vmem_shared>>) target(%arg24 : memref<128x128xf32, #tpu.memory_space<vmem>>) offsets(%arg17 : memref<128xi32, #tpu.memory_space<vmem>>) semaphore(%arg38 : memref<!tpu.dma_semaphore, #tpu.memory_space<semaphore_mem>>)
        %add3A_478 = arith.constant 2 : i32
        %add3A_479 = arith.addi %add3A_152, %add3A_478 : i32
        %lt3A_480 = arith.cmpi slt, %add3A_479, %add3A_6 : i32
        %convert_element_type3A_481 = arith.extui %lt3A_480 : i1 to i32
        %cond3A_482 = arith.constant 0 : i32
        %cond3A_483 = arith.cmpi ne, %convert_element_type3A_481, %cond3A_482 : i32
        scf.if %cond3A_483 {
          %add3A_484 = arith.constant 2 : i32
          %add3A_485 = arith.addi %add3A_152, %add3A_484 : i32
          %mul3A_486 = arith.constant 32 : i32
          %mul3A_487 = arith.muli %add3A_485, %mul3A_486 : i32
          %add3A_488 = arith.addi %add3A, %mul3A_487 : i32
          %mul3A_489 = arith.constant 128 : i32
          %mul3A_490 = arith.muli %add3A_488, %mul3A_489 : i32
          %add3A_491 = arith.constant 0 : i32
          %add3A_492 = arith.addi %add3A_491, %mul3A_490 : i32
          %multiple_of3A = tpu.assume_multiple %add3A_492, 8 : i32
          %dma_start3A_493 = arith.constant 0 : i32
          %dma_start3A_494 = tpu.memref_slice %arg12[%dma_start3A_493] : memref<384xi32, #tpu.memory_space<vmem>> -> memref<128xi32, #tpu.memory_space<vmem>>
          %dma_start3A_495 = tpu.memref_slice %arg2[%multiple_of3A] : memref<960000xi32, #tpu.memory_space<hbm>> -> memref<128xi32, #tpu.memory_space<hbm>>
          %dma_start3A_496 = arith.constant 0 : i32
          %dma_start3A_497 = tpu.memref_slice %arg12[%dma_start3A_496] : memref<384xi32, #tpu.memory_space<vmem>> -> memref<128xi32, #tpu.memory_space<vmem>>
          %dma_start3A_498 = tpu.memref_slice %arg2[%multiple_of3A] : memref<960000xi32, #tpu.memory_space<hbm>> -> memref<128xi32, #tpu.memory_space<hbm>>
          tpu.enqueue_dma source(%dma_start3A_498 : memref<128xi32, #tpu.memory_space<hbm>>) target(%dma_start3A_497 : memref<128xi32, #tpu.memory_space<vmem>>) target_semaphore(%arg33 : memref<!tpu.dma_semaphore, #tpu.memory_space<semaphore_mem>>)
          %add3A_499 = arith.constant 320000 : i32
          %add3A_500 = arith.addi %add3A_499, %mul3A_490 : i32
          %multiple_of3A_501 = tpu.assume_multiple %add3A_500, 8 : i32
          %dma_start3A_502 = arith.constant 128 : i32
          %dma_start3A_503 = tpu.memref_slice %arg12[%dma_start3A_502] : memref<384xi32, #tpu.memory_space<vmem>> -> memref<128xi32, #tpu.memory_space<vmem>>
          %dma_start3A_504 = tpu.memref_slice %arg2[%multiple_of3A_501] : memref<960000xi32, #tpu.memory_space<hbm>> -> memref<128xi32, #tpu.memory_space<hbm>>
          %dma_start3A_505 = arith.constant 128 : i32
          %dma_start3A_506 = tpu.memref_slice %arg12[%dma_start3A_505] : memref<384xi32, #tpu.memory_space<vmem>> -> memref<128xi32, #tpu.memory_space<vmem>>
          %dma_start3A_507 = tpu.memref_slice %arg2[%multiple_of3A_501] : memref<960000xi32, #tpu.memory_space<hbm>> -> memref<128xi32, #tpu.memory_space<hbm>>
          tpu.enqueue_dma source(%dma_start3A_507 : memref<128xi32, #tpu.memory_space<hbm>>) target(%dma_start3A_506 : memref<128xi32, #tpu.memory_space<vmem>>) target_semaphore(%arg33 : memref<!tpu.dma_semaphore, #tpu.memory_space<semaphore_mem>>)
          %add3A_508 = arith.constant 640000 : i32
          %add3A_509 = arith.addi %add3A_508, %mul3A_490 : i32
          %multiple_of3A_510 = tpu.assume_multiple %add3A_509, 8 : i32
          %dma_start3A_511 = arith.constant 256 : i32
          %dma_start3A_512 = tpu.memref_slice %arg12[%dma_start3A_511] : memref<384xi32, #tpu.memory_space<vmem>> -> memref<128xi32, #tpu.memory_space<vmem>>
          %dma_start3A_513 = tpu.memref_slice %arg2[%multiple_of3A_510] : memref<960000xi32, #tpu.memory_space<hbm>> -> memref<128xi32, #tpu.memory_space<hbm>>
          %dma_start3A_514 = arith.constant 256 : i32
          %dma_start3A_515 = tpu.memref_slice %arg12[%dma_start3A_514] : memref<384xi32, #tpu.memory_space<vmem>> -> memref<128xi32, #tpu.memory_space<vmem>>
          %dma_start3A_516 = tpu.memref_slice %arg2[%multiple_of3A_510] : memref<960000xi32, #tpu.memory_space<hbm>> -> memref<128xi32, #tpu.memory_space<hbm>>
          tpu.enqueue_dma source(%dma_start3A_516 : memref<128xi32, #tpu.memory_space<hbm>>) target(%dma_start3A_515 : memref<128xi32, #tpu.memory_space<vmem>>) target_semaphore(%arg33 : memref<!tpu.dma_semaphore, #tpu.memory_space<semaphore_mem>>)
        } else {
        }
      } else {
      }
      %mul3A_166 = arith.constant 7 : i32
      %mul3A_167 = arith.muli %while3A_82, %mul3A_166 : i32
      %add3A_168 = arith.constant 5 : i32
      %add3A_169 = arith.addi %mul3A_167, %add3A_168 : i32
      %ge3A_170 = arith.constant 3 : i32
      %ge3A_171 = arith.cmpi sge, %add3A_169, %ge3A_170 : i32
      %add3A_172 = arith.constant 2 : i32
      %add3A_173 = arith.addi %add3A_6, %add3A_172 : i32
      %le3A_174 = arith.cmpi sle, %add3A_169, %add3A_173 : i32
      %and3A_175 = arith.andi %ge3A_171, %le3A_174 : i1
      %convert_element_type3A_176 = arith.extui %and3A_175 : i1 to i32
      %cond3A_177 = arith.constant 0 : i32
      %cond3A_178 = arith.cmpi ne, %convert_element_type3A_176, %cond3A_177 : i32
      scf.if %cond3A_178 {
        %dma_wait3A = arith.constant 0 : i32
        %dma_wait3A_200 = arith.constant 0 : i32
        %dma_wait3A_201 = tpu.memref_slice %arg5[%dma_wait3A, %dma_wait3A_200] : memref<126x128xf32, #tpu.memory_space<vmem_shared>> -> memref<126x128xf32, #tpu.memory_space<vmem_shared>>
        tpu.wait_indirect_dma semaphore(%arg36 : memref<!tpu.dma_semaphore, #tpu.memory_space<semaphore_mem>>) src(%dma_wait3A_201 : memref<126x128xf32, #tpu.memory_space<vmem_shared>>) dst(%arg22 : memref<128x128xf32, #tpu.memory_space<vmem>>)
        %sub3A_202 = arith.constant 3 : i32
        %sub3A_203 = arith.subi %add3A_169, %sub3A_202 : i32
        %mul3A_204 = arith.constant 32 : i32
        %mul3A_205 = arith.muli %sub3A_203, %mul3A_204 : i32
        %add3A_206 = arith.addi %add3A, %mul3A_205 : i32
        %mul3A_207 = arith.constant 128 : i32
        %mul3A_208 = arith.muli %add3A_206, %mul3A_207 : i32
        %dma_start3A = arith.constant 0 : i32
        %dma_start3A_209 = tpu.memref_slice %arg4[%mul3A_208, %dma_start3A] : memref<320000x128xf32, #tpu.memory_space<hbm>> -> memref<128x128xf32, #tpu.memory_space<hbm>>
        %dma_start3A_210 = arith.constant 0 : i32
        %dma_start3A_211 = tpu.memref_slice %arg4[%mul3A_208, %dma_start3A_210] : memref<320000x128xf32, #tpu.memory_space<hbm>> -> memref<128x128xf32, #tpu.memory_space<hbm>>
        tpu.enqueue_dma source(%arg22 : memref<128x128xf32, #tpu.memory_space<vmem>>) target(%dma_start3A_211 : memref<128x128xf32, #tpu.memory_space<hbm>>) target_semaphore(%arg43 : memref<!tpu.dma_semaphore, #tpu.memory_space<semaphore_mem>>)
      } else {
      }
      %lt3A_179 = arith.cmpi slt, %add3A_169, %add3A_6 : i32
      %convert_element_type3A_180 = arith.extui %lt3A_179 : i1 to i32
      %cond3A_181 = arith.constant 0 : i32
      %cond3A_182 = arith.cmpi ne, %convert_element_type3A_180, %cond3A_181 : i32
      scf.if %cond3A_182 {
        %dma_wait3A = arith.constant 0 : i32
        %dma_wait3A_200 = tpu.memref_slice %arg2[%dma_wait3A] : memref<960000xi32, #tpu.memory_space<hbm>> -> memref<384xi32, #tpu.memory_space<hbm>>
        %dma_wait3A_201 = arith.constant 0 : i32
        %dma_wait3A_202 = tpu.memref_slice %arg2[%dma_wait3A_201] : memref<960000xi32, #tpu.memory_space<hbm>> -> memref<384xi32, #tpu.memory_space<hbm>>
        tpu.wait_dma2 semaphore(%arg32 : memref<!tpu.dma_semaphore, #tpu.memory_space<semaphore_mem>>) src(%dma_wait3A_202 : memref<384xi32, #tpu.memory_space<hbm>>) dst(%arg11 : memref<384xi32, #tpu.memory_space<vmem>>)
        %get3A = arith.constant 0 : index
        %get3A_203 = tpu.vector_load %arg11[%get3A] {strides = array<i32>} : memref<384xi32, #tpu.memory_space<vmem>>, vector<16xi32>,
        %get3A_204 = arith.constant 128 : index
        %get3A_205 = tpu.vector_load %arg11[%get3A_204] {strides = array<i32>} : memref<384xi32, #tpu.memory_space<vmem>>, vector<16xi32>,
        %get3A_206 = arith.constant 256 : index
        %get3A_207 = tpu.vector_load %arg11[%get3A_206] {strides = array<i32>} : memref<384xi32, #tpu.memory_space<vmem>>, vector<16xi32>,
        %jit3A_208 = arith.constant 0 : i32
        %jit3A_209 = arith.constant 5 : i32
        %max3A = vector.broadcast %jit3A_208 : i32 to vector<16xi32>
        %max3A_210 = arith.maxsi %max3A, %get3A_203 : vector<16xi32>
        %min3A = vector.broadcast %jit3A_209 : i32 to vector<16xi32>
        %min3A_211 = arith.minsi %min3A, %max3A_210 : vector<16xi32>
        %jit3A_212 = arith.constant 0 : i32
        %jit3A_213 = arith.constant 6 : i32
        %max3A_214 = vector.broadcast %jit3A_212 : i32 to vector<16xi32>
        %max3A_215 = arith.maxsi %max3A_214, %get3A_205 : vector<16xi32>
        %min3A_216 = vector.broadcast %jit3A_213 : i32 to vector<16xi32>
        %min3A_217 = arith.minsi %min3A_216, %max3A_215 : vector<16xi32>
        %jit3A_218 = arith.constant 0 : i32
        %jit3A_219 = arith.constant 2 : i32
        %max3A_220 = vector.broadcast %jit3A_218 : i32 to vector<16xi32>
        %max3A_221 = arith.maxsi %max3A_220, %get3A_207 : vector<16xi32>
        %min3A_222 = vector.broadcast %jit3A_219 : i32 to vector<16xi32>
        %min3A_223 = arith.minsi %min3A_222, %max3A_221 : vector<16xi32>
        %mul3A_224 = arith.constant 7 : i32
        %mul3A_225 = vector.broadcast %mul3A_224 : i32 to vector<16xi32>
        %mul3A_226 = arith.muli %min3A_211, %mul3A_225 : vector<16xi32>
        %add3A_227 = arith.addi %mul3A_226, %min3A_217 : vector<16xi32>
        %mul3A_228 = arith.constant 3 : i32
        %mul3A_229 = vector.broadcast %mul3A_228 : i32 to vector<16xi32>
        %mul3A_230 = arith.muli %add3A_227, %mul3A_229 : vector<16xi32>
        %add3A_231 = arith.addi %mul3A_230, %min3A_223 : vector<16xi32>
        %swap3A = arith.constant 0 : index
        %swap3A_232 = tpu.vector_load %arg18[%swap3A] {strides = array<i32>} : memref<128xi32, #tpu.memory_space<vmem>>, vector<16xi32>,
        tpu.vector_store %arg18[%swap3A], %add3A_231 {strides = array<i32>} : memref<128xi32, #tpu.memory_space<vmem>>, vector<16xi32>,
        %get3A_233 = arith.constant 16 : index
        %get3A_234 = tpu.vector_load %arg11[%get3A_233] {strides = array<i32>} : memref<384xi32, #tpu.memory_space<vmem>>, vector<16xi32>,
        %get3A_235 = arith.constant 144 : index
        %get3A_236 = tpu.vector_load %arg11[%get3A_235] {strides = array<i32>} : memref<384xi32, #tpu.memory_space<vmem>>, vector<16xi32>,
        %get3A_237 = arith.constant 272 : index
        %get3A_238 = tpu.vector_load %arg11[%get3A_237] {strides = array<i32>} : memref<384xi32, #tpu.memory_space<vmem>>, vector<16xi32>,
        %jit3A_239 = arith.constant 0 : i32
        %jit3A_240 = arith.constant 5 : i32
        %max3A_241 = vector.broadcast %jit3A_239 : i32 to vector<16xi32>
        %max3A_242 = arith.maxsi %max3A_241, %get3A_234 : vector<16xi32>
        %min3A_243 = vector.broadcast %jit3A_240 : i32 to vector<16xi32>
        %min3A_244 = arith.minsi %min3A_243, %max3A_242 : vector<16xi32>
        %jit3A_245 = arith.constant 0 : i32
        %jit3A_246 = arith.constant 6 : i32
        %max3A_247 = vector.broadcast %jit3A_245 : i32 to vector<16xi32>
        %max3A_248 = arith.maxsi %max3A_247, %get3A_236 : vector<16xi32>
        %min3A_249 = vector.broadcast %jit3A_246 : i32 to vector<16xi32>
        %min3A_250 = arith.minsi %min3A_249, %max3A_248 : vector<16xi32>
        %jit3A_251 = arith.constant 0 : i32
        %jit3A_252 = arith.constant 2 : i32
        %max3A_253 = vector.broadcast %jit3A_251 : i32 to vector<16xi32>
        %max3A_254 = arith.maxsi %max3A_253, %get3A_238 : vector<16xi32>
        %min3A_255 = vector.broadcast %jit3A_252 : i32 to vector<16xi32>
        %min3A_256 = arith.minsi %min3A_255, %max3A_254 : vector<16xi32>
        %mul3A_257 = arith.constant 7 : i32
        %mul3A_258 = vector.broadcast %mul3A_257 : i32 to vector<16xi32>
        %mul3A_259 = arith.muli %min3A_244, %mul3A_258 : vector<16xi32>
        %add3A_260 = arith.addi %mul3A_259, %min3A_250 : vector<16xi32>
        %mul3A_261 = arith.constant 3 : i32
        %mul3A_262 = vector.broadcast %mul3A_261 : i32 to vector<16xi32>
        %mul3A_263 = arith.muli %add3A_260, %mul3A_262 : vector<16xi32>
        %add3A_264 = arith.addi %mul3A_263, %min3A_256 : vector<16xi32>
        %swap3A_265 = arith.constant 16 : index
        %swap3A_266 = tpu.vector_load %arg18[%swap3A_265] {strides = array<i32>} : memref<128xi32, #tpu.memory_space<vmem>>, vector<16xi32>,
        tpu.vector_store %arg18[%swap3A_265], %add3A_264 {strides = array<i32>} : memref<128xi32, #tpu.memory_space<vmem>>, vector<16xi32>,
        %get3A_267 = arith.constant 32 : index
        %get3A_268 = tpu.vector_load %arg11[%get3A_267] {strides = array<i32>} : memref<384xi32, #tpu.memory_space<vmem>>, vector<16xi32>,
        %get3A_269 = arith.constant 160 : index
        %get3A_270 = tpu.vector_load %arg11[%get3A_269] {strides = array<i32>} : memref<384xi32, #tpu.memory_space<vmem>>, vector<16xi32>,
        %get3A_271 = arith.constant 288 : index
        %get3A_272 = tpu.vector_load %arg11[%get3A_271] {strides = array<i32>} : memref<384xi32, #tpu.memory_space<vmem>>, vector<16xi32>,
        %jit3A_273 = arith.constant 0 : i32
        %jit3A_274 = arith.constant 5 : i32
        %max3A_275 = vector.broadcast %jit3A_273 : i32 to vector<16xi32>
        %max3A_276 = arith.maxsi %max3A_275, %get3A_268 : vector<16xi32>
        %min3A_277 = vector.broadcast %jit3A_274 : i32 to vector<16xi32>
        %min3A_278 = arith.minsi %min3A_277, %max3A_276 : vector<16xi32>
        %jit3A_279 = arith.constant 0 : i32
        %jit3A_280 = arith.constant 6 : i32
        %max3A_281 = vector.broadcast %jit3A_279 : i32 to vector<16xi32>
        %max3A_282 = arith.maxsi %max3A_281, %get3A_270 : vector<16xi32>
        %min3A_283 = vector.broadcast %jit3A_280 : i32 to vector<16xi32>
        %min3A_284 = arith.minsi %min3A_283, %max3A_282 : vector<16xi32>
        %jit3A_285 = arith.constant 0 : i32
        %jit3A_286 = arith.constant 2 : i32
        %max3A_287 = vector.broadcast %jit3A_285 : i32 to vector<16xi32>
        %max3A_288 = arith.maxsi %max3A_287, %get3A_272 : vector<16xi32>
        %min3A_289 = vector.broadcast %jit3A_286 : i32 to vector<16xi32>
        %min3A_290 = arith.minsi %min3A_289, %max3A_288 : vector<16xi32>
        %mul3A_291 = arith.constant 7 : i32
        %mul3A_292 = vector.broadcast %mul3A_291 : i32 to vector<16xi32>
        %mul3A_293 = arith.muli %min3A_278, %mul3A_292 : vector<16xi32>
        %add3A_294 = arith.addi %mul3A_293, %min3A_284 : vector<16xi32>
        %mul3A_295 = arith.constant 3 : i32
        %mul3A_296 = vector.broadcast %mul3A_295 : i32 to vector<16xi32>
        %mul3A_297 = arith.muli %add3A_294, %mul3A_296 : vector<16xi32>
        %add3A_298 = arith.addi %mul3A_297, %min3A_290 : vector<16xi32>
        %swap3A_299 = arith.constant 32 : index
        %swap3A_300 = tpu.vector_load %arg18[%swap3A_299] {strides = array<i32>} : memref<128xi32, #tpu.memory_space<vmem>>, vector<16xi32>,
        tpu.vector_store %arg18[%swap3A_299], %add3A_298 {strides = array<i32>} : memref<128xi32, #tpu.memory_space<vmem>>, vector<16xi32>,
        %get3A_301 = arith.constant 48 : index
        %get3A_302 = tpu.vector_load %arg11[%get3A_301] {strides = array<i32>} : memref<384xi32, #tpu.memory_space<vmem>>, vector<16xi32>,
        %get3A_303 = arith.constant 176 : index
        %get3A_304 = tpu.vector_load %arg11[%get3A_303] {strides = array<i32>} : memref<384xi32, #tpu.memory_space<vmem>>, vector<16xi32>,
        %get3A_305 = arith.constant 304 : index
        %get3A_306 = tpu.vector_load %arg11[%get3A_305] {strides = array<i32>} : memref<384xi32, #tpu.memory_space<vmem>>, vector<16xi32>,
        %jit3A_307 = arith.constant 0 : i32
        %jit3A_308 = arith.constant 5 : i32
        %max3A_309 = vector.broadcast %jit3A_307 : i32 to vector<16xi32>
        %max3A_310 = arith.maxsi %max3A_309, %get3A_302 : vector<16xi32>
        %min3A_311 = vector.broadcast %jit3A_308 : i32 to vector<16xi32>
        %min3A_312 = arith.minsi %min3A_311, %max3A_310 : vector<16xi32>
        %jit3A_313 = arith.constant 0 : i32
        %jit3A_314 = arith.constant 6 : i32
        %max3A_315 = vector.broadcast %jit3A_313 : i32 to vector<16xi32>
        %max3A_316 = arith.maxsi %max3A_315, %get3A_304 : vector<16xi32>
        %min3A_317 = vector.broadcast %jit3A_314 : i32 to vector<16xi32>
        %min3A_318 = arith.minsi %min3A_317, %max3A_316 : vector<16xi32>
        %jit3A_319 = arith.constant 0 : i32
        %jit3A_320 = arith.constant 2 : i32
        %max3A_321 = vector.broadcast %jit3A_319 : i32 to vector<16xi32>
        %max3A_322 = arith.maxsi %max3A_321, %get3A_306 : vector<16xi32>
        %min3A_323 = vector.broadcast %jit3A_320 : i32 to vector<16xi32>
        %min3A_324 = arith.minsi %min3A_323, %max3A_322 : vector<16xi32>
        %mul3A_325 = arith.constant 7 : i32
        %mul3A_326 = vector.broadcast %mul3A_325 : i32 to vector<16xi32>
        %mul3A_327 = arith.muli %min3A_312, %mul3A_326 : vector<16xi32>
        %add3A_328 = arith.addi %mul3A_327, %min3A_318 : vector<16xi32>
        %mul3A_329 = arith.constant 3 : i32
        %mul3A_330 = vector.broadcast %mul3A_329 : i32 to vector<16xi32>
        %mul3A_331 = arith.muli %add3A_328, %mul3A_330 : vector<16xi32>
        %add3A_332 = arith.addi %mul3A_331, %min3A_324 : vector<16xi32>
        %swap3A_333 = arith.constant 48 : index
        %swap3A_334 = tpu.vector_load %arg18[%swap3A_333] {strides = array<i32>} : memref<128xi32, #tpu.memory_space<vmem>>, vector<16xi32>,
        tpu.vector_store %arg18[%swap3A_333], %add3A_332 {strides = array<i32>} : memref<128xi32, #tpu.memory_space<vmem>>, vector<16xi32>,
        %get3A_335 = arith.constant 64 : index
        %get3A_336 = tpu.vector_load %arg11[%get3A_335] {strides = array<i32>} : memref<384xi32, #tpu.memory_space<vmem>>, vector<16xi32>,
        %get3A_337 = arith.constant 192 : index
        %get3A_338 = tpu.vector_load %arg11[%get3A_337] {strides = array<i32>} : memref<384xi32, #tpu.memory_space<vmem>>, vector<16xi32>,
        %get3A_339 = arith.constant 320 : index
        %get3A_340 = tpu.vector_load %arg11[%get3A_339] {strides = array<i32>} : memref<384xi32, #tpu.memory_space<vmem>>, vector<16xi32>,
        %jit3A_341 = arith.constant 0 : i32
        %jit3A_342 = arith.constant 5 : i32
        %max3A_343 = vector.broadcast %jit3A_341 : i32 to vector<16xi32>
        %max3A_344 = arith.maxsi %max3A_343, %get3A_336 : vector<16xi32>
        %min3A_345 = vector.broadcast %jit3A_342 : i32 to vector<16xi32>
        %min3A_346 = arith.minsi %min3A_345, %max3A_344 : vector<16xi32>
        %jit3A_347 = arith.constant 0 : i32
        %jit3A_348 = arith.constant 6 : i32
        %max3A_349 = vector.broadcast %jit3A_347 : i32 to vector<16xi32>
        %max3A_350 = arith.maxsi %max3A_349, %get3A_338 : vector<16xi32>
        %min3A_351 = vector.broadcast %jit3A_348 : i32 to vector<16xi32>
        %min3A_352 = arith.minsi %min3A_351, %max3A_350 : vector<16xi32>
        %jit3A_353 = arith.constant 0 : i32
        %jit3A_354 = arith.constant 2 : i32
        %max3A_355 = vector.broadcast %jit3A_353 : i32 to vector<16xi32>
        %max3A_356 = arith.maxsi %max3A_355, %get3A_340 : vector<16xi32>
        %min3A_357 = vector.broadcast %jit3A_354 : i32 to vector<16xi32>
        %min3A_358 = arith.minsi %min3A_357, %max3A_356 : vector<16xi32>
        %mul3A_359 = arith.constant 7 : i32
        %mul3A_360 = vector.broadcast %mul3A_359 : i32 to vector<16xi32>
        %mul3A_361 = arith.muli %min3A_346, %mul3A_360 : vector<16xi32>
        %add3A_362 = arith.addi %mul3A_361, %min3A_352 : vector<16xi32>
        %mul3A_363 = arith.constant 3 : i32
        %mul3A_364 = vector.broadcast %mul3A_363 : i32 to vector<16xi32>
        %mul3A_365 = arith.muli %add3A_362, %mul3A_364 : vector<16xi32>
        %add3A_366 = arith.addi %mul3A_365, %min3A_358 : vector<16xi32>
        %swap3A_367 = arith.constant 64 : index
        %swap3A_368 = tpu.vector_load %arg18[%swap3A_367] {strides = array<i32>} : memref<128xi32, #tpu.memory_space<vmem>>, vector<16xi32>,
        tpu.vector_store %arg18[%swap3A_367], %add3A_366 {strides = array<i32>} : memref<128xi32, #tpu.memory_space<vmem>>, vector<16xi32>,
        %get3A_369 = arith.constant 80 : index
        %get3A_370 = tpu.vector_load %arg11[%get3A_369] {strides = array<i32>} : memref<384xi32, #tpu.memory_space<vmem>>, vector<16xi32>,
        %get3A_371 = arith.constant 208 : index
        %get3A_372 = tpu.vector_load %arg11[%get3A_371] {strides = array<i32>} : memref<384xi32, #tpu.memory_space<vmem>>, vector<16xi32>,
        %get3A_373 = arith.constant 336 : index
        %get3A_374 = tpu.vector_load %arg11[%get3A_373] {strides = array<i32>} : memref<384xi32, #tpu.memory_space<vmem>>, vector<16xi32>,
        %jit3A_375 = arith.constant 0 : i32
        %jit3A_376 = arith.constant 5 : i32
        %max3A_377 = vector.broadcast %jit3A_375 : i32 to vector<16xi32>
        %max3A_378 = arith.maxsi %max3A_377, %get3A_370 : vector<16xi32>
        %min3A_379 = vector.broadcast %jit3A_376 : i32 to vector<16xi32>
        %min3A_380 = arith.minsi %min3A_379, %max3A_378 : vector<16xi32>
        %jit3A_381 = arith.constant 0 : i32
        %jit3A_382 = arith.constant 6 : i32
        %max3A_383 = vector.broadcast %jit3A_381 : i32 to vector<16xi32>
        %max3A_384 = arith.maxsi %max3A_383, %get3A_372 : vector<16xi32>
        %min3A_385 = vector.broadcast %jit3A_382 : i32 to vector<16xi32>
        %min3A_386 = arith.minsi %min3A_385, %max3A_384 : vector<16xi32>
        %jit3A_387 = arith.constant 0 : i32
        %jit3A_388 = arith.constant 2 : i32
        %max3A_389 = vector.broadcast %jit3A_387 : i32 to vector<16xi32>
        %max3A_390 = arith.maxsi %max3A_389, %get3A_374 : vector<16xi32>
        %min3A_391 = vector.broadcast %jit3A_388 : i32 to vector<16xi32>
        %min3A_392 = arith.minsi %min3A_391, %max3A_390 : vector<16xi32>
        %mul3A_393 = arith.constant 7 : i32
        %mul3A_394 = vector.broadcast %mul3A_393 : i32 to vector<16xi32>
        %mul3A_395 = arith.muli %min3A_380, %mul3A_394 : vector<16xi32>
        %add3A_396 = arith.addi %mul3A_395, %min3A_386 : vector<16xi32>
        %mul3A_397 = arith.constant 3 : i32
        %mul3A_398 = vector.broadcast %mul3A_397 : i32 to vector<16xi32>
        %mul3A_399 = arith.muli %add3A_396, %mul3A_398 : vector<16xi32>
        %add3A_400 = arith.addi %mul3A_399, %min3A_392 : vector<16xi32>
        %swap3A_401 = arith.constant 80 : index
        %swap3A_402 = tpu.vector_load %arg18[%swap3A_401] {strides = array<i32>} : memref<128xi32, #tpu.memory_space<vmem>>, vector<16xi32>,
        tpu.vector_store %arg18[%swap3A_401], %add3A_400 {strides = array<i32>} : memref<128xi32, #tpu.memory_space<vmem>>, vector<16xi32>,
        %get3A_403 = arith.constant 96 : index
        %get3A_404 = tpu.vector_load %arg11[%get3A_403] {strides = array<i32>} : memref<384xi32, #tpu.memory_space<vmem>>, vector<16xi32>,
        %get3A_405 = arith.constant 224 : index
        %get3A_406 = tpu.vector_load %arg11[%get3A_405] {strides = array<i32>} : memref<384xi32, #tpu.memory_space<vmem>>, vector<16xi32>,
        %get3A_407 = arith.constant 352 : index
        %get3A_408 = tpu.vector_load %arg11[%get3A_407] {strides = array<i32>} : memref<384xi32, #tpu.memory_space<vmem>>, vector<16xi32>,
        %jit3A_409 = arith.constant 0 : i32
        %jit3A_410 = arith.constant 5 : i32
        %max3A_411 = vector.broadcast %jit3A_409 : i32 to vector<16xi32>
        %max3A_412 = arith.maxsi %max3A_411, %get3A_404 : vector<16xi32>
        %min3A_413 = vector.broadcast %jit3A_410 : i32 to vector<16xi32>
        %min3A_414 = arith.minsi %min3A_413, %max3A_412 : vector<16xi32>
        %jit3A_415 = arith.constant 0 : i32
        %jit3A_416 = arith.constant 6 : i32
        %max3A_417 = vector.broadcast %jit3A_415 : i32 to vector<16xi32>
        %max3A_418 = arith.maxsi %max3A_417, %get3A_406 : vector<16xi32>
        %min3A_419 = vector.broadcast %jit3A_416 : i32 to vector<16xi32>
        %min3A_420 = arith.minsi %min3A_419, %max3A_418 : vector<16xi32>
        %jit3A_421 = arith.constant 0 : i32
        %jit3A_422 = arith.constant 2 : i32
        %max3A_423 = vector.broadcast %jit3A_421 : i32 to vector<16xi32>
        %max3A_424 = arith.maxsi %max3A_423, %get3A_408 : vector<16xi32>
        %min3A_425 = vector.broadcast %jit3A_422 : i32 to vector<16xi32>
        %min3A_426 = arith.minsi %min3A_425, %max3A_424 : vector<16xi32>
        %mul3A_427 = arith.constant 7 : i32
        %mul3A_428 = vector.broadcast %mul3A_427 : i32 to vector<16xi32>
        %mul3A_429 = arith.muli %min3A_414, %mul3A_428 : vector<16xi32>
        %add3A_430 = arith.addi %mul3A_429, %min3A_420 : vector<16xi32>
        %mul3A_431 = arith.constant 3 : i32
        %mul3A_432 = vector.broadcast %mul3A_431 : i32 to vector<16xi32>
        %mul3A_433 = arith.muli %add3A_430, %mul3A_432 : vector<16xi32>
        %add3A_434 = arith.addi %mul3A_433, %min3A_426 : vector<16xi32>
        %swap3A_435 = arith.constant 96 : index
        %swap3A_436 = tpu.vector_load %arg18[%swap3A_435] {strides = array<i32>} : memref<128xi32, #tpu.memory_space<vmem>>, vector<16xi32>,
        tpu.vector_store %arg18[%swap3A_435], %add3A_434 {strides = array<i32>} : memref<128xi32, #tpu.memory_space<vmem>>, vector<16xi32>,
        %get3A_437 = arith.constant 112 : index
        %get3A_438 = tpu.vector_load %arg11[%get3A_437] {strides = array<i32>} : memref<384xi32, #tpu.memory_space<vmem>>, vector<16xi32>,
        %get3A_439 = arith.constant 240 : index
        %get3A_440 = tpu.vector_load %arg11[%get3A_439] {strides = array<i32>} : memref<384xi32, #tpu.memory_space<vmem>>, vector<16xi32>,
        %get3A_441 = arith.constant 368 : index
        %get3A_442 = tpu.vector_load %arg11[%get3A_441] {strides = array<i32>} : memref<384xi32, #tpu.memory_space<vmem>>, vector<16xi32>,
        %jit3A_443 = arith.constant 0 : i32
        %jit3A_444 = arith.constant 5 : i32
        %max3A_445 = vector.broadcast %jit3A_443 : i32 to vector<16xi32>
        %max3A_446 = arith.maxsi %max3A_445, %get3A_438 : vector<16xi32>
        %min3A_447 = vector.broadcast %jit3A_444 : i32 to vector<16xi32>
        %min3A_448 = arith.minsi %min3A_447, %max3A_446 : vector<16xi32>
        %jit3A_449 = arith.constant 0 : i32
        %jit3A_450 = arith.constant 6 : i32
        %max3A_451 = vector.broadcast %jit3A_449 : i32 to vector<16xi32>
        %max3A_452 = arith.maxsi %max3A_451, %get3A_440 : vector<16xi32>
        %min3A_453 = vector.broadcast %jit3A_450 : i32 to vector<16xi32>
        %min3A_454 = arith.minsi %min3A_453, %max3A_452 : vector<16xi32>
        %jit3A_455 = arith.constant 0 : i32
        %jit3A_456 = arith.constant 2 : i32
        %max3A_457 = vector.broadcast %jit3A_455 : i32 to vector<16xi32>
        %max3A_458 = arith.maxsi %max3A_457, %get3A_442 : vector<16xi32>
        %min3A_459 = vector.broadcast %jit3A_456 : i32 to vector<16xi32>
        %min3A_460 = arith.minsi %min3A_459, %max3A_458 : vector<16xi32>
        %mul3A_461 = arith.constant 7 : i32
        %mul3A_462 = vector.broadcast %mul3A_461 : i32 to vector<16xi32>
        %mul3A_463 = arith.muli %min3A_448, %mul3A_462 : vector<16xi32>
        %add3A_464 = arith.addi %mul3A_463, %min3A_454 : vector<16xi32>
        %mul3A_465 = arith.constant 3 : i32
        %mul3A_466 = vector.broadcast %mul3A_465 : i32 to vector<16xi32>
        %mul3A_467 = arith.muli %add3A_464, %mul3A_466 : vector<16xi32>
        %add3A_468 = arith.addi %mul3A_467, %min3A_460 : vector<16xi32>
        %swap3A_469 = arith.constant 112 : index
        %swap3A_470 = tpu.vector_load %arg18[%swap3A_469] {strides = array<i32>} : memref<128xi32, #tpu.memory_space<vmem>>, vector<16xi32>,
        tpu.vector_store %arg18[%swap3A_469], %add3A_468 {strides = array<i32>} : memref<128xi32, #tpu.memory_space<vmem>>, vector<16xi32>,
        %ge3A_471 = arith.constant 7 : i32
        %ge3A_472 = arith.cmpi sge, %add3A_169, %ge3A_471 : i32
        %convert_element_type3A_473 = arith.extui %ge3A_472 : i1 to i32
        %cond3A_474 = arith.constant 0 : i32
        %cond3A_475 = arith.cmpi ne, %convert_element_type3A_473, %cond3A_474 : i32
        scf.if %cond3A_475 {
          %dma_wait3A_484 = arith.constant 0 : i32
          %dma_wait3A_485 = arith.constant 0 : i32
          %dma_wait3A_486 = tpu.memref_slice %arg4[%dma_wait3A_484, %dma_wait3A_485] : memref<320000x128xf32, #tpu.memory_space<hbm>> -> memref<128x128xf32, #tpu.memory_space<hbm>>
          %dma_wait3A_487 = arith.constant 0 : i32
          %dma_wait3A_488 = arith.constant 0 : i32
          %dma_wait3A_489 = tpu.memref_slice %arg4[%dma_wait3A_487, %dma_wait3A_488] : memref<320000x128xf32, #tpu.memory_space<hbm>> -> memref<128x128xf32, #tpu.memory_space<hbm>>
          tpu.wait_dma2 semaphore(%arg46 : memref<!tpu.dma_semaphore, #tpu.memory_space<semaphore_mem>>) src(%arg25 : memref<128x128xf32, #tpu.memory_space<vmem>>) dst(%dma_wait3A_489 : memref<128x128xf32, #tpu.memory_space<hbm>>)
        } else {
        }
        %dma_start3A = arith.constant 0 : i32
        %dma_start3A_476 = arith.constant 0 : i32
        %dma_start3A_477 = tpu.memref_slice %arg5[%dma_start3A, %dma_start3A_476] : memref<126x128xf32, #tpu.memory_space<vmem_shared>> -> memref<126x128xf32, #tpu.memory_space<vmem_shared>>
        tpu.enqueue_indirect_dma source(%dma_start3A_477 : memref<126x128xf32, #tpu.memory_space<vmem_shared>>) target(%arg25 : memref<128x128xf32, #tpu.memory_space<vmem>>) offsets(%arg18 : memref<128xi32, #tpu.memory_space<vmem>>) semaphore(%arg39 : memref<!tpu.dma_semaphore, #tpu.memory_space<semaphore_mem>>)
        %add3A_478 = arith.constant 2 : i32
        %add3A_479 = arith.addi %add3A_169, %add3A_478 : i32
        %lt3A_480 = arith.cmpi slt, %add3A_479, %add3A_6 : i32
        %convert_element_type3A_481 = arith.extui %lt3A_480 : i1 to i32
        %cond3A_482 = arith.constant 0 : i32
        %cond3A_483 = arith.cmpi ne, %convert_element_type3A_481, %cond3A_482 : i32
        scf.if %cond3A_483 {
          %add3A_484 = arith.constant 2 : i32
          %add3A_485 = arith.addi %add3A_169, %add3A_484 : i32
          %mul3A_486 = arith.constant 32 : i32
          %mul3A_487 = arith.muli %add3A_485, %mul3A_486 : i32
          %add3A_488 = arith.addi %add3A, %mul3A_487 : i32
          %mul3A_489 = arith.constant 128 : i32
          %mul3A_490 = arith.muli %add3A_488, %mul3A_489 : i32
          %add3A_491 = arith.constant 0 : i32
          %add3A_492 = arith.addi %add3A_491, %mul3A_490 : i32
          %multiple_of3A = tpu.assume_multiple %add3A_492, 8 : i32
          %dma_start3A_493 = arith.constant 0 : i32
          %dma_start3A_494 = tpu.memref_slice %arg6[%dma_start3A_493] : memref<384xi32, #tpu.memory_space<vmem>> -> memref<128xi32, #tpu.memory_space<vmem>>
          %dma_start3A_495 = tpu.memref_slice %arg2[%multiple_of3A] : memref<960000xi32, #tpu.memory_space<hbm>> -> memref<128xi32, #tpu.memory_space<hbm>>
          %dma_start3A_496 = arith.constant 0 : i32
          %dma_start3A_497 = tpu.memref_slice %arg6[%dma_start3A_496] : memref<384xi32, #tpu.memory_space<vmem>> -> memref<128xi32, #tpu.memory_space<vmem>>
          %dma_start3A_498 = tpu.memref_slice %arg2[%multiple_of3A] : memref<960000xi32, #tpu.memory_space<hbm>> -> memref<128xi32, #tpu.memory_space<hbm>>
          tpu.enqueue_dma source(%dma_start3A_498 : memref<128xi32, #tpu.memory_space<hbm>>) target(%dma_start3A_497 : memref<128xi32, #tpu.memory_space<vmem>>) target_semaphore(%arg27 : memref<!tpu.dma_semaphore, #tpu.memory_space<semaphore_mem>>)
          %add3A_499 = arith.constant 320000 : i32
          %add3A_500 = arith.addi %add3A_499, %mul3A_490 : i32
          %multiple_of3A_501 = tpu.assume_multiple %add3A_500, 8 : i32
          %dma_start3A_502 = arith.constant 128 : i32
          %dma_start3A_503 = tpu.memref_slice %arg6[%dma_start3A_502] : memref<384xi32, #tpu.memory_space<vmem>> -> memref<128xi32, #tpu.memory_space<vmem>>
          %dma_start3A_504 = tpu.memref_slice %arg2[%multiple_of3A_501] : memref<960000xi32, #tpu.memory_space<hbm>> -> memref<128xi32, #tpu.memory_space<hbm>>
          %dma_start3A_505 = arith.constant 128 : i32
          %dma_start3A_506 = tpu.memref_slice %arg6[%dma_start3A_505] : memref<384xi32, #tpu.memory_space<vmem>> -> memref<128xi32, #tpu.memory_space<vmem>>
          %dma_start3A_507 = tpu.memref_slice %arg2[%multiple_of3A_501] : memref<960000xi32, #tpu.memory_space<hbm>> -> memref<128xi32, #tpu.memory_space<hbm>>
          tpu.enqueue_dma source(%dma_start3A_507 : memref<128xi32, #tpu.memory_space<hbm>>) target(%dma_start3A_506 : memref<128xi32, #tpu.memory_space<vmem>>) target_semaphore(%arg27 : memref<!tpu.dma_semaphore, #tpu.memory_space<semaphore_mem>>)
          %add3A_508 = arith.constant 640000 : i32
          %add3A_509 = arith.addi %add3A_508, %mul3A_490 : i32
          %multiple_of3A_510 = tpu.assume_multiple %add3A_509, 8 : i32
          %dma_start3A_511 = arith.constant 256 : i32
          %dma_start3A_512 = tpu.memref_slice %arg6[%dma_start3A_511] : memref<384xi32, #tpu.memory_space<vmem>> -> memref<128xi32, #tpu.memory_space<vmem>>
          %dma_start3A_513 = tpu.memref_slice %arg2[%multiple_of3A_510] : memref<960000xi32, #tpu.memory_space<hbm>> -> memref<128xi32, #tpu.memory_space<hbm>>
          %dma_start3A_514 = arith.constant 256 : i32
          %dma_start3A_515 = tpu.memref_slice %arg6[%dma_start3A_514] : memref<384xi32, #tpu.memory_space<vmem>> -> memref<128xi32, #tpu.memory_space<vmem>>
          %dma_start3A_516 = tpu.memref_slice %arg2[%multiple_of3A_510] : memref<960000xi32, #tpu.memory_space<hbm>> -> memref<128xi32, #tpu.memory_space<hbm>>
          tpu.enqueue_dma source(%dma_start3A_516 : memref<128xi32, #tpu.memory_space<hbm>>) target(%dma_start3A_515 : memref<128xi32, #tpu.memory_space<vmem>>) target_semaphore(%arg27 : memref<!tpu.dma_semaphore, #tpu.memory_space<semaphore_mem>>)
        } else {
        }
      } else {
      }
      %mul3A_183 = arith.constant 7 : i32
      %mul3A_184 = arith.muli %while3A_82, %mul3A_183 : i32
      %add3A_185 = arith.constant 6 : i32
      %add3A_186 = arith.addi %mul3A_184, %add3A_185 : i32
      %ge3A_187 = arith.constant 3 : i32
      %ge3A_188 = arith.cmpi sge, %add3A_186, %ge3A_187 : i32
      %add3A_189 = arith.constant 2 : i32
      %add3A_190 = arith.addi %add3A_6, %add3A_189 : i32
      %le3A_191 = arith.cmpi sle, %add3A_186, %add3A_190 : i32
      %and3A_192 = arith.andi %ge3A_188, %le3A_191 : i1
      %convert_element_type3A_193 = arith.extui %and3A_192 : i1 to i32
      %cond3A_194 = arith.constant 0 : i32
      %cond3A_195 = arith.cmpi ne, %convert_element_type3A_193, %cond3A_194 : i32
      scf.if %cond3A_195 {
        %dma_wait3A = arith.constant 0 : i32
        %dma_wait3A_200 = arith.constant 0 : i32
        %dma_wait3A_201 = tpu.memref_slice %arg5[%dma_wait3A, %dma_wait3A_200] : memref<126x128xf32, #tpu.memory_space<vmem_shared>> -> memref<126x128xf32, #tpu.memory_space<vmem_shared>>
        tpu.wait_indirect_dma semaphore(%arg37 : memref<!tpu.dma_semaphore, #tpu.memory_space<semaphore_mem>>) src(%dma_wait3A_201 : memref<126x128xf32, #tpu.memory_space<vmem_shared>>) dst(%arg23 : memref<128x128xf32, #tpu.memory_space<vmem>>)
        %sub3A_202 = arith.constant 3 : i32
        %sub3A_203 = arith.subi %add3A_186, %sub3A_202 : i32
        %mul3A_204 = arith.constant 32 : i32
        %mul3A_205 = arith.muli %sub3A_203, %mul3A_204 : i32
        %add3A_206 = arith.addi %add3A, %mul3A_205 : i32
        %mul3A_207 = arith.constant 128 : i32
        %mul3A_208 = arith.muli %add3A_206, %mul3A_207 : i32
        %dma_start3A = arith.constant 0 : i32
        %dma_start3A_209 = tpu.memref_slice %arg4[%mul3A_208, %dma_start3A] : memref<320000x128xf32, #tpu.memory_space<hbm>> -> memref<128x128xf32, #tpu.memory_space<hbm>>
        %dma_start3A_210 = arith.constant 0 : i32
        %dma_start3A_211 = tpu.memref_slice %arg4[%mul3A_208, %dma_start3A_210] : memref<320000x128xf32, #tpu.memory_space<hbm>> -> memref<128x128xf32, #tpu.memory_space<hbm>>
        tpu.enqueue_dma source(%arg23 : memref<128x128xf32, #tpu.memory_space<vmem>>) target(%dma_start3A_211 : memref<128x128xf32, #tpu.memory_space<hbm>>) target_semaphore(%arg44 : memref<!tpu.dma_semaphore, #tpu.memory_space<semaphore_mem>>)
      } else {
      }
      %lt3A_196 = arith.cmpi slt, %add3A_186, %add3A_6 : i32
      %convert_element_type3A_197 = arith.extui %lt3A_196 : i1 to i32
      %cond3A_198 = arith.constant 0 : i32
      %cond3A_199 = arith.cmpi ne, %convert_element_type3A_197, %cond3A_198 : i32
      scf.if %cond3A_199 {
        %dma_wait3A = arith.constant 0 : i32
        %dma_wait3A_200 = tpu.memref_slice %arg2[%dma_wait3A] : memref<960000xi32, #tpu.memory_space<hbm>> -> memref<384xi32, #tpu.memory_space<hbm>>
        %dma_wait3A_201 = arith.constant 0 : i32
        %dma_wait3A_202 = tpu.memref_slice %arg2[%dma_wait3A_201] : memref<960000xi32, #tpu.memory_space<hbm>> -> memref<384xi32, #tpu.memory_space<hbm>>
        tpu.wait_dma2 semaphore(%arg33 : memref<!tpu.dma_semaphore, #tpu.memory_space<semaphore_mem>>) src(%dma_wait3A_202 : memref<384xi32, #tpu.memory_space<hbm>>) dst(%arg12 : memref<384xi32, #tpu.memory_space<vmem>>)
        %get3A = arith.constant 0 : index
        %get3A_203 = tpu.vector_load %arg12[%get3A] {strides = array<i32>} : memref<384xi32, #tpu.memory_space<vmem>>, vector<16xi32>,
        %get3A_204 = arith.constant 128 : index
        %get3A_205 = tpu.vector_load %arg12[%get3A_204] {strides = array<i32>} : memref<384xi32, #tpu.memory_space<vmem>>, vector<16xi32>,
        %get3A_206 = arith.constant 256 : index
        %get3A_207 = tpu.vector_load %arg12[%get3A_206] {strides = array<i32>} : memref<384xi32, #tpu.memory_space<vmem>>, vector<16xi32>,
        %jit3A_208 = arith.constant 0 : i32
        %jit3A_209 = arith.constant 5 : i32
        %max3A = vector.broadcast %jit3A_208 : i32 to vector<16xi32>
        %max3A_210 = arith.maxsi %max3A, %get3A_203 : vector<16xi32>
        %min3A = vector.broadcast %jit3A_209 : i32 to vector<16xi32>
        %min3A_211 = arith.minsi %min3A, %max3A_210 : vector<16xi32>
        %jit3A_212 = arith.constant 0 : i32
        %jit3A_213 = arith.constant 6 : i32
        %max3A_214 = vector.broadcast %jit3A_212 : i32 to vector<16xi32>
        %max3A_215 = arith.maxsi %max3A_214, %get3A_205 : vector<16xi32>
        %min3A_216 = vector.broadcast %jit3A_213 : i32 to vector<16xi32>
        %min3A_217 = arith.minsi %min3A_216, %max3A_215 : vector<16xi32>
        %jit3A_218 = arith.constant 0 : i32
        %jit3A_219 = arith.constant 2 : i32
        %max3A_220 = vector.broadcast %jit3A_218 : i32 to vector<16xi32>
        %max3A_221 = arith.maxsi %max3A_220, %get3A_207 : vector<16xi32>
        %min3A_222 = vector.broadcast %jit3A_219 : i32 to vector<16xi32>
        %min3A_223 = arith.minsi %min3A_222, %max3A_221 : vector<16xi32>
        %mul3A_224 = arith.constant 7 : i32
        %mul3A_225 = vector.broadcast %mul3A_224 : i32 to vector<16xi32>
        %mul3A_226 = arith.muli %min3A_211, %mul3A_225 : vector<16xi32>
        %add3A_227 = arith.addi %mul3A_226, %min3A_217 : vector<16xi32>
        %mul3A_228 = arith.constant 3 : i32
        %mul3A_229 = vector.broadcast %mul3A_228 : i32 to vector<16xi32>
        %mul3A_230 = arith.muli %add3A_227, %mul3A_229 : vector<16xi32>
        %add3A_231 = arith.addi %mul3A_230, %min3A_223 : vector<16xi32>
        %swap3A = arith.constant 0 : index
        %swap3A_232 = tpu.vector_load %arg19[%swap3A] {strides = array<i32>} : memref<128xi32, #tpu.memory_space<vmem>>, vector<16xi32>,
        tpu.vector_store %arg19[%swap3A], %add3A_231 {strides = array<i32>} : memref<128xi32, #tpu.memory_space<vmem>>, vector<16xi32>,
        %get3A_233 = arith.constant 16 : index
        %get3A_234 = tpu.vector_load %arg12[%get3A_233] {strides = array<i32>} : memref<384xi32, #tpu.memory_space<vmem>>, vector<16xi32>,
        %get3A_235 = arith.constant 144 : index
        %get3A_236 = tpu.vector_load %arg12[%get3A_235] {strides = array<i32>} : memref<384xi32, #tpu.memory_space<vmem>>, vector<16xi32>,
        %get3A_237 = arith.constant 272 : index
        %get3A_238 = tpu.vector_load %arg12[%get3A_237] {strides = array<i32>} : memref<384xi32, #tpu.memory_space<vmem>>, vector<16xi32>,
        %jit3A_239 = arith.constant 0 : i32
        %jit3A_240 = arith.constant 5 : i32
        %max3A_241 = vector.broadcast %jit3A_239 : i32 to vector<16xi32>
        %max3A_242 = arith.maxsi %max3A_241, %get3A_234 : vector<16xi32>
        %min3A_243 = vector.broadcast %jit3A_240 : i32 to vector<16xi32>
        %min3A_244 = arith.minsi %min3A_243, %max3A_242 : vector<16xi32>
        %jit3A_245 = arith.constant 0 : i32
        %jit3A_246 = arith.constant 6 : i32
        %max3A_247 = vector.broadcast %jit3A_245 : i32 to vector<16xi32>
        %max3A_248 = arith.maxsi %max3A_247, %get3A_236 : vector<16xi32>
        %min3A_249 = vector.broadcast %jit3A_246 : i32 to vector<16xi32>
        %min3A_250 = arith.minsi %min3A_249, %max3A_248 : vector<16xi32>
        %jit3A_251 = arith.constant 0 : i32
        %jit3A_252 = arith.constant 2 : i32
        %max3A_253 = vector.broadcast %jit3A_251 : i32 to vector<16xi32>
        %max3A_254 = arith.maxsi %max3A_253, %get3A_238 : vector<16xi32>
        %min3A_255 = vector.broadcast %jit3A_252 : i32 to vector<16xi32>
        %min3A_256 = arith.minsi %min3A_255, %max3A_254 : vector<16xi32>
        %mul3A_257 = arith.constant 7 : i32
        %mul3A_258 = vector.broadcast %mul3A_257 : i32 to vector<16xi32>
        %mul3A_259 = arith.muli %min3A_244, %mul3A_258 : vector<16xi32>
        %add3A_260 = arith.addi %mul3A_259, %min3A_250 : vector<16xi32>
        %mul3A_261 = arith.constant 3 : i32
        %mul3A_262 = vector.broadcast %mul3A_261 : i32 to vector<16xi32>
        %mul3A_263 = arith.muli %add3A_260, %mul3A_262 : vector<16xi32>
        %add3A_264 = arith.addi %mul3A_263, %min3A_256 : vector<16xi32>
        %swap3A_265 = arith.constant 16 : index
        %swap3A_266 = tpu.vector_load %arg19[%swap3A_265] {strides = array<i32>} : memref<128xi32, #tpu.memory_space<vmem>>, vector<16xi32>,
        tpu.vector_store %arg19[%swap3A_265], %add3A_264 {strides = array<i32>} : memref<128xi32, #tpu.memory_space<vmem>>, vector<16xi32>,
        %get3A_267 = arith.constant 32 : index
        %get3A_268 = tpu.vector_load %arg12[%get3A_267] {strides = array<i32>} : memref<384xi32, #tpu.memory_space<vmem>>, vector<16xi32>,
        %get3A_269 = arith.constant 160 : index
        %get3A_270 = tpu.vector_load %arg12[%get3A_269] {strides = array<i32>} : memref<384xi32, #tpu.memory_space<vmem>>, vector<16xi32>,
        %get3A_271 = arith.constant 288 : index
        %get3A_272 = tpu.vector_load %arg12[%get3A_271] {strides = array<i32>} : memref<384xi32, #tpu.memory_space<vmem>>, vector<16xi32>,
        %jit3A_273 = arith.constant 0 : i32
        %jit3A_274 = arith.constant 5 : i32
        %max3A_275 = vector.broadcast %jit3A_273 : i32 to vector<16xi32>
        %max3A_276 = arith.maxsi %max3A_275, %get3A_268 : vector<16xi32>
        %min3A_277 = vector.broadcast %jit3A_274 : i32 to vector<16xi32>
        %min3A_278 = arith.minsi %min3A_277, %max3A_276 : vector<16xi32>
        %jit3A_279 = arith.constant 0 : i32
        %jit3A_280 = arith.constant 6 : i32
        %max3A_281 = vector.broadcast %jit3A_279 : i32 to vector<16xi32>
        %max3A_282 = arith.maxsi %max3A_281, %get3A_270 : vector<16xi32>
        %min3A_283 = vector.broadcast %jit3A_280 : i32 to vector<16xi32>
        %min3A_284 = arith.minsi %min3A_283, %max3A_282 : vector<16xi32>
        %jit3A_285 = arith.constant 0 : i32
        %jit3A_286 = arith.constant 2 : i32
        %max3A_287 = vector.broadcast %jit3A_285 : i32 to vector<16xi32>
        %max3A_288 = arith.maxsi %max3A_287, %get3A_272 : vector<16xi32>
        %min3A_289 = vector.broadcast %jit3A_286 : i32 to vector<16xi32>
        %min3A_290 = arith.minsi %min3A_289, %max3A_288 : vector<16xi32>
        %mul3A_291 = arith.constant 7 : i32
        %mul3A_292 = vector.broadcast %mul3A_291 : i32 to vector<16xi32>
        %mul3A_293 = arith.muli %min3A_278, %mul3A_292 : vector<16xi32>
        %add3A_294 = arith.addi %mul3A_293, %min3A_284 : vector<16xi32>
        %mul3A_295 = arith.constant 3 : i32
        %mul3A_296 = vector.broadcast %mul3A_295 : i32 to vector<16xi32>
        %mul3A_297 = arith.muli %add3A_294, %mul3A_296 : vector<16xi32>
        %add3A_298 = arith.addi %mul3A_297, %min3A_290 : vector<16xi32>
        %swap3A_299 = arith.constant 32 : index
        %swap3A_300 = tpu.vector_load %arg19[%swap3A_299] {strides = array<i32>} : memref<128xi32, #tpu.memory_space<vmem>>, vector<16xi32>,
        tpu.vector_store %arg19[%swap3A_299], %add3A_298 {strides = array<i32>} : memref<128xi32, #tpu.memory_space<vmem>>, vector<16xi32>,
        %get3A_301 = arith.constant 48 : index
        %get3A_302 = tpu.vector_load %arg12[%get3A_301] {strides = array<i32>} : memref<384xi32, #tpu.memory_space<vmem>>, vector<16xi32>,
        %get3A_303 = arith.constant 176 : index
        %get3A_304 = tpu.vector_load %arg12[%get3A_303] {strides = array<i32>} : memref<384xi32, #tpu.memory_space<vmem>>, vector<16xi32>,
        %get3A_305 = arith.constant 304 : index
        %get3A_306 = tpu.vector_load %arg12[%get3A_305] {strides = array<i32>} : memref<384xi32, #tpu.memory_space<vmem>>, vector<16xi32>,
        %jit3A_307 = arith.constant 0 : i32
        %jit3A_308 = arith.constant 5 : i32
        %max3A_309 = vector.broadcast %jit3A_307 : i32 to vector<16xi32>
        %max3A_310 = arith.maxsi %max3A_309, %get3A_302 : vector<16xi32>
        %min3A_311 = vector.broadcast %jit3A_308 : i32 to vector<16xi32>
        %min3A_312 = arith.minsi %min3A_311, %max3A_310 : vector<16xi32>
        %jit3A_313 = arith.constant 0 : i32
        %jit3A_314 = arith.constant 6 : i32
        %max3A_315 = vector.broadcast %jit3A_313 : i32 to vector<16xi32>
        %max3A_316 = arith.maxsi %max3A_315, %get3A_304 : vector<16xi32>
        %min3A_317 = vector.broadcast %jit3A_314 : i32 to vector<16xi32>
        %min3A_318 = arith.minsi %min3A_317, %max3A_316 : vector<16xi32>
        %jit3A_319 = arith.constant 0 : i32
        %jit3A_320 = arith.constant 2 : i32
        %max3A_321 = vector.broadcast %jit3A_319 : i32 to vector<16xi32>
        %max3A_322 = arith.maxsi %max3A_321, %get3A_306 : vector<16xi32>
        %min3A_323 = vector.broadcast %jit3A_320 : i32 to vector<16xi32>
        %min3A_324 = arith.minsi %min3A_323, %max3A_322 : vector<16xi32>
        %mul3A_325 = arith.constant 7 : i32
        %mul3A_326 = vector.broadcast %mul3A_325 : i32 to vector<16xi32>
        %mul3A_327 = arith.muli %min3A_312, %mul3A_326 : vector<16xi32>
        %add3A_328 = arith.addi %mul3A_327, %min3A_318 : vector<16xi32>
        %mul3A_329 = arith.constant 3 : i32
        %mul3A_330 = vector.broadcast %mul3A_329 : i32 to vector<16xi32>
        %mul3A_331 = arith.muli %add3A_328, %mul3A_330 : vector<16xi32>
        %add3A_332 = arith.addi %mul3A_331, %min3A_324 : vector<16xi32>
        %swap3A_333 = arith.constant 48 : index
        %swap3A_334 = tpu.vector_load %arg19[%swap3A_333] {strides = array<i32>} : memref<128xi32, #tpu.memory_space<vmem>>, vector<16xi32>,
        tpu.vector_store %arg19[%swap3A_333], %add3A_332 {strides = array<i32>} : memref<128xi32, #tpu.memory_space<vmem>>, vector<16xi32>,
        %get3A_335 = arith.constant 64 : index
        %get3A_336 = tpu.vector_load %arg12[%get3A_335] {strides = array<i32>} : memref<384xi32, #tpu.memory_space<vmem>>, vector<16xi32>,
        %get3A_337 = arith.constant 192 : index
        %get3A_338 = tpu.vector_load %arg12[%get3A_337] {strides = array<i32>} : memref<384xi32, #tpu.memory_space<vmem>>, vector<16xi32>,
        %get3A_339 = arith.constant 320 : index
        %get3A_340 = tpu.vector_load %arg12[%get3A_339] {strides = array<i32>} : memref<384xi32, #tpu.memory_space<vmem>>, vector<16xi32>,
        %jit3A_341 = arith.constant 0 : i32
        %jit3A_342 = arith.constant 5 : i32
        %max3A_343 = vector.broadcast %jit3A_341 : i32 to vector<16xi32>
        %max3A_344 = arith.maxsi %max3A_343, %get3A_336 : vector<16xi32>
        %min3A_345 = vector.broadcast %jit3A_342 : i32 to vector<16xi32>
        %min3A_346 = arith.minsi %min3A_345, %max3A_344 : vector<16xi32>
        %jit3A_347 = arith.constant 0 : i32
        %jit3A_348 = arith.constant 6 : i32
        %max3A_349 = vector.broadcast %jit3A_347 : i32 to vector<16xi32>
        %max3A_350 = arith.maxsi %max3A_349, %get3A_338 : vector<16xi32>
        %min3A_351 = vector.broadcast %jit3A_348 : i32 to vector<16xi32>
        %min3A_352 = arith.minsi %min3A_351, %max3A_350 : vector<16xi32>
        %jit3A_353 = arith.constant 0 : i32
        %jit3A_354 = arith.constant 2 : i32
        %max3A_355 = vector.broadcast %jit3A_353 : i32 to vector<16xi32>
        %max3A_356 = arith.maxsi %max3A_355, %get3A_340 : vector<16xi32>
        %min3A_357 = vector.broadcast %jit3A_354 : i32 to vector<16xi32>
        %min3A_358 = arith.minsi %min3A_357, %max3A_356 : vector<16xi32>
        %mul3A_359 = arith.constant 7 : i32
        %mul3A_360 = vector.broadcast %mul3A_359 : i32 to vector<16xi32>
        %mul3A_361 = arith.muli %min3A_346, %mul3A_360 : vector<16xi32>
        %add3A_362 = arith.addi %mul3A_361, %min3A_352 : vector<16xi32>
        %mul3A_363 = arith.constant 3 : i32
        %mul3A_364 = vector.broadcast %mul3A_363 : i32 to vector<16xi32>
        %mul3A_365 = arith.muli %add3A_362, %mul3A_364 : vector<16xi32>
        %add3A_366 = arith.addi %mul3A_365, %min3A_358 : vector<16xi32>
        %swap3A_367 = arith.constant 64 : index
        %swap3A_368 = tpu.vector_load %arg19[%swap3A_367] {strides = array<i32>} : memref<128xi32, #tpu.memory_space<vmem>>, vector<16xi32>,
        tpu.vector_store %arg19[%swap3A_367], %add3A_366 {strides = array<i32>} : memref<128xi32, #tpu.memory_space<vmem>>, vector<16xi32>,
        %get3A_369 = arith.constant 80 : index
        %get3A_370 = tpu.vector_load %arg12[%get3A_369] {strides = array<i32>} : memref<384xi32, #tpu.memory_space<vmem>>, vector<16xi32>,
        %get3A_371 = arith.constant 208 : index
        %get3A_372 = tpu.vector_load %arg12[%get3A_371] {strides = array<i32>} : memref<384xi32, #tpu.memory_space<vmem>>, vector<16xi32>,
        %get3A_373 = arith.constant 336 : index
        %get3A_374 = tpu.vector_load %arg12[%get3A_373] {strides = array<i32>} : memref<384xi32, #tpu.memory_space<vmem>>, vector<16xi32>,
        %jit3A_375 = arith.constant 0 : i32
        %jit3A_376 = arith.constant 5 : i32
        %max3A_377 = vector.broadcast %jit3A_375 : i32 to vector<16xi32>
        %max3A_378 = arith.maxsi %max3A_377, %get3A_370 : vector<16xi32>
        %min3A_379 = vector.broadcast %jit3A_376 : i32 to vector<16xi32>
        %min3A_380 = arith.minsi %min3A_379, %max3A_378 : vector<16xi32>
        %jit3A_381 = arith.constant 0 : i32
        %jit3A_382 = arith.constant 6 : i32
        %max3A_383 = vector.broadcast %jit3A_381 : i32 to vector<16xi32>
        %max3A_384 = arith.maxsi %max3A_383, %get3A_372 : vector<16xi32>
        %min3A_385 = vector.broadcast %jit3A_382 : i32 to vector<16xi32>
        %min3A_386 = arith.minsi %min3A_385, %max3A_384 : vector<16xi32>
        %jit3A_387 = arith.constant 0 : i32
        %jit3A_388 = arith.constant 2 : i32
        %max3A_389 = vector.broadcast %jit3A_387 : i32 to vector<16xi32>
        %max3A_390 = arith.maxsi %max3A_389, %get3A_374 : vector<16xi32>
        %min3A_391 = vector.broadcast %jit3A_388 : i32 to vector<16xi32>
        %min3A_392 = arith.minsi %min3A_391, %max3A_390 : vector<16xi32>
        %mul3A_393 = arith.constant 7 : i32
        %mul3A_394 = vector.broadcast %mul3A_393 : i32 to vector<16xi32>
        %mul3A_395 = arith.muli %min3A_380, %mul3A_394 : vector<16xi32>
        %add3A_396 = arith.addi %mul3A_395, %min3A_386 : vector<16xi32>
        %mul3A_397 = arith.constant 3 : i32
        %mul3A_398 = vector.broadcast %mul3A_397 : i32 to vector<16xi32>
        %mul3A_399 = arith.muli %add3A_396, %mul3A_398 : vector<16xi32>
        %add3A_400 = arith.addi %mul3A_399, %min3A_392 : vector<16xi32>
        %swap3A_401 = arith.constant 80 : index
        %swap3A_402 = tpu.vector_load %arg19[%swap3A_401] {strides = array<i32>} : memref<128xi32, #tpu.memory_space<vmem>>, vector<16xi32>,
        tpu.vector_store %arg19[%swap3A_401], %add3A_400 {strides = array<i32>} : memref<128xi32, #tpu.memory_space<vmem>>, vector<16xi32>,
        %get3A_403 = arith.constant 96 : index
        %get3A_404 = tpu.vector_load %arg12[%get3A_403] {strides = array<i32>} : memref<384xi32, #tpu.memory_space<vmem>>, vector<16xi32>,
        %get3A_405 = arith.constant 224 : index
        %get3A_406 = tpu.vector_load %arg12[%get3A_405] {strides = array<i32>} : memref<384xi32, #tpu.memory_space<vmem>>, vector<16xi32>,
        %get3A_407 = arith.constant 352 : index
        %get3A_408 = tpu.vector_load %arg12[%get3A_407] {strides = array<i32>} : memref<384xi32, #tpu.memory_space<vmem>>, vector<16xi32>,
        %jit3A_409 = arith.constant 0 : i32
        %jit3A_410 = arith.constant 5 : i32
        %max3A_411 = vector.broadcast %jit3A_409 : i32 to vector<16xi32>
        %max3A_412 = arith.maxsi %max3A_411, %get3A_404 : vector<16xi32>
        %min3A_413 = vector.broadcast %jit3A_410 : i32 to vector<16xi32>
        %min3A_414 = arith.minsi %min3A_413, %max3A_412 : vector<16xi32>
        %jit3A_415 = arith.constant 0 : i32
        %jit3A_416 = arith.constant 6 : i32
        %max3A_417 = vector.broadcast %jit3A_415 : i32 to vector<16xi32>
        %max3A_418 = arith.maxsi %max3A_417, %get3A_406 : vector<16xi32>
        %min3A_419 = vector.broadcast %jit3A_416 : i32 to vector<16xi32>
        %min3A_420 = arith.minsi %min3A_419, %max3A_418 : vector<16xi32>
        %jit3A_421 = arith.constant 0 : i32
        %jit3A_422 = arith.constant 2 : i32
        %max3A_423 = vector.broadcast %jit3A_421 : i32 to vector<16xi32>
        %max3A_424 = arith.maxsi %max3A_423, %get3A_408 : vector<16xi32>
        %min3A_425 = vector.broadcast %jit3A_422 : i32 to vector<16xi32>
        %min3A_426 = arith.minsi %min3A_425, %max3A_424 : vector<16xi32>
        %mul3A_427 = arith.constant 7 : i32
        %mul3A_428 = vector.broadcast %mul3A_427 : i32 to vector<16xi32>
        %mul3A_429 = arith.muli %min3A_414, %mul3A_428 : vector<16xi32>
        %add3A_430 = arith.addi %mul3A_429, %min3A_420 : vector<16xi32>
        %mul3A_431 = arith.constant 3 : i32
        %mul3A_432 = vector.broadcast %mul3A_431 : i32 to vector<16xi32>
        %mul3A_433 = arith.muli %add3A_430, %mul3A_432 : vector<16xi32>
        %add3A_434 = arith.addi %mul3A_433, %min3A_426 : vector<16xi32>
        %swap3A_435 = arith.constant 96 : index
        %swap3A_436 = tpu.vector_load %arg19[%swap3A_435] {strides = array<i32>} : memref<128xi32, #tpu.memory_space<vmem>>, vector<16xi32>,
        tpu.vector_store %arg19[%swap3A_435], %add3A_434 {strides = array<i32>} : memref<128xi32, #tpu.memory_space<vmem>>, vector<16xi32>,
        %get3A_437 = arith.constant 112 : index
        %get3A_438 = tpu.vector_load %arg12[%get3A_437] {strides = array<i32>} : memref<384xi32, #tpu.memory_space<vmem>>, vector<16xi32>,
        %get3A_439 = arith.constant 240 : index
        %get3A_440 = tpu.vector_load %arg12[%get3A_439] {strides = array<i32>} : memref<384xi32, #tpu.memory_space<vmem>>, vector<16xi32>,
        %get3A_441 = arith.constant 368 : index
        %get3A_442 = tpu.vector_load %arg12[%get3A_441] {strides = array<i32>} : memref<384xi32, #tpu.memory_space<vmem>>, vector<16xi32>,
        %jit3A_443 = arith.constant 0 : i32
        %jit3A_444 = arith.constant 5 : i32
        %max3A_445 = vector.broadcast %jit3A_443 : i32 to vector<16xi32>
        %max3A_446 = arith.maxsi %max3A_445, %get3A_438 : vector<16xi32>
        %min3A_447 = vector.broadcast %jit3A_444 : i32 to vector<16xi32>
        %min3A_448 = arith.minsi %min3A_447, %max3A_446 : vector<16xi32>
        %jit3A_449 = arith.constant 0 : i32
        %jit3A_450 = arith.constant 6 : i32
        %max3A_451 = vector.broadcast %jit3A_449 : i32 to vector<16xi32>
        %max3A_452 = arith.maxsi %max3A_451, %get3A_440 : vector<16xi32>
        %min3A_453 = vector.broadcast %jit3A_450 : i32 to vector<16xi32>
        %min3A_454 = arith.minsi %min3A_453, %max3A_452 : vector<16xi32>
        %jit3A_455 = arith.constant 0 : i32
        %jit3A_456 = arith.constant 2 : i32
        %max3A_457 = vector.broadcast %jit3A_455 : i32 to vector<16xi32>
        %max3A_458 = arith.maxsi %max3A_457, %get3A_442 : vector<16xi32>
        %min3A_459 = vector.broadcast %jit3A_456 : i32 to vector<16xi32>
        %min3A_460 = arith.minsi %min3A_459, %max3A_458 : vector<16xi32>
        %mul3A_461 = arith.constant 7 : i32
        %mul3A_462 = vector.broadcast %mul3A_461 : i32 to vector<16xi32>
        %mul3A_463 = arith.muli %min3A_448, %mul3A_462 : vector<16xi32>
        %add3A_464 = arith.addi %mul3A_463, %min3A_454 : vector<16xi32>
        %mul3A_465 = arith.constant 3 : i32
        %mul3A_466 = vector.broadcast %mul3A_465 : i32 to vector<16xi32>
        %mul3A_467 = arith.muli %add3A_464, %mul3A_466 : vector<16xi32>
        %add3A_468 = arith.addi %mul3A_467, %min3A_460 : vector<16xi32>
        %swap3A_469 = arith.constant 112 : index
        %swap3A_470 = tpu.vector_load %arg19[%swap3A_469] {strides = array<i32>} : memref<128xi32, #tpu.memory_space<vmem>>, vector<16xi32>,
        tpu.vector_store %arg19[%swap3A_469], %add3A_468 {strides = array<i32>} : memref<128xi32, #tpu.memory_space<vmem>>, vector<16xi32>,
        %ge3A_471 = arith.constant 7 : i32
        %ge3A_472 = arith.cmpi sge, %add3A_186, %ge3A_471 : i32
        %convert_element_type3A_473 = arith.extui %ge3A_472 : i1 to i32
        %cond3A_474 = arith.constant 0 : i32
        %cond3A_475 = arith.cmpi ne, %convert_element_type3A_473, %cond3A_474 : i32
        scf.if %cond3A_475 {
          %dma_wait3A_484 = arith.constant 0 : i32
          %dma_wait3A_485 = arith.constant 0 : i32
          %dma_wait3A_486 = tpu.memref_slice %arg4[%dma_wait3A_484, %dma_wait3A_485] : memref<320000x128xf32, #tpu.memory_space<hbm>> -> memref<128x128xf32, #tpu.memory_space<hbm>>
          %dma_wait3A_487 = arith.constant 0 : i32
          %dma_wait3A_488 = arith.constant 0 : i32
          %dma_wait3A_489 = tpu.memref_slice %arg4[%dma_wait3A_487, %dma_wait3A_488] : memref<320000x128xf32, #tpu.memory_space<hbm>> -> memref<128x128xf32, #tpu.memory_space<hbm>>
          tpu.wait_dma2 semaphore(%arg47 : memref<!tpu.dma_semaphore, #tpu.memory_space<semaphore_mem>>) src(%arg26 : memref<128x128xf32, #tpu.memory_space<vmem>>) dst(%dma_wait3A_489 : memref<128x128xf32, #tpu.memory_space<hbm>>)
        } else {
        }
        %dma_start3A = arith.constant 0 : i32
        %dma_start3A_476 = arith.constant 0 : i32
        %dma_start3A_477 = tpu.memref_slice %arg5[%dma_start3A, %dma_start3A_476] : memref<126x128xf32, #tpu.memory_space<vmem_shared>> -> memref<126x128xf32, #tpu.memory_space<vmem_shared>>
        tpu.enqueue_indirect_dma source(%dma_start3A_477 : memref<126x128xf32, #tpu.memory_space<vmem_shared>>) target(%arg26 : memref<128x128xf32, #tpu.memory_space<vmem>>) offsets(%arg19 : memref<128xi32, #tpu.memory_space<vmem>>) semaphore(%arg40 : memref<!tpu.dma_semaphore, #tpu.memory_space<semaphore_mem>>)
        %add3A_478 = arith.constant 2 : i32
        %add3A_479 = arith.addi %add3A_186, %add3A_478 : i32
        %lt3A_480 = arith.cmpi slt, %add3A_479, %add3A_6 : i32
        %convert_element_type3A_481 = arith.extui %lt3A_480 : i1 to i32
        %cond3A_482 = arith.constant 0 : i32
        %cond3A_483 = arith.cmpi ne, %convert_element_type3A_481, %cond3A_482 : i32
        scf.if %cond3A_483 {
          %add3A_484 = arith.constant 2 : i32
          %add3A_485 = arith.addi %add3A_186, %add3A_484 : i32
          %mul3A_486 = arith.constant 32 : i32
          %mul3A_487 = arith.muli %add3A_485, %mul3A_486 : i32
          %add3A_488 = arith.addi %add3A, %mul3A_487 : i32
          %mul3A_489 = arith.constant 128 : i32
          %mul3A_490 = arith.muli %add3A_488, %mul3A_489 : i32
          %add3A_491 = arith.constant 0 : i32
          %add3A_492 = arith.addi %add3A_491, %mul3A_490 : i32
          %multiple_of3A = tpu.assume_multiple %add3A_492, 8 : i32
          %dma_start3A_493 = arith.constant 0 : i32
          %dma_start3A_494 = tpu.memref_slice %arg7[%dma_start3A_493] : memref<384xi32, #tpu.memory_space<vmem>> -> memref<128xi32, #tpu.memory_space<vmem>>
          %dma_start3A_495 = tpu.memref_slice %arg2[%multiple_of3A] : memref<960000xi32, #tpu.memory_space<hbm>> -> memref<128xi32, #tpu.memory_space<hbm>>
          %dma_start3A_496 = arith.constant 0 : i32
          %dma_start3A_497 = tpu.memref_slice %arg7[%dma_start3A_496] : memref<384xi32, #tpu.memory_space<vmem>> -> memref<128xi32, #tpu.memory_space<vmem>>
          %dma_start3A_498 = tpu.memref_slice %arg2[%multiple_of3A] : memref<960000xi32, #tpu.memory_space<hbm>> -> memref<128xi32, #tpu.memory_space<hbm>>
          tpu.enqueue_dma source(%dma_start3A_498 : memref<128xi32, #tpu.memory_space<hbm>>) target(%dma_start3A_497 : memref<128xi32, #tpu.memory_space<vmem>>) target_semaphore(%arg28 : memref<!tpu.dma_semaphore, #tpu.memory_space<semaphore_mem>>)
          %add3A_499 = arith.constant 320000 : i32
          %add3A_500 = arith.addi %add3A_499, %mul3A_490 : i32
          %multiple_of3A_501 = tpu.assume_multiple %add3A_500, 8 : i32
          %dma_start3A_502 = arith.constant 128 : i32
          %dma_start3A_503 = tpu.memref_slice %arg7[%dma_start3A_502] : memref<384xi32, #tpu.memory_space<vmem>> -> memref<128xi32, #tpu.memory_space<vmem>>
          %dma_start3A_504 = tpu.memref_slice %arg2[%multiple_of3A_501] : memref<960000xi32, #tpu.memory_space<hbm>> -> memref<128xi32, #tpu.memory_space<hbm>>
          %dma_start3A_505 = arith.constant 128 : i32
          %dma_start3A_506 = tpu.memref_slice %arg7[%dma_start3A_505] : memref<384xi32, #tpu.memory_space<vmem>> -> memref<128xi32, #tpu.memory_space<vmem>>
          %dma_start3A_507 = tpu.memref_slice %arg2[%multiple_of3A_501] : memref<960000xi32, #tpu.memory_space<hbm>> -> memref<128xi32, #tpu.memory_space<hbm>>
          tpu.enqueue_dma source(%dma_start3A_507 : memref<128xi32, #tpu.memory_space<hbm>>) target(%dma_start3A_506 : memref<128xi32, #tpu.memory_space<vmem>>) target_semaphore(%arg28 : memref<!tpu.dma_semaphore, #tpu.memory_space<semaphore_mem>>)
          %add3A_508 = arith.constant 640000 : i32
          %add3A_509 = arith.addi %add3A_508, %mul3A_490 : i32
          %multiple_of3A_510 = tpu.assume_multiple %add3A_509, 8 : i32
          %dma_start3A_511 = arith.constant 256 : i32
          %dma_start3A_512 = tpu.memref_slice %arg7[%dma_start3A_511] : memref<384xi32, #tpu.memory_space<vmem>> -> memref<128xi32, #tpu.memory_space<vmem>>
          %dma_start3A_513 = tpu.memref_slice %arg2[%multiple_of3A_510] : memref<960000xi32, #tpu.memory_space<hbm>> -> memref<128xi32, #tpu.memory_space<hbm>>
          %dma_start3A_514 = arith.constant 256 : i32
          %dma_start3A_515 = tpu.memref_slice %arg7[%dma_start3A_514] : memref<384xi32, #tpu.memory_space<vmem>> -> memref<128xi32, #tpu.memory_space<vmem>>
          %dma_start3A_516 = tpu.memref_slice %arg2[%multiple_of3A_510] : memref<960000xi32, #tpu.memory_space<hbm>> -> memref<128xi32, #tpu.memory_space<hbm>>
          tpu.enqueue_dma source(%dma_start3A_516 : memref<128xi32, #tpu.memory_space<hbm>>) target(%dma_start3A_515 : memref<128xi32, #tpu.memory_space<vmem>>) target_semaphore(%arg28 : memref<!tpu.dma_semaphore, #tpu.memory_space<semaphore_mem>>)
        } else {
        }
      } else {
      }
    }
    %while3A_46 = arith.constant 1 : i32
    scf.for %while3A_82 = %while3A_44 to %while3A_40 step %while3A_46  : i32 {
      %mul3A_83 = arith.constant 7 : i32
      %mul3A_84 = arith.muli %while3A_82, %mul3A_83 : i32
      %add3A_85 = arith.constant 0 : i32
      %add3A_86 = arith.addi %mul3A_84, %add3A_85 : i32
      %ge3A = arith.constant 3 : i32
      %ge3A_87 = arith.cmpi sge, %add3A_86, %ge3A : i32
      %add3A_88 = arith.constant 2 : i32
      %add3A_89 = arith.addi %add3A_6, %add3A_88 : i32
      %le3A = arith.cmpi sle, %add3A_86, %add3A_89 : i32
      %and3A_90 = arith.andi %ge3A_87, %le3A : i1
      %convert_element_type3A_91 = arith.extui %and3A_90 : i1 to i32
      %cond3A_92 = arith.constant 0 : i32
      %cond3A_93 = arith.cmpi ne, %convert_element_type3A_91, %cond3A_92 : i32
      scf.if %cond3A_93 {
        %dma_wait3A = arith.constant 0 : i32
        %dma_wait3A_200 = arith.constant 0 : i32
        %dma_wait3A_201 = tpu.memref_slice %arg5[%dma_wait3A, %dma_wait3A_200] : memref<126x128xf32, #tpu.memory_space<vmem_shared>> -> memref<126x128xf32, #tpu.memory_space<vmem_shared>>
        tpu.wait_indirect_dma semaphore(%arg38 : memref<!tpu.dma_semaphore, #tpu.memory_space<semaphore_mem>>) src(%dma_wait3A_201 : memref<126x128xf32, #tpu.memory_space<vmem_shared>>) dst(%arg24 : memref<128x128xf32, #tpu.memory_space<vmem>>)
        %sub3A_202 = arith.constant 3 : i32
        %sub3A_203 = arith.subi %add3A_86, %sub3A_202 : i32
        %mul3A_204 = arith.constant 32 : i32
        %mul3A_205 = arith.muli %sub3A_203, %mul3A_204 : i32
        %add3A_206 = arith.addi %add3A, %mul3A_205 : i32
        %mul3A_207 = arith.constant 128 : i32
        %mul3A_208 = arith.muli %add3A_206, %mul3A_207 : i32
        %dma_start3A = arith.constant 0 : i32
        %dma_start3A_209 = tpu.memref_slice %arg4[%mul3A_208, %dma_start3A] : memref<320000x128xf32, #tpu.memory_space<hbm>> -> memref<128x128xf32, #tpu.memory_space<hbm>>
        %dma_start3A_210 = arith.constant 0 : i32
        %dma_start3A_211 = tpu.memref_slice %arg4[%mul3A_208, %dma_start3A_210] : memref<320000x128xf32, #tpu.memory_space<hbm>> -> memref<128x128xf32, #tpu.memory_space<hbm>>
        tpu.enqueue_dma source(%arg24 : memref<128x128xf32, #tpu.memory_space<vmem>>) target(%dma_start3A_211 : memref<128x128xf32, #tpu.memory_space<hbm>>) target_semaphore(%arg45 : memref<!tpu.dma_semaphore, #tpu.memory_space<semaphore_mem>>)
      } else {
      }
      %lt3A_94 = arith.cmpi slt, %add3A_86, %add3A_6 : i32
      %convert_element_type3A_95 = arith.extui %lt3A_94 : i1 to i32
      %cond3A_96 = arith.constant 0 : i32
      %cond3A_97 = arith.cmpi ne, %convert_element_type3A_95, %cond3A_96 : i32
      scf.if %cond3A_97 {
        %dma_wait3A = arith.constant 0 : i32
        %dma_wait3A_200 = tpu.memref_slice %arg2[%dma_wait3A] : memref<960000xi32, #tpu.memory_space<hbm>> -> memref<384xi32, #tpu.memory_space<hbm>>
        %dma_wait3A_201 = arith.constant 0 : i32
        %dma_wait3A_202 = tpu.memref_slice %arg2[%dma_wait3A_201] : memref<960000xi32, #tpu.memory_space<hbm>> -> memref<384xi32, #tpu.memory_space<hbm>>
        tpu.wait_dma2 semaphore(%arg27 : memref<!tpu.dma_semaphore, #tpu.memory_space<semaphore_mem>>) src(%dma_wait3A_202 : memref<384xi32, #tpu.memory_space<hbm>>) dst(%arg6 : memref<384xi32, #tpu.memory_space<vmem>>)
        %get3A = arith.constant 0 : index
        %get3A_203 = tpu.vector_load %arg6[%get3A] {strides = array<i32>} : memref<384xi32, #tpu.memory_space<vmem>>, vector<16xi32>,
        %get3A_204 = arith.constant 128 : index
        %get3A_205 = tpu.vector_load %arg6[%get3A_204] {strides = array<i32>} : memref<384xi32, #tpu.memory_space<vmem>>, vector<16xi32>,
        %get3A_206 = arith.constant 256 : index
        %get3A_207 = tpu.vector_load %arg6[%get3A_206] {strides = array<i32>} : memref<384xi32, #tpu.memory_space<vmem>>, vector<16xi32>,
        %jit3A_208 = arith.constant 0 : i32
        %jit3A_209 = arith.constant 5 : i32
        %max3A = vector.broadcast %jit3A_208 : i32 to vector<16xi32>
        %max3A_210 = arith.maxsi %max3A, %get3A_203 : vector<16xi32>
        %min3A = vector.broadcast %jit3A_209 : i32 to vector<16xi32>
        %min3A_211 = arith.minsi %min3A, %max3A_210 : vector<16xi32>
        %jit3A_212 = arith.constant 0 : i32
        %jit3A_213 = arith.constant 6 : i32
        %max3A_214 = vector.broadcast %jit3A_212 : i32 to vector<16xi32>
        %max3A_215 = arith.maxsi %max3A_214, %get3A_205 : vector<16xi32>
        %min3A_216 = vector.broadcast %jit3A_213 : i32 to vector<16xi32>
        %min3A_217 = arith.minsi %min3A_216, %max3A_215 : vector<16xi32>
        %jit3A_218 = arith.constant 0 : i32
        %jit3A_219 = arith.constant 2 : i32
        %max3A_220 = vector.broadcast %jit3A_218 : i32 to vector<16xi32>
        %max3A_221 = arith.maxsi %max3A_220, %get3A_207 : vector<16xi32>
        %min3A_222 = vector.broadcast %jit3A_219 : i32 to vector<16xi32>
        %min3A_223 = arith.minsi %min3A_222, %max3A_221 : vector<16xi32>
        %mul3A_224 = arith.constant 7 : i32
        %mul3A_225 = vector.broadcast %mul3A_224 : i32 to vector<16xi32>
        %mul3A_226 = arith.muli %min3A_211, %mul3A_225 : vector<16xi32>
        %add3A_227 = arith.addi %mul3A_226, %min3A_217 : vector<16xi32>
        %mul3A_228 = arith.constant 3 : i32
        %mul3A_229 = vector.broadcast %mul3A_228 : i32 to vector<16xi32>
        %mul3A_230 = arith.muli %add3A_227, %mul3A_229 : vector<16xi32>
        %add3A_231 = arith.addi %mul3A_230, %min3A_223 : vector<16xi32>
        %swap3A = arith.constant 0 : index
        %swap3A_232 = tpu.vector_load %arg13[%swap3A] {strides = array<i32>} : memref<128xi32, #tpu.memory_space<vmem>>, vector<16xi32>,
        tpu.vector_store %arg13[%swap3A], %add3A_231 {strides = array<i32>} : memref<128xi32, #tpu.memory_space<vmem>>, vector<16xi32>,
        %get3A_233 = arith.constant 16 : index
        %get3A_234 = tpu.vector_load %arg6[%get3A_233] {strides = array<i32>} : memref<384xi32, #tpu.memory_space<vmem>>, vector<16xi32>,
        %get3A_235 = arith.constant 144 : index
        %get3A_236 = tpu.vector_load %arg6[%get3A_235] {strides = array<i32>} : memref<384xi32, #tpu.memory_space<vmem>>, vector<16xi32>,
        %get3A_237 = arith.constant 272 : index
        %get3A_238 = tpu.vector_load %arg6[%get3A_237] {strides = array<i32>} : memref<384xi32, #tpu.memory_space<vmem>>, vector<16xi32>,
        %jit3A_239 = arith.constant 0 : i32
        %jit3A_240 = arith.constant 5 : i32
        %max3A_241 = vector.broadcast %jit3A_239 : i32 to vector<16xi32>
        %max3A_242 = arith.maxsi %max3A_241, %get3A_234 : vector<16xi32>
        %min3A_243 = vector.broadcast %jit3A_240 : i32 to vector<16xi32>
        %min3A_244 = arith.minsi %min3A_243, %max3A_242 : vector<16xi32>
        %jit3A_245 = arith.constant 0 : i32
        %jit3A_246 = arith.constant 6 : i32
        %max3A_247 = vector.broadcast %jit3A_245 : i32 to vector<16xi32>
        %max3A_248 = arith.maxsi %max3A_247, %get3A_236 : vector<16xi32>
        %min3A_249 = vector.broadcast %jit3A_246 : i32 to vector<16xi32>
        %min3A_250 = arith.minsi %min3A_249, %max3A_248 : vector<16xi32>
        %jit3A_251 = arith.constant 0 : i32
        %jit3A_252 = arith.constant 2 : i32
        %max3A_253 = vector.broadcast %jit3A_251 : i32 to vector<16xi32>
        %max3A_254 = arith.maxsi %max3A_253, %get3A_238 : vector<16xi32>
        %min3A_255 = vector.broadcast %jit3A_252 : i32 to vector<16xi32>
        %min3A_256 = arith.minsi %min3A_255, %max3A_254 : vector<16xi32>
        %mul3A_257 = arith.constant 7 : i32
        %mul3A_258 = vector.broadcast %mul3A_257 : i32 to vector<16xi32>
        %mul3A_259 = arith.muli %min3A_244, %mul3A_258 : vector<16xi32>
        %add3A_260 = arith.addi %mul3A_259, %min3A_250 : vector<16xi32>
        %mul3A_261 = arith.constant 3 : i32
        %mul3A_262 = vector.broadcast %mul3A_261 : i32 to vector<16xi32>
        %mul3A_263 = arith.muli %add3A_260, %mul3A_262 : vector<16xi32>
        %add3A_264 = arith.addi %mul3A_263, %min3A_256 : vector<16xi32>
        %swap3A_265 = arith.constant 16 : index
        %swap3A_266 = tpu.vector_load %arg13[%swap3A_265] {strides = array<i32>} : memref<128xi32, #tpu.memory_space<vmem>>, vector<16xi32>,
        tpu.vector_store %arg13[%swap3A_265], %add3A_264 {strides = array<i32>} : memref<128xi32, #tpu.memory_space<vmem>>, vector<16xi32>,
        %get3A_267 = arith.constant 32 : index
        %get3A_268 = tpu.vector_load %arg6[%get3A_267] {strides = array<i32>} : memref<384xi32, #tpu.memory_space<vmem>>, vector<16xi32>,
        %get3A_269 = arith.constant 160 : index
        %get3A_270 = tpu.vector_load %arg6[%get3A_269] {strides = array<i32>} : memref<384xi32, #tpu.memory_space<vmem>>, vector<16xi32>,
        %get3A_271 = arith.constant 288 : index
        %get3A_272 = tpu.vector_load %arg6[%get3A_271] {strides = array<i32>} : memref<384xi32, #tpu.memory_space<vmem>>, vector<16xi32>,
        %jit3A_273 = arith.constant 0 : i32
        %jit3A_274 = arith.constant 5 : i32
        %max3A_275 = vector.broadcast %jit3A_273 : i32 to vector<16xi32>
        %max3A_276 = arith.maxsi %max3A_275, %get3A_268 : vector<16xi32>
        %min3A_277 = vector.broadcast %jit3A_274 : i32 to vector<16xi32>
        %min3A_278 = arith.minsi %min3A_277, %max3A_276 : vector<16xi32>
        %jit3A_279 = arith.constant 0 : i32
        %jit3A_280 = arith.constant 6 : i32
        %max3A_281 = vector.broadcast %jit3A_279 : i32 to vector<16xi32>
        %max3A_282 = arith.maxsi %max3A_281, %get3A_270 : vector<16xi32>
        %min3A_283 = vector.broadcast %jit3A_280 : i32 to vector<16xi32>
        %min3A_284 = arith.minsi %min3A_283, %max3A_282 : vector<16xi32>
        %jit3A_285 = arith.constant 0 : i32
        %jit3A_286 = arith.constant 2 : i32
        %max3A_287 = vector.broadcast %jit3A_285 : i32 to vector<16xi32>
        %max3A_288 = arith.maxsi %max3A_287, %get3A_272 : vector<16xi32>
        %min3A_289 = vector.broadcast %jit3A_286 : i32 to vector<16xi32>
        %min3A_290 = arith.minsi %min3A_289, %max3A_288 : vector<16xi32>
        %mul3A_291 = arith.constant 7 : i32
        %mul3A_292 = vector.broadcast %mul3A_291 : i32 to vector<16xi32>
        %mul3A_293 = arith.muli %min3A_278, %mul3A_292 : vector<16xi32>
        %add3A_294 = arith.addi %mul3A_293, %min3A_284 : vector<16xi32>
        %mul3A_295 = arith.constant 3 : i32
        %mul3A_296 = vector.broadcast %mul3A_295 : i32 to vector<16xi32>
        %mul3A_297 = arith.muli %add3A_294, %mul3A_296 : vector<16xi32>
        %add3A_298 = arith.addi %mul3A_297, %min3A_290 : vector<16xi32>
        %swap3A_299 = arith.constant 32 : index
        %swap3A_300 = tpu.vector_load %arg13[%swap3A_299] {strides = array<i32>} : memref<128xi32, #tpu.memory_space<vmem>>, vector<16xi32>,
        tpu.vector_store %arg13[%swap3A_299], %add3A_298 {strides = array<i32>} : memref<128xi32, #tpu.memory_space<vmem>>, vector<16xi32>,
        %get3A_301 = arith.constant 48 : index
        %get3A_302 = tpu.vector_load %arg6[%get3A_301] {strides = array<i32>} : memref<384xi32, #tpu.memory_space<vmem>>, vector<16xi32>,
        %get3A_303 = arith.constant 176 : index
        %get3A_304 = tpu.vector_load %arg6[%get3A_303] {strides = array<i32>} : memref<384xi32, #tpu.memory_space<vmem>>, vector<16xi32>,
        %get3A_305 = arith.constant 304 : index
        %get3A_306 = tpu.vector_load %arg6[%get3A_305] {strides = array<i32>} : memref<384xi32, #tpu.memory_space<vmem>>, vector<16xi32>,
        %jit3A_307 = arith.constant 0 : i32
        %jit3A_308 = arith.constant 5 : i32
        %max3A_309 = vector.broadcast %jit3A_307 : i32 to vector<16xi32>
        %max3A_310 = arith.maxsi %max3A_309, %get3A_302 : vector<16xi32>
        %min3A_311 = vector.broadcast %jit3A_308 : i32 to vector<16xi32>
        %min3A_312 = arith.minsi %min3A_311, %max3A_310 : vector<16xi32>
        %jit3A_313 = arith.constant 0 : i32
        %jit3A_314 = arith.constant 6 : i32
        %max3A_315 = vector.broadcast %jit3A_313 : i32 to vector<16xi32>
        %max3A_316 = arith.maxsi %max3A_315, %get3A_304 : vector<16xi32>
        %min3A_317 = vector.broadcast %jit3A_314 : i32 to vector<16xi32>
        %min3A_318 = arith.minsi %min3A_317, %max3A_316 : vector<16xi32>
        %jit3A_319 = arith.constant 0 : i32
        %jit3A_320 = arith.constant 2 : i32
        %max3A_321 = vector.broadcast %jit3A_319 : i32 to vector<16xi32>
        %max3A_322 = arith.maxsi %max3A_321, %get3A_306 : vector<16xi32>
        %min3A_323 = vector.broadcast %jit3A_320 : i32 to vector<16xi32>
        %min3A_324 = arith.minsi %min3A_323, %max3A_322 : vector<16xi32>
        %mul3A_325 = arith.constant 7 : i32
        %mul3A_326 = vector.broadcast %mul3A_325 : i32 to vector<16xi32>
        %mul3A_327 = arith.muli %min3A_312, %mul3A_326 : vector<16xi32>
        %add3A_328 = arith.addi %mul3A_327, %min3A_318 : vector<16xi32>
        %mul3A_329 = arith.constant 3 : i32
        %mul3A_330 = vector.broadcast %mul3A_329 : i32 to vector<16xi32>
        %mul3A_331 = arith.muli %add3A_328, %mul3A_330 : vector<16xi32>
        %add3A_332 = arith.addi %mul3A_331, %min3A_324 : vector<16xi32>
        %swap3A_333 = arith.constant 48 : index
        %swap3A_334 = tpu.vector_load %arg13[%swap3A_333] {strides = array<i32>} : memref<128xi32, #tpu.memory_space<vmem>>, vector<16xi32>,
        tpu.vector_store %arg13[%swap3A_333], %add3A_332 {strides = array<i32>} : memref<128xi32, #tpu.memory_space<vmem>>, vector<16xi32>,
        %get3A_335 = arith.constant 64 : index
        %get3A_336 = tpu.vector_load %arg6[%get3A_335] {strides = array<i32>} : memref<384xi32, #tpu.memory_space<vmem>>, vector<16xi32>,
        %get3A_337 = arith.constant 192 : index
        %get3A_338 = tpu.vector_load %arg6[%get3A_337] {strides = array<i32>} : memref<384xi32, #tpu.memory_space<vmem>>, vector<16xi32>,
        %get3A_339 = arith.constant 320 : index
        %get3A_340 = tpu.vector_load %arg6[%get3A_339] {strides = array<i32>} : memref<384xi32, #tpu.memory_space<vmem>>, vector<16xi32>,
        %jit3A_341 = arith.constant 0 : i32
        %jit3A_342 = arith.constant 5 : i32
        %max3A_343 = vector.broadcast %jit3A_341 : i32 to vector<16xi32>
        %max3A_344 = arith.maxsi %max3A_343, %get3A_336 : vector<16xi32>
        %min3A_345 = vector.broadcast %jit3A_342 : i32 to vector<16xi32>
        %min3A_346 = arith.minsi %min3A_345, %max3A_344 : vector<16xi32>
        %jit3A_347 = arith.constant 0 : i32
        %jit3A_348 = arith.constant 6 : i32
        %max3A_349 = vector.broadcast %jit3A_347 : i32 to vector<16xi32>
        %max3A_350 = arith.maxsi %max3A_349, %get3A_338 : vector<16xi32>
        %min3A_351 = vector.broadcast %jit3A_348 : i32 to vector<16xi32>
        %min3A_352 = arith.minsi %min3A_351, %max3A_350 : vector<16xi32>
        %jit3A_353 = arith.constant 0 : i32
        %jit3A_354 = arith.constant 2 : i32
        %max3A_355 = vector.broadcast %jit3A_353 : i32 to vector<16xi32>
        %max3A_356 = arith.maxsi %max3A_355, %get3A_340 : vector<16xi32>
        %min3A_357 = vector.broadcast %jit3A_354 : i32 to vector<16xi32>
        %min3A_358 = arith.minsi %min3A_357, %max3A_356 : vector<16xi32>
        %mul3A_359 = arith.constant 7 : i32
        %mul3A_360 = vector.broadcast %mul3A_359 : i32 to vector<16xi32>
        %mul3A_361 = arith.muli %min3A_346, %mul3A_360 : vector<16xi32>
        %add3A_362 = arith.addi %mul3A_361, %min3A_352 : vector<16xi32>
        %mul3A_363 = arith.constant 3 : i32
        %mul3A_364 = vector.broadcast %mul3A_363 : i32 to vector<16xi32>
        %mul3A_365 = arith.muli %add3A_362, %mul3A_364 : vector<16xi32>
        %add3A_366 = arith.addi %mul3A_365, %min3A_358 : vector<16xi32>
        %swap3A_367 = arith.constant 64 : index
        %swap3A_368 = tpu.vector_load %arg13[%swap3A_367] {strides = array<i32>} : memref<128xi32, #tpu.memory_space<vmem>>, vector<16xi32>,
        tpu.vector_store %arg13[%swap3A_367], %add3A_366 {strides = array<i32>} : memref<128xi32, #tpu.memory_space<vmem>>, vector<16xi32>,
        %get3A_369 = arith.constant 80 : index
        %get3A_370 = tpu.vector_load %arg6[%get3A_369] {strides = array<i32>} : memref<384xi32, #tpu.memory_space<vmem>>, vector<16xi32>,
        %get3A_371 = arith.constant 208 : index
        %get3A_372 = tpu.vector_load %arg6[%get3A_371] {strides = array<i32>} : memref<384xi32, #tpu.memory_space<vmem>>, vector<16xi32>,
        %get3A_373 = arith.constant 336 : index
        %get3A_374 = tpu.vector_load %arg6[%get3A_373] {strides = array<i32>} : memref<384xi32, #tpu.memory_space<vmem>>, vector<16xi32>,
        %jit3A_375 = arith.constant 0 : i32
        %jit3A_376 = arith.constant 5 : i32
        %max3A_377 = vector.broadcast %jit3A_375 : i32 to vector<16xi32>
        %max3A_378 = arith.maxsi %max3A_377, %get3A_370 : vector<16xi32>
        %min3A_379 = vector.broadcast %jit3A_376 : i32 to vector<16xi32>
        %min3A_380 = arith.minsi %min3A_379, %max3A_378 : vector<16xi32>
        %jit3A_381 = arith.constant 0 : i32
        %jit3A_382 = arith.constant 6 : i32
        %max3A_383 = vector.broadcast %jit3A_381 : i32 to vector<16xi32>
        %max3A_384 = arith.maxsi %max3A_383, %get3A_372 : vector<16xi32>
        %min3A_385 = vector.broadcast %jit3A_382 : i32 to vector<16xi32>
        %min3A_386 = arith.minsi %min3A_385, %max3A_384 : vector<16xi32>
        %jit3A_387 = arith.constant 0 : i32
        %jit3A_388 = arith.constant 2 : i32
        %max3A_389 = vector.broadcast %jit3A_387 : i32 to vector<16xi32>
        %max3A_390 = arith.maxsi %max3A_389, %get3A_374 : vector<16xi32>
        %min3A_391 = vector.broadcast %jit3A_388 : i32 to vector<16xi32>
        %min3A_392 = arith.minsi %min3A_391, %max3A_390 : vector<16xi32>
        %mul3A_393 = arith.constant 7 : i32
        %mul3A_394 = vector.broadcast %mul3A_393 : i32 to vector<16xi32>
        %mul3A_395 = arith.muli %min3A_380, %mul3A_394 : vector<16xi32>
        %add3A_396 = arith.addi %mul3A_395, %min3A_386 : vector<16xi32>
        %mul3A_397 = arith.constant 3 : i32
        %mul3A_398 = vector.broadcast %mul3A_397 : i32 to vector<16xi32>
        %mul3A_399 = arith.muli %add3A_396, %mul3A_398 : vector<16xi32>
        %add3A_400 = arith.addi %mul3A_399, %min3A_392 : vector<16xi32>
        %swap3A_401 = arith.constant 80 : index
        %swap3A_402 = tpu.vector_load %arg13[%swap3A_401] {strides = array<i32>} : memref<128xi32, #tpu.memory_space<vmem>>, vector<16xi32>,
        tpu.vector_store %arg13[%swap3A_401], %add3A_400 {strides = array<i32>} : memref<128xi32, #tpu.memory_space<vmem>>, vector<16xi32>,
        %get3A_403 = arith.constant 96 : index
        %get3A_404 = tpu.vector_load %arg6[%get3A_403] {strides = array<i32>} : memref<384xi32, #tpu.memory_space<vmem>>, vector<16xi32>,
        %get3A_405 = arith.constant 224 : index
        %get3A_406 = tpu.vector_load %arg6[%get3A_405] {strides = array<i32>} : memref<384xi32, #tpu.memory_space<vmem>>, vector<16xi32>,
        %get3A_407 = arith.constant 352 : index
        %get3A_408 = tpu.vector_load %arg6[%get3A_407] {strides = array<i32>} : memref<384xi32, #tpu.memory_space<vmem>>, vector<16xi32>,
        %jit3A_409 = arith.constant 0 : i32
        %jit3A_410 = arith.constant 5 : i32
        %max3A_411 = vector.broadcast %jit3A_409 : i32 to vector<16xi32>
        %max3A_412 = arith.maxsi %max3A_411, %get3A_404 : vector<16xi32>
        %min3A_413 = vector.broadcast %jit3A_410 : i32 to vector<16xi32>
        %min3A_414 = arith.minsi %min3A_413, %max3A_412 : vector<16xi32>
        %jit3A_415 = arith.constant 0 : i32
        %jit3A_416 = arith.constant 6 : i32
        %max3A_417 = vector.broadcast %jit3A_415 : i32 to vector<16xi32>
        %max3A_418 = arith.maxsi %max3A_417, %get3A_406 : vector<16xi32>
        %min3A_419 = vector.broadcast %jit3A_416 : i32 to vector<16xi32>
        %min3A_420 = arith.minsi %min3A_419, %max3A_418 : vector<16xi32>
        %jit3A_421 = arith.constant 0 : i32
        %jit3A_422 = arith.constant 2 : i32
        %max3A_423 = vector.broadcast %jit3A_421 : i32 to vector<16xi32>
        %max3A_424 = arith.maxsi %max3A_423, %get3A_408 : vector<16xi32>
        %min3A_425 = vector.broadcast %jit3A_422 : i32 to vector<16xi32>
        %min3A_426 = arith.minsi %min3A_425, %max3A_424 : vector<16xi32>
        %mul3A_427 = arith.constant 7 : i32
        %mul3A_428 = vector.broadcast %mul3A_427 : i32 to vector<16xi32>
        %mul3A_429 = arith.muli %min3A_414, %mul3A_428 : vector<16xi32>
        %add3A_430 = arith.addi %mul3A_429, %min3A_420 : vector<16xi32>
        %mul3A_431 = arith.constant 3 : i32
        %mul3A_432 = vector.broadcast %mul3A_431 : i32 to vector<16xi32>
        %mul3A_433 = arith.muli %add3A_430, %mul3A_432 : vector<16xi32>
        %add3A_434 = arith.addi %mul3A_433, %min3A_426 : vector<16xi32>
        %swap3A_435 = arith.constant 96 : index
        %swap3A_436 = tpu.vector_load %arg13[%swap3A_435] {strides = array<i32>} : memref<128xi32, #tpu.memory_space<vmem>>, vector<16xi32>,
        tpu.vector_store %arg13[%swap3A_435], %add3A_434 {strides = array<i32>} : memref<128xi32, #tpu.memory_space<vmem>>, vector<16xi32>,
        %get3A_437 = arith.constant 112 : index
        %get3A_438 = tpu.vector_load %arg6[%get3A_437] {strides = array<i32>} : memref<384xi32, #tpu.memory_space<vmem>>, vector<16xi32>,
        %get3A_439 = arith.constant 240 : index
        %get3A_440 = tpu.vector_load %arg6[%get3A_439] {strides = array<i32>} : memref<384xi32, #tpu.memory_space<vmem>>, vector<16xi32>,
        %get3A_441 = arith.constant 368 : index
        %get3A_442 = tpu.vector_load %arg6[%get3A_441] {strides = array<i32>} : memref<384xi32, #tpu.memory_space<vmem>>, vector<16xi32>,
        %jit3A_443 = arith.constant 0 : i32
        %jit3A_444 = arith.constant 5 : i32
        %max3A_445 = vector.broadcast %jit3A_443 : i32 to vector<16xi32>
        %max3A_446 = arith.maxsi %max3A_445, %get3A_438 : vector<16xi32>
        %min3A_447 = vector.broadcast %jit3A_444 : i32 to vector<16xi32>
        %min3A_448 = arith.minsi %min3A_447, %max3A_446 : vector<16xi32>
        %jit3A_449 = arith.constant 0 : i32
        %jit3A_450 = arith.constant 6 : i32
        %max3A_451 = vector.broadcast %jit3A_449 : i32 to vector<16xi32>
        %max3A_452 = arith.maxsi %max3A_451, %get3A_440 : vector<16xi32>
        %min3A_453 = vector.broadcast %jit3A_450 : i32 to vector<16xi32>
        %min3A_454 = arith.minsi %min3A_453, %max3A_452 : vector<16xi32>
        %jit3A_455 = arith.constant 0 : i32
        %jit3A_456 = arith.constant 2 : i32
        %max3A_457 = vector.broadcast %jit3A_455 : i32 to vector<16xi32>
        %max3A_458 = arith.maxsi %max3A_457, %get3A_442 : vector<16xi32>
        %min3A_459 = vector.broadcast %jit3A_456 : i32 to vector<16xi32>
        %min3A_460 = arith.minsi %min3A_459, %max3A_458 : vector<16xi32>
        %mul3A_461 = arith.constant 7 : i32
        %mul3A_462 = vector.broadcast %mul3A_461 : i32 to vector<16xi32>
        %mul3A_463 = arith.muli %min3A_448, %mul3A_462 : vector<16xi32>
        %add3A_464 = arith.addi %mul3A_463, %min3A_454 : vector<16xi32>
        %mul3A_465 = arith.constant 3 : i32
        %mul3A_466 = vector.broadcast %mul3A_465 : i32 to vector<16xi32>
        %mul3A_467 = arith.muli %add3A_464, %mul3A_466 : vector<16xi32>
        %add3A_468 = arith.addi %mul3A_467, %min3A_460 : vector<16xi32>
        %swap3A_469 = arith.constant 112 : index
        %swap3A_470 = tpu.vector_load %arg13[%swap3A_469] {strides = array<i32>} : memref<128xi32, #tpu.memory_space<vmem>>, vector<16xi32>,
        tpu.vector_store %arg13[%swap3A_469], %add3A_468 {strides = array<i32>} : memref<128xi32, #tpu.memory_space<vmem>>, vector<16xi32>,
        %ge3A_471 = arith.constant 7 : i32
        %ge3A_472 = arith.cmpi sge, %add3A_86, %ge3A_471 : i32
        %convert_element_type3A_473 = arith.extui %ge3A_472 : i1 to i32
        %cond3A_474 = arith.constant 0 : i32
        %cond3A_475 = arith.cmpi ne, %convert_element_type3A_473, %cond3A_474 : i32
        scf.if %cond3A_475 {
          %dma_wait3A_484 = arith.constant 0 : i32
          %dma_wait3A_485 = arith.constant 0 : i32
          %dma_wait3A_486 = tpu.memref_slice %arg4[%dma_wait3A_484, %dma_wait3A_485] : memref<320000x128xf32, #tpu.memory_space<hbm>> -> memref<128x128xf32, #tpu.memory_space<hbm>>
          %dma_wait3A_487 = arith.constant 0 : i32
          %dma_wait3A_488 = arith.constant 0 : i32
          %dma_wait3A_489 = tpu.memref_slice %arg4[%dma_wait3A_487, %dma_wait3A_488] : memref<320000x128xf32, #tpu.memory_space<hbm>> -> memref<128x128xf32, #tpu.memory_space<hbm>>
          tpu.wait_dma2 semaphore(%arg41 : memref<!tpu.dma_semaphore, #tpu.memory_space<semaphore_mem>>) src(%arg20 : memref<128x128xf32, #tpu.memory_space<vmem>>) dst(%dma_wait3A_489 : memref<128x128xf32, #tpu.memory_space<hbm>>)
        } else {
        }
        %dma_start3A = arith.constant 0 : i32
        %dma_start3A_476 = arith.constant 0 : i32
        %dma_start3A_477 = tpu.memref_slice %arg5[%dma_start3A, %dma_start3A_476] : memref<126x128xf32, #tpu.memory_space<vmem_shared>> -> memref<126x128xf32, #tpu.memory_space<vmem_shared>>
        tpu.enqueue_indirect_dma source(%dma_start3A_477 : memref<126x128xf32, #tpu.memory_space<vmem_shared>>) target(%arg20 : memref<128x128xf32, #tpu.memory_space<vmem>>) offsets(%arg13 : memref<128xi32, #tpu.memory_space<vmem>>) semaphore(%arg34 : memref<!tpu.dma_semaphore, #tpu.memory_space<semaphore_mem>>)
        %add3A_478 = arith.constant 2 : i32
        %add3A_479 = arith.addi %add3A_86, %add3A_478 : i32
        %lt3A_480 = arith.cmpi slt, %add3A_479, %add3A_6 : i32
        %convert_element_type3A_481 = arith.extui %lt3A_480 : i1 to i32
        %cond3A_482 = arith.constant 0 : i32
        %cond3A_483 = arith.cmpi ne, %convert_element_type3A_481, %cond3A_482 : i32
        scf.if %cond3A_483 {
          %add3A_484 = arith.constant 2 : i32
          %add3A_485 = arith.addi %add3A_86, %add3A_484 : i32
          %mul3A_486 = arith.constant 32 : i32
          %mul3A_487 = arith.muli %add3A_485, %mul3A_486 : i32
          %add3A_488 = arith.addi %add3A, %mul3A_487 : i32
          %mul3A_489 = arith.constant 128 : i32
          %mul3A_490 = arith.muli %add3A_488, %mul3A_489 : i32
          %add3A_491 = arith.constant 0 : i32
          %add3A_492 = arith.addi %add3A_491, %mul3A_490 : i32
          %multiple_of3A = tpu.assume_multiple %add3A_492, 8 : i32
          %dma_start3A_493 = arith.constant 0 : i32
          %dma_start3A_494 = tpu.memref_slice %arg8[%dma_start3A_493] : memref<384xi32, #tpu.memory_space<vmem>> -> memref<128xi32, #tpu.memory_space<vmem>>
          %dma_start3A_495 = tpu.memref_slice %arg2[%multiple_of3A] : memref<960000xi32, #tpu.memory_space<hbm>> -> memref<128xi32, #tpu.memory_space<hbm>>
          %dma_start3A_496 = arith.constant 0 : i32
          %dma_start3A_497 = tpu.memref_slice %arg8[%dma_start3A_496] : memref<384xi32, #tpu.memory_space<vmem>> -> memref<128xi32, #tpu.memory_space<vmem>>
          %dma_start3A_498 = tpu.memref_slice %arg2[%multiple_of3A] : memref<960000xi32, #tpu.memory_space<hbm>> -> memref<128xi32, #tpu.memory_space<hbm>>
          tpu.enqueue_dma source(%dma_start3A_498 : memref<128xi32, #tpu.memory_space<hbm>>) target(%dma_start3A_497 : memref<128xi32, #tpu.memory_space<vmem>>) target_semaphore(%arg29 : memref<!tpu.dma_semaphore, #tpu.memory_space<semaphore_mem>>)
          %add3A_499 = arith.constant 320000 : i32
          %add3A_500 = arith.addi %add3A_499, %mul3A_490 : i32
          %multiple_of3A_501 = tpu.assume_multiple %add3A_500, 8 : i32
          %dma_start3A_502 = arith.constant 128 : i32
          %dma_start3A_503 = tpu.memref_slice %arg8[%dma_start3A_502] : memref<384xi32, #tpu.memory_space<vmem>> -> memref<128xi32, #tpu.memory_space<vmem>>
          %dma_start3A_504 = tpu.memref_slice %arg2[%multiple_of3A_501] : memref<960000xi32, #tpu.memory_space<hbm>> -> memref<128xi32, #tpu.memory_space<hbm>>
          %dma_start3A_505 = arith.constant 128 : i32
          %dma_start3A_506 = tpu.memref_slice %arg8[%dma_start3A_505] : memref<384xi32, #tpu.memory_space<vmem>> -> memref<128xi32, #tpu.memory_space<vmem>>
          %dma_start3A_507 = tpu.memref_slice %arg2[%multiple_of3A_501] : memref<960000xi32, #tpu.memory_space<hbm>> -> memref<128xi32, #tpu.memory_space<hbm>>
          tpu.enqueue_dma source(%dma_start3A_507 : memref<128xi32, #tpu.memory_space<hbm>>) target(%dma_start3A_506 : memref<128xi32, #tpu.memory_space<vmem>>) target_semaphore(%arg29 : memref<!tpu.dma_semaphore, #tpu.memory_space<semaphore_mem>>)
          %add3A_508 = arith.constant 640000 : i32
          %add3A_509 = arith.addi %add3A_508, %mul3A_490 : i32
          %multiple_of3A_510 = tpu.assume_multiple %add3A_509, 8 : i32
          %dma_start3A_511 = arith.constant 256 : i32
          %dma_start3A_512 = tpu.memref_slice %arg8[%dma_start3A_511] : memref<384xi32, #tpu.memory_space<vmem>> -> memref<128xi32, #tpu.memory_space<vmem>>
          %dma_start3A_513 = tpu.memref_slice %arg2[%multiple_of3A_510] : memref<960000xi32, #tpu.memory_space<hbm>> -> memref<128xi32, #tpu.memory_space<hbm>>
          %dma_start3A_514 = arith.constant 256 : i32
          %dma_start3A_515 = tpu.memref_slice %arg8[%dma_start3A_514] : memref<384xi32, #tpu.memory_space<vmem>> -> memref<128xi32, #tpu.memory_space<vmem>>
          %dma_start3A_516 = tpu.memref_slice %arg2[%multiple_of3A_510] : memref<960000xi32, #tpu.memory_space<hbm>> -> memref<128xi32, #tpu.memory_space<hbm>>
          tpu.enqueue_dma source(%dma_start3A_516 : memref<128xi32, #tpu.memory_space<hbm>>) target(%dma_start3A_515 : memref<128xi32, #tpu.memory_space<vmem>>) target_semaphore(%arg29 : memref<!tpu.dma_semaphore, #tpu.memory_space<semaphore_mem>>)
        } else {
        }
      } else {
      }
      %mul3A_98 = arith.constant 7 : i32
      %mul3A_99 = arith.muli %while3A_82, %mul3A_98 : i32
      %add3A_100 = arith.constant 1 : i32
      %add3A_101 = arith.addi %mul3A_99, %add3A_100 : i32
      %ge3A_102 = arith.constant 3 : i32
      %ge3A_103 = arith.cmpi sge, %add3A_101, %ge3A_102 : i32
      %add3A_104 = arith.constant 2 : i32
      %add3A_105 = arith.addi %add3A_6, %add3A_104 : i32
      %le3A_106 = arith.cmpi sle, %add3A_101, %add3A_105 : i32
      %and3A_107 = arith.andi %ge3A_103, %le3A_106 : i1
      %convert_element_type3A_108 = arith.extui %and3A_107 : i1 to i32
      %cond3A_109 = arith.constant 0 : i32
      %cond3A_110 = arith.cmpi ne, %convert_element_type3A_108, %cond3A_109 : i32
      scf.if %cond3A_110 {
        %dma_wait3A = arith.constant 0 : i32
        %dma_wait3A_200 = arith.constant 0 : i32
        %dma_wait3A_201 = tpu.memref_slice %arg5[%dma_wait3A, %dma_wait3A_200] : memref<126x128xf32, #tpu.memory_space<vmem_shared>> -> memref<126x128xf32, #tpu.memory_space<vmem_shared>>
        tpu.wait_indirect_dma semaphore(%arg39 : memref<!tpu.dma_semaphore, #tpu.memory_space<semaphore_mem>>) src(%dma_wait3A_201 : memref<126x128xf32, #tpu.memory_space<vmem_shared>>) dst(%arg25 : memref<128x128xf32, #tpu.memory_space<vmem>>)
        %sub3A_202 = arith.constant 3 : i32
        %sub3A_203 = arith.subi %add3A_101, %sub3A_202 : i32
        %mul3A_204 = arith.constant 32 : i32
        %mul3A_205 = arith.muli %sub3A_203, %mul3A_204 : i32
        %add3A_206 = arith.addi %add3A, %mul3A_205 : i32
        %mul3A_207 = arith.constant 128 : i32
        %mul3A_208 = arith.muli %add3A_206, %mul3A_207 : i32
        %dma_start3A = arith.constant 0 : i32
        %dma_start3A_209 = tpu.memref_slice %arg4[%mul3A_208, %dma_start3A] : memref<320000x128xf32, #tpu.memory_space<hbm>> -> memref<128x128xf32, #tpu.memory_space<hbm>>
        %dma_start3A_210 = arith.constant 0 : i32
        %dma_start3A_211 = tpu.memref_slice %arg4[%mul3A_208, %dma_start3A_210] : memref<320000x128xf32, #tpu.memory_space<hbm>> -> memref<128x128xf32, #tpu.memory_space<hbm>>
        tpu.enqueue_dma source(%arg25 : memref<128x128xf32, #tpu.memory_space<vmem>>) target(%dma_start3A_211 : memref<128x128xf32, #tpu.memory_space<hbm>>) target_semaphore(%arg46 : memref<!tpu.dma_semaphore, #tpu.memory_space<semaphore_mem>>)
      } else {
      }
      %lt3A_111 = arith.cmpi slt, %add3A_101, %add3A_6 : i32
      %convert_element_type3A_112 = arith.extui %lt3A_111 : i1 to i32
      %cond3A_113 = arith.constant 0 : i32
      %cond3A_114 = arith.cmpi ne, %convert_element_type3A_112, %cond3A_113 : i32
      scf.if %cond3A_114 {
        %dma_wait3A = arith.constant 0 : i32
        %dma_wait3A_200 = tpu.memref_slice %arg2[%dma_wait3A] : memref<960000xi32, #tpu.memory_space<hbm>> -> memref<384xi32, #tpu.memory_space<hbm>>
        %dma_wait3A_201 = arith.constant 0 : i32
        %dma_wait3A_202 = tpu.memref_slice %arg2[%dma_wait3A_201] : memref<960000xi32, #tpu.memory_space<hbm>> -> memref<384xi32, #tpu.memory_space<hbm>>
        tpu.wait_dma2 semaphore(%arg28 : memref<!tpu.dma_semaphore, #tpu.memory_space<semaphore_mem>>) src(%dma_wait3A_202 : memref<384xi32, #tpu.memory_space<hbm>>) dst(%arg7 : memref<384xi32, #tpu.memory_space<vmem>>)
        %get3A = arith.constant 0 : index
        %get3A_203 = tpu.vector_load %arg7[%get3A] {strides = array<i32>} : memref<384xi32, #tpu.memory_space<vmem>>, vector<16xi32>,
        %get3A_204 = arith.constant 128 : index
        %get3A_205 = tpu.vector_load %arg7[%get3A_204] {strides = array<i32>} : memref<384xi32, #tpu.memory_space<vmem>>, vector<16xi32>,
        %get3A_206 = arith.constant 256 : index
        %get3A_207 = tpu.vector_load %arg7[%get3A_206] {strides = array<i32>} : memref<384xi32, #tpu.memory_space<vmem>>, vector<16xi32>,
        %jit3A_208 = arith.constant 0 : i32
        %jit3A_209 = arith.constant 5 : i32
        %max3A = vector.broadcast %jit3A_208 : i32 to vector<16xi32>
        %max3A_210 = arith.maxsi %max3A, %get3A_203 : vector<16xi32>
        %min3A = vector.broadcast %jit3A_209 : i32 to vector<16xi32>
        %min3A_211 = arith.minsi %min3A, %max3A_210 : vector<16xi32>
        %jit3A_212 = arith.constant 0 : i32
        %jit3A_213 = arith.constant 6 : i32
        %max3A_214 = vector.broadcast %jit3A_212 : i32 to vector<16xi32>
        %max3A_215 = arith.maxsi %max3A_214, %get3A_205 : vector<16xi32>
        %min3A_216 = vector.broadcast %jit3A_213 : i32 to vector<16xi32>
        %min3A_217 = arith.minsi %min3A_216, %max3A_215 : vector<16xi32>
        %jit3A_218 = arith.constant 0 : i32
        %jit3A_219 = arith.constant 2 : i32
        %max3A_220 = vector.broadcast %jit3A_218 : i32 to vector<16xi32>
        %max3A_221 = arith.maxsi %max3A_220, %get3A_207 : vector<16xi32>
        %min3A_222 = vector.broadcast %jit3A_219 : i32 to vector<16xi32>
        %min3A_223 = arith.minsi %min3A_222, %max3A_221 : vector<16xi32>
        %mul3A_224 = arith.constant 7 : i32
        %mul3A_225 = vector.broadcast %mul3A_224 : i32 to vector<16xi32>
        %mul3A_226 = arith.muli %min3A_211, %mul3A_225 : vector<16xi32>
        %add3A_227 = arith.addi %mul3A_226, %min3A_217 : vector<16xi32>
        %mul3A_228 = arith.constant 3 : i32
        %mul3A_229 = vector.broadcast %mul3A_228 : i32 to vector<16xi32>
        %mul3A_230 = arith.muli %add3A_227, %mul3A_229 : vector<16xi32>
        %add3A_231 = arith.addi %mul3A_230, %min3A_223 : vector<16xi32>
        %swap3A = arith.constant 0 : index
        %swap3A_232 = tpu.vector_load %arg14[%swap3A] {strides = array<i32>} : memref<128xi32, #tpu.memory_space<vmem>>, vector<16xi32>,
        tpu.vector_store %arg14[%swap3A], %add3A_231 {strides = array<i32>} : memref<128xi32, #tpu.memory_space<vmem>>, vector<16xi32>,
        %get3A_233 = arith.constant 16 : index
        %get3A_234 = tpu.vector_load %arg7[%get3A_233] {strides = array<i32>} : memref<384xi32, #tpu.memory_space<vmem>>, vector<16xi32>,
        %get3A_235 = arith.constant 144 : index
        %get3A_236 = tpu.vector_load %arg7[%get3A_235] {strides = array<i32>} : memref<384xi32, #tpu.memory_space<vmem>>, vector<16xi32>,
        %get3A_237 = arith.constant 272 : index
        %get3A_238 = tpu.vector_load %arg7[%get3A_237] {strides = array<i32>} : memref<384xi32, #tpu.memory_space<vmem>>, vector<16xi32>,
        %jit3A_239 = arith.constant 0 : i32
        %jit3A_240 = arith.constant 5 : i32
        %max3A_241 = vector.broadcast %jit3A_239 : i32 to vector<16xi32>
        %max3A_242 = arith.maxsi %max3A_241, %get3A_234 : vector<16xi32>
        %min3A_243 = vector.broadcast %jit3A_240 : i32 to vector<16xi32>
        %min3A_244 = arith.minsi %min3A_243, %max3A_242 : vector<16xi32>
        %jit3A_245 = arith.constant 0 : i32
        %jit3A_246 = arith.constant 6 : i32
        %max3A_247 = vector.broadcast %jit3A_245 : i32 to vector<16xi32>
        %max3A_248 = arith.maxsi %max3A_247, %get3A_236 : vector<16xi32>
        %min3A_249 = vector.broadcast %jit3A_246 : i32 to vector<16xi32>
        %min3A_250 = arith.minsi %min3A_249, %max3A_248 : vector<16xi32>
        %jit3A_251 = arith.constant 0 : i32
        %jit3A_252 = arith.constant 2 : i32
        %max3A_253 = vector.broadcast %jit3A_251 : i32 to vector<16xi32>
        %max3A_254 = arith.maxsi %max3A_253, %get3A_238 : vector<16xi32>
        %min3A_255 = vector.broadcast %jit3A_252 : i32 to vector<16xi32>
        %min3A_256 = arith.minsi %min3A_255, %max3A_254 : vector<16xi32>
        %mul3A_257 = arith.constant 7 : i32
        %mul3A_258 = vector.broadcast %mul3A_257 : i32 to vector<16xi32>
        %mul3A_259 = arith.muli %min3A_244, %mul3A_258 : vector<16xi32>
        %add3A_260 = arith.addi %mul3A_259, %min3A_250 : vector<16xi32>
        %mul3A_261 = arith.constant 3 : i32
        %mul3A_262 = vector.broadcast %mul3A_261 : i32 to vector<16xi32>
        %mul3A_263 = arith.muli %add3A_260, %mul3A_262 : vector<16xi32>
        %add3A_264 = arith.addi %mul3A_263, %min3A_256 : vector<16xi32>
        %swap3A_265 = arith.constant 16 : index
        %swap3A_266 = tpu.vector_load %arg14[%swap3A_265] {strides = array<i32>} : memref<128xi32, #tpu.memory_space<vmem>>, vector<16xi32>,
        tpu.vector_store %arg14[%swap3A_265], %add3A_264 {strides = array<i32>} : memref<128xi32, #tpu.memory_space<vmem>>, vector<16xi32>,
        %get3A_267 = arith.constant 32 : index
        %get3A_268 = tpu.vector_load %arg7[%get3A_267] {strides = array<i32>} : memref<384xi32, #tpu.memory_space<vmem>>, vector<16xi32>,
        %get3A_269 = arith.constant 160 : index
        %get3A_270 = tpu.vector_load %arg7[%get3A_269] {strides = array<i32>} : memref<384xi32, #tpu.memory_space<vmem>>, vector<16xi32>,
        %get3A_271 = arith.constant 288 : index
        %get3A_272 = tpu.vector_load %arg7[%get3A_271] {strides = array<i32>} : memref<384xi32, #tpu.memory_space<vmem>>, vector<16xi32>,
        %jit3A_273 = arith.constant 0 : i32
        %jit3A_274 = arith.constant 5 : i32
        %max3A_275 = vector.broadcast %jit3A_273 : i32 to vector<16xi32>
        %max3A_276 = arith.maxsi %max3A_275, %get3A_268 : vector<16xi32>
        %min3A_277 = vector.broadcast %jit3A_274 : i32 to vector<16xi32>
        %min3A_278 = arith.minsi %min3A_277, %max3A_276 : vector<16xi32>
        %jit3A_279 = arith.constant 0 : i32
        %jit3A_280 = arith.constant 6 : i32
        %max3A_281 = vector.broadcast %jit3A_279 : i32 to vector<16xi32>
        %max3A_282 = arith.maxsi %max3A_281, %get3A_270 : vector<16xi32>
        %min3A_283 = vector.broadcast %jit3A_280 : i32 to vector<16xi32>
        %min3A_284 = arith.minsi %min3A_283, %max3A_282 : vector<16xi32>
        %jit3A_285 = arith.constant 0 : i32
        %jit3A_286 = arith.constant 2 : i32
        %max3A_287 = vector.broadcast %jit3A_285 : i32 to vector<16xi32>
        %max3A_288 = arith.maxsi %max3A_287, %get3A_272 : vector<16xi32>
        %min3A_289 = vector.broadcast %jit3A_286 : i32 to vector<16xi32>
        %min3A_290 = arith.minsi %min3A_289, %max3A_288 : vector<16xi32>
        %mul3A_291 = arith.constant 7 : i32
        %mul3A_292 = vector.broadcast %mul3A_291 : i32 to vector<16xi32>
        %mul3A_293 = arith.muli %min3A_278, %mul3A_292 : vector<16xi32>
        %add3A_294 = arith.addi %mul3A_293, %min3A_284 : vector<16xi32>
        %mul3A_295 = arith.constant 3 : i32
        %mul3A_296 = vector.broadcast %mul3A_295 : i32 to vector<16xi32>
        %mul3A_297 = arith.muli %add3A_294, %mul3A_296 : vector<16xi32>
        %add3A_298 = arith.addi %mul3A_297, %min3A_290 : vector<16xi32>
        %swap3A_299 = arith.constant 32 : index
        %swap3A_300 = tpu.vector_load %arg14[%swap3A_299] {strides = array<i32>} : memref<128xi32, #tpu.memory_space<vmem>>, vector<16xi32>,
        tpu.vector_store %arg14[%swap3A_299], %add3A_298 {strides = array<i32>} : memref<128xi32, #tpu.memory_space<vmem>>, vector<16xi32>,
        %get3A_301 = arith.constant 48 : index
        %get3A_302 = tpu.vector_load %arg7[%get3A_301] {strides = array<i32>} : memref<384xi32, #tpu.memory_space<vmem>>, vector<16xi32>,
        %get3A_303 = arith.constant 176 : index
        %get3A_304 = tpu.vector_load %arg7[%get3A_303] {strides = array<i32>} : memref<384xi32, #tpu.memory_space<vmem>>, vector<16xi32>,
        %get3A_305 = arith.constant 304 : index
        %get3A_306 = tpu.vector_load %arg7[%get3A_305] {strides = array<i32>} : memref<384xi32, #tpu.memory_space<vmem>>, vector<16xi32>,
        %jit3A_307 = arith.constant 0 : i32
        %jit3A_308 = arith.constant 5 : i32
        %max3A_309 = vector.broadcast %jit3A_307 : i32 to vector<16xi32>
        %max3A_310 = arith.maxsi %max3A_309, %get3A_302 : vector<16xi32>
        %min3A_311 = vector.broadcast %jit3A_308 : i32 to vector<16xi32>
        %min3A_312 = arith.minsi %min3A_311, %max3A_310 : vector<16xi32>
        %jit3A_313 = arith.constant 0 : i32
        %jit3A_314 = arith.constant 6 : i32
        %max3A_315 = vector.broadcast %jit3A_313 : i32 to vector<16xi32>
        %max3A_316 = arith.maxsi %max3A_315, %get3A_304 : vector<16xi32>
        %min3A_317 = vector.broadcast %jit3A_314 : i32 to vector<16xi32>
        %min3A_318 = arith.minsi %min3A_317, %max3A_316 : vector<16xi32>
        %jit3A_319 = arith.constant 0 : i32
        %jit3A_320 = arith.constant 2 : i32
        %max3A_321 = vector.broadcast %jit3A_319 : i32 to vector<16xi32>
        %max3A_322 = arith.maxsi %max3A_321, %get3A_306 : vector<16xi32>
        %min3A_323 = vector.broadcast %jit3A_320 : i32 to vector<16xi32>
        %min3A_324 = arith.minsi %min3A_323, %max3A_322 : vector<16xi32>
        %mul3A_325 = arith.constant 7 : i32
        %mul3A_326 = vector.broadcast %mul3A_325 : i32 to vector<16xi32>
        %mul3A_327 = arith.muli %min3A_312, %mul3A_326 : vector<16xi32>
        %add3A_328 = arith.addi %mul3A_327, %min3A_318 : vector<16xi32>
        %mul3A_329 = arith.constant 3 : i32
        %mul3A_330 = vector.broadcast %mul3A_329 : i32 to vector<16xi32>
        %mul3A_331 = arith.muli %add3A_328, %mul3A_330 : vector<16xi32>
        %add3A_332 = arith.addi %mul3A_331, %min3A_324 : vector<16xi32>
        %swap3A_333 = arith.constant 48 : index
        %swap3A_334 = tpu.vector_load %arg14[%swap3A_333] {strides = array<i32>} : memref<128xi32, #tpu.memory_space<vmem>>, vector<16xi32>,
        tpu.vector_store %arg14[%swap3A_333], %add3A_332 {strides = array<i32>} : memref<128xi32, #tpu.memory_space<vmem>>, vector<16xi32>,
        %get3A_335 = arith.constant 64 : index
        %get3A_336 = tpu.vector_load %arg7[%get3A_335] {strides = array<i32>} : memref<384xi32, #tpu.memory_space<vmem>>, vector<16xi32>,
        %get3A_337 = arith.constant 192 : index
        %get3A_338 = tpu.vector_load %arg7[%get3A_337] {strides = array<i32>} : memref<384xi32, #tpu.memory_space<vmem>>, vector<16xi32>,
        %get3A_339 = arith.constant 320 : index
        %get3A_340 = tpu.vector_load %arg7[%get3A_339] {strides = array<i32>} : memref<384xi32, #tpu.memory_space<vmem>>, vector<16xi32>,
        %jit3A_341 = arith.constant 0 : i32
        %jit3A_342 = arith.constant 5 : i32
        %max3A_343 = vector.broadcast %jit3A_341 : i32 to vector<16xi32>
        %max3A_344 = arith.maxsi %max3A_343, %get3A_336 : vector<16xi32>
        %min3A_345 = vector.broadcast %jit3A_342 : i32 to vector<16xi32>
        %min3A_346 = arith.minsi %min3A_345, %max3A_344 : vector<16xi32>
        %jit3A_347 = arith.constant 0 : i32
        %jit3A_348 = arith.constant 6 : i32
        %max3A_349 = vector.broadcast %jit3A_347 : i32 to vector<16xi32>
        %max3A_350 = arith.maxsi %max3A_349, %get3A_338 : vector<16xi32>
        %min3A_351 = vector.broadcast %jit3A_348 : i32 to vector<16xi32>
        %min3A_352 = arith.minsi %min3A_351, %max3A_350 : vector<16xi32>
        %jit3A_353 = arith.constant 0 : i32
        %jit3A_354 = arith.constant 2 : i32
        %max3A_355 = vector.broadcast %jit3A_353 : i32 to vector<16xi32>
        %max3A_356 = arith.maxsi %max3A_355, %get3A_340 : vector<16xi32>
        %min3A_357 = vector.broadcast %jit3A_354 : i32 to vector<16xi32>
        %min3A_358 = arith.minsi %min3A_357, %max3A_356 : vector<16xi32>
        %mul3A_359 = arith.constant 7 : i32
        %mul3A_360 = vector.broadcast %mul3A_359 : i32 to vector<16xi32>
        %mul3A_361 = arith.muli %min3A_346, %mul3A_360 : vector<16xi32>
        %add3A_362 = arith.addi %mul3A_361, %min3A_352 : vector<16xi32>
        %mul3A_363 = arith.constant 3 : i32
        %mul3A_364 = vector.broadcast %mul3A_363 : i32 to vector<16xi32>
        %mul3A_365 = arith.muli %add3A_362, %mul3A_364 : vector<16xi32>
        %add3A_366 = arith.addi %mul3A_365, %min3A_358 : vector<16xi32>
        %swap3A_367 = arith.constant 64 : index
        %swap3A_368 = tpu.vector_load %arg14[%swap3A_367] {strides = array<i32>} : memref<128xi32, #tpu.memory_space<vmem>>, vector<16xi32>,
        tpu.vector_store %arg14[%swap3A_367], %add3A_366 {strides = array<i32>} : memref<128xi32, #tpu.memory_space<vmem>>, vector<16xi32>,
        %get3A_369 = arith.constant 80 : index
        %get3A_370 = tpu.vector_load %arg7[%get3A_369] {strides = array<i32>} : memref<384xi32, #tpu.memory_space<vmem>>, vector<16xi32>,
        %get3A_371 = arith.constant 208 : index
        %get3A_372 = tpu.vector_load %arg7[%get3A_371] {strides = array<i32>} : memref<384xi32, #tpu.memory_space<vmem>>, vector<16xi32>,
        %get3A_373 = arith.constant 336 : index
        %get3A_374 = tpu.vector_load %arg7[%get3A_373] {strides = array<i32>} : memref<384xi32, #tpu.memory_space<vmem>>, vector<16xi32>,
        %jit3A_375 = arith.constant 0 : i32
        %jit3A_376 = arith.constant 5 : i32
        %max3A_377 = vector.broadcast %jit3A_375 : i32 to vector<16xi32>
        %max3A_378 = arith.maxsi %max3A_377, %get3A_370 : vector<16xi32>
        %min3A_379 = vector.broadcast %jit3A_376 : i32 to vector<16xi32>
        %min3A_380 = arith.minsi %min3A_379, %max3A_378 : vector<16xi32>
        %jit3A_381 = arith.constant 0 : i32
        %jit3A_382 = arith.constant 6 : i32
        %max3A_383 = vector.broadcast %jit3A_381 : i32 to vector<16xi32>
        %max3A_384 = arith.maxsi %max3A_383, %get3A_372 : vector<16xi32>
        %min3A_385 = vector.broadcast %jit3A_382 : i32 to vector<16xi32>
        %min3A_386 = arith.minsi %min3A_385, %max3A_384 : vector<16xi32>
        %jit3A_387 = arith.constant 0 : i32
        %jit3A_388 = arith.constant 2 : i32
        %max3A_389 = vector.broadcast %jit3A_387 : i32 to vector<16xi32>
        %max3A_390 = arith.maxsi %max3A_389, %get3A_374 : vector<16xi32>
        %min3A_391 = vector.broadcast %jit3A_388 : i32 to vector<16xi32>
        %min3A_392 = arith.minsi %min3A_391, %max3A_390 : vector<16xi32>
        %mul3A_393 = arith.constant 7 : i32
        %mul3A_394 = vector.broadcast %mul3A_393 : i32 to vector<16xi32>
        %mul3A_395 = arith.muli %min3A_380, %mul3A_394 : vector<16xi32>
        %add3A_396 = arith.addi %mul3A_395, %min3A_386 : vector<16xi32>
        %mul3A_397 = arith.constant 3 : i32
        %mul3A_398 = vector.broadcast %mul3A_397 : i32 to vector<16xi32>
        %mul3A_399 = arith.muli %add3A_396, %mul3A_398 : vector<16xi32>
        %add3A_400 = arith.addi %mul3A_399, %min3A_392 : vector<16xi32>
        %swap3A_401 = arith.constant 80 : index
        %swap3A_402 = tpu.vector_load %arg14[%swap3A_401] {strides = array<i32>} : memref<128xi32, #tpu.memory_space<vmem>>, vector<16xi32>,
        tpu.vector_store %arg14[%swap3A_401], %add3A_400 {strides = array<i32>} : memref<128xi32, #tpu.memory_space<vmem>>, vector<16xi32>,
        %get3A_403 = arith.constant 96 : index
        %get3A_404 = tpu.vector_load %arg7[%get3A_403] {strides = array<i32>} : memref<384xi32, #tpu.memory_space<vmem>>, vector<16xi32>,
        %get3A_405 = arith.constant 224 : index
        %get3A_406 = tpu.vector_load %arg7[%get3A_405] {strides = array<i32>} : memref<384xi32, #tpu.memory_space<vmem>>, vector<16xi32>,
        %get3A_407 = arith.constant 352 : index
        %get3A_408 = tpu.vector_load %arg7[%get3A_407] {strides = array<i32>} : memref<384xi32, #tpu.memory_space<vmem>>, vector<16xi32>,
        %jit3A_409 = arith.constant 0 : i32
        %jit3A_410 = arith.constant 5 : i32
        %max3A_411 = vector.broadcast %jit3A_409 : i32 to vector<16xi32>
        %max3A_412 = arith.maxsi %max3A_411, %get3A_404 : vector<16xi32>
        %min3A_413 = vector.broadcast %jit3A_410 : i32 to vector<16xi32>
        %min3A_414 = arith.minsi %min3A_413, %max3A_412 : vector<16xi32>
        %jit3A_415 = arith.constant 0 : i32
        %jit3A_416 = arith.constant 6 : i32
        %max3A_417 = vector.broadcast %jit3A_415 : i32 to vector<16xi32>
        %max3A_418 = arith.maxsi %max3A_417, %get3A_406 : vector<16xi32>
        %min3A_419 = vector.broadcast %jit3A_416 : i32 to vector<16xi32>
        %min3A_420 = arith.minsi %min3A_419, %max3A_418 : vector<16xi32>
        %jit3A_421 = arith.constant 0 : i32
        %jit3A_422 = arith.constant 2 : i32
        %max3A_423 = vector.broadcast %jit3A_421 : i32 to vector<16xi32>
        %max3A_424 = arith.maxsi %max3A_423, %get3A_408 : vector<16xi32>
        %min3A_425 = vector.broadcast %jit3A_422 : i32 to vector<16xi32>
        %min3A_426 = arith.minsi %min3A_425, %max3A_424 : vector<16xi32>
        %mul3A_427 = arith.constant 7 : i32
        %mul3A_428 = vector.broadcast %mul3A_427 : i32 to vector<16xi32>
        %mul3A_429 = arith.muli %min3A_414, %mul3A_428 : vector<16xi32>
        %add3A_430 = arith.addi %mul3A_429, %min3A_420 : vector<16xi32>
        %mul3A_431 = arith.constant 3 : i32
        %mul3A_432 = vector.broadcast %mul3A_431 : i32 to vector<16xi32>
        %mul3A_433 = arith.muli %add3A_430, %mul3A_432 : vector<16xi32>
        %add3A_434 = arith.addi %mul3A_433, %min3A_426 : vector<16xi32>
        %swap3A_435 = arith.constant 96 : index
        %swap3A_436 = tpu.vector_load %arg14[%swap3A_435] {strides = array<i32>} : memref<128xi32, #tpu.memory_space<vmem>>, vector<16xi32>,
        tpu.vector_store %arg14[%swap3A_435], %add3A_434 {strides = array<i32>} : memref<128xi32, #tpu.memory_space<vmem>>, vector<16xi32>,
        %get3A_437 = arith.constant 112 : index
        %get3A_438 = tpu.vector_load %arg7[%get3A_437] {strides = array<i32>} : memref<384xi32, #tpu.memory_space<vmem>>, vector<16xi32>,
        %get3A_439 = arith.constant 240 : index
        %get3A_440 = tpu.vector_load %arg7[%get3A_439] {strides = array<i32>} : memref<384xi32, #tpu.memory_space<vmem>>, vector<16xi32>,
        %get3A_441 = arith.constant 368 : index
        %get3A_442 = tpu.vector_load %arg7[%get3A_441] {strides = array<i32>} : memref<384xi32, #tpu.memory_space<vmem>>, vector<16xi32>,
        %jit3A_443 = arith.constant 0 : i32
        %jit3A_444 = arith.constant 5 : i32
        %max3A_445 = vector.broadcast %jit3A_443 : i32 to vector<16xi32>
        %max3A_446 = arith.maxsi %max3A_445, %get3A_438 : vector<16xi32>
        %min3A_447 = vector.broadcast %jit3A_444 : i32 to vector<16xi32>
        %min3A_448 = arith.minsi %min3A_447, %max3A_446 : vector<16xi32>
        %jit3A_449 = arith.constant 0 : i32
        %jit3A_450 = arith.constant 6 : i32
        %max3A_451 = vector.broadcast %jit3A_449 : i32 to vector<16xi32>
        %max3A_452 = arith.maxsi %max3A_451, %get3A_440 : vector<16xi32>
        %min3A_453 = vector.broadcast %jit3A_450 : i32 to vector<16xi32>
        %min3A_454 = arith.minsi %min3A_453, %max3A_452 : vector<16xi32>
        %jit3A_455 = arith.constant 0 : i32
        %jit3A_456 = arith.constant 2 : i32
        %max3A_457 = vector.broadcast %jit3A_455 : i32 to vector<16xi32>
        %max3A_458 = arith.maxsi %max3A_457, %get3A_442 : vector<16xi32>
        %min3A_459 = vector.broadcast %jit3A_456 : i32 to vector<16xi32>
        %min3A_460 = arith.minsi %min3A_459, %max3A_458 : vector<16xi32>
        %mul3A_461 = arith.constant 7 : i32
        %mul3A_462 = vector.broadcast %mul3A_461 : i32 to vector<16xi32>
        %mul3A_463 = arith.muli %min3A_448, %mul3A_462 : vector<16xi32>
        %add3A_464 = arith.addi %mul3A_463, %min3A_454 : vector<16xi32>
        %mul3A_465 = arith.constant 3 : i32
        %mul3A_466 = vector.broadcast %mul3A_465 : i32 to vector<16xi32>
        %mul3A_467 = arith.muli %add3A_464, %mul3A_466 : vector<16xi32>
        %add3A_468 = arith.addi %mul3A_467, %min3A_460 : vector<16xi32>
        %swap3A_469 = arith.constant 112 : index
        %swap3A_470 = tpu.vector_load %arg14[%swap3A_469] {strides = array<i32>} : memref<128xi32, #tpu.memory_space<vmem>>, vector<16xi32>,
        tpu.vector_store %arg14[%swap3A_469], %add3A_468 {strides = array<i32>} : memref<128xi32, #tpu.memory_space<vmem>>, vector<16xi32>,
        %ge3A_471 = arith.constant 7 : i32
        %ge3A_472 = arith.cmpi sge, %add3A_101, %ge3A_471 : i32
        %convert_element_type3A_473 = arith.extui %ge3A_472 : i1 to i32
        %cond3A_474 = arith.constant 0 : i32
        %cond3A_475 = arith.cmpi ne, %convert_element_type3A_473, %cond3A_474 : i32
        scf.if %cond3A_475 {
          %dma_wait3A_484 = arith.constant 0 : i32
          %dma_wait3A_485 = arith.constant 0 : i32
          %dma_wait3A_486 = tpu.memref_slice %arg4[%dma_wait3A_484, %dma_wait3A_485] : memref<320000x128xf32, #tpu.memory_space<hbm>> -> memref<128x128xf32, #tpu.memory_space<hbm>>
          %dma_wait3A_487 = arith.constant 0 : i32
          %dma_wait3A_488 = arith.constant 0 : i32
          %dma_wait3A_489 = tpu.memref_slice %arg4[%dma_wait3A_487, %dma_wait3A_488] : memref<320000x128xf32, #tpu.memory_space<hbm>> -> memref<128x128xf32, #tpu.memory_space<hbm>>
          tpu.wait_dma2 semaphore(%arg42 : memref<!tpu.dma_semaphore, #tpu.memory_space<semaphore_mem>>) src(%arg21 : memref<128x128xf32, #tpu.memory_space<vmem>>) dst(%dma_wait3A_489 : memref<128x128xf32, #tpu.memory_space<hbm>>)
        } else {
        }
        %dma_start3A = arith.constant 0 : i32
        %dma_start3A_476 = arith.constant 0 : i32
        %dma_start3A_477 = tpu.memref_slice %arg5[%dma_start3A, %dma_start3A_476] : memref<126x128xf32, #tpu.memory_space<vmem_shared>> -> memref<126x128xf32, #tpu.memory_space<vmem_shared>>
        tpu.enqueue_indirect_dma source(%dma_start3A_477 : memref<126x128xf32, #tpu.memory_space<vmem_shared>>) target(%arg21 : memref<128x128xf32, #tpu.memory_space<vmem>>) offsets(%arg14 : memref<128xi32, #tpu.memory_space<vmem>>) semaphore(%arg35 : memref<!tpu.dma_semaphore, #tpu.memory_space<semaphore_mem>>)
        %add3A_478 = arith.constant 2 : i32
        %add3A_479 = arith.addi %add3A_101, %add3A_478 : i32
        %lt3A_480 = arith.cmpi slt, %add3A_479, %add3A_6 : i32
        %convert_element_type3A_481 = arith.extui %lt3A_480 : i1 to i32
        %cond3A_482 = arith.constant 0 : i32
        %cond3A_483 = arith.cmpi ne, %convert_element_type3A_481, %cond3A_482 : i32
        scf.if %cond3A_483 {
          %add3A_484 = arith.constant 2 : i32
          %add3A_485 = arith.addi %add3A_101, %add3A_484 : i32
          %mul3A_486 = arith.constant 32 : i32
          %mul3A_487 = arith.muli %add3A_485, %mul3A_486 : i32
          %add3A_488 = arith.addi %add3A, %mul3A_487 : i32
          %mul3A_489 = arith.constant 128 : i32
          %mul3A_490 = arith.muli %add3A_488, %mul3A_489 : i32
          %add3A_491 = arith.constant 0 : i32
          %add3A_492 = arith.addi %add3A_491, %mul3A_490 : i32
          %multiple_of3A = tpu.assume_multiple %add3A_492, 8 : i32
          %dma_start3A_493 = arith.constant 0 : i32
          %dma_start3A_494 = tpu.memref_slice %arg9[%dma_start3A_493] : memref<384xi32, #tpu.memory_space<vmem>> -> memref<128xi32, #tpu.memory_space<vmem>>
          %dma_start3A_495 = tpu.memref_slice %arg2[%multiple_of3A] : memref<960000xi32, #tpu.memory_space<hbm>> -> memref<128xi32, #tpu.memory_space<hbm>>
          %dma_start3A_496 = arith.constant 0 : i32
          %dma_start3A_497 = tpu.memref_slice %arg9[%dma_start3A_496] : memref<384xi32, #tpu.memory_space<vmem>> -> memref<128xi32, #tpu.memory_space<vmem>>
          %dma_start3A_498 = tpu.memref_slice %arg2[%multiple_of3A] : memref<960000xi32, #tpu.memory_space<hbm>> -> memref<128xi32, #tpu.memory_space<hbm>>
          tpu.enqueue_dma source(%dma_start3A_498 : memref<128xi32, #tpu.memory_space<hbm>>) target(%dma_start3A_497 : memref<128xi32, #tpu.memory_space<vmem>>) target_semaphore(%arg30 : memref<!tpu.dma_semaphore, #tpu.memory_space<semaphore_mem>>)
          %add3A_499 = arith.constant 320000 : i32
          %add3A_500 = arith.addi %add3A_499, %mul3A_490 : i32
          %multiple_of3A_501 = tpu.assume_multiple %add3A_500, 8 : i32
          %dma_start3A_502 = arith.constant 128 : i32
          %dma_start3A_503 = tpu.memref_slice %arg9[%dma_start3A_502] : memref<384xi32, #tpu.memory_space<vmem>> -> memref<128xi32, #tpu.memory_space<vmem>>
          %dma_start3A_504 = tpu.memref_slice %arg2[%multiple_of3A_501] : memref<960000xi32, #tpu.memory_space<hbm>> -> memref<128xi32, #tpu.memory_space<hbm>>
          %dma_start3A_505 = arith.constant 128 : i32
          %dma_start3A_506 = tpu.memref_slice %arg9[%dma_start3A_505] : memref<384xi32, #tpu.memory_space<vmem>> -> memref<128xi32, #tpu.memory_space<vmem>>
          %dma_start3A_507 = tpu.memref_slice %arg2[%multiple_of3A_501] : memref<960000xi32, #tpu.memory_space<hbm>> -> memref<128xi32, #tpu.memory_space<hbm>>
          tpu.enqueue_dma source(%dma_start3A_507 : memref<128xi32, #tpu.memory_space<hbm>>) target(%dma_start3A_506 : memref<128xi32, #tpu.memory_space<vmem>>) target_semaphore(%arg30 : memref<!tpu.dma_semaphore, #tpu.memory_space<semaphore_mem>>)
          %add3A_508 = arith.constant 640000 : i32
          %add3A_509 = arith.addi %add3A_508, %mul3A_490 : i32
          %multiple_of3A_510 = tpu.assume_multiple %add3A_509, 8 : i32
          %dma_start3A_511 = arith.constant 256 : i32
          %dma_start3A_512 = tpu.memref_slice %arg9[%dma_start3A_511] : memref<384xi32, #tpu.memory_space<vmem>> -> memref<128xi32, #tpu.memory_space<vmem>>
          %dma_start3A_513 = tpu.memref_slice %arg2[%multiple_of3A_510] : memref<960000xi32, #tpu.memory_space<hbm>> -> memref<128xi32, #tpu.memory_space<hbm>>
          %dma_start3A_514 = arith.constant 256 : i32
          %dma_start3A_515 = tpu.memref_slice %arg9[%dma_start3A_514] : memref<384xi32, #tpu.memory_space<vmem>> -> memref<128xi32, #tpu.memory_space<vmem>>
          %dma_start3A_516 = tpu.memref_slice %arg2[%multiple_of3A_510] : memref<960000xi32, #tpu.memory_space<hbm>> -> memref<128xi32, #tpu.memory_space<hbm>>
          tpu.enqueue_dma source(%dma_start3A_516 : memref<128xi32, #tpu.memory_space<hbm>>) target(%dma_start3A_515 : memref<128xi32, #tpu.memory_space<vmem>>) target_semaphore(%arg30 : memref<!tpu.dma_semaphore, #tpu.memory_space<semaphore_mem>>)
        } else {
        }
      } else {
      }
      %mul3A_115 = arith.constant 7 : i32
      %mul3A_116 = arith.muli %while3A_82, %mul3A_115 : i32
      %add3A_117 = arith.constant 2 : i32
      %add3A_118 = arith.addi %mul3A_116, %add3A_117 : i32
      %ge3A_119 = arith.constant 3 : i32
      %ge3A_120 = arith.cmpi sge, %add3A_118, %ge3A_119 : i32
      %add3A_121 = arith.constant 2 : i32
      %add3A_122 = arith.addi %add3A_6, %add3A_121 : i32
      %le3A_123 = arith.cmpi sle, %add3A_118, %add3A_122 : i32
      %and3A_124 = arith.andi %ge3A_120, %le3A_123 : i1
      %convert_element_type3A_125 = arith.extui %and3A_124 : i1 to i32
      %cond3A_126 = arith.constant 0 : i32
      %cond3A_127 = arith.cmpi ne, %convert_element_type3A_125, %cond3A_126 : i32
      scf.if %cond3A_127 {
        %dma_wait3A = arith.constant 0 : i32
        %dma_wait3A_200 = arith.constant 0 : i32
        %dma_wait3A_201 = tpu.memref_slice %arg5[%dma_wait3A, %dma_wait3A_200] : memref<126x128xf32, #tpu.memory_space<vmem_shared>> -> memref<126x128xf32, #tpu.memory_space<vmem_shared>>
        tpu.wait_indirect_dma semaphore(%arg40 : memref<!tpu.dma_semaphore, #tpu.memory_space<semaphore_mem>>) src(%dma_wait3A_201 : memref<126x128xf32, #tpu.memory_space<vmem_shared>>) dst(%arg26 : memref<128x128xf32, #tpu.memory_space<vmem>>)
        %sub3A_202 = arith.constant 3 : i32
        %sub3A_203 = arith.subi %add3A_118, %sub3A_202 : i32
        %mul3A_204 = arith.constant 32 : i32
        %mul3A_205 = arith.muli %sub3A_203, %mul3A_204 : i32
        %add3A_206 = arith.addi %add3A, %mul3A_205 : i32
        %mul3A_207 = arith.constant 128 : i32
        %mul3A_208 = arith.muli %add3A_206, %mul3A_207 : i32
        %dma_start3A = arith.constant 0 : i32
        %dma_start3A_209 = tpu.memref_slice %arg4[%mul3A_208, %dma_start3A] : memref<320000x128xf32, #tpu.memory_space<hbm>> -> memref<128x128xf32, #tpu.memory_space<hbm>>
        %dma_start3A_210 = arith.constant 0 : i32
        %dma_start3A_211 = tpu.memref_slice %arg4[%mul3A_208, %dma_start3A_210] : memref<320000x128xf32, #tpu.memory_space<hbm>> -> memref<128x128xf32, #tpu.memory_space<hbm>>
        tpu.enqueue_dma source(%arg26 : memref<128x128xf32, #tpu.memory_space<vmem>>) target(%dma_start3A_211 : memref<128x128xf32, #tpu.memory_space<hbm>>) target_semaphore(%arg47 : memref<!tpu.dma_semaphore, #tpu.memory_space<semaphore_mem>>)
      } else {
      }
      %lt3A_128 = arith.cmpi slt, %add3A_118, %add3A_6 : i32
      %convert_element_type3A_129 = arith.extui %lt3A_128 : i1 to i32
      %cond3A_130 = arith.constant 0 : i32
      %cond3A_131 = arith.cmpi ne, %convert_element_type3A_129, %cond3A_130 : i32
      scf.if %cond3A_131 {
        %dma_wait3A = arith.constant 0 : i32
        %dma_wait3A_200 = tpu.memref_slice %arg2[%dma_wait3A] : memref<960000xi32, #tpu.memory_space<hbm>> -> memref<384xi32, #tpu.memory_space<hbm>>
        %dma_wait3A_201 = arith.constant 0 : i32
        %dma_wait3A_202 = tpu.memref_slice %arg2[%dma_wait3A_201] : memref<960000xi32, #tpu.memory_space<hbm>> -> memref<384xi32, #tpu.memory_space<hbm>>
        tpu.wait_dma2 semaphore(%arg29 : memref<!tpu.dma_semaphore, #tpu.memory_space<semaphore_mem>>) src(%dma_wait3A_202 : memref<384xi32, #tpu.memory_space<hbm>>) dst(%arg8 : memref<384xi32, #tpu.memory_space<vmem>>)
        %get3A = arith.constant 0 : index
        %get3A_203 = tpu.vector_load %arg8[%get3A] {strides = array<i32>} : memref<384xi32, #tpu.memory_space<vmem>>, vector<16xi32>,
        %get3A_204 = arith.constant 128 : index
        %get3A_205 = tpu.vector_load %arg8[%get3A_204] {strides = array<i32>} : memref<384xi32, #tpu.memory_space<vmem>>, vector<16xi32>,
        %get3A_206 = arith.constant 256 : index
        %get3A_207 = tpu.vector_load %arg8[%get3A_206] {strides = array<i32>} : memref<384xi32, #tpu.memory_space<vmem>>, vector<16xi32>,
        %jit3A_208 = arith.constant 0 : i32
        %jit3A_209 = arith.constant 5 : i32
        %max3A = vector.broadcast %jit3A_208 : i32 to vector<16xi32>
        %max3A_210 = arith.maxsi %max3A, %get3A_203 : vector<16xi32>
        %min3A = vector.broadcast %jit3A_209 : i32 to vector<16xi32>
        %min3A_211 = arith.minsi %min3A, %max3A_210 : vector<16xi32>
        %jit3A_212 = arith.constant 0 : i32
        %jit3A_213 = arith.constant 6 : i32
        %max3A_214 = vector.broadcast %jit3A_212 : i32 to vector<16xi32>
        %max3A_215 = arith.maxsi %max3A_214, %get3A_205 : vector<16xi32>
        %min3A_216 = vector.broadcast %jit3A_213 : i32 to vector<16xi32>
        %min3A_217 = arith.minsi %min3A_216, %max3A_215 : vector<16xi32>
        %jit3A_218 = arith.constant 0 : i32
        %jit3A_219 = arith.constant 2 : i32
        %max3A_220 = vector.broadcast %jit3A_218 : i32 to vector<16xi32>
        %max3A_221 = arith.maxsi %max3A_220, %get3A_207 : vector<16xi32>
        %min3A_222 = vector.broadcast %jit3A_219 : i32 to vector<16xi32>
        %min3A_223 = arith.minsi %min3A_222, %max3A_221 : vector<16xi32>
        %mul3A_224 = arith.constant 7 : i32
        %mul3A_225 = vector.broadcast %mul3A_224 : i32 to vector<16xi32>
        %mul3A_226 = arith.muli %min3A_211, %mul3A_225 : vector<16xi32>
        %add3A_227 = arith.addi %mul3A_226, %min3A_217 : vector<16xi32>
        %mul3A_228 = arith.constant 3 : i32
        %mul3A_229 = vector.broadcast %mul3A_228 : i32 to vector<16xi32>
        %mul3A_230 = arith.muli %add3A_227, %mul3A_229 : vector<16xi32>
        %add3A_231 = arith.addi %mul3A_230, %min3A_223 : vector<16xi32>
        %swap3A = arith.constant 0 : index
        %swap3A_232 = tpu.vector_load %arg15[%swap3A] {strides = array<i32>} : memref<128xi32, #tpu.memory_space<vmem>>, vector<16xi32>,
        tpu.vector_store %arg15[%swap3A], %add3A_231 {strides = array<i32>} : memref<128xi32, #tpu.memory_space<vmem>>, vector<16xi32>,
        %get3A_233 = arith.constant 16 : index
        %get3A_234 = tpu.vector_load %arg8[%get3A_233] {strides = array<i32>} : memref<384xi32, #tpu.memory_space<vmem>>, vector<16xi32>,
        %get3A_235 = arith.constant 144 : index
        %get3A_236 = tpu.vector_load %arg8[%get3A_235] {strides = array<i32>} : memref<384xi32, #tpu.memory_space<vmem>>, vector<16xi32>,
        %get3A_237 = arith.constant 272 : index
        %get3A_238 = tpu.vector_load %arg8[%get3A_237] {strides = array<i32>} : memref<384xi32, #tpu.memory_space<vmem>>, vector<16xi32>,
        %jit3A_239 = arith.constant 0 : i32
        %jit3A_240 = arith.constant 5 : i32
        %max3A_241 = vector.broadcast %jit3A_239 : i32 to vector<16xi32>
        %max3A_242 = arith.maxsi %max3A_241, %get3A_234 : vector<16xi32>
        %min3A_243 = vector.broadcast %jit3A_240 : i32 to vector<16xi32>
        %min3A_244 = arith.minsi %min3A_243, %max3A_242 : vector<16xi32>
        %jit3A_245 = arith.constant 0 : i32
        %jit3A_246 = arith.constant 6 : i32
        %max3A_247 = vector.broadcast %jit3A_245 : i32 to vector<16xi32>
        %max3A_248 = arith.maxsi %max3A_247, %get3A_236 : vector<16xi32>
        %min3A_249 = vector.broadcast %jit3A_246 : i32 to vector<16xi32>
        %min3A_250 = arith.minsi %min3A_249, %max3A_248 : vector<16xi32>
        %jit3A_251 = arith.constant 0 : i32
        %jit3A_252 = arith.constant 2 : i32
        %max3A_253 = vector.broadcast %jit3A_251 : i32 to vector<16xi32>
        %max3A_254 = arith.maxsi %max3A_253, %get3A_238 : vector<16xi32>
        %min3A_255 = vector.broadcast %jit3A_252 : i32 to vector<16xi32>
        %min3A_256 = arith.minsi %min3A_255, %max3A_254 : vector<16xi32>
        %mul3A_257 = arith.constant 7 : i32
        %mul3A_258 = vector.broadcast %mul3A_257 : i32 to vector<16xi32>
        %mul3A_259 = arith.muli %min3A_244, %mul3A_258 : vector<16xi32>
        %add3A_260 = arith.addi %mul3A_259, %min3A_250 : vector<16xi32>
        %mul3A_261 = arith.constant 3 : i32
        %mul3A_262 = vector.broadcast %mul3A_261 : i32 to vector<16xi32>
        %mul3A_263 = arith.muli %add3A_260, %mul3A_262 : vector<16xi32>
        %add3A_264 = arith.addi %mul3A_263, %min3A_256 : vector<16xi32>
        %swap3A_265 = arith.constant 16 : index
        %swap3A_266 = tpu.vector_load %arg15[%swap3A_265] {strides = array<i32>} : memref<128xi32, #tpu.memory_space<vmem>>, vector<16xi32>,
        tpu.vector_store %arg15[%swap3A_265], %add3A_264 {strides = array<i32>} : memref<128xi32, #tpu.memory_space<vmem>>, vector<16xi32>,
        %get3A_267 = arith.constant 32 : index
        %get3A_268 = tpu.vector_load %arg8[%get3A_267] {strides = array<i32>} : memref<384xi32, #tpu.memory_space<vmem>>, vector<16xi32>,
        %get3A_269 = arith.constant 160 : index
        %get3A_270 = tpu.vector_load %arg8[%get3A_269] {strides = array<i32>} : memref<384xi32, #tpu.memory_space<vmem>>, vector<16xi32>,
        %get3A_271 = arith.constant 288 : index
        %get3A_272 = tpu.vector_load %arg8[%get3A_271] {strides = array<i32>} : memref<384xi32, #tpu.memory_space<vmem>>, vector<16xi32>,
        %jit3A_273 = arith.constant 0 : i32
        %jit3A_274 = arith.constant 5 : i32
        %max3A_275 = vector.broadcast %jit3A_273 : i32 to vector<16xi32>
        %max3A_276 = arith.maxsi %max3A_275, %get3A_268 : vector<16xi32>
        %min3A_277 = vector.broadcast %jit3A_274 : i32 to vector<16xi32>
        %min3A_278 = arith.minsi %min3A_277, %max3A_276 : vector<16xi32>
        %jit3A_279 = arith.constant 0 : i32
        %jit3A_280 = arith.constant 6 : i32
        %max3A_281 = vector.broadcast %jit3A_279 : i32 to vector<16xi32>
        %max3A_282 = arith.maxsi %max3A_281, %get3A_270 : vector<16xi32>
        %min3A_283 = vector.broadcast %jit3A_280 : i32 to vector<16xi32>
        %min3A_284 = arith.minsi %min3A_283, %max3A_282 : vector<16xi32>
        %jit3A_285 = arith.constant 0 : i32
        %jit3A_286 = arith.constant 2 : i32
        %max3A_287 = vector.broadcast %jit3A_285 : i32 to vector<16xi32>
        %max3A_288 = arith.maxsi %max3A_287, %get3A_272 : vector<16xi32>
        %min3A_289 = vector.broadcast %jit3A_286 : i32 to vector<16xi32>
        %min3A_290 = arith.minsi %min3A_289, %max3A_288 : vector<16xi32>
        %mul3A_291 = arith.constant 7 : i32
        %mul3A_292 = vector.broadcast %mul3A_291 : i32 to vector<16xi32>
        %mul3A_293 = arith.muli %min3A_278, %mul3A_292 : vector<16xi32>
        %add3A_294 = arith.addi %mul3A_293, %min3A_284 : vector<16xi32>
        %mul3A_295 = arith.constant 3 : i32
        %mul3A_296 = vector.broadcast %mul3A_295 : i32 to vector<16xi32>
        %mul3A_297 = arith.muli %add3A_294, %mul3A_296 : vector<16xi32>
        %add3A_298 = arith.addi %mul3A_297, %min3A_290 : vector<16xi32>
        %swap3A_299 = arith.constant 32 : index
        %swap3A_300 = tpu.vector_load %arg15[%swap3A_299] {strides = array<i32>} : memref<128xi32, #tpu.memory_space<vmem>>, vector<16xi32>,
        tpu.vector_store %arg15[%swap3A_299], %add3A_298 {strides = array<i32>} : memref<128xi32, #tpu.memory_space<vmem>>, vector<16xi32>,
        %get3A_301 = arith.constant 48 : index
        %get3A_302 = tpu.vector_load %arg8[%get3A_301] {strides = array<i32>} : memref<384xi32, #tpu.memory_space<vmem>>, vector<16xi32>,
        %get3A_303 = arith.constant 176 : index
        %get3A_304 = tpu.vector_load %arg8[%get3A_303] {strides = array<i32>} : memref<384xi32, #tpu.memory_space<vmem>>, vector<16xi32>,
        %get3A_305 = arith.constant 304 : index
        %get3A_306 = tpu.vector_load %arg8[%get3A_305] {strides = array<i32>} : memref<384xi32, #tpu.memory_space<vmem>>, vector<16xi32>,
        %jit3A_307 = arith.constant 0 : i32
        %jit3A_308 = arith.constant 5 : i32
        %max3A_309 = vector.broadcast %jit3A_307 : i32 to vector<16xi32>
        %max3A_310 = arith.maxsi %max3A_309, %get3A_302 : vector<16xi32>
        %min3A_311 = vector.broadcast %jit3A_308 : i32 to vector<16xi32>
        %min3A_312 = arith.minsi %min3A_311, %max3A_310 : vector<16xi32>
        %jit3A_313 = arith.constant 0 : i32
        %jit3A_314 = arith.constant 6 : i32
        %max3A_315 = vector.broadcast %jit3A_313 : i32 to vector<16xi32>
        %max3A_316 = arith.maxsi %max3A_315, %get3A_304 : vector<16xi32>
        %min3A_317 = vector.broadcast %jit3A_314 : i32 to vector<16xi32>
        %min3A_318 = arith.minsi %min3A_317, %max3A_316 : vector<16xi32>
        %jit3A_319 = arith.constant 0 : i32
        %jit3A_320 = arith.constant 2 : i32
        %max3A_321 = vector.broadcast %jit3A_319 : i32 to vector<16xi32>
        %max3A_322 = arith.maxsi %max3A_321, %get3A_306 : vector<16xi32>
        %min3A_323 = vector.broadcast %jit3A_320 : i32 to vector<16xi32>
        %min3A_324 = arith.minsi %min3A_323, %max3A_322 : vector<16xi32>
        %mul3A_325 = arith.constant 7 : i32
        %mul3A_326 = vector.broadcast %mul3A_325 : i32 to vector<16xi32>
        %mul3A_327 = arith.muli %min3A_312, %mul3A_326 : vector<16xi32>
        %add3A_328 = arith.addi %mul3A_327, %min3A_318 : vector<16xi32>
        %mul3A_329 = arith.constant 3 : i32
        %mul3A_330 = vector.broadcast %mul3A_329 : i32 to vector<16xi32>
        %mul3A_331 = arith.muli %add3A_328, %mul3A_330 : vector<16xi32>
        %add3A_332 = arith.addi %mul3A_331, %min3A_324 : vector<16xi32>
        %swap3A_333 = arith.constant 48 : index
        %swap3A_334 = tpu.vector_load %arg15[%swap3A_333] {strides = array<i32>} : memref<128xi32, #tpu.memory_space<vmem>>, vector<16xi32>,
        tpu.vector_store %arg15[%swap3A_333], %add3A_332 {strides = array<i32>} : memref<128xi32, #tpu.memory_space<vmem>>, vector<16xi32>,
        %get3A_335 = arith.constant 64 : index
        %get3A_336 = tpu.vector_load %arg8[%get3A_335] {strides = array<i32>} : memref<384xi32, #tpu.memory_space<vmem>>, vector<16xi32>,
        %get3A_337 = arith.constant 192 : index
        %get3A_338 = tpu.vector_load %arg8[%get3A_337] {strides = array<i32>} : memref<384xi32, #tpu.memory_space<vmem>>, vector<16xi32>,
        %get3A_339 = arith.constant 320 : index
        %get3A_340 = tpu.vector_load %arg8[%get3A_339] {strides = array<i32>} : memref<384xi32, #tpu.memory_space<vmem>>, vector<16xi32>,
        %jit3A_341 = arith.constant 0 : i32
        %jit3A_342 = arith.constant 5 : i32
        %max3A_343 = vector.broadcast %jit3A_341 : i32 to vector<16xi32>
        %max3A_344 = arith.maxsi %max3A_343, %get3A_336 : vector<16xi32>
        %min3A_345 = vector.broadcast %jit3A_342 : i32 to vector<16xi32>
        %min3A_346 = arith.minsi %min3A_345, %max3A_344 : vector<16xi32>
        %jit3A_347 = arith.constant 0 : i32
        %jit3A_348 = arith.constant 6 : i32
        %max3A_349 = vector.broadcast %jit3A_347 : i32 to vector<16xi32>
        %max3A_350 = arith.maxsi %max3A_349, %get3A_338 : vector<16xi32>
        %min3A_351 = vector.broadcast %jit3A_348 : i32 to vector<16xi32>
        %min3A_352 = arith.minsi %min3A_351, %max3A_350 : vector<16xi32>
        %jit3A_353 = arith.constant 0 : i32
        %jit3A_354 = arith.constant 2 : i32
        %max3A_355 = vector.broadcast %jit3A_353 : i32 to vector<16xi32>
        %max3A_356 = arith.maxsi %max3A_355, %get3A_340 : vector<16xi32>
        %min3A_357 = vector.broadcast %jit3A_354 : i32 to vector<16xi32>
        %min3A_358 = arith.minsi %min3A_357, %max3A_356 : vector<16xi32>
        %mul3A_359 = arith.constant 7 : i32
        %mul3A_360 = vector.broadcast %mul3A_359 : i32 to vector<16xi32>
        %mul3A_361 = arith.muli %min3A_346, %mul3A_360 : vector<16xi32>
        %add3A_362 = arith.addi %mul3A_361, %min3A_352 : vector<16xi32>
        %mul3A_363 = arith.constant 3 : i32
        %mul3A_364 = vector.broadcast %mul3A_363 : i32 to vector<16xi32>
        %mul3A_365 = arith.muli %add3A_362, %mul3A_364 : vector<16xi32>
        %add3A_366 = arith.addi %mul3A_365, %min3A_358 : vector<16xi32>
        %swap3A_367 = arith.constant 64 : index
        %swap3A_368 = tpu.vector_load %arg15[%swap3A_367] {strides = array<i32>} : memref<128xi32, #tpu.memory_space<vmem>>, vector<16xi32>,
        tpu.vector_store %arg15[%swap3A_367], %add3A_366 {strides = array<i32>} : memref<128xi32, #tpu.memory_space<vmem>>, vector<16xi32>,
        %get3A_369 = arith.constant 80 : index
        %get3A_370 = tpu.vector_load %arg8[%get3A_369] {strides = array<i32>} : memref<384xi32, #tpu.memory_space<vmem>>, vector<16xi32>,
        %get3A_371 = arith.constant 208 : index
        %get3A_372 = tpu.vector_load %arg8[%get3A_371] {strides = array<i32>} : memref<384xi32, #tpu.memory_space<vmem>>, vector<16xi32>,
        %get3A_373 = arith.constant 336 : index
        %get3A_374 = tpu.vector_load %arg8[%get3A_373] {strides = array<i32>} : memref<384xi32, #tpu.memory_space<vmem>>, vector<16xi32>,
        %jit3A_375 = arith.constant 0 : i32
        %jit3A_376 = arith.constant 5 : i32
        %max3A_377 = vector.broadcast %jit3A_375 : i32 to vector<16xi32>
        %max3A_378 = arith.maxsi %max3A_377, %get3A_370 : vector<16xi32>
        %min3A_379 = vector.broadcast %jit3A_376 : i32 to vector<16xi32>
        %min3A_380 = arith.minsi %min3A_379, %max3A_378 : vector<16xi32>
        %jit3A_381 = arith.constant 0 : i32
        %jit3A_382 = arith.constant 6 : i32
        %max3A_383 = vector.broadcast %jit3A_381 : i32 to vector<16xi32>
        %max3A_384 = arith.maxsi %max3A_383, %get3A_372 : vector<16xi32>
        %min3A_385 = vector.broadcast %jit3A_382 : i32 to vector<16xi32>
        %min3A_386 = arith.minsi %min3A_385, %max3A_384 : vector<16xi32>
        %jit3A_387 = arith.constant 0 : i32
        %jit3A_388 = arith.constant 2 : i32
        %max3A_389 = vector.broadcast %jit3A_387 : i32 to vector<16xi32>
        %max3A_390 = arith.maxsi %max3A_389, %get3A_374 : vector<16xi32>
        %min3A_391 = vector.broadcast %jit3A_388 : i32 to vector<16xi32>
        %min3A_392 = arith.minsi %min3A_391, %max3A_390 : vector<16xi32>
        %mul3A_393 = arith.constant 7 : i32
        %mul3A_394 = vector.broadcast %mul3A_393 : i32 to vector<16xi32>
        %mul3A_395 = arith.muli %min3A_380, %mul3A_394 : vector<16xi32>
        %add3A_396 = arith.addi %mul3A_395, %min3A_386 : vector<16xi32>
        %mul3A_397 = arith.constant 3 : i32
        %mul3A_398 = vector.broadcast %mul3A_397 : i32 to vector<16xi32>
        %mul3A_399 = arith.muli %add3A_396, %mul3A_398 : vector<16xi32>
        %add3A_400 = arith.addi %mul3A_399, %min3A_392 : vector<16xi32>
        %swap3A_401 = arith.constant 80 : index
        %swap3A_402 = tpu.vector_load %arg15[%swap3A_401] {strides = array<i32>} : memref<128xi32, #tpu.memory_space<vmem>>, vector<16xi32>,
        tpu.vector_store %arg15[%swap3A_401], %add3A_400 {strides = array<i32>} : memref<128xi32, #tpu.memory_space<vmem>>, vector<16xi32>,
        %get3A_403 = arith.constant 96 : index
        %get3A_404 = tpu.vector_load %arg8[%get3A_403] {strides = array<i32>} : memref<384xi32, #tpu.memory_space<vmem>>, vector<16xi32>,
        %get3A_405 = arith.constant 224 : index
        %get3A_406 = tpu.vector_load %arg8[%get3A_405] {strides = array<i32>} : memref<384xi32, #tpu.memory_space<vmem>>, vector<16xi32>,
        %get3A_407 = arith.constant 352 : index
        %get3A_408 = tpu.vector_load %arg8[%get3A_407] {strides = array<i32>} : memref<384xi32, #tpu.memory_space<vmem>>, vector<16xi32>,
        %jit3A_409 = arith.constant 0 : i32
        %jit3A_410 = arith.constant 5 : i32
        %max3A_411 = vector.broadcast %jit3A_409 : i32 to vector<16xi32>
        %max3A_412 = arith.maxsi %max3A_411, %get3A_404 : vector<16xi32>
        %min3A_413 = vector.broadcast %jit3A_410 : i32 to vector<16xi32>
        %min3A_414 = arith.minsi %min3A_413, %max3A_412 : vector<16xi32>
        %jit3A_415 = arith.constant 0 : i32
        %jit3A_416 = arith.constant 6 : i32
        %max3A_417 = vector.broadcast %jit3A_415 : i32 to vector<16xi32>
        %max3A_418 = arith.maxsi %max3A_417, %get3A_406 : vector<16xi32>
        %min3A_419 = vector.broadcast %jit3A_416 : i32 to vector<16xi32>
        %min3A_420 = arith.minsi %min3A_419, %max3A_418 : vector<16xi32>
        %jit3A_421 = arith.constant 0 : i32
        %jit3A_422 = arith.constant 2 : i32
        %max3A_423 = vector.broadcast %jit3A_421 : i32 to vector<16xi32>
        %max3A_424 = arith.maxsi %max3A_423, %get3A_408 : vector<16xi32>
        %min3A_425 = vector.broadcast %jit3A_422 : i32 to vector<16xi32>
        %min3A_426 = arith.minsi %min3A_425, %max3A_424 : vector<16xi32>
        %mul3A_427 = arith.constant 7 : i32
        %mul3A_428 = vector.broadcast %mul3A_427 : i32 to vector<16xi32>
        %mul3A_429 = arith.muli %min3A_414, %mul3A_428 : vector<16xi32>
        %add3A_430 = arith.addi %mul3A_429, %min3A_420 : vector<16xi32>
        %mul3A_431 = arith.constant 3 : i32
        %mul3A_432 = vector.broadcast %mul3A_431 : i32 to vector<16xi32>
        %mul3A_433 = arith.muli %add3A_430, %mul3A_432 : vector<16xi32>
        %add3A_434 = arith.addi %mul3A_433, %min3A_426 : vector<16xi32>
        %swap3A_435 = arith.constant 96 : index
        %swap3A_436 = tpu.vector_load %arg15[%swap3A_435] {strides = array<i32>} : memref<128xi32, #tpu.memory_space<vmem>>, vector<16xi32>,
        tpu.vector_store %arg15[%swap3A_435], %add3A_434 {strides = array<i32>} : memref<128xi32, #tpu.memory_space<vmem>>, vector<16xi32>,
        %get3A_437 = arith.constant 112 : index
        %get3A_438 = tpu.vector_load %arg8[%get3A_437] {strides = array<i32>} : memref<384xi32, #tpu.memory_space<vmem>>, vector<16xi32>,
        %get3A_439 = arith.constant 240 : index
        %get3A_440 = tpu.vector_load %arg8[%get3A_439] {strides = array<i32>} : memref<384xi32, #tpu.memory_space<vmem>>, vector<16xi32>,
        %get3A_441 = arith.constant 368 : index
        %get3A_442 = tpu.vector_load %arg8[%get3A_441] {strides = array<i32>} : memref<384xi32, #tpu.memory_space<vmem>>, vector<16xi32>,
        %jit3A_443 = arith.constant 0 : i32
        %jit3A_444 = arith.constant 5 : i32
        %max3A_445 = vector.broadcast %jit3A_443 : i32 to vector<16xi32>
        %max3A_446 = arith.maxsi %max3A_445, %get3A_438 : vector<16xi32>
        %min3A_447 = vector.broadcast %jit3A_444 : i32 to vector<16xi32>
        %min3A_448 = arith.minsi %min3A_447, %max3A_446 : vector<16xi32>
        %jit3A_449 = arith.constant 0 : i32
        %jit3A_450 = arith.constant 6 : i32
        %max3A_451 = vector.broadcast %jit3A_449 : i32 to vector<16xi32>
        %max3A_452 = arith.maxsi %max3A_451, %get3A_440 : vector<16xi32>
        %min3A_453 = vector.broadcast %jit3A_450 : i32 to vector<16xi32>
        %min3A_454 = arith.minsi %min3A_453, %max3A_452 : vector<16xi32>
        %jit3A_455 = arith.constant 0 : i32
        %jit3A_456 = arith.constant 2 : i32
        %max3A_457 = vector.broadcast %jit3A_455 : i32 to vector<16xi32>
        %max3A_458 = arith.maxsi %max3A_457, %get3A_442 : vector<16xi32>
        %min3A_459 = vector.broadcast %jit3A_456 : i32 to vector<16xi32>
        %min3A_460 = arith.minsi %min3A_459, %max3A_458 : vector<16xi32>
        %mul3A_461 = arith.constant 7 : i32
        %mul3A_462 = vector.broadcast %mul3A_461 : i32 to vector<16xi32>
        %mul3A_463 = arith.muli %min3A_448, %mul3A_462 : vector<16xi32>
        %add3A_464 = arith.addi %mul3A_463, %min3A_454 : vector<16xi32>
        %mul3A_465 = arith.constant 3 : i32
        %mul3A_466 = vector.broadcast %mul3A_465 : i32 to vector<16xi32>
        %mul3A_467 = arith.muli %add3A_464, %mul3A_466 : vector<16xi32>
        %add3A_468 = arith.addi %mul3A_467, %min3A_460 : vector<16xi32>
        %swap3A_469 = arith.constant 112 : index
        %swap3A_470 = tpu.vector_load %arg15[%swap3A_469] {strides = array<i32>} : memref<128xi32, #tpu.memory_space<vmem>>, vector<16xi32>,
        tpu.vector_store %arg15[%swap3A_469], %add3A_468 {strides = array<i32>} : memref<128xi32, #tpu.memory_space<vmem>>, vector<16xi32>,
        %ge3A_471 = arith.constant 7 : i32
        %ge3A_472 = arith.cmpi sge, %add3A_118, %ge3A_471 : i32
        %convert_element_type3A_473 = arith.extui %ge3A_472 : i1 to i32
        %cond3A_474 = arith.constant 0 : i32
        %cond3A_475 = arith.cmpi ne, %convert_element_type3A_473, %cond3A_474 : i32
        scf.if %cond3A_475 {
          %dma_wait3A_484 = arith.constant 0 : i32
          %dma_wait3A_485 = arith.constant 0 : i32
          %dma_wait3A_486 = tpu.memref_slice %arg4[%dma_wait3A_484, %dma_wait3A_485] : memref<320000x128xf32, #tpu.memory_space<hbm>> -> memref<128x128xf32, #tpu.memory_space<hbm>>
          %dma_wait3A_487 = arith.constant 0 : i32
          %dma_wait3A_488 = arith.constant 0 : i32
          %dma_wait3A_489 = tpu.memref_slice %arg4[%dma_wait3A_487, %dma_wait3A_488] : memref<320000x128xf32, #tpu.memory_space<hbm>> -> memref<128x128xf32, #tpu.memory_space<hbm>>
          tpu.wait_dma2 semaphore(%arg43 : memref<!tpu.dma_semaphore, #tpu.memory_space<semaphore_mem>>) src(%arg22 : memref<128x128xf32, #tpu.memory_space<vmem>>) dst(%dma_wait3A_489 : memref<128x128xf32, #tpu.memory_space<hbm>>)
        } else {
        }
        %dma_start3A = arith.constant 0 : i32
        %dma_start3A_476 = arith.constant 0 : i32
        %dma_start3A_477 = tpu.memref_slice %arg5[%dma_start3A, %dma_start3A_476] : memref<126x128xf32, #tpu.memory_space<vmem_shared>> -> memref<126x128xf32, #tpu.memory_space<vmem_shared>>
        tpu.enqueue_indirect_dma source(%dma_start3A_477 : memref<126x128xf32, #tpu.memory_space<vmem_shared>>) target(%arg22 : memref<128x128xf32, #tpu.memory_space<vmem>>) offsets(%arg15 : memref<128xi32, #tpu.memory_space<vmem>>) semaphore(%arg36 : memref<!tpu.dma_semaphore, #tpu.memory_space<semaphore_mem>>)
        %add3A_478 = arith.constant 2 : i32
        %add3A_479 = arith.addi %add3A_118, %add3A_478 : i32
        %lt3A_480 = arith.cmpi slt, %add3A_479, %add3A_6 : i32
        %convert_element_type3A_481 = arith.extui %lt3A_480 : i1 to i32
        %cond3A_482 = arith.constant 0 : i32
        %cond3A_483 = arith.cmpi ne, %convert_element_type3A_481, %cond3A_482 : i32
        scf.if %cond3A_483 {
          %add3A_484 = arith.constant 2 : i32
          %add3A_485 = arith.addi %add3A_118, %add3A_484 : i32
          %mul3A_486 = arith.constant 32 : i32
          %mul3A_487 = arith.muli %add3A_485, %mul3A_486 : i32
          %add3A_488 = arith.addi %add3A, %mul3A_487 : i32
          %mul3A_489 = arith.constant 128 : i32
          %mul3A_490 = arith.muli %add3A_488, %mul3A_489 : i32
          %add3A_491 = arith.constant 0 : i32
          %add3A_492 = arith.addi %add3A_491, %mul3A_490 : i32
          %multiple_of3A = tpu.assume_multiple %add3A_492, 8 : i32
          %dma_start3A_493 = arith.constant 0 : i32
          %dma_start3A_494 = tpu.memref_slice %arg10[%dma_start3A_493] : memref<384xi32, #tpu.memory_space<vmem>> -> memref<128xi32, #tpu.memory_space<vmem>>
          %dma_start3A_495 = tpu.memref_slice %arg2[%multiple_of3A] : memref<960000xi32, #tpu.memory_space<hbm>> -> memref<128xi32, #tpu.memory_space<hbm>>
          %dma_start3A_496 = arith.constant 0 : i32
          %dma_start3A_497 = tpu.memref_slice %arg10[%dma_start3A_496] : memref<384xi32, #tpu.memory_space<vmem>> -> memref<128xi32, #tpu.memory_space<vmem>>
          %dma_start3A_498 = tpu.memref_slice %arg2[%multiple_of3A] : memref<960000xi32, #tpu.memory_space<hbm>> -> memref<128xi32, #tpu.memory_space<hbm>>
          tpu.enqueue_dma source(%dma_start3A_498 : memref<128xi32, #tpu.memory_space<hbm>>) target(%dma_start3A_497 : memref<128xi32, #tpu.memory_space<vmem>>) target_semaphore(%arg31 : memref<!tpu.dma_semaphore, #tpu.memory_space<semaphore_mem>>)
          %add3A_499 = arith.constant 320000 : i32
          %add3A_500 = arith.addi %add3A_499, %mul3A_490 : i32
          %multiple_of3A_501 = tpu.assume_multiple %add3A_500, 8 : i32
          %dma_start3A_502 = arith.constant 128 : i32
          %dma_start3A_503 = tpu.memref_slice %arg10[%dma_start3A_502] : memref<384xi32, #tpu.memory_space<vmem>> -> memref<128xi32, #tpu.memory_space<vmem>>
          %dma_start3A_504 = tpu.memref_slice %arg2[%multiple_of3A_501] : memref<960000xi32, #tpu.memory_space<hbm>> -> memref<128xi32, #tpu.memory_space<hbm>>
          %dma_start3A_505 = arith.constant 128 : i32
          %dma_start3A_506 = tpu.memref_slice %arg10[%dma_start3A_505] : memref<384xi32, #tpu.memory_space<vmem>> -> memref<128xi32, #tpu.memory_space<vmem>>
          %dma_start3A_507 = tpu.memref_slice %arg2[%multiple_of3A_501] : memref<960000xi32, #tpu.memory_space<hbm>> -> memref<128xi32, #tpu.memory_space<hbm>>
          tpu.enqueue_dma source(%dma_start3A_507 : memref<128xi32, #tpu.memory_space<hbm>>) target(%dma_start3A_506 : memref<128xi32, #tpu.memory_space<vmem>>) target_semaphore(%arg31 : memref<!tpu.dma_semaphore, #tpu.memory_space<semaphore_mem>>)
          %add3A_508 = arith.constant 640000 : i32
          %add3A_509 = arith.addi %add3A_508, %mul3A_490 : i32
          %multiple_of3A_510 = tpu.assume_multiple %add3A_509, 8 : i32
          %dma_start3A_511 = arith.constant 256 : i32
          %dma_start3A_512 = tpu.memref_slice %arg10[%dma_start3A_511] : memref<384xi32, #tpu.memory_space<vmem>> -> memref<128xi32, #tpu.memory_space<vmem>>
          %dma_start3A_513 = tpu.memref_slice %arg2[%multiple_of3A_510] : memref<960000xi32, #tpu.memory_space<hbm>> -> memref<128xi32, #tpu.memory_space<hbm>>
          %dma_start3A_514 = arith.constant 256 : i32
          %dma_start3A_515 = tpu.memref_slice %arg10[%dma_start3A_514] : memref<384xi32, #tpu.memory_space<vmem>> -> memref<128xi32, #tpu.memory_space<vmem>>
          %dma_start3A_516 = tpu.memref_slice %arg2[%multiple_of3A_510] : memref<960000xi32, #tpu.memory_space<hbm>> -> memref<128xi32, #tpu.memory_space<hbm>>
          tpu.enqueue_dma source(%dma_start3A_516 : memref<128xi32, #tpu.memory_space<hbm>>) target(%dma_start3A_515 : memref<128xi32, #tpu.memory_space<vmem>>) target_semaphore(%arg31 : memref<!tpu.dma_semaphore, #tpu.memory_space<semaphore_mem>>)
        } else {
        }
      } else {
      }
      %mul3A_132 = arith.constant 7 : i32
      %mul3A_133 = arith.muli %while3A_82, %mul3A_132 : i32
      %add3A_134 = arith.constant 3 : i32
      %add3A_135 = arith.addi %mul3A_133, %add3A_134 : i32
      %ge3A_136 = arith.constant 3 : i32
      %ge3A_137 = arith.cmpi sge, %add3A_135, %ge3A_136 : i32
      %add3A_138 = arith.constant 2 : i32
      %add3A_139 = arith.addi %add3A_6, %add3A_138 : i32
      %le3A_140 = arith.cmpi sle, %add3A_135, %add3A_139 : i32
      %and3A_141 = arith.andi %ge3A_137, %le3A_140 : i1
      %convert_element_type3A_142 = arith.extui %and3A_141 : i1 to i32
      %cond3A_143 = arith.constant 0 : i32
      %cond3A_144 = arith.cmpi ne, %convert_element_type3A_142, %cond3A_143 : i32
      scf.if %cond3A_144 {
        %dma_wait3A = arith.constant 0 : i32
        %dma_wait3A_200 = arith.constant 0 : i32
        %dma_wait3A_201 = tpu.memref_slice %arg5[%dma_wait3A, %dma_wait3A_200] : memref<126x128xf32, #tpu.memory_space<vmem_shared>> -> memref<126x128xf32, #tpu.memory_space<vmem_shared>>
        tpu.wait_indirect_dma semaphore(%arg34 : memref<!tpu.dma_semaphore, #tpu.memory_space<semaphore_mem>>) src(%dma_wait3A_201 : memref<126x128xf32, #tpu.memory_space<vmem_shared>>) dst(%arg20 : memref<128x128xf32, #tpu.memory_space<vmem>>)
        %sub3A_202 = arith.constant 3 : i32
        %sub3A_203 = arith.subi %add3A_135, %sub3A_202 : i32
        %mul3A_204 = arith.constant 32 : i32
        %mul3A_205 = arith.muli %sub3A_203, %mul3A_204 : i32
        %add3A_206 = arith.addi %add3A, %mul3A_205 : i32
        %mul3A_207 = arith.constant 128 : i32
        %mul3A_208 = arith.muli %add3A_206, %mul3A_207 : i32
        %dma_start3A = arith.constant 0 : i32
        %dma_start3A_209 = tpu.memref_slice %arg4[%mul3A_208, %dma_start3A] : memref<320000x128xf32, #tpu.memory_space<hbm>> -> memref<128x128xf32, #tpu.memory_space<hbm>>
        %dma_start3A_210 = arith.constant 0 : i32
        %dma_start3A_211 = tpu.memref_slice %arg4[%mul3A_208, %dma_start3A_210] : memref<320000x128xf32, #tpu.memory_space<hbm>> -> memref<128x128xf32, #tpu.memory_space<hbm>>
        tpu.enqueue_dma source(%arg20 : memref<128x128xf32, #tpu.memory_space<vmem>>) target(%dma_start3A_211 : memref<128x128xf32, #tpu.memory_space<hbm>>) target_semaphore(%arg41 : memref<!tpu.dma_semaphore, #tpu.memory_space<semaphore_mem>>)
      } else {
      }
      %lt3A_145 = arith.cmpi slt, %add3A_135, %add3A_6 : i32
      %convert_element_type3A_146 = arith.extui %lt3A_145 : i1 to i32
      %cond3A_147 = arith.constant 0 : i32
      %cond3A_148 = arith.cmpi ne, %convert_element_type3A_146, %cond3A_147 : i32
      scf.if %cond3A_148 {
        %dma_wait3A = arith.constant 0 : i32
        %dma_wait3A_200 = tpu.memref_slice %arg2[%dma_wait3A] : memref<960000xi32, #tpu.memory_space<hbm>> -> memref<384xi32, #tpu.memory_space<hbm>>
        %dma_wait3A_201 = arith.constant 0 : i32
        %dma_wait3A_202 = tpu.memref_slice %arg2[%dma_wait3A_201] : memref<960000xi32, #tpu.memory_space<hbm>> -> memref<384xi32, #tpu.memory_space<hbm>>
        tpu.wait_dma2 semaphore(%arg30 : memref<!tpu.dma_semaphore, #tpu.memory_space<semaphore_mem>>) src(%dma_wait3A_202 : memref<384xi32, #tpu.memory_space<hbm>>) dst(%arg9 : memref<384xi32, #tpu.memory_space<vmem>>)
        %get3A = arith.constant 0 : index
        %get3A_203 = tpu.vector_load %arg9[%get3A] {strides = array<i32>} : memref<384xi32, #tpu.memory_space<vmem>>, vector<16xi32>,
        %get3A_204 = arith.constant 128 : index
        %get3A_205 = tpu.vector_load %arg9[%get3A_204] {strides = array<i32>} : memref<384xi32, #tpu.memory_space<vmem>>, vector<16xi32>,
        %get3A_206 = arith.constant 256 : index
        %get3A_207 = tpu.vector_load %arg9[%get3A_206] {strides = array<i32>} : memref<384xi32, #tpu.memory_space<vmem>>, vector<16xi32>,
        %jit3A_208 = arith.constant 0 : i32
        %jit3A_209 = arith.constant 5 : i32
        %max3A = vector.broadcast %jit3A_208 : i32 to vector<16xi32>
        %max3A_210 = arith.maxsi %max3A, %get3A_203 : vector<16xi32>
        %min3A = vector.broadcast %jit3A_209 : i32 to vector<16xi32>
        %min3A_211 = arith.minsi %min3A, %max3A_210 : vector<16xi32>
        %jit3A_212 = arith.constant 0 : i32
        %jit3A_213 = arith.constant 6 : i32
        %max3A_214 = vector.broadcast %jit3A_212 : i32 to vector<16xi32>
        %max3A_215 = arith.maxsi %max3A_214, %get3A_205 : vector<16xi32>
        %min3A_216 = vector.broadcast %jit3A_213 : i32 to vector<16xi32>
        %min3A_217 = arith.minsi %min3A_216, %max3A_215 : vector<16xi32>
        %jit3A_218 = arith.constant 0 : i32
        %jit3A_219 = arith.constant 2 : i32
        %max3A_220 = vector.broadcast %jit3A_218 : i32 to vector<16xi32>
        %max3A_221 = arith.maxsi %max3A_220, %get3A_207 : vector<16xi32>
        %min3A_222 = vector.broadcast %jit3A_219 : i32 to vector<16xi32>
        %min3A_223 = arith.minsi %min3A_222, %max3A_221 : vector<16xi32>
        %mul3A_224 = arith.constant 7 : i32
        %mul3A_225 = vector.broadcast %mul3A_224 : i32 to vector<16xi32>
        %mul3A_226 = arith.muli %min3A_211, %mul3A_225 : vector<16xi32>
        %add3A_227 = arith.addi %mul3A_226, %min3A_217 : vector<16xi32>
        %mul3A_228 = arith.constant 3 : i32
        %mul3A_229 = vector.broadcast %mul3A_228 : i32 to vector<16xi32>
        %mul3A_230 = arith.muli %add3A_227, %mul3A_229 : vector<16xi32>
        %add3A_231 = arith.addi %mul3A_230, %min3A_223 : vector<16xi32>
        %swap3A = arith.constant 0 : index
        %swap3A_232 = tpu.vector_load %arg16[%swap3A] {strides = array<i32>} : memref<128xi32, #tpu.memory_space<vmem>>, vector<16xi32>,
        tpu.vector_store %arg16[%swap3A], %add3A_231 {strides = array<i32>} : memref<128xi32, #tpu.memory_space<vmem>>, vector<16xi32>,
        %get3A_233 = arith.constant 16 : index
        %get3A_234 = tpu.vector_load %arg9[%get3A_233] {strides = array<i32>} : memref<384xi32, #tpu.memory_space<vmem>>, vector<16xi32>,
        %get3A_235 = arith.constant 144 : index
        %get3A_236 = tpu.vector_load %arg9[%get3A_235] {strides = array<i32>} : memref<384xi32, #tpu.memory_space<vmem>>, vector<16xi32>,
        %get3A_237 = arith.constant 272 : index
        %get3A_238 = tpu.vector_load %arg9[%get3A_237] {strides = array<i32>} : memref<384xi32, #tpu.memory_space<vmem>>, vector<16xi32>,
        %jit3A_239 = arith.constant 0 : i32
        %jit3A_240 = arith.constant 5 : i32
        %max3A_241 = vector.broadcast %jit3A_239 : i32 to vector<16xi32>
        %max3A_242 = arith.maxsi %max3A_241, %get3A_234 : vector<16xi32>
        %min3A_243 = vector.broadcast %jit3A_240 : i32 to vector<16xi32>
        %min3A_244 = arith.minsi %min3A_243, %max3A_242 : vector<16xi32>
        %jit3A_245 = arith.constant 0 : i32
        %jit3A_246 = arith.constant 6 : i32
        %max3A_247 = vector.broadcast %jit3A_245 : i32 to vector<16xi32>
        %max3A_248 = arith.maxsi %max3A_247, %get3A_236 : vector<16xi32>
        %min3A_249 = vector.broadcast %jit3A_246 : i32 to vector<16xi32>
        %min3A_250 = arith.minsi %min3A_249, %max3A_248 : vector<16xi32>
        %jit3A_251 = arith.constant 0 : i32
        %jit3A_252 = arith.constant 2 : i32
        %max3A_253 = vector.broadcast %jit3A_251 : i32 to vector<16xi32>
        %max3A_254 = arith.maxsi %max3A_253, %get3A_238 : vector<16xi32>
        %min3A_255 = vector.broadcast %jit3A_252 : i32 to vector<16xi32>
        %min3A_256 = arith.minsi %min3A_255, %max3A_254 : vector<16xi32>
        %mul3A_257 = arith.constant 7 : i32
        %mul3A_258 = vector.broadcast %mul3A_257 : i32 to vector<16xi32>
        %mul3A_259 = arith.muli %min3A_244, %mul3A_258 : vector<16xi32>
        %add3A_260 = arith.addi %mul3A_259, %min3A_250 : vector<16xi32>
        %mul3A_261 = arith.constant 3 : i32
        %mul3A_262 = vector.broadcast %mul3A_261 : i32 to vector<16xi32>
        %mul3A_263 = arith.muli %add3A_260, %mul3A_262 : vector<16xi32>
        %add3A_264 = arith.addi %mul3A_263, %min3A_256 : vector<16xi32>
        %swap3A_265 = arith.constant 16 : index
        %swap3A_266 = tpu.vector_load %arg16[%swap3A_265] {strides = array<i32>} : memref<128xi32, #tpu.memory_space<vmem>>, vector<16xi32>,
        tpu.vector_store %arg16[%swap3A_265], %add3A_264 {strides = array<i32>} : memref<128xi32, #tpu.memory_space<vmem>>, vector<16xi32>,
        %get3A_267 = arith.constant 32 : index
        %get3A_268 = tpu.vector_load %arg9[%get3A_267] {strides = array<i32>} : memref<384xi32, #tpu.memory_space<vmem>>, vector<16xi32>,
        %get3A_269 = arith.constant 160 : index
        %get3A_270 = tpu.vector_load %arg9[%get3A_269] {strides = array<i32>} : memref<384xi32, #tpu.memory_space<vmem>>, vector<16xi32>,
        %get3A_271 = arith.constant 288 : index
        %get3A_272 = tpu.vector_load %arg9[%get3A_271] {strides = array<i32>} : memref<384xi32, #tpu.memory_space<vmem>>, vector<16xi32>,
        %jit3A_273 = arith.constant 0 : i32
        %jit3A_274 = arith.constant 5 : i32
        %max3A_275 = vector.broadcast %jit3A_273 : i32 to vector<16xi32>
        %max3A_276 = arith.maxsi %max3A_275, %get3A_268 : vector<16xi32>
        %min3A_277 = vector.broadcast %jit3A_274 : i32 to vector<16xi32>
        %min3A_278 = arith.minsi %min3A_277, %max3A_276 : vector<16xi32>
        %jit3A_279 = arith.constant 0 : i32
        %jit3A_280 = arith.constant 6 : i32
        %max3A_281 = vector.broadcast %jit3A_279 : i32 to vector<16xi32>
        %max3A_282 = arith.maxsi %max3A_281, %get3A_270 : vector<16xi32>
        %min3A_283 = vector.broadcast %jit3A_280 : i32 to vector<16xi32>
        %min3A_284 = arith.minsi %min3A_283, %max3A_282 : vector<16xi32>
        %jit3A_285 = arith.constant 0 : i32
        %jit3A_286 = arith.constant 2 : i32
        %max3A_287 = vector.broadcast %jit3A_285 : i32 to vector<16xi32>
        %max3A_288 = arith.maxsi %max3A_287, %get3A_272 : vector<16xi32>
        %min3A_289 = vector.broadcast %jit3A_286 : i32 to vector<16xi32>
        %min3A_290 = arith.minsi %min3A_289, %max3A_288 : vector<16xi32>
        %mul3A_291 = arith.constant 7 : i32
        %mul3A_292 = vector.broadcast %mul3A_291 : i32 to vector<16xi32>
        %mul3A_293 = arith.muli %min3A_278, %mul3A_292 : vector<16xi32>
        %add3A_294 = arith.addi %mul3A_293, %min3A_284 : vector<16xi32>
        %mul3A_295 = arith.constant 3 : i32
        %mul3A_296 = vector.broadcast %mul3A_295 : i32 to vector<16xi32>
        %mul3A_297 = arith.muli %add3A_294, %mul3A_296 : vector<16xi32>
        %add3A_298 = arith.addi %mul3A_297, %min3A_290 : vector<16xi32>
        %swap3A_299 = arith.constant 32 : index
        %swap3A_300 = tpu.vector_load %arg16[%swap3A_299] {strides = array<i32>} : memref<128xi32, #tpu.memory_space<vmem>>, vector<16xi32>,
        tpu.vector_store %arg16[%swap3A_299], %add3A_298 {strides = array<i32>} : memref<128xi32, #tpu.memory_space<vmem>>, vector<16xi32>,
        %get3A_301 = arith.constant 48 : index
        %get3A_302 = tpu.vector_load %arg9[%get3A_301] {strides = array<i32>} : memref<384xi32, #tpu.memory_space<vmem>>, vector<16xi32>,
        %get3A_303 = arith.constant 176 : index
        %get3A_304 = tpu.vector_load %arg9[%get3A_303] {strides = array<i32>} : memref<384xi32, #tpu.memory_space<vmem>>, vector<16xi32>,
        %get3A_305 = arith.constant 304 : index
        %get3A_306 = tpu.vector_load %arg9[%get3A_305] {strides = array<i32>} : memref<384xi32, #tpu.memory_space<vmem>>, vector<16xi32>,
        %jit3A_307 = arith.constant 0 : i32
        %jit3A_308 = arith.constant 5 : i32
        %max3A_309 = vector.broadcast %jit3A_307 : i32 to vector<16xi32>
        %max3A_310 = arith.maxsi %max3A_309, %get3A_302 : vector<16xi32>
        %min3A_311 = vector.broadcast %jit3A_308 : i32 to vector<16xi32>
        %min3A_312 = arith.minsi %min3A_311, %max3A_310 : vector<16xi32>
        %jit3A_313 = arith.constant 0 : i32
        %jit3A_314 = arith.constant 6 : i32
        %max3A_315 = vector.broadcast %jit3A_313 : i32 to vector<16xi32>
        %max3A_316 = arith.maxsi %max3A_315, %get3A_304 : vector<16xi32>
        %min3A_317 = vector.broadcast %jit3A_314 : i32 to vector<16xi32>
        %min3A_318 = arith.minsi %min3A_317, %max3A_316 : vector<16xi32>
        %jit3A_319 = arith.constant 0 : i32
        %jit3A_320 = arith.constant 2 : i32
        %max3A_321 = vector.broadcast %jit3A_319 : i32 to vector<16xi32>
        %max3A_322 = arith.maxsi %max3A_321, %get3A_306 : vector<16xi32>
        %min3A_323 = vector.broadcast %jit3A_320 : i32 to vector<16xi32>
        %min3A_324 = arith.minsi %min3A_323, %max3A_322 : vector<16xi32>
        %mul3A_325 = arith.constant 7 : i32
        %mul3A_326 = vector.broadcast %mul3A_325 : i32 to vector<16xi32>
        %mul3A_327 = arith.muli %min3A_312, %mul3A_326 : vector<16xi32>
        %add3A_328 = arith.addi %mul3A_327, %min3A_318 : vector<16xi32>
        %mul3A_329 = arith.constant 3 : i32
        %mul3A_330 = vector.broadcast %mul3A_329 : i32 to vector<16xi32>
        %mul3A_331 = arith.muli %add3A_328, %mul3A_330 : vector<16xi32>
        %add3A_332 = arith.addi %mul3A_331, %min3A_324 : vector<16xi32>
        %swap3A_333 = arith.constant 48 : index
        %swap3A_334 = tpu.vector_load %arg16[%swap3A_333] {strides = array<i32>} : memref<128xi32, #tpu.memory_space<vmem>>, vector<16xi32>,
        tpu.vector_store %arg16[%swap3A_333], %add3A_332 {strides = array<i32>} : memref<128xi32, #tpu.memory_space<vmem>>, vector<16xi32>,
        %get3A_335 = arith.constant 64 : index
        %get3A_336 = tpu.vector_load %arg9[%get3A_335] {strides = array<i32>} : memref<384xi32, #tpu.memory_space<vmem>>, vector<16xi32>,
        %get3A_337 = arith.constant 192 : index
        %get3A_338 = tpu.vector_load %arg9[%get3A_337] {strides = array<i32>} : memref<384xi32, #tpu.memory_space<vmem>>, vector<16xi32>,
        %get3A_339 = arith.constant 320 : index
        %get3A_340 = tpu.vector_load %arg9[%get3A_339] {strides = array<i32>} : memref<384xi32, #tpu.memory_space<vmem>>, vector<16xi32>,
        %jit3A_341 = arith.constant 0 : i32
        %jit3A_342 = arith.constant 5 : i32
        %max3A_343 = vector.broadcast %jit3A_341 : i32 to vector<16xi32>
        %max3A_344 = arith.maxsi %max3A_343, %get3A_336 : vector<16xi32>
        %min3A_345 = vector.broadcast %jit3A_342 : i32 to vector<16xi32>
        %min3A_346 = arith.minsi %min3A_345, %max3A_344 : vector<16xi32>
        %jit3A_347 = arith.constant 0 : i32
        %jit3A_348 = arith.constant 6 : i32
        %max3A_349 = vector.broadcast %jit3A_347 : i32 to vector<16xi32>
        %max3A_350 = arith.maxsi %max3A_349, %get3A_338 : vector<16xi32>
        %min3A_351 = vector.broadcast %jit3A_348 : i32 to vector<16xi32>
        %min3A_352 = arith.minsi %min3A_351, %max3A_350 : vector<16xi32>
        %jit3A_353 = arith.constant 0 : i32
        %jit3A_354 = arith.constant 2 : i32
        %max3A_355 = vector.broadcast %jit3A_353 : i32 to vector<16xi32>
        %max3A_356 = arith.maxsi %max3A_355, %get3A_340 : vector<16xi32>
        %min3A_357 = vector.broadcast %jit3A_354 : i32 to vector<16xi32>
        %min3A_358 = arith.minsi %min3A_357, %max3A_356 : vector<16xi32>
        %mul3A_359 = arith.constant 7 : i32
        %mul3A_360 = vector.broadcast %mul3A_359 : i32 to vector<16xi32>
        %mul3A_361 = arith.muli %min3A_346, %mul3A_360 : vector<16xi32>
        %add3A_362 = arith.addi %mul3A_361, %min3A_352 : vector<16xi32>
        %mul3A_363 = arith.constant 3 : i32
        %mul3A_364 = vector.broadcast %mul3A_363 : i32 to vector<16xi32>
        %mul3A_365 = arith.muli %add3A_362, %mul3A_364 : vector<16xi32>
        %add3A_366 = arith.addi %mul3A_365, %min3A_358 : vector<16xi32>
        %swap3A_367 = arith.constant 64 : index
        %swap3A_368 = tpu.vector_load %arg16[%swap3A_367] {strides = array<i32>} : memref<128xi32, #tpu.memory_space<vmem>>, vector<16xi32>,
        tpu.vector_store %arg16[%swap3A_367], %add3A_366 {strides = array<i32>} : memref<128xi32, #tpu.memory_space<vmem>>, vector<16xi32>,
        %get3A_369 = arith.constant 80 : index
        %get3A_370 = tpu.vector_load %arg9[%get3A_369] {strides = array<i32>} : memref<384xi32, #tpu.memory_space<vmem>>, vector<16xi32>,
        %get3A_371 = arith.constant 208 : index
        %get3A_372 = tpu.vector_load %arg9[%get3A_371] {strides = array<i32>} : memref<384xi32, #tpu.memory_space<vmem>>, vector<16xi32>,
        %get3A_373 = arith.constant 336 : index
        %get3A_374 = tpu.vector_load %arg9[%get3A_373] {strides = array<i32>} : memref<384xi32, #tpu.memory_space<vmem>>, vector<16xi32>,
        %jit3A_375 = arith.constant 0 : i32
        %jit3A_376 = arith.constant 5 : i32
        %max3A_377 = vector.broadcast %jit3A_375 : i32 to vector<16xi32>
        %max3A_378 = arith.maxsi %max3A_377, %get3A_370 : vector<16xi32>
        %min3A_379 = vector.broadcast %jit3A_376 : i32 to vector<16xi32>
        %min3A_380 = arith.minsi %min3A_379, %max3A_378 : vector<16xi32>
        %jit3A_381 = arith.constant 0 : i32
        %jit3A_382 = arith.constant 6 : i32
        %max3A_383 = vector.broadcast %jit3A_381 : i32 to vector<16xi32>
        %max3A_384 = arith.maxsi %max3A_383, %get3A_372 : vector<16xi32>
        %min3A_385 = vector.broadcast %jit3A_382 : i32 to vector<16xi32>
        %min3A_386 = arith.minsi %min3A_385, %max3A_384 : vector<16xi32>
        %jit3A_387 = arith.constant 0 : i32
        %jit3A_388 = arith.constant 2 : i32
        %max3A_389 = vector.broadcast %jit3A_387 : i32 to vector<16xi32>
        %max3A_390 = arith.maxsi %max3A_389, %get3A_374 : vector<16xi32>
        %min3A_391 = vector.broadcast %jit3A_388 : i32 to vector<16xi32>
        %min3A_392 = arith.minsi %min3A_391, %max3A_390 : vector<16xi32>
        %mul3A_393 = arith.constant 7 : i32
        %mul3A_394 = vector.broadcast %mul3A_393 : i32 to vector<16xi32>
        %mul3A_395 = arith.muli %min3A_380, %mul3A_394 : vector<16xi32>
        %add3A_396 = arith.addi %mul3A_395, %min3A_386 : vector<16xi32>
        %mul3A_397 = arith.constant 3 : i32
        %mul3A_398 = vector.broadcast %mul3A_397 : i32 to vector<16xi32>
        %mul3A_399 = arith.muli %add3A_396, %mul3A_398 : vector<16xi32>
        %add3A_400 = arith.addi %mul3A_399, %min3A_392 : vector<16xi32>
        %swap3A_401 = arith.constant 80 : index
        %swap3A_402 = tpu.vector_load %arg16[%swap3A_401] {strides = array<i32>} : memref<128xi32, #tpu.memory_space<vmem>>, vector<16xi32>,
        tpu.vector_store %arg16[%swap3A_401], %add3A_400 {strides = array<i32>} : memref<128xi32, #tpu.memory_space<vmem>>, vector<16xi32>,
        %get3A_403 = arith.constant 96 : index
        %get3A_404 = tpu.vector_load %arg9[%get3A_403] {strides = array<i32>} : memref<384xi32, #tpu.memory_space<vmem>>, vector<16xi32>,
        %get3A_405 = arith.constant 224 : index
        %get3A_406 = tpu.vector_load %arg9[%get3A_405] {strides = array<i32>} : memref<384xi32, #tpu.memory_space<vmem>>, vector<16xi32>,
        %get3A_407 = arith.constant 352 : index
        %get3A_408 = tpu.vector_load %arg9[%get3A_407] {strides = array<i32>} : memref<384xi32, #tpu.memory_space<vmem>>, vector<16xi32>,
        %jit3A_409 = arith.constant 0 : i32
        %jit3A_410 = arith.constant 5 : i32
        %max3A_411 = vector.broadcast %jit3A_409 : i32 to vector<16xi32>
        %max3A_412 = arith.maxsi %max3A_411, %get3A_404 : vector<16xi32>
        %min3A_413 = vector.broadcast %jit3A_410 : i32 to vector<16xi32>
        %min3A_414 = arith.minsi %min3A_413, %max3A_412 : vector<16xi32>
        %jit3A_415 = arith.constant 0 : i32
        %jit3A_416 = arith.constant 6 : i32
        %max3A_417 = vector.broadcast %jit3A_415 : i32 to vector<16xi32>
        %max3A_418 = arith.maxsi %max3A_417, %get3A_406 : vector<16xi32>
        %min3A_419 = vector.broadcast %jit3A_416 : i32 to vector<16xi32>
        %min3A_420 = arith.minsi %min3A_419, %max3A_418 : vector<16xi32>
        %jit3A_421 = arith.constant 0 : i32
        %jit3A_422 = arith.constant 2 : i32
        %max3A_423 = vector.broadcast %jit3A_421 : i32 to vector<16xi32>
        %max3A_424 = arith.maxsi %max3A_423, %get3A_408 : vector<16xi32>
        %min3A_425 = vector.broadcast %jit3A_422 : i32 to vector<16xi32>
        %min3A_426 = arith.minsi %min3A_425, %max3A_424 : vector<16xi32>
        %mul3A_427 = arith.constant 7 : i32
        %mul3A_428 = vector.broadcast %mul3A_427 : i32 to vector<16xi32>
        %mul3A_429 = arith.muli %min3A_414, %mul3A_428 : vector<16xi32>
        %add3A_430 = arith.addi %mul3A_429, %min3A_420 : vector<16xi32>
        %mul3A_431 = arith.constant 3 : i32
        %mul3A_432 = vector.broadcast %mul3A_431 : i32 to vector<16xi32>
        %mul3A_433 = arith.muli %add3A_430, %mul3A_432 : vector<16xi32>
        %add3A_434 = arith.addi %mul3A_433, %min3A_426 : vector<16xi32>
        %swap3A_435 = arith.constant 96 : index
        %swap3A_436 = tpu.vector_load %arg16[%swap3A_435] {strides = array<i32>} : memref<128xi32, #tpu.memory_space<vmem>>, vector<16xi32>,
        tpu.vector_store %arg16[%swap3A_435], %add3A_434 {strides = array<i32>} : memref<128xi32, #tpu.memory_space<vmem>>, vector<16xi32>,
        %get3A_437 = arith.constant 112 : index
        %get3A_438 = tpu.vector_load %arg9[%get3A_437] {strides = array<i32>} : memref<384xi32, #tpu.memory_space<vmem>>, vector<16xi32>,
        %get3A_439 = arith.constant 240 : index
        %get3A_440 = tpu.vector_load %arg9[%get3A_439] {strides = array<i32>} : memref<384xi32, #tpu.memory_space<vmem>>, vector<16xi32>,
        %get3A_441 = arith.constant 368 : index
        %get3A_442 = tpu.vector_load %arg9[%get3A_441] {strides = array<i32>} : memref<384xi32, #tpu.memory_space<vmem>>, vector<16xi32>,
        %jit3A_443 = arith.constant 0 : i32
        %jit3A_444 = arith.constant 5 : i32
        %max3A_445 = vector.broadcast %jit3A_443 : i32 to vector<16xi32>
        %max3A_446 = arith.maxsi %max3A_445, %get3A_438 : vector<16xi32>
        %min3A_447 = vector.broadcast %jit3A_444 : i32 to vector<16xi32>
        %min3A_448 = arith.minsi %min3A_447, %max3A_446 : vector<16xi32>
        %jit3A_449 = arith.constant 0 : i32
        %jit3A_450 = arith.constant 6 : i32
        %max3A_451 = vector.broadcast %jit3A_449 : i32 to vector<16xi32>
        %max3A_452 = arith.maxsi %max3A_451, %get3A_440 : vector<16xi32>
        %min3A_453 = vector.broadcast %jit3A_450 : i32 to vector<16xi32>
        %min3A_454 = arith.minsi %min3A_453, %max3A_452 : vector<16xi32>
        %jit3A_455 = arith.constant 0 : i32
        %jit3A_456 = arith.constant 2 : i32
        %max3A_457 = vector.broadcast %jit3A_455 : i32 to vector<16xi32>
        %max3A_458 = arith.maxsi %max3A_457, %get3A_442 : vector<16xi32>
        %min3A_459 = vector.broadcast %jit3A_456 : i32 to vector<16xi32>
        %min3A_460 = arith.minsi %min3A_459, %max3A_458 : vector<16xi32>
        %mul3A_461 = arith.constant 7 : i32
        %mul3A_462 = vector.broadcast %mul3A_461 : i32 to vector<16xi32>
        %mul3A_463 = arith.muli %min3A_448, %mul3A_462 : vector<16xi32>
        %add3A_464 = arith.addi %mul3A_463, %min3A_454 : vector<16xi32>
        %mul3A_465 = arith.constant 3 : i32
        %mul3A_466 = vector.broadcast %mul3A_465 : i32 to vector<16xi32>
        %mul3A_467 = arith.muli %add3A_464, %mul3A_466 : vector<16xi32>
        %add3A_468 = arith.addi %mul3A_467, %min3A_460 : vector<16xi32>
        %swap3A_469 = arith.constant 112 : index
        %swap3A_470 = tpu.vector_load %arg16[%swap3A_469] {strides = array<i32>} : memref<128xi32, #tpu.memory_space<vmem>>, vector<16xi32>,
        tpu.vector_store %arg16[%swap3A_469], %add3A_468 {strides = array<i32>} : memref<128xi32, #tpu.memory_space<vmem>>, vector<16xi32>,
        %ge3A_471 = arith.constant 7 : i32
        %ge3A_472 = arith.cmpi sge, %add3A_135, %ge3A_471 : i32
        %convert_element_type3A_473 = arith.extui %ge3A_472 : i1 to i32
        %cond3A_474 = arith.constant 0 : i32
        %cond3A_475 = arith.cmpi ne, %convert_element_type3A_473, %cond3A_474 : i32
        scf.if %cond3A_475 {
          %dma_wait3A_484 = arith.constant 0 : i32
          %dma_wait3A_485 = arith.constant 0 : i32
          %dma_wait3A_486 = tpu.memref_slice %arg4[%dma_wait3A_484, %dma_wait3A_485] : memref<320000x128xf32, #tpu.memory_space<hbm>> -> memref<128x128xf32, #tpu.memory_space<hbm>>
          %dma_wait3A_487 = arith.constant 0 : i32
          %dma_wait3A_488 = arith.constant 0 : i32
          %dma_wait3A_489 = tpu.memref_slice %arg4[%dma_wait3A_487, %dma_wait3A_488] : memref<320000x128xf32, #tpu.memory_space<hbm>> -> memref<128x128xf32, #tpu.memory_space<hbm>>
          tpu.wait_dma2 semaphore(%arg44 : memref<!tpu.dma_semaphore, #tpu.memory_space<semaphore_mem>>) src(%arg23 : memref<128x128xf32, #tpu.memory_space<vmem>>) dst(%dma_wait3A_489 : memref<128x128xf32, #tpu.memory_space<hbm>>)
        } else {
        }
        %dma_start3A = arith.constant 0 : i32
        %dma_start3A_476 = arith.constant 0 : i32
        %dma_start3A_477 = tpu.memref_slice %arg5[%dma_start3A, %dma_start3A_476] : memref<126x128xf32, #tpu.memory_space<vmem_shared>> -> memref<126x128xf32, #tpu.memory_space<vmem_shared>>
        tpu.enqueue_indirect_dma source(%dma_start3A_477 : memref<126x128xf32, #tpu.memory_space<vmem_shared>>) target(%arg23 : memref<128x128xf32, #tpu.memory_space<vmem>>) offsets(%arg16 : memref<128xi32, #tpu.memory_space<vmem>>) semaphore(%arg37 : memref<!tpu.dma_semaphore, #tpu.memory_space<semaphore_mem>>)
        %add3A_478 = arith.constant 2 : i32
        %add3A_479 = arith.addi %add3A_135, %add3A_478 : i32
        %lt3A_480 = arith.cmpi slt, %add3A_479, %add3A_6 : i32
        %convert_element_type3A_481 = arith.extui %lt3A_480 : i1 to i32
        %cond3A_482 = arith.constant 0 : i32
        %cond3A_483 = arith.cmpi ne, %convert_element_type3A_481, %cond3A_482 : i32
        scf.if %cond3A_483 {
          %add3A_484 = arith.constant 2 : i32
          %add3A_485 = arith.addi %add3A_135, %add3A_484 : i32
          %mul3A_486 = arith.constant 32 : i32
          %mul3A_487 = arith.muli %add3A_485, %mul3A_486 : i32
          %add3A_488 = arith.addi %add3A, %mul3A_487 : i32
          %mul3A_489 = arith.constant 128 : i32
          %mul3A_490 = arith.muli %add3A_488, %mul3A_489 : i32
          %add3A_491 = arith.constant 0 : i32
          %add3A_492 = arith.addi %add3A_491, %mul3A_490 : i32
          %multiple_of3A = tpu.assume_multiple %add3A_492, 8 : i32
          %dma_start3A_493 = arith.constant 0 : i32
          %dma_start3A_494 = tpu.memref_slice %arg11[%dma_start3A_493] : memref<384xi32, #tpu.memory_space<vmem>> -> memref<128xi32, #tpu.memory_space<vmem>>
          %dma_start3A_495 = tpu.memref_slice %arg2[%multiple_of3A] : memref<960000xi32, #tpu.memory_space<hbm>> -> memref<128xi32, #tpu.memory_space<hbm>>
          %dma_start3A_496 = arith.constant 0 : i32
          %dma_start3A_497 = tpu.memref_slice %arg11[%dma_start3A_496] : memref<384xi32, #tpu.memory_space<vmem>> -> memref<128xi32, #tpu.memory_space<vmem>>
          %dma_start3A_498 = tpu.memref_slice %arg2[%multiple_of3A] : memref<960000xi32, #tpu.memory_space<hbm>> -> memref<128xi32, #tpu.memory_space<hbm>>
          tpu.enqueue_dma source(%dma_start3A_498 : memref<128xi32, #tpu.memory_space<hbm>>) target(%dma_start3A_497 : memref<128xi32, #tpu.memory_space<vmem>>) target_semaphore(%arg32 : memref<!tpu.dma_semaphore, #tpu.memory_space<semaphore_mem>>)
          %add3A_499 = arith.constant 320000 : i32
          %add3A_500 = arith.addi %add3A_499, %mul3A_490 : i32
          %multiple_of3A_501 = tpu.assume_multiple %add3A_500, 8 : i32
          %dma_start3A_502 = arith.constant 128 : i32
          %dma_start3A_503 = tpu.memref_slice %arg11[%dma_start3A_502] : memref<384xi32, #tpu.memory_space<vmem>> -> memref<128xi32, #tpu.memory_space<vmem>>
          %dma_start3A_504 = tpu.memref_slice %arg2[%multiple_of3A_501] : memref<960000xi32, #tpu.memory_space<hbm>> -> memref<128xi32, #tpu.memory_space<hbm>>
          %dma_start3A_505 = arith.constant 128 : i32
          %dma_start3A_506 = tpu.memref_slice %arg11[%dma_start3A_505] : memref<384xi32, #tpu.memory_space<vmem>> -> memref<128xi32, #tpu.memory_space<vmem>>
          %dma_start3A_507 = tpu.memref_slice %arg2[%multiple_of3A_501] : memref<960000xi32, #tpu.memory_space<hbm>> -> memref<128xi32, #tpu.memory_space<hbm>>
          tpu.enqueue_dma source(%dma_start3A_507 : memref<128xi32, #tpu.memory_space<hbm>>) target(%dma_start3A_506 : memref<128xi32, #tpu.memory_space<vmem>>) target_semaphore(%arg32 : memref<!tpu.dma_semaphore, #tpu.memory_space<semaphore_mem>>)
          %add3A_508 = arith.constant 640000 : i32
          %add3A_509 = arith.addi %add3A_508, %mul3A_490 : i32
          %multiple_of3A_510 = tpu.assume_multiple %add3A_509, 8 : i32
          %dma_start3A_511 = arith.constant 256 : i32
          %dma_start3A_512 = tpu.memref_slice %arg11[%dma_start3A_511] : memref<384xi32, #tpu.memory_space<vmem>> -> memref<128xi32, #tpu.memory_space<vmem>>
          %dma_start3A_513 = tpu.memref_slice %arg2[%multiple_of3A_510] : memref<960000xi32, #tpu.memory_space<hbm>> -> memref<128xi32, #tpu.memory_space<hbm>>
          %dma_start3A_514 = arith.constant 256 : i32
          %dma_start3A_515 = tpu.memref_slice %arg11[%dma_start3A_514] : memref<384xi32, #tpu.memory_space<vmem>> -> memref<128xi32, #tpu.memory_space<vmem>>
          %dma_start3A_516 = tpu.memref_slice %arg2[%multiple_of3A_510] : memref<960000xi32, #tpu.memory_space<hbm>> -> memref<128xi32, #tpu.memory_space<hbm>>
          tpu.enqueue_dma source(%dma_start3A_516 : memref<128xi32, #tpu.memory_space<hbm>>) target(%dma_start3A_515 : memref<128xi32, #tpu.memory_space<vmem>>) target_semaphore(%arg32 : memref<!tpu.dma_semaphore, #tpu.memory_space<semaphore_mem>>)
        } else {
        }
      } else {
      }
      %mul3A_149 = arith.constant 7 : i32
      %mul3A_150 = arith.muli %while3A_82, %mul3A_149 : i32
      %add3A_151 = arith.constant 4 : i32
      %add3A_152 = arith.addi %mul3A_150, %add3A_151 : i32
      %ge3A_153 = arith.constant 3 : i32
      %ge3A_154 = arith.cmpi sge, %add3A_152, %ge3A_153 : i32
      %add3A_155 = arith.constant 2 : i32
      %add3A_156 = arith.addi %add3A_6, %add3A_155 : i32
      %le3A_157 = arith.cmpi sle, %add3A_152, %add3A_156 : i32
      %and3A_158 = arith.andi %ge3A_154, %le3A_157 : i1
      %convert_element_type3A_159 = arith.extui %and3A_158 : i1 to i32
      %cond3A_160 = arith.constant 0 : i32
      %cond3A_161 = arith.cmpi ne, %convert_element_type3A_159, %cond3A_160 : i32
      scf.if %cond3A_161 {
        %dma_wait3A = arith.constant 0 : i32
        %dma_wait3A_200 = arith.constant 0 : i32
        %dma_wait3A_201 = tpu.memref_slice %arg5[%dma_wait3A, %dma_wait3A_200] : memref<126x128xf32, #tpu.memory_space<vmem_shared>> -> memref<126x128xf32, #tpu.memory_space<vmem_shared>>
        tpu.wait_indirect_dma semaphore(%arg35 : memref<!tpu.dma_semaphore, #tpu.memory_space<semaphore_mem>>) src(%dma_wait3A_201 : memref<126x128xf32, #tpu.memory_space<vmem_shared>>) dst(%arg21 : memref<128x128xf32, #tpu.memory_space<vmem>>)
        %sub3A_202 = arith.constant 3 : i32
        %sub3A_203 = arith.subi %add3A_152, %sub3A_202 : i32
        %mul3A_204 = arith.constant 32 : i32
        %mul3A_205 = arith.muli %sub3A_203, %mul3A_204 : i32
        %add3A_206 = arith.addi %add3A, %mul3A_205 : i32
        %mul3A_207 = arith.constant 128 : i32
        %mul3A_208 = arith.muli %add3A_206, %mul3A_207 : i32
        %dma_start3A = arith.constant 0 : i32
        %dma_start3A_209 = tpu.memref_slice %arg4[%mul3A_208, %dma_start3A] : memref<320000x128xf32, #tpu.memory_space<hbm>> -> memref<128x128xf32, #tpu.memory_space<hbm>>
        %dma_start3A_210 = arith.constant 0 : i32
        %dma_start3A_211 = tpu.memref_slice %arg4[%mul3A_208, %dma_start3A_210] : memref<320000x128xf32, #tpu.memory_space<hbm>> -> memref<128x128xf32, #tpu.memory_space<hbm>>
        tpu.enqueue_dma source(%arg21 : memref<128x128xf32, #tpu.memory_space<vmem>>) target(%dma_start3A_211 : memref<128x128xf32, #tpu.memory_space<hbm>>) target_semaphore(%arg42 : memref<!tpu.dma_semaphore, #tpu.memory_space<semaphore_mem>>)
      } else {
      }
      %lt3A_162 = arith.cmpi slt, %add3A_152, %add3A_6 : i32
      %convert_element_type3A_163 = arith.extui %lt3A_162 : i1 to i32
      %cond3A_164 = arith.constant 0 : i32
      %cond3A_165 = arith.cmpi ne, %convert_element_type3A_163, %cond3A_164 : i32
      scf.if %cond3A_165 {
        %dma_wait3A = arith.constant 0 : i32
        %dma_wait3A_200 = tpu.memref_slice %arg2[%dma_wait3A] : memref<960000xi32, #tpu.memory_space<hbm>> -> memref<384xi32, #tpu.memory_space<hbm>>
        %dma_wait3A_201 = arith.constant 0 : i32
        %dma_wait3A_202 = tpu.memref_slice %arg2[%dma_wait3A_201] : memref<960000xi32, #tpu.memory_space<hbm>> -> memref<384xi32, #tpu.memory_space<hbm>>
        tpu.wait_dma2 semaphore(%arg31 : memref<!tpu.dma_semaphore, #tpu.memory_space<semaphore_mem>>) src(%dma_wait3A_202 : memref<384xi32, #tpu.memory_space<hbm>>) dst(%arg10 : memref<384xi32, #tpu.memory_space<vmem>>)
        %get3A = arith.constant 0 : index
        %get3A_203 = tpu.vector_load %arg10[%get3A] {strides = array<i32>} : memref<384xi32, #tpu.memory_space<vmem>>, vector<16xi32>,
        %get3A_204 = arith.constant 128 : index
        %get3A_205 = tpu.vector_load %arg10[%get3A_204] {strides = array<i32>} : memref<384xi32, #tpu.memory_space<vmem>>, vector<16xi32>,
        %get3A_206 = arith.constant 256 : index
        %get3A_207 = tpu.vector_load %arg10[%get3A_206] {strides = array<i32>} : memref<384xi32, #tpu.memory_space<vmem>>, vector<16xi32>,
        %jit3A_208 = arith.constant 0 : i32
        %jit3A_209 = arith.constant 5 : i32
        %max3A = vector.broadcast %jit3A_208 : i32 to vector<16xi32>
        %max3A_210 = arith.maxsi %max3A, %get3A_203 : vector<16xi32>
        %min3A = vector.broadcast %jit3A_209 : i32 to vector<16xi32>
        %min3A_211 = arith.minsi %min3A, %max3A_210 : vector<16xi32>
        %jit3A_212 = arith.constant 0 : i32
        %jit3A_213 = arith.constant 6 : i32
        %max3A_214 = vector.broadcast %jit3A_212 : i32 to vector<16xi32>
        %max3A_215 = arith.maxsi %max3A_214, %get3A_205 : vector<16xi32>
        %min3A_216 = vector.broadcast %jit3A_213 : i32 to vector<16xi32>
        %min3A_217 = arith.minsi %min3A_216, %max3A_215 : vector<16xi32>
        %jit3A_218 = arith.constant 0 : i32
        %jit3A_219 = arith.constant 2 : i32
        %max3A_220 = vector.broadcast %jit3A_218 : i32 to vector<16xi32>
        %max3A_221 = arith.maxsi %max3A_220, %get3A_207 : vector<16xi32>
        %min3A_222 = vector.broadcast %jit3A_219 : i32 to vector<16xi32>
        %min3A_223 = arith.minsi %min3A_222, %max3A_221 : vector<16xi32>
        %mul3A_224 = arith.constant 7 : i32
        %mul3A_225 = vector.broadcast %mul3A_224 : i32 to vector<16xi32>
        %mul3A_226 = arith.muli %min3A_211, %mul3A_225 : vector<16xi32>
        %add3A_227 = arith.addi %mul3A_226, %min3A_217 : vector<16xi32>
        %mul3A_228 = arith.constant 3 : i32
        %mul3A_229 = vector.broadcast %mul3A_228 : i32 to vector<16xi32>
        %mul3A_230 = arith.muli %add3A_227, %mul3A_229 : vector<16xi32>
        %add3A_231 = arith.addi %mul3A_230, %min3A_223 : vector<16xi32>
        %swap3A = arith.constant 0 : index
        %swap3A_232 = tpu.vector_load %arg17[%swap3A] {strides = array<i32>} : memref<128xi32, #tpu.memory_space<vmem>>, vector<16xi32>,
        tpu.vector_store %arg17[%swap3A], %add3A_231 {strides = array<i32>} : memref<128xi32, #tpu.memory_space<vmem>>, vector<16xi32>,
        %get3A_233 = arith.constant 16 : index
        %get3A_234 = tpu.vector_load %arg10[%get3A_233] {strides = array<i32>} : memref<384xi32, #tpu.memory_space<vmem>>, vector<16xi32>,
        %get3A_235 = arith.constant 144 : index
        %get3A_236 = tpu.vector_load %arg10[%get3A_235] {strides = array<i32>} : memref<384xi32, #tpu.memory_space<vmem>>, vector<16xi32>,
        %get3A_237 = arith.constant 272 : index
        %get3A_238 = tpu.vector_load %arg10[%get3A_237] {strides = array<i32>} : memref<384xi32, #tpu.memory_space<vmem>>, vector<16xi32>,
        %jit3A_239 = arith.constant 0 : i32
        %jit3A_240 = arith.constant 5 : i32
        %max3A_241 = vector.broadcast %jit3A_239 : i32 to vector<16xi32>
        %max3A_242 = arith.maxsi %max3A_241, %get3A_234 : vector<16xi32>
        %min3A_243 = vector.broadcast %jit3A_240 : i32 to vector<16xi32>
        %min3A_244 = arith.minsi %min3A_243, %max3A_242 : vector<16xi32>
        %jit3A_245 = arith.constant 0 : i32
        %jit3A_246 = arith.constant 6 : i32
        %max3A_247 = vector.broadcast %jit3A_245 : i32 to vector<16xi32>
        %max3A_248 = arith.maxsi %max3A_247, %get3A_236 : vector<16xi32>
        %min3A_249 = vector.broadcast %jit3A_246 : i32 to vector<16xi32>
        %min3A_250 = arith.minsi %min3A_249, %max3A_248 : vector<16xi32>
        %jit3A_251 = arith.constant 0 : i32
        %jit3A_252 = arith.constant 2 : i32
        %max3A_253 = vector.broadcast %jit3A_251 : i32 to vector<16xi32>
        %max3A_254 = arith.maxsi %max3A_253, %get3A_238 : vector<16xi32>
        %min3A_255 = vector.broadcast %jit3A_252 : i32 to vector<16xi32>
        %min3A_256 = arith.minsi %min3A_255, %max3A_254 : vector<16xi32>
        %mul3A_257 = arith.constant 7 : i32
        %mul3A_258 = vector.broadcast %mul3A_257 : i32 to vector<16xi32>
        %mul3A_259 = arith.muli %min3A_244, %mul3A_258 : vector<16xi32>
        %add3A_260 = arith.addi %mul3A_259, %min3A_250 : vector<16xi32>
        %mul3A_261 = arith.constant 3 : i32
        %mul3A_262 = vector.broadcast %mul3A_261 : i32 to vector<16xi32>
        %mul3A_263 = arith.muli %add3A_260, %mul3A_262 : vector<16xi32>
        %add3A_264 = arith.addi %mul3A_263, %min3A_256 : vector<16xi32>
        %swap3A_265 = arith.constant 16 : index
        %swap3A_266 = tpu.vector_load %arg17[%swap3A_265] {strides = array<i32>} : memref<128xi32, #tpu.memory_space<vmem>>, vector<16xi32>,
        tpu.vector_store %arg17[%swap3A_265], %add3A_264 {strides = array<i32>} : memref<128xi32, #tpu.memory_space<vmem>>, vector<16xi32>,
        %get3A_267 = arith.constant 32 : index
        %get3A_268 = tpu.vector_load %arg10[%get3A_267] {strides = array<i32>} : memref<384xi32, #tpu.memory_space<vmem>>, vector<16xi32>,
        %get3A_269 = arith.constant 160 : index
        %get3A_270 = tpu.vector_load %arg10[%get3A_269] {strides = array<i32>} : memref<384xi32, #tpu.memory_space<vmem>>, vector<16xi32>,
        %get3A_271 = arith.constant 288 : index
        %get3A_272 = tpu.vector_load %arg10[%get3A_271] {strides = array<i32>} : memref<384xi32, #tpu.memory_space<vmem>>, vector<16xi32>,
        %jit3A_273 = arith.constant 0 : i32
        %jit3A_274 = arith.constant 5 : i32
        %max3A_275 = vector.broadcast %jit3A_273 : i32 to vector<16xi32>
        %max3A_276 = arith.maxsi %max3A_275, %get3A_268 : vector<16xi32>
        %min3A_277 = vector.broadcast %jit3A_274 : i32 to vector<16xi32>
        %min3A_278 = arith.minsi %min3A_277, %max3A_276 : vector<16xi32>
        %jit3A_279 = arith.constant 0 : i32
        %jit3A_280 = arith.constant 6 : i32
        %max3A_281 = vector.broadcast %jit3A_279 : i32 to vector<16xi32>
        %max3A_282 = arith.maxsi %max3A_281, %get3A_270 : vector<16xi32>
        %min3A_283 = vector.broadcast %jit3A_280 : i32 to vector<16xi32>
        %min3A_284 = arith.minsi %min3A_283, %max3A_282 : vector<16xi32>
        %jit3A_285 = arith.constant 0 : i32
        %jit3A_286 = arith.constant 2 : i32
        %max3A_287 = vector.broadcast %jit3A_285 : i32 to vector<16xi32>
        %max3A_288 = arith.maxsi %max3A_287, %get3A_272 : vector<16xi32>
        %min3A_289 = vector.broadcast %jit3A_286 : i32 to vector<16xi32>
        %min3A_290 = arith.minsi %min3A_289, %max3A_288 : vector<16xi32>
        %mul3A_291 = arith.constant 7 : i32
        %mul3A_292 = vector.broadcast %mul3A_291 : i32 to vector<16xi32>
        %mul3A_293 = arith.muli %min3A_278, %mul3A_292 : vector<16xi32>
        %add3A_294 = arith.addi %mul3A_293, %min3A_284 : vector<16xi32>
        %mul3A_295 = arith.constant 3 : i32
        %mul3A_296 = vector.broadcast %mul3A_295 : i32 to vector<16xi32>
        %mul3A_297 = arith.muli %add3A_294, %mul3A_296 : vector<16xi32>
        %add3A_298 = arith.addi %mul3A_297, %min3A_290 : vector<16xi32>
        %swap3A_299 = arith.constant 32 : index
        %swap3A_300 = tpu.vector_load %arg17[%swap3A_299] {strides = array<i32>} : memref<128xi32, #tpu.memory_space<vmem>>, vector<16xi32>,
        tpu.vector_store %arg17[%swap3A_299], %add3A_298 {strides = array<i32>} : memref<128xi32, #tpu.memory_space<vmem>>, vector<16xi32>,
        %get3A_301 = arith.constant 48 : index
        %get3A_302 = tpu.vector_load %arg10[%get3A_301] {strides = array<i32>} : memref<384xi32, #tpu.memory_space<vmem>>, vector<16xi32>,
        %get3A_303 = arith.constant 176 : index
        %get3A_304 = tpu.vector_load %arg10[%get3A_303] {strides = array<i32>} : memref<384xi32, #tpu.memory_space<vmem>>, vector<16xi32>,
        %get3A_305 = arith.constant 304 : index
        %get3A_306 = tpu.vector_load %arg10[%get3A_305] {strides = array<i32>} : memref<384xi32, #tpu.memory_space<vmem>>, vector<16xi32>,
        %jit3A_307 = arith.constant 0 : i32
        %jit3A_308 = arith.constant 5 : i32
        %max3A_309 = vector.broadcast %jit3A_307 : i32 to vector<16xi32>
        %max3A_310 = arith.maxsi %max3A_309, %get3A_302 : vector<16xi32>
        %min3A_311 = vector.broadcast %jit3A_308 : i32 to vector<16xi32>
        %min3A_312 = arith.minsi %min3A_311, %max3A_310 : vector<16xi32>
        %jit3A_313 = arith.constant 0 : i32
        %jit3A_314 = arith.constant 6 : i32
        %max3A_315 = vector.broadcast %jit3A_313 : i32 to vector<16xi32>
        %max3A_316 = arith.maxsi %max3A_315, %get3A_304 : vector<16xi32>
        %min3A_317 = vector.broadcast %jit3A_314 : i32 to vector<16xi32>
        %min3A_318 = arith.minsi %min3A_317, %max3A_316 : vector<16xi32>
        %jit3A_319 = arith.constant 0 : i32
        %jit3A_320 = arith.constant 2 : i32
        %max3A_321 = vector.broadcast %jit3A_319 : i32 to vector<16xi32>
        %max3A_322 = arith.maxsi %max3A_321, %get3A_306 : vector<16xi32>
        %min3A_323 = vector.broadcast %jit3A_320 : i32 to vector<16xi32>
        %min3A_324 = arith.minsi %min3A_323, %max3A_322 : vector<16xi32>
        %mul3A_325 = arith.constant 7 : i32
        %mul3A_326 = vector.broadcast %mul3A_325 : i32 to vector<16xi32>
        %mul3A_327 = arith.muli %min3A_312, %mul3A_326 : vector<16xi32>
        %add3A_328 = arith.addi %mul3A_327, %min3A_318 : vector<16xi32>
        %mul3A_329 = arith.constant 3 : i32
        %mul3A_330 = vector.broadcast %mul3A_329 : i32 to vector<16xi32>
        %mul3A_331 = arith.muli %add3A_328, %mul3A_330 : vector<16xi32>
        %add3A_332 = arith.addi %mul3A_331, %min3A_324 : vector<16xi32>
        %swap3A_333 = arith.constant 48 : index
        %swap3A_334 = tpu.vector_load %arg17[%swap3A_333] {strides = array<i32>} : memref<128xi32, #tpu.memory_space<vmem>>, vector<16xi32>,
        tpu.vector_store %arg17[%swap3A_333], %add3A_332 {strides = array<i32>} : memref<128xi32, #tpu.memory_space<vmem>>, vector<16xi32>,
        %get3A_335 = arith.constant 64 : index
        %get3A_336 = tpu.vector_load %arg10[%get3A_335] {strides = array<i32>} : memref<384xi32, #tpu.memory_space<vmem>>, vector<16xi32>,
        %get3A_337 = arith.constant 192 : index
        %get3A_338 = tpu.vector_load %arg10[%get3A_337] {strides = array<i32>} : memref<384xi32, #tpu.memory_space<vmem>>, vector<16xi32>,
        %get3A_339 = arith.constant 320 : index
        %get3A_340 = tpu.vector_load %arg10[%get3A_339] {strides = array<i32>} : memref<384xi32, #tpu.memory_space<vmem>>, vector<16xi32>,
        %jit3A_341 = arith.constant 0 : i32
        %jit3A_342 = arith.constant 5 : i32
        %max3A_343 = vector.broadcast %jit3A_341 : i32 to vector<16xi32>
        %max3A_344 = arith.maxsi %max3A_343, %get3A_336 : vector<16xi32>
        %min3A_345 = vector.broadcast %jit3A_342 : i32 to vector<16xi32>
        %min3A_346 = arith.minsi %min3A_345, %max3A_344 : vector<16xi32>
        %jit3A_347 = arith.constant 0 : i32
        %jit3A_348 = arith.constant 6 : i32
        %max3A_349 = vector.broadcast %jit3A_347 : i32 to vector<16xi32>
        %max3A_350 = arith.maxsi %max3A_349, %get3A_338 : vector<16xi32>
        %min3A_351 = vector.broadcast %jit3A_348 : i32 to vector<16xi32>
        %min3A_352 = arith.minsi %min3A_351, %max3A_350 : vector<16xi32>
        %jit3A_353 = arith.constant 0 : i32
        %jit3A_354 = arith.constant 2 : i32
        %max3A_355 = vector.broadcast %jit3A_353 : i32 to vector<16xi32>
        %max3A_356 = arith.maxsi %max3A_355, %get3A_340 : vector<16xi32>
        %min3A_357 = vector.broadcast %jit3A_354 : i32 to vector<16xi32>
        %min3A_358 = arith.minsi %min3A_357, %max3A_356 : vector<16xi32>
        %mul3A_359 = arith.constant 7 : i32
        %mul3A_360 = vector.broadcast %mul3A_359 : i32 to vector<16xi32>
        %mul3A_361 = arith.muli %min3A_346, %mul3A_360 : vector<16xi32>
        %add3A_362 = arith.addi %mul3A_361, %min3A_352 : vector<16xi32>
        %mul3A_363 = arith.constant 3 : i32
        %mul3A_364 = vector.broadcast %mul3A_363 : i32 to vector<16xi32>
        %mul3A_365 = arith.muli %add3A_362, %mul3A_364 : vector<16xi32>
        %add3A_366 = arith.addi %mul3A_365, %min3A_358 : vector<16xi32>
        %swap3A_367 = arith.constant 64 : index
        %swap3A_368 = tpu.vector_load %arg17[%swap3A_367] {strides = array<i32>} : memref<128xi32, #tpu.memory_space<vmem>>, vector<16xi32>,
        tpu.vector_store %arg17[%swap3A_367], %add3A_366 {strides = array<i32>} : memref<128xi32, #tpu.memory_space<vmem>>, vector<16xi32>,
        %get3A_369 = arith.constant 80 : index
        %get3A_370 = tpu.vector_load %arg10[%get3A_369] {strides = array<i32>} : memref<384xi32, #tpu.memory_space<vmem>>, vector<16xi32>,
        %get3A_371 = arith.constant 208 : index
        %get3A_372 = tpu.vector_load %arg10[%get3A_371] {strides = array<i32>} : memref<384xi32, #tpu.memory_space<vmem>>, vector<16xi32>,
        %get3A_373 = arith.constant 336 : index
        %get3A_374 = tpu.vector_load %arg10[%get3A_373] {strides = array<i32>} : memref<384xi32, #tpu.memory_space<vmem>>, vector<16xi32>,
        %jit3A_375 = arith.constant 0 : i32
        %jit3A_376 = arith.constant 5 : i32
        %max3A_377 = vector.broadcast %jit3A_375 : i32 to vector<16xi32>
        %max3A_378 = arith.maxsi %max3A_377, %get3A_370 : vector<16xi32>
        %min3A_379 = vector.broadcast %jit3A_376 : i32 to vector<16xi32>
        %min3A_380 = arith.minsi %min3A_379, %max3A_378 : vector<16xi32>
        %jit3A_381 = arith.constant 0 : i32
        %jit3A_382 = arith.constant 6 : i32
        %max3A_383 = vector.broadcast %jit3A_381 : i32 to vector<16xi32>
        %max3A_384 = arith.maxsi %max3A_383, %get3A_372 : vector<16xi32>
        %min3A_385 = vector.broadcast %jit3A_382 : i32 to vector<16xi32>
        %min3A_386 = arith.minsi %min3A_385, %max3A_384 : vector<16xi32>
        %jit3A_387 = arith.constant 0 : i32
        %jit3A_388 = arith.constant 2 : i32
        %max3A_389 = vector.broadcast %jit3A_387 : i32 to vector<16xi32>
        %max3A_390 = arith.maxsi %max3A_389, %get3A_374 : vector<16xi32>
        %min3A_391 = vector.broadcast %jit3A_388 : i32 to vector<16xi32>
        %min3A_392 = arith.minsi %min3A_391, %max3A_390 : vector<16xi32>
        %mul3A_393 = arith.constant 7 : i32
        %mul3A_394 = vector.broadcast %mul3A_393 : i32 to vector<16xi32>
        %mul3A_395 = arith.muli %min3A_380, %mul3A_394 : vector<16xi32>
        %add3A_396 = arith.addi %mul3A_395, %min3A_386 : vector<16xi32>
        %mul3A_397 = arith.constant 3 : i32
        %mul3A_398 = vector.broadcast %mul3A_397 : i32 to vector<16xi32>
        %mul3A_399 = arith.muli %add3A_396, %mul3A_398 : vector<16xi32>
        %add3A_400 = arith.addi %mul3A_399, %min3A_392 : vector<16xi32>
        %swap3A_401 = arith.constant 80 : index
        %swap3A_402 = tpu.vector_load %arg17[%swap3A_401] {strides = array<i32>} : memref<128xi32, #tpu.memory_space<vmem>>, vector<16xi32>,
        tpu.vector_store %arg17[%swap3A_401], %add3A_400 {strides = array<i32>} : memref<128xi32, #tpu.memory_space<vmem>>, vector<16xi32>,
        %get3A_403 = arith.constant 96 : index
        %get3A_404 = tpu.vector_load %arg10[%get3A_403] {strides = array<i32>} : memref<384xi32, #tpu.memory_space<vmem>>, vector<16xi32>,
        %get3A_405 = arith.constant 224 : index
        %get3A_406 = tpu.vector_load %arg10[%get3A_405] {strides = array<i32>} : memref<384xi32, #tpu.memory_space<vmem>>, vector<16xi32>,
        %get3A_407 = arith.constant 352 : index
        %get3A_408 = tpu.vector_load %arg10[%get3A_407] {strides = array<i32>} : memref<384xi32, #tpu.memory_space<vmem>>, vector<16xi32>,
        %jit3A_409 = arith.constant 0 : i32
        %jit3A_410 = arith.constant 5 : i32
        %max3A_411 = vector.broadcast %jit3A_409 : i32 to vector<16xi32>
        %max3A_412 = arith.maxsi %max3A_411, %get3A_404 : vector<16xi32>
        %min3A_413 = vector.broadcast %jit3A_410 : i32 to vector<16xi32>
        %min3A_414 = arith.minsi %min3A_413, %max3A_412 : vector<16xi32>
        %jit3A_415 = arith.constant 0 : i32
        %jit3A_416 = arith.constant 6 : i32
        %max3A_417 = vector.broadcast %jit3A_415 : i32 to vector<16xi32>
        %max3A_418 = arith.maxsi %max3A_417, %get3A_406 : vector<16xi32>
        %min3A_419 = vector.broadcast %jit3A_416 : i32 to vector<16xi32>
        %min3A_420 = arith.minsi %min3A_419, %max3A_418 : vector<16xi32>
        %jit3A_421 = arith.constant 0 : i32
        %jit3A_422 = arith.constant 2 : i32
        %max3A_423 = vector.broadcast %jit3A_421 : i32 to vector<16xi32>
        %max3A_424 = arith.maxsi %max3A_423, %get3A_408 : vector<16xi32>
        %min3A_425 = vector.broadcast %jit3A_422 : i32 to vector<16xi32>
        %min3A_426 = arith.minsi %min3A_425, %max3A_424 : vector<16xi32>
        %mul3A_427 = arith.constant 7 : i32
        %mul3A_428 = vector.broadcast %mul3A_427 : i32 to vector<16xi32>
        %mul3A_429 = arith.muli %min3A_414, %mul3A_428 : vector<16xi32>
        %add3A_430 = arith.addi %mul3A_429, %min3A_420 : vector<16xi32>
        %mul3A_431 = arith.constant 3 : i32
        %mul3A_432 = vector.broadcast %mul3A_431 : i32 to vector<16xi32>
        %mul3A_433 = arith.muli %add3A_430, %mul3A_432 : vector<16xi32>
        %add3A_434 = arith.addi %mul3A_433, %min3A_426 : vector<16xi32>
        %swap3A_435 = arith.constant 96 : index
        %swap3A_436 = tpu.vector_load %arg17[%swap3A_435] {strides = array<i32>} : memref<128xi32, #tpu.memory_space<vmem>>, vector<16xi32>,
        tpu.vector_store %arg17[%swap3A_435], %add3A_434 {strides = array<i32>} : memref<128xi32, #tpu.memory_space<vmem>>, vector<16xi32>,
        %get3A_437 = arith.constant 112 : index
        %get3A_438 = tpu.vector_load %arg10[%get3A_437] {strides = array<i32>} : memref<384xi32, #tpu.memory_space<vmem>>, vector<16xi32>,
        %get3A_439 = arith.constant 240 : index
        %get3A_440 = tpu.vector_load %arg10[%get3A_439] {strides = array<i32>} : memref<384xi32, #tpu.memory_space<vmem>>, vector<16xi32>,
        %get3A_441 = arith.constant 368 : index
        %get3A_442 = tpu.vector_load %arg10[%get3A_441] {strides = array<i32>} : memref<384xi32, #tpu.memory_space<vmem>>, vector<16xi32>,
        %jit3A_443 = arith.constant 0 : i32
        %jit3A_444 = arith.constant 5 : i32
        %max3A_445 = vector.broadcast %jit3A_443 : i32 to vector<16xi32>
        %max3A_446 = arith.maxsi %max3A_445, %get3A_438 : vector<16xi32>
        %min3A_447 = vector.broadcast %jit3A_444 : i32 to vector<16xi32>
        %min3A_448 = arith.minsi %min3A_447, %max3A_446 : vector<16xi32>
        %jit3A_449 = arith.constant 0 : i32
        %jit3A_450 = arith.constant 6 : i32
        %max3A_451 = vector.broadcast %jit3A_449 : i32 to vector<16xi32>
        %max3A_452 = arith.maxsi %max3A_451, %get3A_440 : vector<16xi32>
        %min3A_453 = vector.broadcast %jit3A_450 : i32 to vector<16xi32>
        %min3A_454 = arith.minsi %min3A_453, %max3A_452 : vector<16xi32>
        %jit3A_455 = arith.constant 0 : i32
        %jit3A_456 = arith.constant 2 : i32
        %max3A_457 = vector.broadcast %jit3A_455 : i32 to vector<16xi32>
        %max3A_458 = arith.maxsi %max3A_457, %get3A_442 : vector<16xi32>
        %min3A_459 = vector.broadcast %jit3A_456 : i32 to vector<16xi32>
        %min3A_460 = arith.minsi %min3A_459, %max3A_458 : vector<16xi32>
        %mul3A_461 = arith.constant 7 : i32
        %mul3A_462 = vector.broadcast %mul3A_461 : i32 to vector<16xi32>
        %mul3A_463 = arith.muli %min3A_448, %mul3A_462 : vector<16xi32>
        %add3A_464 = arith.addi %mul3A_463, %min3A_454 : vector<16xi32>
        %mul3A_465 = arith.constant 3 : i32
        %mul3A_466 = vector.broadcast %mul3A_465 : i32 to vector<16xi32>
        %mul3A_467 = arith.muli %add3A_464, %mul3A_466 : vector<16xi32>
        %add3A_468 = arith.addi %mul3A_467, %min3A_460 : vector<16xi32>
        %swap3A_469 = arith.constant 112 : index
        %swap3A_470 = tpu.vector_load %arg17[%swap3A_469] {strides = array<i32>} : memref<128xi32, #tpu.memory_space<vmem>>, vector<16xi32>,
        tpu.vector_store %arg17[%swap3A_469], %add3A_468 {strides = array<i32>} : memref<128xi32, #tpu.memory_space<vmem>>, vector<16xi32>,
        %ge3A_471 = arith.constant 7 : i32
        %ge3A_472 = arith.cmpi sge, %add3A_152, %ge3A_471 : i32
        %convert_element_type3A_473 = arith.extui %ge3A_472 : i1 to i32
        %cond3A_474 = arith.constant 0 : i32
        %cond3A_475 = arith.cmpi ne, %convert_element_type3A_473, %cond3A_474 : i32
        scf.if %cond3A_475 {
          %dma_wait3A_484 = arith.constant 0 : i32
          %dma_wait3A_485 = arith.constant 0 : i32
          %dma_wait3A_486 = tpu.memref_slice %arg4[%dma_wait3A_484, %dma_wait3A_485] : memref<320000x128xf32, #tpu.memory_space<hbm>> -> memref<128x128xf32, #tpu.memory_space<hbm>>
          %dma_wait3A_487 = arith.constant 0 : i32
          %dma_wait3A_488 = arith.constant 0 : i32
          %dma_wait3A_489 = tpu.memref_slice %arg4[%dma_wait3A_487, %dma_wait3A_488] : memref<320000x128xf32, #tpu.memory_space<hbm>> -> memref<128x128xf32, #tpu.memory_space<hbm>>
          tpu.wait_dma2 semaphore(%arg45 : memref<!tpu.dma_semaphore, #tpu.memory_space<semaphore_mem>>) src(%arg24 : memref<128x128xf32, #tpu.memory_space<vmem>>) dst(%dma_wait3A_489 : memref<128x128xf32, #tpu.memory_space<hbm>>)
        } else {
        }
        %dma_start3A = arith.constant 0 : i32
        %dma_start3A_476 = arith.constant 0 : i32
        %dma_start3A_477 = tpu.memref_slice %arg5[%dma_start3A, %dma_start3A_476] : memref<126x128xf32, #tpu.memory_space<vmem_shared>> -> memref<126x128xf32, #tpu.memory_space<vmem_shared>>
        tpu.enqueue_indirect_dma source(%dma_start3A_477 : memref<126x128xf32, #tpu.memory_space<vmem_shared>>) target(%arg24 : memref<128x128xf32, #tpu.memory_space<vmem>>) offsets(%arg17 : memref<128xi32, #tpu.memory_space<vmem>>) semaphore(%arg38 : memref<!tpu.dma_semaphore, #tpu.memory_space<semaphore_mem>>)
        %add3A_478 = arith.constant 2 : i32
        %add3A_479 = arith.addi %add3A_152, %add3A_478 : i32
        %lt3A_480 = arith.cmpi slt, %add3A_479, %add3A_6 : i32
        %convert_element_type3A_481 = arith.extui %lt3A_480 : i1 to i32
        %cond3A_482 = arith.constant 0 : i32
        %cond3A_483 = arith.cmpi ne, %convert_element_type3A_481, %cond3A_482 : i32
        scf.if %cond3A_483 {
          %add3A_484 = arith.constant 2 : i32
          %add3A_485 = arith.addi %add3A_152, %add3A_484 : i32
          %mul3A_486 = arith.constant 32 : i32
          %mul3A_487 = arith.muli %add3A_485, %mul3A_486 : i32
          %add3A_488 = arith.addi %add3A, %mul3A_487 : i32
          %mul3A_489 = arith.constant 128 : i32
          %mul3A_490 = arith.muli %add3A_488, %mul3A_489 : i32
          %add3A_491 = arith.constant 0 : i32
          %add3A_492 = arith.addi %add3A_491, %mul3A_490 : i32
          %multiple_of3A = tpu.assume_multiple %add3A_492, 8 : i32
          %dma_start3A_493 = arith.constant 0 : i32
          %dma_start3A_494 = tpu.memref_slice %arg12[%dma_start3A_493] : memref<384xi32, #tpu.memory_space<vmem>> -> memref<128xi32, #tpu.memory_space<vmem>>
          %dma_start3A_495 = tpu.memref_slice %arg2[%multiple_of3A] : memref<960000xi32, #tpu.memory_space<hbm>> -> memref<128xi32, #tpu.memory_space<hbm>>
          %dma_start3A_496 = arith.constant 0 : i32
          %dma_start3A_497 = tpu.memref_slice %arg12[%dma_start3A_496] : memref<384xi32, #tpu.memory_space<vmem>> -> memref<128xi32, #tpu.memory_space<vmem>>
          %dma_start3A_498 = tpu.memref_slice %arg2[%multiple_of3A] : memref<960000xi32, #tpu.memory_space<hbm>> -> memref<128xi32, #tpu.memory_space<hbm>>
          tpu.enqueue_dma source(%dma_start3A_498 : memref<128xi32, #tpu.memory_space<hbm>>) target(%dma_start3A_497 : memref<128xi32, #tpu.memory_space<vmem>>) target_semaphore(%arg33 : memref<!tpu.dma_semaphore, #tpu.memory_space<semaphore_mem>>)
          %add3A_499 = arith.constant 320000 : i32
          %add3A_500 = arith.addi %add3A_499, %mul3A_490 : i32
          %multiple_of3A_501 = tpu.assume_multiple %add3A_500, 8 : i32
          %dma_start3A_502 = arith.constant 128 : i32
          %dma_start3A_503 = tpu.memref_slice %arg12[%dma_start3A_502] : memref<384xi32, #tpu.memory_space<vmem>> -> memref<128xi32, #tpu.memory_space<vmem>>
          %dma_start3A_504 = tpu.memref_slice %arg2[%multiple_of3A_501] : memref<960000xi32, #tpu.memory_space<hbm>> -> memref<128xi32, #tpu.memory_space<hbm>>
          %dma_start3A_505 = arith.constant 128 : i32
          %dma_start3A_506 = tpu.memref_slice %arg12[%dma_start3A_505] : memref<384xi32, #tpu.memory_space<vmem>> -> memref<128xi32, #tpu.memory_space<vmem>>
          %dma_start3A_507 = tpu.memref_slice %arg2[%multiple_of3A_501] : memref<960000xi32, #tpu.memory_space<hbm>> -> memref<128xi32, #tpu.memory_space<hbm>>
          tpu.enqueue_dma source(%dma_start3A_507 : memref<128xi32, #tpu.memory_space<hbm>>) target(%dma_start3A_506 : memref<128xi32, #tpu.memory_space<vmem>>) target_semaphore(%arg33 : memref<!tpu.dma_semaphore, #tpu.memory_space<semaphore_mem>>)
          %add3A_508 = arith.constant 640000 : i32
          %add3A_509 = arith.addi %add3A_508, %mul3A_490 : i32
          %multiple_of3A_510 = tpu.assume_multiple %add3A_509, 8 : i32
          %dma_start3A_511 = arith.constant 256 : i32
          %dma_start3A_512 = tpu.memref_slice %arg12[%dma_start3A_511] : memref<384xi32, #tpu.memory_space<vmem>> -> memref<128xi32, #tpu.memory_space<vmem>>
          %dma_start3A_513 = tpu.memref_slice %arg2[%multiple_of3A_510] : memref<960000xi32, #tpu.memory_space<hbm>> -> memref<128xi32, #tpu.memory_space<hbm>>
          %dma_start3A_514 = arith.constant 256 : i32
          %dma_start3A_515 = tpu.memref_slice %arg12[%dma_start3A_514] : memref<384xi32, #tpu.memory_space<vmem>> -> memref<128xi32, #tpu.memory_space<vmem>>
          %dma_start3A_516 = tpu.memref_slice %arg2[%multiple_of3A_510] : memref<960000xi32, #tpu.memory_space<hbm>> -> memref<128xi32, #tpu.memory_space<hbm>>
          tpu.enqueue_dma source(%dma_start3A_516 : memref<128xi32, #tpu.memory_space<hbm>>) target(%dma_start3A_515 : memref<128xi32, #tpu.memory_space<vmem>>) target_semaphore(%arg33 : memref<!tpu.dma_semaphore, #tpu.memory_space<semaphore_mem>>)
        } else {
        }
      } else {
      }
      %mul3A_166 = arith.constant 7 : i32
      %mul3A_167 = arith.muli %while3A_82, %mul3A_166 : i32
      %add3A_168 = arith.constant 5 : i32
      %add3A_169 = arith.addi %mul3A_167, %add3A_168 : i32
      %ge3A_170 = arith.constant 3 : i32
      %ge3A_171 = arith.cmpi sge, %add3A_169, %ge3A_170 : i32
      %add3A_172 = arith.constant 2 : i32
      %add3A_173 = arith.addi %add3A_6, %add3A_172 : i32
      %le3A_174 = arith.cmpi sle, %add3A_169, %add3A_173 : i32
      %and3A_175 = arith.andi %ge3A_171, %le3A_174 : i1
      %convert_element_type3A_176 = arith.extui %and3A_175 : i1 to i32
      %cond3A_177 = arith.constant 0 : i32
      %cond3A_178 = arith.cmpi ne, %convert_element_type3A_176, %cond3A_177 : i32
      scf.if %cond3A_178 {
        %dma_wait3A = arith.constant 0 : i32
        %dma_wait3A_200 = arith.constant 0 : i32
        %dma_wait3A_201 = tpu.memref_slice %arg5[%dma_wait3A, %dma_wait3A_200] : memref<126x128xf32, #tpu.memory_space<vmem_shared>> -> memref<126x128xf32, #tpu.memory_space<vmem_shared>>
        tpu.wait_indirect_dma semaphore(%arg36 : memref<!tpu.dma_semaphore, #tpu.memory_space<semaphore_mem>>) src(%dma_wait3A_201 : memref<126x128xf32, #tpu.memory_space<vmem_shared>>) dst(%arg22 : memref<128x128xf32, #tpu.memory_space<vmem>>)
        %sub3A_202 = arith.constant 3 : i32
        %sub3A_203 = arith.subi %add3A_169, %sub3A_202 : i32
        %mul3A_204 = arith.constant 32 : i32
        %mul3A_205 = arith.muli %sub3A_203, %mul3A_204 : i32
        %add3A_206 = arith.addi %add3A, %mul3A_205 : i32
        %mul3A_207 = arith.constant 128 : i32
        %mul3A_208 = arith.muli %add3A_206, %mul3A_207 : i32
        %dma_start3A = arith.constant 0 : i32
        %dma_start3A_209 = tpu.memref_slice %arg4[%mul3A_208, %dma_start3A] : memref<320000x128xf32, #tpu.memory_space<hbm>> -> memref<128x128xf32, #tpu.memory_space<hbm>>
        %dma_start3A_210 = arith.constant 0 : i32
        %dma_start3A_211 = tpu.memref_slice %arg4[%mul3A_208, %dma_start3A_210] : memref<320000x128xf32, #tpu.memory_space<hbm>> -> memref<128x128xf32, #tpu.memory_space<hbm>>
        tpu.enqueue_dma source(%arg22 : memref<128x128xf32, #tpu.memory_space<vmem>>) target(%dma_start3A_211 : memref<128x128xf32, #tpu.memory_space<hbm>>) target_semaphore(%arg43 : memref<!tpu.dma_semaphore, #tpu.memory_space<semaphore_mem>>)
      } else {
      }
      %lt3A_179 = arith.cmpi slt, %add3A_169, %add3A_6 : i32
      %convert_element_type3A_180 = arith.extui %lt3A_179 : i1 to i32
      %cond3A_181 = arith.constant 0 : i32
      %cond3A_182 = arith.cmpi ne, %convert_element_type3A_180, %cond3A_181 : i32
      scf.if %cond3A_182 {
        %dma_wait3A = arith.constant 0 : i32
        %dma_wait3A_200 = tpu.memref_slice %arg2[%dma_wait3A] : memref<960000xi32, #tpu.memory_space<hbm>> -> memref<384xi32, #tpu.memory_space<hbm>>
        %dma_wait3A_201 = arith.constant 0 : i32
        %dma_wait3A_202 = tpu.memref_slice %arg2[%dma_wait3A_201] : memref<960000xi32, #tpu.memory_space<hbm>> -> memref<384xi32, #tpu.memory_space<hbm>>
        tpu.wait_dma2 semaphore(%arg32 : memref<!tpu.dma_semaphore, #tpu.memory_space<semaphore_mem>>) src(%dma_wait3A_202 : memref<384xi32, #tpu.memory_space<hbm>>) dst(%arg11 : memref<384xi32, #tpu.memory_space<vmem>>)
        %get3A = arith.constant 0 : index
        %get3A_203 = tpu.vector_load %arg11[%get3A] {strides = array<i32>} : memref<384xi32, #tpu.memory_space<vmem>>, vector<16xi32>,
        %get3A_204 = arith.constant 128 : index
        %get3A_205 = tpu.vector_load %arg11[%get3A_204] {strides = array<i32>} : memref<384xi32, #tpu.memory_space<vmem>>, vector<16xi32>,
        %get3A_206 = arith.constant 256 : index
        %get3A_207 = tpu.vector_load %arg11[%get3A_206] {strides = array<i32>} : memref<384xi32, #tpu.memory_space<vmem>>, vector<16xi32>,
        %jit3A_208 = arith.constant 0 : i32
        %jit3A_209 = arith.constant 5 : i32
        %max3A = vector.broadcast %jit3A_208 : i32 to vector<16xi32>
        %max3A_210 = arith.maxsi %max3A, %get3A_203 : vector<16xi32>
        %min3A = vector.broadcast %jit3A_209 : i32 to vector<16xi32>
        %min3A_211 = arith.minsi %min3A, %max3A_210 : vector<16xi32>
        %jit3A_212 = arith.constant 0 : i32
        %jit3A_213 = arith.constant 6 : i32
        %max3A_214 = vector.broadcast %jit3A_212 : i32 to vector<16xi32>
        %max3A_215 = arith.maxsi %max3A_214, %get3A_205 : vector<16xi32>
        %min3A_216 = vector.broadcast %jit3A_213 : i32 to vector<16xi32>
        %min3A_217 = arith.minsi %min3A_216, %max3A_215 : vector<16xi32>
        %jit3A_218 = arith.constant 0 : i32
        %jit3A_219 = arith.constant 2 : i32
        %max3A_220 = vector.broadcast %jit3A_218 : i32 to vector<16xi32>
        %max3A_221 = arith.maxsi %max3A_220, %get3A_207 : vector<16xi32>
        %min3A_222 = vector.broadcast %jit3A_219 : i32 to vector<16xi32>
        %min3A_223 = arith.minsi %min3A_222, %max3A_221 : vector<16xi32>
        %mul3A_224 = arith.constant 7 : i32
        %mul3A_225 = vector.broadcast %mul3A_224 : i32 to vector<16xi32>
        %mul3A_226 = arith.muli %min3A_211, %mul3A_225 : vector<16xi32>
        %add3A_227 = arith.addi %mul3A_226, %min3A_217 : vector<16xi32>
        %mul3A_228 = arith.constant 3 : i32
        %mul3A_229 = vector.broadcast %mul3A_228 : i32 to vector<16xi32>
        %mul3A_230 = arith.muli %add3A_227, %mul3A_229 : vector<16xi32>
        %add3A_231 = arith.addi %mul3A_230, %min3A_223 : vector<16xi32>
        %swap3A = arith.constant 0 : index
        %swap3A_232 = tpu.vector_load %arg18[%swap3A] {strides = array<i32>} : memref<128xi32, #tpu.memory_space<vmem>>, vector<16xi32>,
        tpu.vector_store %arg18[%swap3A], %add3A_231 {strides = array<i32>} : memref<128xi32, #tpu.memory_space<vmem>>, vector<16xi32>,
        %get3A_233 = arith.constant 16 : index
        %get3A_234 = tpu.vector_load %arg11[%get3A_233] {strides = array<i32>} : memref<384xi32, #tpu.memory_space<vmem>>, vector<16xi32>,
        %get3A_235 = arith.constant 144 : index
        %get3A_236 = tpu.vector_load %arg11[%get3A_235] {strides = array<i32>} : memref<384xi32, #tpu.memory_space<vmem>>, vector<16xi32>,
        %get3A_237 = arith.constant 272 : index
        %get3A_238 = tpu.vector_load %arg11[%get3A_237] {strides = array<i32>} : memref<384xi32, #tpu.memory_space<vmem>>, vector<16xi32>,
        %jit3A_239 = arith.constant 0 : i32
        %jit3A_240 = arith.constant 5 : i32
        %max3A_241 = vector.broadcast %jit3A_239 : i32 to vector<16xi32>
        %max3A_242 = arith.maxsi %max3A_241, %get3A_234 : vector<16xi32>
        %min3A_243 = vector.broadcast %jit3A_240 : i32 to vector<16xi32>
        %min3A_244 = arith.minsi %min3A_243, %max3A_242 : vector<16xi32>
        %jit3A_245 = arith.constant 0 : i32
        %jit3A_246 = arith.constant 6 : i32
        %max3A_247 = vector.broadcast %jit3A_245 : i32 to vector<16xi32>
        %max3A_248 = arith.maxsi %max3A_247, %get3A_236 : vector<16xi32>
        %min3A_249 = vector.broadcast %jit3A_246 : i32 to vector<16xi32>
        %min3A_250 = arith.minsi %min3A_249, %max3A_248 : vector<16xi32>
        %jit3A_251 = arith.constant 0 : i32
        %jit3A_252 = arith.constant 2 : i32
        %max3A_253 = vector.broadcast %jit3A_251 : i32 to vector<16xi32>
        %max3A_254 = arith.maxsi %max3A_253, %get3A_238 : vector<16xi32>
        %min3A_255 = vector.broadcast %jit3A_252 : i32 to vector<16xi32>
        %min3A_256 = arith.minsi %min3A_255, %max3A_254 : vector<16xi32>
        %mul3A_257 = arith.constant 7 : i32
        %mul3A_258 = vector.broadcast %mul3A_257 : i32 to vector<16xi32>
        %mul3A_259 = arith.muli %min3A_244, %mul3A_258 : vector<16xi32>
        %add3A_260 = arith.addi %mul3A_259, %min3A_250 : vector<16xi32>
        %mul3A_261 = arith.constant 3 : i32
        %mul3A_262 = vector.broadcast %mul3A_261 : i32 to vector<16xi32>
        %mul3A_263 = arith.muli %add3A_260, %mul3A_262 : vector<16xi32>
        %add3A_264 = arith.addi %mul3A_263, %min3A_256 : vector<16xi32>
        %swap3A_265 = arith.constant 16 : index
        %swap3A_266 = tpu.vector_load %arg18[%swap3A_265] {strides = array<i32>} : memref<128xi32, #tpu.memory_space<vmem>>, vector<16xi32>,
        tpu.vector_store %arg18[%swap3A_265], %add3A_264 {strides = array<i32>} : memref<128xi32, #tpu.memory_space<vmem>>, vector<16xi32>,
        %get3A_267 = arith.constant 32 : index
        %get3A_268 = tpu.vector_load %arg11[%get3A_267] {strides = array<i32>} : memref<384xi32, #tpu.memory_space<vmem>>, vector<16xi32>,
        %get3A_269 = arith.constant 160 : index
        %get3A_270 = tpu.vector_load %arg11[%get3A_269] {strides = array<i32>} : memref<384xi32, #tpu.memory_space<vmem>>, vector<16xi32>,
        %get3A_271 = arith.constant 288 : index
        %get3A_272 = tpu.vector_load %arg11[%get3A_271] {strides = array<i32>} : memref<384xi32, #tpu.memory_space<vmem>>, vector<16xi32>,
        %jit3A_273 = arith.constant 0 : i32
        %jit3A_274 = arith.constant 5 : i32
        %max3A_275 = vector.broadcast %jit3A_273 : i32 to vector<16xi32>
        %max3A_276 = arith.maxsi %max3A_275, %get3A_268 : vector<16xi32>
        %min3A_277 = vector.broadcast %jit3A_274 : i32 to vector<16xi32>
        %min3A_278 = arith.minsi %min3A_277, %max3A_276 : vector<16xi32>
        %jit3A_279 = arith.constant 0 : i32
        %jit3A_280 = arith.constant 6 : i32
        %max3A_281 = vector.broadcast %jit3A_279 : i32 to vector<16xi32>
        %max3A_282 = arith.maxsi %max3A_281, %get3A_270 : vector<16xi32>
        %min3A_283 = vector.broadcast %jit3A_280 : i32 to vector<16xi32>
        %min3A_284 = arith.minsi %min3A_283, %max3A_282 : vector<16xi32>
        %jit3A_285 = arith.constant 0 : i32
        %jit3A_286 = arith.constant 2 : i32
        %max3A_287 = vector.broadcast %jit3A_285 : i32 to vector<16xi32>
        %max3A_288 = arith.maxsi %max3A_287, %get3A_272 : vector<16xi32>
        %min3A_289 = vector.broadcast %jit3A_286 : i32 to vector<16xi32>
        %min3A_290 = arith.minsi %min3A_289, %max3A_288 : vector<16xi32>
        %mul3A_291 = arith.constant 7 : i32
        %mul3A_292 = vector.broadcast %mul3A_291 : i32 to vector<16xi32>
        %mul3A_293 = arith.muli %min3A_278, %mul3A_292 : vector<16xi32>
        %add3A_294 = arith.addi %mul3A_293, %min3A_284 : vector<16xi32>
        %mul3A_295 = arith.constant 3 : i32
        %mul3A_296 = vector.broadcast %mul3A_295 : i32 to vector<16xi32>
        %mul3A_297 = arith.muli %add3A_294, %mul3A_296 : vector<16xi32>
        %add3A_298 = arith.addi %mul3A_297, %min3A_290 : vector<16xi32>
        %swap3A_299 = arith.constant 32 : index
        %swap3A_300 = tpu.vector_load %arg18[%swap3A_299] {strides = array<i32>} : memref<128xi32, #tpu.memory_space<vmem>>, vector<16xi32>,
        tpu.vector_store %arg18[%swap3A_299], %add3A_298 {strides = array<i32>} : memref<128xi32, #tpu.memory_space<vmem>>, vector<16xi32>,
        %get3A_301 = arith.constant 48 : index
        %get3A_302 = tpu.vector_load %arg11[%get3A_301] {strides = array<i32>} : memref<384xi32, #tpu.memory_space<vmem>>, vector<16xi32>,
        %get3A_303 = arith.constant 176 : index
        %get3A_304 = tpu.vector_load %arg11[%get3A_303] {strides = array<i32>} : memref<384xi32, #tpu.memory_space<vmem>>, vector<16xi32>,
        %get3A_305 = arith.constant 304 : index
        %get3A_306 = tpu.vector_load %arg11[%get3A_305] {strides = array<i32>} : memref<384xi32, #tpu.memory_space<vmem>>, vector<16xi32>,
        %jit3A_307 = arith.constant 0 : i32
        %jit3A_308 = arith.constant 5 : i32
        %max3A_309 = vector.broadcast %jit3A_307 : i32 to vector<16xi32>
        %max3A_310 = arith.maxsi %max3A_309, %get3A_302 : vector<16xi32>
        %min3A_311 = vector.broadcast %jit3A_308 : i32 to vector<16xi32>
        %min3A_312 = arith.minsi %min3A_311, %max3A_310 : vector<16xi32>
        %jit3A_313 = arith.constant 0 : i32
        %jit3A_314 = arith.constant 6 : i32
        %max3A_315 = vector.broadcast %jit3A_313 : i32 to vector<16xi32>
        %max3A_316 = arith.maxsi %max3A_315, %get3A_304 : vector<16xi32>
        %min3A_317 = vector.broadcast %jit3A_314 : i32 to vector<16xi32>
        %min3A_318 = arith.minsi %min3A_317, %max3A_316 : vector<16xi32>
        %jit3A_319 = arith.constant 0 : i32
        %jit3A_320 = arith.constant 2 : i32
        %max3A_321 = vector.broadcast %jit3A_319 : i32 to vector<16xi32>
        %max3A_322 = arith.maxsi %max3A_321, %get3A_306 : vector<16xi32>
        %min3A_323 = vector.broadcast %jit3A_320 : i32 to vector<16xi32>
        %min3A_324 = arith.minsi %min3A_323, %max3A_322 : vector<16xi32>
        %mul3A_325 = arith.constant 7 : i32
        %mul3A_326 = vector.broadcast %mul3A_325 : i32 to vector<16xi32>
        %mul3A_327 = arith.muli %min3A_312, %mul3A_326 : vector<16xi32>
        %add3A_328 = arith.addi %mul3A_327, %min3A_318 : vector<16xi32>
        %mul3A_329 = arith.constant 3 : i32
        %mul3A_330 = vector.broadcast %mul3A_329 : i32 to vector<16xi32>
        %mul3A_331 = arith.muli %add3A_328, %mul3A_330 : vector<16xi32>
        %add3A_332 = arith.addi %mul3A_331, %min3A_324 : vector<16xi32>
        %swap3A_333 = arith.constant 48 : index
        %swap3A_334 = tpu.vector_load %arg18[%swap3A_333] {strides = array<i32>} : memref<128xi32, #tpu.memory_space<vmem>>, vector<16xi32>,
        tpu.vector_store %arg18[%swap3A_333], %add3A_332 {strides = array<i32>} : memref<128xi32, #tpu.memory_space<vmem>>, vector<16xi32>,
        %get3A_335 = arith.constant 64 : index
        %get3A_336 = tpu.vector_load %arg11[%get3A_335] {strides = array<i32>} : memref<384xi32, #tpu.memory_space<vmem>>, vector<16xi32>,
        %get3A_337 = arith.constant 192 : index
        %get3A_338 = tpu.vector_load %arg11[%get3A_337] {strides = array<i32>} : memref<384xi32, #tpu.memory_space<vmem>>, vector<16xi32>,
        %get3A_339 = arith.constant 320 : index
        %get3A_340 = tpu.vector_load %arg11[%get3A_339] {strides = array<i32>} : memref<384xi32, #tpu.memory_space<vmem>>, vector<16xi32>,
        %jit3A_341 = arith.constant 0 : i32
        %jit3A_342 = arith.constant 5 : i32
        %max3A_343 = vector.broadcast %jit3A_341 : i32 to vector<16xi32>
        %max3A_344 = arith.maxsi %max3A_343, %get3A_336 : vector<16xi32>
        %min3A_345 = vector.broadcast %jit3A_342 : i32 to vector<16xi32>
        %min3A_346 = arith.minsi %min3A_345, %max3A_344 : vector<16xi32>
        %jit3A_347 = arith.constant 0 : i32
        %jit3A_348 = arith.constant 6 : i32
        %max3A_349 = vector.broadcast %jit3A_347 : i32 to vector<16xi32>
        %max3A_350 = arith.maxsi %max3A_349, %get3A_338 : vector<16xi32>
        %min3A_351 = vector.broadcast %jit3A_348 : i32 to vector<16xi32>
        %min3A_352 = arith.minsi %min3A_351, %max3A_350 : vector<16xi32>
        %jit3A_353 = arith.constant 0 : i32
        %jit3A_354 = arith.constant 2 : i32
        %max3A_355 = vector.broadcast %jit3A_353 : i32 to vector<16xi32>
        %max3A_356 = arith.maxsi %max3A_355, %get3A_340 : vector<16xi32>
        %min3A_357 = vector.broadcast %jit3A_354 : i32 to vector<16xi32>
        %min3A_358 = arith.minsi %min3A_357, %max3A_356 : vector<16xi32>
        %mul3A_359 = arith.constant 7 : i32
        %mul3A_360 = vector.broadcast %mul3A_359 : i32 to vector<16xi32>
        %mul3A_361 = arith.muli %min3A_346, %mul3A_360 : vector<16xi32>
        %add3A_362 = arith.addi %mul3A_361, %min3A_352 : vector<16xi32>
        %mul3A_363 = arith.constant 3 : i32
        %mul3A_364 = vector.broadcast %mul3A_363 : i32 to vector<16xi32>
        %mul3A_365 = arith.muli %add3A_362, %mul3A_364 : vector<16xi32>
        %add3A_366 = arith.addi %mul3A_365, %min3A_358 : vector<16xi32>
        %swap3A_367 = arith.constant 64 : index
        %swap3A_368 = tpu.vector_load %arg18[%swap3A_367] {strides = array<i32>} : memref<128xi32, #tpu.memory_space<vmem>>, vector<16xi32>,
        tpu.vector_store %arg18[%swap3A_367], %add3A_366 {strides = array<i32>} : memref<128xi32, #tpu.memory_space<vmem>>, vector<16xi32>,
        %get3A_369 = arith.constant 80 : index
        %get3A_370 = tpu.vector_load %arg11[%get3A_369] {strides = array<i32>} : memref<384xi32, #tpu.memory_space<vmem>>, vector<16xi32>,
        %get3A_371 = arith.constant 208 : index
        %get3A_372 = tpu.vector_load %arg11[%get3A_371] {strides = array<i32>} : memref<384xi32, #tpu.memory_space<vmem>>, vector<16xi32>,
        %get3A_373 = arith.constant 336 : index
        %get3A_374 = tpu.vector_load %arg11[%get3A_373] {strides = array<i32>} : memref<384xi32, #tpu.memory_space<vmem>>, vector<16xi32>,
        %jit3A_375 = arith.constant 0 : i32
        %jit3A_376 = arith.constant 5 : i32
        %max3A_377 = vector.broadcast %jit3A_375 : i32 to vector<16xi32>
        %max3A_378 = arith.maxsi %max3A_377, %get3A_370 : vector<16xi32>
        %min3A_379 = vector.broadcast %jit3A_376 : i32 to vector<16xi32>
        %min3A_380 = arith.minsi %min3A_379, %max3A_378 : vector<16xi32>
        %jit3A_381 = arith.constant 0 : i32
        %jit3A_382 = arith.constant 6 : i32
        %max3A_383 = vector.broadcast %jit3A_381 : i32 to vector<16xi32>
        %max3A_384 = arith.maxsi %max3A_383, %get3A_372 : vector<16xi32>
        %min3A_385 = vector.broadcast %jit3A_382 : i32 to vector<16xi32>
        %min3A_386 = arith.minsi %min3A_385, %max3A_384 : vector<16xi32>
        %jit3A_387 = arith.constant 0 : i32
        %jit3A_388 = arith.constant 2 : i32
        %max3A_389 = vector.broadcast %jit3A_387 : i32 to vector<16xi32>
        %max3A_390 = arith.maxsi %max3A_389, %get3A_374 : vector<16xi32>
        %min3A_391 = vector.broadcast %jit3A_388 : i32 to vector<16xi32>
        %min3A_392 = arith.minsi %min3A_391, %max3A_390 : vector<16xi32>
        %mul3A_393 = arith.constant 7 : i32
        %mul3A_394 = vector.broadcast %mul3A_393 : i32 to vector<16xi32>
        %mul3A_395 = arith.muli %min3A_380, %mul3A_394 : vector<16xi32>
        %add3A_396 = arith.addi %mul3A_395, %min3A_386 : vector<16xi32>
        %mul3A_397 = arith.constant 3 : i32
        %mul3A_398 = vector.broadcast %mul3A_397 : i32 to vector<16xi32>
        %mul3A_399 = arith.muli %add3A_396, %mul3A_398 : vector<16xi32>
        %add3A_400 = arith.addi %mul3A_399, %min3A_392 : vector<16xi32>
        %swap3A_401 = arith.constant 80 : index
        %swap3A_402 = tpu.vector_load %arg18[%swap3A_401] {strides = array<i32>} : memref<128xi32, #tpu.memory_space<vmem>>, vector<16xi32>,
        tpu.vector_store %arg18[%swap3A_401], %add3A_400 {strides = array<i32>} : memref<128xi32, #tpu.memory_space<vmem>>, vector<16xi32>,
        %get3A_403 = arith.constant 96 : index
        %get3A_404 = tpu.vector_load %arg11[%get3A_403] {strides = array<i32>} : memref<384xi32, #tpu.memory_space<vmem>>, vector<16xi32>,
        %get3A_405 = arith.constant 224 : index
        %get3A_406 = tpu.vector_load %arg11[%get3A_405] {strides = array<i32>} : memref<384xi32, #tpu.memory_space<vmem>>, vector<16xi32>,
        %get3A_407 = arith.constant 352 : index
        %get3A_408 = tpu.vector_load %arg11[%get3A_407] {strides = array<i32>} : memref<384xi32, #tpu.memory_space<vmem>>, vector<16xi32>,
        %jit3A_409 = arith.constant 0 : i32
        %jit3A_410 = arith.constant 5 : i32
        %max3A_411 = vector.broadcast %jit3A_409 : i32 to vector<16xi32>
        %max3A_412 = arith.maxsi %max3A_411, %get3A_404 : vector<16xi32>
        %min3A_413 = vector.broadcast %jit3A_410 : i32 to vector<16xi32>
        %min3A_414 = arith.minsi %min3A_413, %max3A_412 : vector<16xi32>
        %jit3A_415 = arith.constant 0 : i32
        %jit3A_416 = arith.constant 6 : i32
        %max3A_417 = vector.broadcast %jit3A_415 : i32 to vector<16xi32>
        %max3A_418 = arith.maxsi %max3A_417, %get3A_406 : vector<16xi32>
        %min3A_419 = vector.broadcast %jit3A_416 : i32 to vector<16xi32>
        %min3A_420 = arith.minsi %min3A_419, %max3A_418 : vector<16xi32>
        %jit3A_421 = arith.constant 0 : i32
        %jit3A_422 = arith.constant 2 : i32
        %max3A_423 = vector.broadcast %jit3A_421 : i32 to vector<16xi32>
        %max3A_424 = arith.maxsi %max3A_423, %get3A_408 : vector<16xi32>
        %min3A_425 = vector.broadcast %jit3A_422 : i32 to vector<16xi32>
        %min3A_426 = arith.minsi %min3A_425, %max3A_424 : vector<16xi32>
        %mul3A_427 = arith.constant 7 : i32
        %mul3A_428 = vector.broadcast %mul3A_427 : i32 to vector<16xi32>
        %mul3A_429 = arith.muli %min3A_414, %mul3A_428 : vector<16xi32>
        %add3A_430 = arith.addi %mul3A_429, %min3A_420 : vector<16xi32>
        %mul3A_431 = arith.constant 3 : i32
        %mul3A_432 = vector.broadcast %mul3A_431 : i32 to vector<16xi32>
        %mul3A_433 = arith.muli %add3A_430, %mul3A_432 : vector<16xi32>
        %add3A_434 = arith.addi %mul3A_433, %min3A_426 : vector<16xi32>
        %swap3A_435 = arith.constant 96 : index
        %swap3A_436 = tpu.vector_load %arg18[%swap3A_435] {strides = array<i32>} : memref<128xi32, #tpu.memory_space<vmem>>, vector<16xi32>,
        tpu.vector_store %arg18[%swap3A_435], %add3A_434 {strides = array<i32>} : memref<128xi32, #tpu.memory_space<vmem>>, vector<16xi32>,
        %get3A_437 = arith.constant 112 : index
        %get3A_438 = tpu.vector_load %arg11[%get3A_437] {strides = array<i32>} : memref<384xi32, #tpu.memory_space<vmem>>, vector<16xi32>,
        %get3A_439 = arith.constant 240 : index
        %get3A_440 = tpu.vector_load %arg11[%get3A_439] {strides = array<i32>} : memref<384xi32, #tpu.memory_space<vmem>>, vector<16xi32>,
        %get3A_441 = arith.constant 368 : index
        %get3A_442 = tpu.vector_load %arg11[%get3A_441] {strides = array<i32>} : memref<384xi32, #tpu.memory_space<vmem>>, vector<16xi32>,
        %jit3A_443 = arith.constant 0 : i32
        %jit3A_444 = arith.constant 5 : i32
        %max3A_445 = vector.broadcast %jit3A_443 : i32 to vector<16xi32>
        %max3A_446 = arith.maxsi %max3A_445, %get3A_438 : vector<16xi32>
        %min3A_447 = vector.broadcast %jit3A_444 : i32 to vector<16xi32>
        %min3A_448 = arith.minsi %min3A_447, %max3A_446 : vector<16xi32>
        %jit3A_449 = arith.constant 0 : i32
        %jit3A_450 = arith.constant 6 : i32
        %max3A_451 = vector.broadcast %jit3A_449 : i32 to vector<16xi32>
        %max3A_452 = arith.maxsi %max3A_451, %get3A_440 : vector<16xi32>
        %min3A_453 = vector.broadcast %jit3A_450 : i32 to vector<16xi32>
        %min3A_454 = arith.minsi %min3A_453, %max3A_452 : vector<16xi32>
        %jit3A_455 = arith.constant 0 : i32
        %jit3A_456 = arith.constant 2 : i32
        %max3A_457 = vector.broadcast %jit3A_455 : i32 to vector<16xi32>
        %max3A_458 = arith.maxsi %max3A_457, %get3A_442 : vector<16xi32>
        %min3A_459 = vector.broadcast %jit3A_456 : i32 to vector<16xi32>
        %min3A_460 = arith.minsi %min3A_459, %max3A_458 : vector<16xi32>
        %mul3A_461 = arith.constant 7 : i32
        %mul3A_462 = vector.broadcast %mul3A_461 : i32 to vector<16xi32>
        %mul3A_463 = arith.muli %min3A_448, %mul3A_462 : vector<16xi32>
        %add3A_464 = arith.addi %mul3A_463, %min3A_454 : vector<16xi32>
        %mul3A_465 = arith.constant 3 : i32
        %mul3A_466 = vector.broadcast %mul3A_465 : i32 to vector<16xi32>
        %mul3A_467 = arith.muli %add3A_464, %mul3A_466 : vector<16xi32>
        %add3A_468 = arith.addi %mul3A_467, %min3A_460 : vector<16xi32>
        %swap3A_469 = arith.constant 112 : index
        %swap3A_470 = tpu.vector_load %arg18[%swap3A_469] {strides = array<i32>} : memref<128xi32, #tpu.memory_space<vmem>>, vector<16xi32>,
        tpu.vector_store %arg18[%swap3A_469], %add3A_468 {strides = array<i32>} : memref<128xi32, #tpu.memory_space<vmem>>, vector<16xi32>,
        %ge3A_471 = arith.constant 7 : i32
        %ge3A_472 = arith.cmpi sge, %add3A_169, %ge3A_471 : i32
        %convert_element_type3A_473 = arith.extui %ge3A_472 : i1 to i32
        %cond3A_474 = arith.constant 0 : i32
        %cond3A_475 = arith.cmpi ne, %convert_element_type3A_473, %cond3A_474 : i32
        scf.if %cond3A_475 {
          %dma_wait3A_484 = arith.constant 0 : i32
          %dma_wait3A_485 = arith.constant 0 : i32
          %dma_wait3A_486 = tpu.memref_slice %arg4[%dma_wait3A_484, %dma_wait3A_485] : memref<320000x128xf32, #tpu.memory_space<hbm>> -> memref<128x128xf32, #tpu.memory_space<hbm>>
          %dma_wait3A_487 = arith.constant 0 : i32
          %dma_wait3A_488 = arith.constant 0 : i32
          %dma_wait3A_489 = tpu.memref_slice %arg4[%dma_wait3A_487, %dma_wait3A_488] : memref<320000x128xf32, #tpu.memory_space<hbm>> -> memref<128x128xf32, #tpu.memory_space<hbm>>
          tpu.wait_dma2 semaphore(%arg46 : memref<!tpu.dma_semaphore, #tpu.memory_space<semaphore_mem>>) src(%arg25 : memref<128x128xf32, #tpu.memory_space<vmem>>) dst(%dma_wait3A_489 : memref<128x128xf32, #tpu.memory_space<hbm>>)
        } else {
        }
        %dma_start3A = arith.constant 0 : i32
        %dma_start3A_476 = arith.constant 0 : i32
        %dma_start3A_477 = tpu.memref_slice %arg5[%dma_start3A, %dma_start3A_476] : memref<126x128xf32, #tpu.memory_space<vmem_shared>> -> memref<126x128xf32, #tpu.memory_space<vmem_shared>>
        tpu.enqueue_indirect_dma source(%dma_start3A_477 : memref<126x128xf32, #tpu.memory_space<vmem_shared>>) target(%arg25 : memref<128x128xf32, #tpu.memory_space<vmem>>) offsets(%arg18 : memref<128xi32, #tpu.memory_space<vmem>>) semaphore(%arg39 : memref<!tpu.dma_semaphore, #tpu.memory_space<semaphore_mem>>)
        %add3A_478 = arith.constant 2 : i32
        %add3A_479 = arith.addi %add3A_169, %add3A_478 : i32
        %lt3A_480 = arith.cmpi slt, %add3A_479, %add3A_6 : i32
        %convert_element_type3A_481 = arith.extui %lt3A_480 : i1 to i32
        %cond3A_482 = arith.constant 0 : i32
        %cond3A_483 = arith.cmpi ne, %convert_element_type3A_481, %cond3A_482 : i32
        scf.if %cond3A_483 {
          %add3A_484 = arith.constant 2 : i32
          %add3A_485 = arith.addi %add3A_169, %add3A_484 : i32
          %mul3A_486 = arith.constant 32 : i32
          %mul3A_487 = arith.muli %add3A_485, %mul3A_486 : i32
          %add3A_488 = arith.addi %add3A, %mul3A_487 : i32
          %mul3A_489 = arith.constant 128 : i32
          %mul3A_490 = arith.muli %add3A_488, %mul3A_489 : i32
          %add3A_491 = arith.constant 0 : i32
          %add3A_492 = arith.addi %add3A_491, %mul3A_490 : i32
          %multiple_of3A = tpu.assume_multiple %add3A_492, 8 : i32
          %dma_start3A_493 = arith.constant 0 : i32
          %dma_start3A_494 = tpu.memref_slice %arg6[%dma_start3A_493] : memref<384xi32, #tpu.memory_space<vmem>> -> memref<128xi32, #tpu.memory_space<vmem>>
          %dma_start3A_495 = tpu.memref_slice %arg2[%multiple_of3A] : memref<960000xi32, #tpu.memory_space<hbm>> -> memref<128xi32, #tpu.memory_space<hbm>>
          %dma_start3A_496 = arith.constant 0 : i32
          %dma_start3A_497 = tpu.memref_slice %arg6[%dma_start3A_496] : memref<384xi32, #tpu.memory_space<vmem>> -> memref<128xi32, #tpu.memory_space<vmem>>
          %dma_start3A_498 = tpu.memref_slice %arg2[%multiple_of3A] : memref<960000xi32, #tpu.memory_space<hbm>> -> memref<128xi32, #tpu.memory_space<hbm>>
          tpu.enqueue_dma source(%dma_start3A_498 : memref<128xi32, #tpu.memory_space<hbm>>) target(%dma_start3A_497 : memref<128xi32, #tpu.memory_space<vmem>>) target_semaphore(%arg27 : memref<!tpu.dma_semaphore, #tpu.memory_space<semaphore_mem>>)
          %add3A_499 = arith.constant 320000 : i32
          %add3A_500 = arith.addi %add3A_499, %mul3A_490 : i32
          %multiple_of3A_501 = tpu.assume_multiple %add3A_500, 8 : i32
          %dma_start3A_502 = arith.constant 128 : i32
          %dma_start3A_503 = tpu.memref_slice %arg6[%dma_start3A_502] : memref<384xi32, #tpu.memory_space<vmem>> -> memref<128xi32, #tpu.memory_space<vmem>>
          %dma_start3A_504 = tpu.memref_slice %arg2[%multiple_of3A_501] : memref<960000xi32, #tpu.memory_space<hbm>> -> memref<128xi32, #tpu.memory_space<hbm>>
          %dma_start3A_505 = arith.constant 128 : i32
          %dma_start3A_506 = tpu.memref_slice %arg6[%dma_start3A_505] : memref<384xi32, #tpu.memory_space<vmem>> -> memref<128xi32, #tpu.memory_space<vmem>>
          %dma_start3A_507 = tpu.memref_slice %arg2[%multiple_of3A_501] : memref<960000xi32, #tpu.memory_space<hbm>> -> memref<128xi32, #tpu.memory_space<hbm>>
          tpu.enqueue_dma source(%dma_start3A_507 : memref<128xi32, #tpu.memory_space<hbm>>) target(%dma_start3A_506 : memref<128xi32, #tpu.memory_space<vmem>>) target_semaphore(%arg27 : memref<!tpu.dma_semaphore, #tpu.memory_space<semaphore_mem>>)
          %add3A_508 = arith.constant 640000 : i32
          %add3A_509 = arith.addi %add3A_508, %mul3A_490 : i32
          %multiple_of3A_510 = tpu.assume_multiple %add3A_509, 8 : i32
          %dma_start3A_511 = arith.constant 256 : i32
          %dma_start3A_512 = tpu.memref_slice %arg6[%dma_start3A_511] : memref<384xi32, #tpu.memory_space<vmem>> -> memref<128xi32, #tpu.memory_space<vmem>>
          %dma_start3A_513 = tpu.memref_slice %arg2[%multiple_of3A_510] : memref<960000xi32, #tpu.memory_space<hbm>> -> memref<128xi32, #tpu.memory_space<hbm>>
          %dma_start3A_514 = arith.constant 256 : i32
          %dma_start3A_515 = tpu.memref_slice %arg6[%dma_start3A_514] : memref<384xi32, #tpu.memory_space<vmem>> -> memref<128xi32, #tpu.memory_space<vmem>>
          %dma_start3A_516 = tpu.memref_slice %arg2[%multiple_of3A_510] : memref<960000xi32, #tpu.memory_space<hbm>> -> memref<128xi32, #tpu.memory_space<hbm>>
          tpu.enqueue_dma source(%dma_start3A_516 : memref<128xi32, #tpu.memory_space<hbm>>) target(%dma_start3A_515 : memref<128xi32, #tpu.memory_space<vmem>>) target_semaphore(%arg27 : memref<!tpu.dma_semaphore, #tpu.memory_space<semaphore_mem>>)
        } else {
        }
      } else {
      }
      %mul3A_183 = arith.constant 7 : i32
      %mul3A_184 = arith.muli %while3A_82, %mul3A_183 : i32
      %add3A_185 = arith.constant 6 : i32
      %add3A_186 = arith.addi %mul3A_184, %add3A_185 : i32
      %ge3A_187 = arith.constant 3 : i32
      %ge3A_188 = arith.cmpi sge, %add3A_186, %ge3A_187 : i32
      %add3A_189 = arith.constant 2 : i32
      %add3A_190 = arith.addi %add3A_6, %add3A_189 : i32
      %le3A_191 = arith.cmpi sle, %add3A_186, %add3A_190 : i32
      %and3A_192 = arith.andi %ge3A_188, %le3A_191 : i1
      %convert_element_type3A_193 = arith.extui %and3A_192 : i1 to i32
      %cond3A_194 = arith.constant 0 : i32
      %cond3A_195 = arith.cmpi ne, %convert_element_type3A_193, %cond3A_194 : i32
      scf.if %cond3A_195 {
        %dma_wait3A = arith.constant 0 : i32
        %dma_wait3A_200 = arith.constant 0 : i32
        %dma_wait3A_201 = tpu.memref_slice %arg5[%dma_wait3A, %dma_wait3A_200] : memref<126x128xf32, #tpu.memory_space<vmem_shared>> -> memref<126x128xf32, #tpu.memory_space<vmem_shared>>
        tpu.wait_indirect_dma semaphore(%arg37 : memref<!tpu.dma_semaphore, #tpu.memory_space<semaphore_mem>>) src(%dma_wait3A_201 : memref<126x128xf32, #tpu.memory_space<vmem_shared>>) dst(%arg23 : memref<128x128xf32, #tpu.memory_space<vmem>>)
        %sub3A_202 = arith.constant 3 : i32
        %sub3A_203 = arith.subi %add3A_186, %sub3A_202 : i32
        %mul3A_204 = arith.constant 32 : i32
        %mul3A_205 = arith.muli %sub3A_203, %mul3A_204 : i32
        %add3A_206 = arith.addi %add3A, %mul3A_205 : i32
        %mul3A_207 = arith.constant 128 : i32
        %mul3A_208 = arith.muli %add3A_206, %mul3A_207 : i32
        %dma_start3A = arith.constant 0 : i32
        %dma_start3A_209 = tpu.memref_slice %arg4[%mul3A_208, %dma_start3A] : memref<320000x128xf32, #tpu.memory_space<hbm>> -> memref<128x128xf32, #tpu.memory_space<hbm>>
        %dma_start3A_210 = arith.constant 0 : i32
        %dma_start3A_211 = tpu.memref_slice %arg4[%mul3A_208, %dma_start3A_210] : memref<320000x128xf32, #tpu.memory_space<hbm>> -> memref<128x128xf32, #tpu.memory_space<hbm>>
        tpu.enqueue_dma source(%arg23 : memref<128x128xf32, #tpu.memory_space<vmem>>) target(%dma_start3A_211 : memref<128x128xf32, #tpu.memory_space<hbm>>) target_semaphore(%arg44 : memref<!tpu.dma_semaphore, #tpu.memory_space<semaphore_mem>>)
      } else {
      }
      %lt3A_196 = arith.cmpi slt, %add3A_186, %add3A_6 : i32
      %convert_element_type3A_197 = arith.extui %lt3A_196 : i1 to i32
      %cond3A_198 = arith.constant 0 : i32
      %cond3A_199 = arith.cmpi ne, %convert_element_type3A_197, %cond3A_198 : i32
      scf.if %cond3A_199 {
        %dma_wait3A = arith.constant 0 : i32
        %dma_wait3A_200 = tpu.memref_slice %arg2[%dma_wait3A] : memref<960000xi32, #tpu.memory_space<hbm>> -> memref<384xi32, #tpu.memory_space<hbm>>
        %dma_wait3A_201 = arith.constant 0 : i32
        %dma_wait3A_202 = tpu.memref_slice %arg2[%dma_wait3A_201] : memref<960000xi32, #tpu.memory_space<hbm>> -> memref<384xi32, #tpu.memory_space<hbm>>
        tpu.wait_dma2 semaphore(%arg33 : memref<!tpu.dma_semaphore, #tpu.memory_space<semaphore_mem>>) src(%dma_wait3A_202 : memref<384xi32, #tpu.memory_space<hbm>>) dst(%arg12 : memref<384xi32, #tpu.memory_space<vmem>>)
        %get3A = arith.constant 0 : index
        %get3A_203 = tpu.vector_load %arg12[%get3A] {strides = array<i32>} : memref<384xi32, #tpu.memory_space<vmem>>, vector<16xi32>,
        %get3A_204 = arith.constant 128 : index
        %get3A_205 = tpu.vector_load %arg12[%get3A_204] {strides = array<i32>} : memref<384xi32, #tpu.memory_space<vmem>>, vector<16xi32>,
        %get3A_206 = arith.constant 256 : index
        %get3A_207 = tpu.vector_load %arg12[%get3A_206] {strides = array<i32>} : memref<384xi32, #tpu.memory_space<vmem>>, vector<16xi32>,
        %jit3A_208 = arith.constant 0 : i32
        %jit3A_209 = arith.constant 5 : i32
        %max3A = vector.broadcast %jit3A_208 : i32 to vector<16xi32>
        %max3A_210 = arith.maxsi %max3A, %get3A_203 : vector<16xi32>
        %min3A = vector.broadcast %jit3A_209 : i32 to vector<16xi32>
        %min3A_211 = arith.minsi %min3A, %max3A_210 : vector<16xi32>
        %jit3A_212 = arith.constant 0 : i32
        %jit3A_213 = arith.constant 6 : i32
        %max3A_214 = vector.broadcast %jit3A_212 : i32 to vector<16xi32>
        %max3A_215 = arith.maxsi %max3A_214, %get3A_205 : vector<16xi32>
        %min3A_216 = vector.broadcast %jit3A_213 : i32 to vector<16xi32>
        %min3A_217 = arith.minsi %min3A_216, %max3A_215 : vector<16xi32>
        %jit3A_218 = arith.constant 0 : i32
        %jit3A_219 = arith.constant 2 : i32
        %max3A_220 = vector.broadcast %jit3A_218 : i32 to vector<16xi32>
        %max3A_221 = arith.maxsi %max3A_220, %get3A_207 : vector<16xi32>
        %min3A_222 = vector.broadcast %jit3A_219 : i32 to vector<16xi32>
        %min3A_223 = arith.minsi %min3A_222, %max3A_221 : vector<16xi32>
        %mul3A_224 = arith.constant 7 : i32
        %mul3A_225 = vector.broadcast %mul3A_224 : i32 to vector<16xi32>
        %mul3A_226 = arith.muli %min3A_211, %mul3A_225 : vector<16xi32>
        %add3A_227 = arith.addi %mul3A_226, %min3A_217 : vector<16xi32>
        %mul3A_228 = arith.constant 3 : i32
        %mul3A_229 = vector.broadcast %mul3A_228 : i32 to vector<16xi32>
        %mul3A_230 = arith.muli %add3A_227, %mul3A_229 : vector<16xi32>
        %add3A_231 = arith.addi %mul3A_230, %min3A_223 : vector<16xi32>
        %swap3A = arith.constant 0 : index
        %swap3A_232 = tpu.vector_load %arg19[%swap3A] {strides = array<i32>} : memref<128xi32, #tpu.memory_space<vmem>>, vector<16xi32>,
        tpu.vector_store %arg19[%swap3A], %add3A_231 {strides = array<i32>} : memref<128xi32, #tpu.memory_space<vmem>>, vector<16xi32>,
        %get3A_233 = arith.constant 16 : index
        %get3A_234 = tpu.vector_load %arg12[%get3A_233] {strides = array<i32>} : memref<384xi32, #tpu.memory_space<vmem>>, vector<16xi32>,
        %get3A_235 = arith.constant 144 : index
        %get3A_236 = tpu.vector_load %arg12[%get3A_235] {strides = array<i32>} : memref<384xi32, #tpu.memory_space<vmem>>, vector<16xi32>,
        %get3A_237 = arith.constant 272 : index
        %get3A_238 = tpu.vector_load %arg12[%get3A_237] {strides = array<i32>} : memref<384xi32, #tpu.memory_space<vmem>>, vector<16xi32>,
        %jit3A_239 = arith.constant 0 : i32
        %jit3A_240 = arith.constant 5 : i32
        %max3A_241 = vector.broadcast %jit3A_239 : i32 to vector<16xi32>
        %max3A_242 = arith.maxsi %max3A_241, %get3A_234 : vector<16xi32>
        %min3A_243 = vector.broadcast %jit3A_240 : i32 to vector<16xi32>
        %min3A_244 = arith.minsi %min3A_243, %max3A_242 : vector<16xi32>
        %jit3A_245 = arith.constant 0 : i32
        %jit3A_246 = arith.constant 6 : i32
        %max3A_247 = vector.broadcast %jit3A_245 : i32 to vector<16xi32>
        %max3A_248 = arith.maxsi %max3A_247, %get3A_236 : vector<16xi32>
        %min3A_249 = vector.broadcast %jit3A_246 : i32 to vector<16xi32>
        %min3A_250 = arith.minsi %min3A_249, %max3A_248 : vector<16xi32>
        %jit3A_251 = arith.constant 0 : i32
        %jit3A_252 = arith.constant 2 : i32
        %max3A_253 = vector.broadcast %jit3A_251 : i32 to vector<16xi32>
        %max3A_254 = arith.maxsi %max3A_253, %get3A_238 : vector<16xi32>
        %min3A_255 = vector.broadcast %jit3A_252 : i32 to vector<16xi32>
        %min3A_256 = arith.minsi %min3A_255, %max3A_254 : vector<16xi32>
        %mul3A_257 = arith.constant 7 : i32
        %mul3A_258 = vector.broadcast %mul3A_257 : i32 to vector<16xi32>
        %mul3A_259 = arith.muli %min3A_244, %mul3A_258 : vector<16xi32>
        %add3A_260 = arith.addi %mul3A_259, %min3A_250 : vector<16xi32>
        %mul3A_261 = arith.constant 3 : i32
        %mul3A_262 = vector.broadcast %mul3A_261 : i32 to vector<16xi32>
        %mul3A_263 = arith.muli %add3A_260, %mul3A_262 : vector<16xi32>
        %add3A_264 = arith.addi %mul3A_263, %min3A_256 : vector<16xi32>
        %swap3A_265 = arith.constant 16 : index
        %swap3A_266 = tpu.vector_load %arg19[%swap3A_265] {strides = array<i32>} : memref<128xi32, #tpu.memory_space<vmem>>, vector<16xi32>,
        tpu.vector_store %arg19[%swap3A_265], %add3A_264 {strides = array<i32>} : memref<128xi32, #tpu.memory_space<vmem>>, vector<16xi32>,
        %get3A_267 = arith.constant 32 : index
        %get3A_268 = tpu.vector_load %arg12[%get3A_267] {strides = array<i32>} : memref<384xi32, #tpu.memory_space<vmem>>, vector<16xi32>,
        %get3A_269 = arith.constant 160 : index
        %get3A_270 = tpu.vector_load %arg12[%get3A_269] {strides = array<i32>} : memref<384xi32, #tpu.memory_space<vmem>>, vector<16xi32>,
        %get3A_271 = arith.constant 288 : index
        %get3A_272 = tpu.vector_load %arg12[%get3A_271] {strides = array<i32>} : memref<384xi32, #tpu.memory_space<vmem>>, vector<16xi32>,
        %jit3A_273 = arith.constant 0 : i32
        %jit3A_274 = arith.constant 5 : i32
        %max3A_275 = vector.broadcast %jit3A_273 : i32 to vector<16xi32>
        %max3A_276 = arith.maxsi %max3A_275, %get3A_268 : vector<16xi32>
        %min3A_277 = vector.broadcast %jit3A_274 : i32 to vector<16xi32>
        %min3A_278 = arith.minsi %min3A_277, %max3A_276 : vector<16xi32>
        %jit3A_279 = arith.constant 0 : i32
        %jit3A_280 = arith.constant 6 : i32
        %max3A_281 = vector.broadcast %jit3A_279 : i32 to vector<16xi32>
        %max3A_282 = arith.maxsi %max3A_281, %get3A_270 : vector<16xi32>
        %min3A_283 = vector.broadcast %jit3A_280 : i32 to vector<16xi32>
        %min3A_284 = arith.minsi %min3A_283, %max3A_282 : vector<16xi32>
        %jit3A_285 = arith.constant 0 : i32
        %jit3A_286 = arith.constant 2 : i32
        %max3A_287 = vector.broadcast %jit3A_285 : i32 to vector<16xi32>
        %max3A_288 = arith.maxsi %max3A_287, %get3A_272 : vector<16xi32>
        %min3A_289 = vector.broadcast %jit3A_286 : i32 to vector<16xi32>
        %min3A_290 = arith.minsi %min3A_289, %max3A_288 : vector<16xi32>
        %mul3A_291 = arith.constant 7 : i32
        %mul3A_292 = vector.broadcast %mul3A_291 : i32 to vector<16xi32>
        %mul3A_293 = arith.muli %min3A_278, %mul3A_292 : vector<16xi32>
        %add3A_294 = arith.addi %mul3A_293, %min3A_284 : vector<16xi32>
        %mul3A_295 = arith.constant 3 : i32
        %mul3A_296 = vector.broadcast %mul3A_295 : i32 to vector<16xi32>
        %mul3A_297 = arith.muli %add3A_294, %mul3A_296 : vector<16xi32>
        %add3A_298 = arith.addi %mul3A_297, %min3A_290 : vector<16xi32>
        %swap3A_299 = arith.constant 32 : index
        %swap3A_300 = tpu.vector_load %arg19[%swap3A_299] {strides = array<i32>} : memref<128xi32, #tpu.memory_space<vmem>>, vector<16xi32>,
        tpu.vector_store %arg19[%swap3A_299], %add3A_298 {strides = array<i32>} : memref<128xi32, #tpu.memory_space<vmem>>, vector<16xi32>,
        %get3A_301 = arith.constant 48 : index
        %get3A_302 = tpu.vector_load %arg12[%get3A_301] {strides = array<i32>} : memref<384xi32, #tpu.memory_space<vmem>>, vector<16xi32>,
        %get3A_303 = arith.constant 176 : index
        %get3A_304 = tpu.vector_load %arg12[%get3A_303] {strides = array<i32>} : memref<384xi32, #tpu.memory_space<vmem>>, vector<16xi32>,
        %get3A_305 = arith.constant 304 : index
        %get3A_306 = tpu.vector_load %arg12[%get3A_305] {strides = array<i32>} : memref<384xi32, #tpu.memory_space<vmem>>, vector<16xi32>,
        %jit3A_307 = arith.constant 0 : i32
        %jit3A_308 = arith.constant 5 : i32
        %max3A_309 = vector.broadcast %jit3A_307 : i32 to vector<16xi32>
        %max3A_310 = arith.maxsi %max3A_309, %get3A_302 : vector<16xi32>
        %min3A_311 = vector.broadcast %jit3A_308 : i32 to vector<16xi32>
        %min3A_312 = arith.minsi %min3A_311, %max3A_310 : vector<16xi32>
        %jit3A_313 = arith.constant 0 : i32
        %jit3A_314 = arith.constant 6 : i32
        %max3A_315 = vector.broadcast %jit3A_313 : i32 to vector<16xi32>
        %max3A_316 = arith.maxsi %max3A_315, %get3A_304 : vector<16xi32>
        %min3A_317 = vector.broadcast %jit3A_314 : i32 to vector<16xi32>
        %min3A_318 = arith.minsi %min3A_317, %max3A_316 : vector<16xi32>
        %jit3A_319 = arith.constant 0 : i32
        %jit3A_320 = arith.constant 2 : i32
        %max3A_321 = vector.broadcast %jit3A_319 : i32 to vector<16xi32>
        %max3A_322 = arith.maxsi %max3A_321, %get3A_306 : vector<16xi32>
        %min3A_323 = vector.broadcast %jit3A_320 : i32 to vector<16xi32>
        %min3A_324 = arith.minsi %min3A_323, %max3A_322 : vector<16xi32>
        %mul3A_325 = arith.constant 7 : i32
        %mul3A_326 = vector.broadcast %mul3A_325 : i32 to vector<16xi32>
        %mul3A_327 = arith.muli %min3A_312, %mul3A_326 : vector<16xi32>
        %add3A_328 = arith.addi %mul3A_327, %min3A_318 : vector<16xi32>
        %mul3A_329 = arith.constant 3 : i32
        %mul3A_330 = vector.broadcast %mul3A_329 : i32 to vector<16xi32>
        %mul3A_331 = arith.muli %add3A_328, %mul3A_330 : vector<16xi32>
        %add3A_332 = arith.addi %mul3A_331, %min3A_324 : vector<16xi32>
        %swap3A_333 = arith.constant 48 : index
        %swap3A_334 = tpu.vector_load %arg19[%swap3A_333] {strides = array<i32>} : memref<128xi32, #tpu.memory_space<vmem>>, vector<16xi32>,
        tpu.vector_store %arg19[%swap3A_333], %add3A_332 {strides = array<i32>} : memref<128xi32, #tpu.memory_space<vmem>>, vector<16xi32>,
        %get3A_335 = arith.constant 64 : index
        %get3A_336 = tpu.vector_load %arg12[%get3A_335] {strides = array<i32>} : memref<384xi32, #tpu.memory_space<vmem>>, vector<16xi32>,
        %get3A_337 = arith.constant 192 : index
        %get3A_338 = tpu.vector_load %arg12[%get3A_337] {strides = array<i32>} : memref<384xi32, #tpu.memory_space<vmem>>, vector<16xi32>,
        %get3A_339 = arith.constant 320 : index
        %get3A_340 = tpu.vector_load %arg12[%get3A_339] {strides = array<i32>} : memref<384xi32, #tpu.memory_space<vmem>>, vector<16xi32>,
        %jit3A_341 = arith.constant 0 : i32
        %jit3A_342 = arith.constant 5 : i32
        %max3A_343 = vector.broadcast %jit3A_341 : i32 to vector<16xi32>
        %max3A_344 = arith.maxsi %max3A_343, %get3A_336 : vector<16xi32>
        %min3A_345 = vector.broadcast %jit3A_342 : i32 to vector<16xi32>
        %min3A_346 = arith.minsi %min3A_345, %max3A_344 : vector<16xi32>
        %jit3A_347 = arith.constant 0 : i32
        %jit3A_348 = arith.constant 6 : i32
        %max3A_349 = vector.broadcast %jit3A_347 : i32 to vector<16xi32>
        %max3A_350 = arith.maxsi %max3A_349, %get3A_338 : vector<16xi32>
        %min3A_351 = vector.broadcast %jit3A_348 : i32 to vector<16xi32>
        %min3A_352 = arith.minsi %min3A_351, %max3A_350 : vector<16xi32>
        %jit3A_353 = arith.constant 0 : i32
        %jit3A_354 = arith.constant 2 : i32
        %max3A_355 = vector.broadcast %jit3A_353 : i32 to vector<16xi32>
        %max3A_356 = arith.maxsi %max3A_355, %get3A_340 : vector<16xi32>
        %min3A_357 = vector.broadcast %jit3A_354 : i32 to vector<16xi32>
        %min3A_358 = arith.minsi %min3A_357, %max3A_356 : vector<16xi32>
        %mul3A_359 = arith.constant 7 : i32
        %mul3A_360 = vector.broadcast %mul3A_359 : i32 to vector<16xi32>
        %mul3A_361 = arith.muli %min3A_346, %mul3A_360 : vector<16xi32>
        %add3A_362 = arith.addi %mul3A_361, %min3A_352 : vector<16xi32>
        %mul3A_363 = arith.constant 3 : i32
        %mul3A_364 = vector.broadcast %mul3A_363 : i32 to vector<16xi32>
        %mul3A_365 = arith.muli %add3A_362, %mul3A_364 : vector<16xi32>
        %add3A_366 = arith.addi %mul3A_365, %min3A_358 : vector<16xi32>
        %swap3A_367 = arith.constant 64 : index
        %swap3A_368 = tpu.vector_load %arg19[%swap3A_367] {strides = array<i32>} : memref<128xi32, #tpu.memory_space<vmem>>, vector<16xi32>,
        tpu.vector_store %arg19[%swap3A_367], %add3A_366 {strides = array<i32>} : memref<128xi32, #tpu.memory_space<vmem>>, vector<16xi32>,
        %get3A_369 = arith.constant 80 : index
        %get3A_370 = tpu.vector_load %arg12[%get3A_369] {strides = array<i32>} : memref<384xi32, #tpu.memory_space<vmem>>, vector<16xi32>,
        %get3A_371 = arith.constant 208 : index
        %get3A_372 = tpu.vector_load %arg12[%get3A_371] {strides = array<i32>} : memref<384xi32, #tpu.memory_space<vmem>>, vector<16xi32>,
        %get3A_373 = arith.constant 336 : index
        %get3A_374 = tpu.vector_load %arg12[%get3A_373] {strides = array<i32>} : memref<384xi32, #tpu.memory_space<vmem>>, vector<16xi32>,
        %jit3A_375 = arith.constant 0 : i32
        %jit3A_376 = arith.constant 5 : i32
        %max3A_377 = vector.broadcast %jit3A_375 : i32 to vector<16xi32>
        %max3A_378 = arith.maxsi %max3A_377, %get3A_370 : vector<16xi32>
        %min3A_379 = vector.broadcast %jit3A_376 : i32 to vector<16xi32>
        %min3A_380 = arith.minsi %min3A_379, %max3A_378 : vector<16xi32>
        %jit3A_381 = arith.constant 0 : i32
        %jit3A_382 = arith.constant 6 : i32
        %max3A_383 = vector.broadcast %jit3A_381 : i32 to vector<16xi32>
        %max3A_384 = arith.maxsi %max3A_383, %get3A_372 : vector<16xi32>
        %min3A_385 = vector.broadcast %jit3A_382 : i32 to vector<16xi32>
        %min3A_386 = arith.minsi %min3A_385, %max3A_384 : vector<16xi32>
        %jit3A_387 = arith.constant 0 : i32
        %jit3A_388 = arith.constant 2 : i32
        %max3A_389 = vector.broadcast %jit3A_387 : i32 to vector<16xi32>
        %max3A_390 = arith.maxsi %max3A_389, %get3A_374 : vector<16xi32>
        %min3A_391 = vector.broadcast %jit3A_388 : i32 to vector<16xi32>
        %min3A_392 = arith.minsi %min3A_391, %max3A_390 : vector<16xi32>
        %mul3A_393 = arith.constant 7 : i32
        %mul3A_394 = vector.broadcast %mul3A_393 : i32 to vector<16xi32>
        %mul3A_395 = arith.muli %min3A_380, %mul3A_394 : vector<16xi32>
        %add3A_396 = arith.addi %mul3A_395, %min3A_386 : vector<16xi32>
        %mul3A_397 = arith.constant 3 : i32
        %mul3A_398 = vector.broadcast %mul3A_397 : i32 to vector<16xi32>
        %mul3A_399 = arith.muli %add3A_396, %mul3A_398 : vector<16xi32>
        %add3A_400 = arith.addi %mul3A_399, %min3A_392 : vector<16xi32>
        %swap3A_401 = arith.constant 80 : index
        %swap3A_402 = tpu.vector_load %arg19[%swap3A_401] {strides = array<i32>} : memref<128xi32, #tpu.memory_space<vmem>>, vector<16xi32>,
        tpu.vector_store %arg19[%swap3A_401], %add3A_400 {strides = array<i32>} : memref<128xi32, #tpu.memory_space<vmem>>, vector<16xi32>,
        %get3A_403 = arith.constant 96 : index
        %get3A_404 = tpu.vector_load %arg12[%get3A_403] {strides = array<i32>} : memref<384xi32, #tpu.memory_space<vmem>>, vector<16xi32>,
        %get3A_405 = arith.constant 224 : index
        %get3A_406 = tpu.vector_load %arg12[%get3A_405] {strides = array<i32>} : memref<384xi32, #tpu.memory_space<vmem>>, vector<16xi32>,
        %get3A_407 = arith.constant 352 : index
        %get3A_408 = tpu.vector_load %arg12[%get3A_407] {strides = array<i32>} : memref<384xi32, #tpu.memory_space<vmem>>, vector<16xi32>,
        %jit3A_409 = arith.constant 0 : i32
        %jit3A_410 = arith.constant 5 : i32
        %max3A_411 = vector.broadcast %jit3A_409 : i32 to vector<16xi32>
        %max3A_412 = arith.maxsi %max3A_411, %get3A_404 : vector<16xi32>
        %min3A_413 = vector.broadcast %jit3A_410 : i32 to vector<16xi32>
        %min3A_414 = arith.minsi %min3A_413, %max3A_412 : vector<16xi32>
        %jit3A_415 = arith.constant 0 : i32
        %jit3A_416 = arith.constant 6 : i32
        %max3A_417 = vector.broadcast %jit3A_415 : i32 to vector<16xi32>
        %max3A_418 = arith.maxsi %max3A_417, %get3A_406 : vector<16xi32>
        %min3A_419 = vector.broadcast %jit3A_416 : i32 to vector<16xi32>
        %min3A_420 = arith.minsi %min3A_419, %max3A_418 : vector<16xi32>
        %jit3A_421 = arith.constant 0 : i32
        %jit3A_422 = arith.constant 2 : i32
        %max3A_423 = vector.broadcast %jit3A_421 : i32 to vector<16xi32>
        %max3A_424 = arith.maxsi %max3A_423, %get3A_408 : vector<16xi32>
        %min3A_425 = vector.broadcast %jit3A_422 : i32 to vector<16xi32>
        %min3A_426 = arith.minsi %min3A_425, %max3A_424 : vector<16xi32>
        %mul3A_427 = arith.constant 7 : i32
        %mul3A_428 = vector.broadcast %mul3A_427 : i32 to vector<16xi32>
        %mul3A_429 = arith.muli %min3A_414, %mul3A_428 : vector<16xi32>
        %add3A_430 = arith.addi %mul3A_429, %min3A_420 : vector<16xi32>
        %mul3A_431 = arith.constant 3 : i32
        %mul3A_432 = vector.broadcast %mul3A_431 : i32 to vector<16xi32>
        %mul3A_433 = arith.muli %add3A_430, %mul3A_432 : vector<16xi32>
        %add3A_434 = arith.addi %mul3A_433, %min3A_426 : vector<16xi32>
        %swap3A_435 = arith.constant 96 : index
        %swap3A_436 = tpu.vector_load %arg19[%swap3A_435] {strides = array<i32>} : memref<128xi32, #tpu.memory_space<vmem>>, vector<16xi32>,
        tpu.vector_store %arg19[%swap3A_435], %add3A_434 {strides = array<i32>} : memref<128xi32, #tpu.memory_space<vmem>>, vector<16xi32>,
        %get3A_437 = arith.constant 112 : index
        %get3A_438 = tpu.vector_load %arg12[%get3A_437] {strides = array<i32>} : memref<384xi32, #tpu.memory_space<vmem>>, vector<16xi32>,
        %get3A_439 = arith.constant 240 : index
        %get3A_440 = tpu.vector_load %arg12[%get3A_439] {strides = array<i32>} : memref<384xi32, #tpu.memory_space<vmem>>, vector<16xi32>,
        %get3A_441 = arith.constant 368 : index
        %get3A_442 = tpu.vector_load %arg12[%get3A_441] {strides = array<i32>} : memref<384xi32, #tpu.memory_space<vmem>>, vector<16xi32>,
        %jit3A_443 = arith.constant 0 : i32
        %jit3A_444 = arith.constant 5 : i32
        %max3A_445 = vector.broadcast %jit3A_443 : i32 to vector<16xi32>
        %max3A_446 = arith.maxsi %max3A_445, %get3A_438 : vector<16xi32>
        %min3A_447 = vector.broadcast %jit3A_444 : i32 to vector<16xi32>
        %min3A_448 = arith.minsi %min3A_447, %max3A_446 : vector<16xi32>
        %jit3A_449 = arith.constant 0 : i32
        %jit3A_450 = arith.constant 6 : i32
        %max3A_451 = vector.broadcast %jit3A_449 : i32 to vector<16xi32>
        %max3A_452 = arith.maxsi %max3A_451, %get3A_440 : vector<16xi32>
        %min3A_453 = vector.broadcast %jit3A_450 : i32 to vector<16xi32>
        %min3A_454 = arith.minsi %min3A_453, %max3A_452 : vector<16xi32>
        %jit3A_455 = arith.constant 0 : i32
        %jit3A_456 = arith.constant 2 : i32
        %max3A_457 = vector.broadcast %jit3A_455 : i32 to vector<16xi32>
        %max3A_458 = arith.maxsi %max3A_457, %get3A_442 : vector<16xi32>
        %min3A_459 = vector.broadcast %jit3A_456 : i32 to vector<16xi32>
        %min3A_460 = arith.minsi %min3A_459, %max3A_458 : vector<16xi32>
        %mul3A_461 = arith.constant 7 : i32
        %mul3A_462 = vector.broadcast %mul3A_461 : i32 to vector<16xi32>
        %mul3A_463 = arith.muli %min3A_448, %mul3A_462 : vector<16xi32>
        %add3A_464 = arith.addi %mul3A_463, %min3A_454 : vector<16xi32>
        %mul3A_465 = arith.constant 3 : i32
        %mul3A_466 = vector.broadcast %mul3A_465 : i32 to vector<16xi32>
        %mul3A_467 = arith.muli %add3A_464, %mul3A_466 : vector<16xi32>
        %add3A_468 = arith.addi %mul3A_467, %min3A_460 : vector<16xi32>
        %swap3A_469 = arith.constant 112 : index
        %swap3A_470 = tpu.vector_load %arg19[%swap3A_469] {strides = array<i32>} : memref<128xi32, #tpu.memory_space<vmem>>, vector<16xi32>,
        tpu.vector_store %arg19[%swap3A_469], %add3A_468 {strides = array<i32>} : memref<128xi32, #tpu.memory_space<vmem>>, vector<16xi32>,
        %ge3A_471 = arith.constant 7 : i32
        %ge3A_472 = arith.cmpi sge, %add3A_186, %ge3A_471 : i32
        %convert_element_type3A_473 = arith.extui %ge3A_472 : i1 to i32
        %cond3A_474 = arith.constant 0 : i32
        %cond3A_475 = arith.cmpi ne, %convert_element_type3A_473, %cond3A_474 : i32
        scf.if %cond3A_475 {
          %dma_wait3A_484 = arith.constant 0 : i32
          %dma_wait3A_485 = arith.constant 0 : i32
          %dma_wait3A_486 = tpu.memref_slice %arg4[%dma_wait3A_484, %dma_wait3A_485] : memref<320000x128xf32, #tpu.memory_space<hbm>> -> memref<128x128xf32, #tpu.memory_space<hbm>>
          %dma_wait3A_487 = arith.constant 0 : i32
          %dma_wait3A_488 = arith.constant 0 : i32
          %dma_wait3A_489 = tpu.memref_slice %arg4[%dma_wait3A_487, %dma_wait3A_488] : memref<320000x128xf32, #tpu.memory_space<hbm>> -> memref<128x128xf32, #tpu.memory_space<hbm>>
          tpu.wait_dma2 semaphore(%arg47 : memref<!tpu.dma_semaphore, #tpu.memory_space<semaphore_mem>>) src(%arg26 : memref<128x128xf32, #tpu.memory_space<vmem>>) dst(%dma_wait3A_489 : memref<128x128xf32, #tpu.memory_space<hbm>>)
        } else {
        }
        %dma_start3A = arith.constant 0 : i32
        %dma_start3A_476 = arith.constant 0 : i32
        %dma_start3A_477 = tpu.memref_slice %arg5[%dma_start3A, %dma_start3A_476] : memref<126x128xf32, #tpu.memory_space<vmem_shared>> -> memref<126x128xf32, #tpu.memory_space<vmem_shared>>
        tpu.enqueue_indirect_dma source(%dma_start3A_477 : memref<126x128xf32, #tpu.memory_space<vmem_shared>>) target(%arg26 : memref<128x128xf32, #tpu.memory_space<vmem>>) offsets(%arg19 : memref<128xi32, #tpu.memory_space<vmem>>) semaphore(%arg40 : memref<!tpu.dma_semaphore, #tpu.memory_space<semaphore_mem>>)
        %add3A_478 = arith.constant 2 : i32
        %add3A_479 = arith.addi %add3A_186, %add3A_478 : i32
        %lt3A_480 = arith.cmpi slt, %add3A_479, %add3A_6 : i32
        %convert_element_type3A_481 = arith.extui %lt3A_480 : i1 to i32
        %cond3A_482 = arith.constant 0 : i32
        %cond3A_483 = arith.cmpi ne, %convert_element_type3A_481, %cond3A_482 : i32
        scf.if %cond3A_483 {
          %add3A_484 = arith.constant 2 : i32
          %add3A_485 = arith.addi %add3A_186, %add3A_484 : i32
          %mul3A_486 = arith.constant 32 : i32
          %mul3A_487 = arith.muli %add3A_485, %mul3A_486 : i32
          %add3A_488 = arith.addi %add3A, %mul3A_487 : i32
          %mul3A_489 = arith.constant 128 : i32
          %mul3A_490 = arith.muli %add3A_488, %mul3A_489 : i32
          %add3A_491 = arith.constant 0 : i32
          %add3A_492 = arith.addi %add3A_491, %mul3A_490 : i32
          %multiple_of3A = tpu.assume_multiple %add3A_492, 8 : i32
          %dma_start3A_493 = arith.constant 0 : i32
          %dma_start3A_494 = tpu.memref_slice %arg7[%dma_start3A_493] : memref<384xi32, #tpu.memory_space<vmem>> -> memref<128xi32, #tpu.memory_space<vmem>>
          %dma_start3A_495 = tpu.memref_slice %arg2[%multiple_of3A] : memref<960000xi32, #tpu.memory_space<hbm>> -> memref<128xi32, #tpu.memory_space<hbm>>
          %dma_start3A_496 = arith.constant 0 : i32
          %dma_start3A_497 = tpu.memref_slice %arg7[%dma_start3A_496] : memref<384xi32, #tpu.memory_space<vmem>> -> memref<128xi32, #tpu.memory_space<vmem>>
          %dma_start3A_498 = tpu.memref_slice %arg2[%multiple_of3A] : memref<960000xi32, #tpu.memory_space<hbm>> -> memref<128xi32, #tpu.memory_space<hbm>>
          tpu.enqueue_dma source(%dma_start3A_498 : memref<128xi32, #tpu.memory_space<hbm>>) target(%dma_start3A_497 : memref<128xi32, #tpu.memory_space<vmem>>) target_semaphore(%arg28 : memref<!tpu.dma_semaphore, #tpu.memory_space<semaphore_mem>>)
          %add3A_499 = arith.constant 320000 : i32
          %add3A_500 = arith.addi %add3A_499, %mul3A_490 : i32
          %multiple_of3A_501 = tpu.assume_multiple %add3A_500, 8 : i32
          %dma_start3A_502 = arith.constant 128 : i32
          %dma_start3A_503 = tpu.memref_slice %arg7[%dma_start3A_502] : memref<384xi32, #tpu.memory_space<vmem>> -> memref<128xi32, #tpu.memory_space<vmem>>
          %dma_start3A_504 = tpu.memref_slice %arg2[%multiple_of3A_501] : memref<960000xi32, #tpu.memory_space<hbm>> -> memref<128xi32, #tpu.memory_space<hbm>>
          %dma_start3A_505 = arith.constant 128 : i32
          %dma_start3A_506 = tpu.memref_slice %arg7[%dma_start3A_505] : memref<384xi32, #tpu.memory_space<vmem>> -> memref<128xi32, #tpu.memory_space<vmem>>
          %dma_start3A_507 = tpu.memref_slice %arg2[%multiple_of3A_501] : memref<960000xi32, #tpu.memory_space<hbm>> -> memref<128xi32, #tpu.memory_space<hbm>>
          tpu.enqueue_dma source(%dma_start3A_507 : memref<128xi32, #tpu.memory_space<hbm>>) target(%dma_start3A_506 : memref<128xi32, #tpu.memory_space<vmem>>) target_semaphore(%arg28 : memref<!tpu.dma_semaphore, #tpu.memory_space<semaphore_mem>>)
          %add3A_508 = arith.constant 640000 : i32
          %add3A_509 = arith.addi %add3A_508, %mul3A_490 : i32
          %multiple_of3A_510 = tpu.assume_multiple %add3A_509, 8 : i32
          %dma_start3A_511 = arith.constant 256 : i32
          %dma_start3A_512 = tpu.memref_slice %arg7[%dma_start3A_511] : memref<384xi32, #tpu.memory_space<vmem>> -> memref<128xi32, #tpu.memory_space<vmem>>
          %dma_start3A_513 = tpu.memref_slice %arg2[%multiple_of3A_510] : memref<960000xi32, #tpu.memory_space<hbm>> -> memref<128xi32, #tpu.memory_space<hbm>>
          %dma_start3A_514 = arith.constant 256 : i32
          %dma_start3A_515 = tpu.memref_slice %arg7[%dma_start3A_514] : memref<384xi32, #tpu.memory_space<vmem>> -> memref<128xi32, #tpu.memory_space<vmem>>
          %dma_start3A_516 = tpu.memref_slice %arg2[%multiple_of3A_510] : memref<960000xi32, #tpu.memory_space<hbm>> -> memref<128xi32, #tpu.memory_space<hbm>>
          tpu.enqueue_dma source(%dma_start3A_516 : memref<128xi32, #tpu.memory_space<hbm>>) target(%dma_start3A_515 : memref<128xi32, #tpu.memory_space<vmem>>) target_semaphore(%arg28 : memref<!tpu.dma_semaphore, #tpu.memory_space<semaphore_mem>>)
        } else {
        }
      } else {
      }
    }
    %gt3A_47 = arith.constant 0 : i32
    %gt3A_48 = arith.cmpi sgt, %add3A_6, %gt3A_47 : i32
    %convert_element_type3A_49 = arith.extui %gt3A_48 : i1 to i32
    %cond3A_50 = arith.constant 0 : i32
    %cond3A_51 = arith.cmpi ne, %convert_element_type3A_49, %cond3A_50 : i32
    scf.if %cond3A_51 {
      %dma_wait3A = arith.constant 0 : i32
      %dma_wait3A_82 = arith.constant 0 : i32
      %dma_wait3A_83 = tpu.memref_slice %arg4[%dma_wait3A, %dma_wait3A_82] : memref<320000x128xf32, #tpu.memory_space<hbm>> -> memref<128x128xf32, #tpu.memory_space<hbm>>
      %dma_wait3A_84 = arith.constant 0 : i32
      %dma_wait3A_85 = arith.constant 0 : i32
      %dma_wait3A_86 = tpu.memref_slice %arg4[%dma_wait3A_84, %dma_wait3A_85] : memref<320000x128xf32, #tpu.memory_space<hbm>> -> memref<128x128xf32, #tpu.memory_space<hbm>>
      tpu.wait_dma2 semaphore(%arg41 : memref<!tpu.dma_semaphore, #tpu.memory_space<semaphore_mem>>) src(%arg20 : memref<128x128xf32, #tpu.memory_space<vmem>>) dst(%dma_wait3A_86 : memref<128x128xf32, #tpu.memory_space<hbm>>)
    } else {
    }
    %gt3A_52 = arith.constant 1 : i32
    %gt3A_53 = arith.cmpi sgt, %add3A_6, %gt3A_52 : i32
    %convert_element_type3A_54 = arith.extui %gt3A_53 : i1 to i32
    %cond3A_55 = arith.constant 0 : i32
    %cond3A_56 = arith.cmpi ne, %convert_element_type3A_54, %cond3A_55 : i32
    scf.if %cond3A_56 {
      %dma_wait3A = arith.constant 0 : i32
      %dma_wait3A_82 = arith.constant 0 : i32
      %dma_wait3A_83 = tpu.memref_slice %arg4[%dma_wait3A, %dma_wait3A_82] : memref<320000x128xf32, #tpu.memory_space<hbm>> -> memref<128x128xf32, #tpu.memory_space<hbm>>
      %dma_wait3A_84 = arith.constant 0 : i32
      %dma_wait3A_85 = arith.constant 0 : i32
      %dma_wait3A_86 = tpu.memref_slice %arg4[%dma_wait3A_84, %dma_wait3A_85] : memref<320000x128xf32, #tpu.memory_space<hbm>> -> memref<128x128xf32, #tpu.memory_space<hbm>>
      tpu.wait_dma2 semaphore(%arg42 : memref<!tpu.dma_semaphore, #tpu.memory_space<semaphore_mem>>) src(%arg21 : memref<128x128xf32, #tpu.memory_space<vmem>>) dst(%dma_wait3A_86 : memref<128x128xf32, #tpu.memory_space<hbm>>)
    } else {
    }
    %gt3A_57 = arith.constant 2 : i32
    %gt3A_58 = arith.cmpi sgt, %add3A_6, %gt3A_57 : i32
    %convert_element_type3A_59 = arith.extui %gt3A_58 : i1 to i32
    %cond3A_60 = arith.constant 0 : i32
    %cond3A_61 = arith.cmpi ne, %convert_element_type3A_59, %cond3A_60 : i32
    scf.if %cond3A_61 {
      %dma_wait3A = arith.constant 0 : i32
      %dma_wait3A_82 = arith.constant 0 : i32
      %dma_wait3A_83 = tpu.memref_slice %arg4[%dma_wait3A, %dma_wait3A_82] : memref<320000x128xf32, #tpu.memory_space<hbm>> -> memref<128x128xf32, #tpu.memory_space<hbm>>
      %dma_wait3A_84 = arith.constant 0 : i32
      %dma_wait3A_85 = arith.constant 0 : i32
      %dma_wait3A_86 = tpu.memref_slice %arg4[%dma_wait3A_84, %dma_wait3A_85] : memref<320000x128xf32, #tpu.memory_space<hbm>> -> memref<128x128xf32, #tpu.memory_space<hbm>>
      tpu.wait_dma2 semaphore(%arg43 : memref<!tpu.dma_semaphore, #tpu.memory_space<semaphore_mem>>) src(%arg22 : memref<128x128xf32, #tpu.memory_space<vmem>>) dst(%dma_wait3A_86 : memref<128x128xf32, #tpu.memory_space<hbm>>)
    } else {
    }
    %gt3A_62 = arith.constant 3 : i32
    %gt3A_63 = arith.cmpi sgt, %add3A_6, %gt3A_62 : i32
    %convert_element_type3A_64 = arith.extui %gt3A_63 : i1 to i32
    %cond3A_65 = arith.constant 0 : i32
    %cond3A_66 = arith.cmpi ne, %convert_element_type3A_64, %cond3A_65 : i32
    scf.if %cond3A_66 {
      %dma_wait3A = arith.constant 0 : i32
      %dma_wait3A_82 = arith.constant 0 : i32
      %dma_wait3A_83 = tpu.memref_slice %arg4[%dma_wait3A, %dma_wait3A_82] : memref<320000x128xf32, #tpu.memory_space<hbm>> -> memref<128x128xf32, #tpu.memory_space<hbm>>
      %dma_wait3A_84 = arith.constant 0 : i32
      %dma_wait3A_85 = arith.constant 0 : i32
      %dma_wait3A_86 = tpu.memref_slice %arg4[%dma_wait3A_84, %dma_wait3A_85] : memref<320000x128xf32, #tpu.memory_space<hbm>> -> memref<128x128xf32, #tpu.memory_space<hbm>>
      tpu.wait_dma2 semaphore(%arg44 : memref<!tpu.dma_semaphore, #tpu.memory_space<semaphore_mem>>) src(%arg23 : memref<128x128xf32, #tpu.memory_space<vmem>>) dst(%dma_wait3A_86 : memref<128x128xf32, #tpu.memory_space<hbm>>)
    } else {
    }
    %gt3A_67 = arith.constant 4 : i32
    %gt3A_68 = arith.cmpi sgt, %add3A_6, %gt3A_67 : i32
    %convert_element_type3A_69 = arith.extui %gt3A_68 : i1 to i32
    %cond3A_70 = arith.constant 0 : i32
    %cond3A_71 = arith.cmpi ne, %convert_element_type3A_69, %cond3A_70 : i32
    scf.if %cond3A_71 {
      %dma_wait3A = arith.constant 0 : i32
      %dma_wait3A_82 = arith.constant 0 : i32
      %dma_wait3A_83 = tpu.memref_slice %arg4[%dma_wait3A, %dma_wait3A_82] : memref<320000x128xf32, #tpu.memory_space<hbm>> -> memref<128x128xf32, #tpu.memory_space<hbm>>
      %dma_wait3A_84 = arith.constant 0 : i32
      %dma_wait3A_85 = arith.constant 0 : i32
      %dma_wait3A_86 = tpu.memref_slice %arg4[%dma_wait3A_84, %dma_wait3A_85] : memref<320000x128xf32, #tpu.memory_space<hbm>> -> memref<128x128xf32, #tpu.memory_space<hbm>>
      tpu.wait_dma2 semaphore(%arg45 : memref<!tpu.dma_semaphore, #tpu.memory_space<semaphore_mem>>) src(%arg24 : memref<128x128xf32, #tpu.memory_space<vmem>>) dst(%dma_wait3A_86 : memref<128x128xf32, #tpu.memory_space<hbm>>)
    } else {
    }
    %gt3A_72 = arith.constant 5 : i32
    %gt3A_73 = arith.cmpi sgt, %add3A_6, %gt3A_72 : i32
    %convert_element_type3A_74 = arith.extui %gt3A_73 : i1 to i32
    %cond3A_75 = arith.constant 0 : i32
    %cond3A_76 = arith.cmpi ne, %convert_element_type3A_74, %cond3A_75 : i32
    scf.if %cond3A_76 {
      %dma_wait3A = arith.constant 0 : i32
      %dma_wait3A_82 = arith.constant 0 : i32
      %dma_wait3A_83 = tpu.memref_slice %arg4[%dma_wait3A, %dma_wait3A_82] : memref<320000x128xf32, #tpu.memory_space<hbm>> -> memref<128x128xf32, #tpu.memory_space<hbm>>
      %dma_wait3A_84 = arith.constant 0 : i32
      %dma_wait3A_85 = arith.constant 0 : i32
      %dma_wait3A_86 = tpu.memref_slice %arg4[%dma_wait3A_84, %dma_wait3A_85] : memref<320000x128xf32, #tpu.memory_space<hbm>> -> memref<128x128xf32, #tpu.memory_space<hbm>>
      tpu.wait_dma2 semaphore(%arg46 : memref<!tpu.dma_semaphore, #tpu.memory_space<semaphore_mem>>) src(%arg25 : memref<128x128xf32, #tpu.memory_space<vmem>>) dst(%dma_wait3A_86 : memref<128x128xf32, #tpu.memory_space<hbm>>)
    } else {
    }
    %gt3A_77 = arith.constant 6 : i32
    %gt3A_78 = arith.cmpi sgt, %add3A_6, %gt3A_77 : i32
    %convert_element_type3A_79 = arith.extui %gt3A_78 : i1 to i32
    %cond3A_80 = arith.constant 0 : i32
    %cond3A_81 = arith.cmpi ne, %convert_element_type3A_79, %cond3A_80 : i32
    scf.if %cond3A_81 {
      %dma_wait3A = arith.constant 0 : i32
      %dma_wait3A_82 = arith.constant 0 : i32
      %dma_wait3A_83 = tpu.memref_slice %arg4[%dma_wait3A, %dma_wait3A_82] : memref<320000x128xf32, #tpu.memory_space<hbm>> -> memref<128x128xf32, #tpu.memory_space<hbm>>
      %dma_wait3A_84 = arith.constant 0 : i32
      %dma_wait3A_85 = arith.constant 0 : i32
      %dma_wait3A_86 = tpu.memref_slice %arg4[%dma_wait3A_84, %dma_wait3A_85] : memref<320000x128xf32, #tpu.memory_space<hbm>> -> memref<128x128xf32, #tpu.memory_space<hbm>>
      tpu.wait_dma2 semaphore(%arg47 : memref<!tpu.dma_semaphore, #tpu.memory_space<semaphore_mem>>) src(%arg26 : memref<128x128xf32, #tpu.memory_space<vmem>>) dst(%dma_wait3A_86 : memref<128x128xf32, #tpu.memory_space<hbm>>)
    } else {
    }
    return
  }
}

module attributes {stable_mosaic.version = 14 : i64} {
  func.func @_fuse_tables_kernel(%arg0: memref<6x128xf32, #tpu.memory_space<vmem>>, %arg1: memref<7x128xf32, #tpu.memory_space<vmem>>, %arg2: memref<3x128xf32, #tpu.memory_space<vmem>>, %arg3: memref<126x128xf32, #tpu.memory_space<vmem>>) attributes {dimension_semantics = [], scalar_prefetch = 0 : i64, scratch_operands = 0 : i64, tpu.core_type = #tpu.core_type<tc>} {
    %iota3A = tpu.iota {dimensions = array<i32: 0>} : vector<126x1xi32>
    %jit3A = arith.constant 21 : i32
    %div3A = vector.broadcast %jit3A : i32 to vector<126x1xi32>
    %div3A_0 = arith.divsi %iota3A, %div3A : vector<126x1xi32>
    %sign3A = arith.constant 0 : i32
    %sign3A_1 = vector.broadcast %sign3A : i32 to vector<126x1xi32>
    %sign3A_2 = arith.cmpi sgt, %iota3A, %sign3A_1 : vector<126x1xi32>
    %sign3A_3 = arith.extui %sign3A_2 : vector<126x1xi1> to vector<126x1xi32>
    %sign3A_4 = arith.constant 0 : i32
    %sign3A_5 = vector.broadcast %sign3A_4 : i32 to vector<126x1xi32>
    %sign3A_6 = arith.cmpi slt, %iota3A, %sign3A_5 : vector<126x1xi32>
    %sign3A_7 = arith.extui %sign3A_6 : vector<126x1xi1> to vector<126x1xi32>
    %sign3A_8 = arith.subi %sign3A_3, %sign3A_7 : vector<126x1xi32>
    %sign3A_9 = arith.constant 0 : i32
    %sign3A_10 = arith.cmpi sgt, %jit3A, %sign3A_9 : i32
    %sign3A_11 = arith.extui %sign3A_10 : i1 to i32
    %sign3A_12 = arith.constant 0 : i32
    %sign3A_13 = arith.cmpi slt, %jit3A, %sign3A_12 : i32
    %sign3A_14 = arith.extui %sign3A_13 : i1 to i32
    %sign3A_15 = arith.subi %sign3A_11, %sign3A_14 : i32
    %ne3A = vector.broadcast %sign3A_15 : i32 to vector<126x1xi32>
    %ne3A_16 = arith.cmpi ne, %sign3A_8, %ne3A : vector<126x1xi32>
    %rem3A = vector.broadcast %jit3A : i32 to vector<126x1xi32>
    %rem3A_17 = arith.remsi %iota3A, %rem3A : vector<126x1xi32>
    %ne3A_18 = arith.constant 0 : i32
    %ne3A_19 = vector.broadcast %ne3A_18 : i32 to vector<126x1xi32>
    %ne3A_20 = arith.cmpi ne, %rem3A_17, %ne3A_19 : vector<126x1xi32>
    %and3A = arith.andi %ne3A_16, %ne3A_20 : vector<126x1xi1>
    %sub3A = arith.constant 1 : i32
    %sub3A_21 = vector.broadcast %sub3A : i32 to vector<126x1xi32>
    %sub3A_22 = arith.subi %div3A_0, %sub3A_21 : vector<126x1xi32>
    %select_n3A = arith.select %and3A, %sub3A_22, %div3A_0 : vector<126x1xi1>, vector<126x1xi32>
    %jit3A_23 = arith.constant 3 : i32
    %div3A_24 = vector.broadcast %jit3A_23 : i32 to vector<126x1xi32>
    %div3A_25 = arith.divsi %iota3A, %div3A_24 : vector<126x1xi32>
    %sign3A_26 = arith.constant 0 : i32
    %sign3A_27 = vector.broadcast %sign3A_26 : i32 to vector<126x1xi32>
    %sign3A_28 = arith.cmpi sgt, %iota3A, %sign3A_27 : vector<126x1xi32>
    %sign3A_29 = arith.extui %sign3A_28 : vector<126x1xi1> to vector<126x1xi32>
    %sign3A_30 = arith.constant 0 : i32
    %sign3A_31 = vector.broadcast %sign3A_30 : i32 to vector<126x1xi32>
    %sign3A_32 = arith.cmpi slt, %iota3A, %sign3A_31 : vector<126x1xi32>
    %sign3A_33 = arith.extui %sign3A_32 : vector<126x1xi1> to vector<126x1xi32>
    %sign3A_34 = arith.subi %sign3A_29, %sign3A_33 : vector<126x1xi32>
    %sign3A_35 = arith.constant 0 : i32
    %sign3A_36 = arith.cmpi sgt, %jit3A_23, %sign3A_35 : i32
    %sign3A_37 = arith.extui %sign3A_36 : i1 to i32
    %sign3A_38 = arith.constant 0 : i32
    %sign3A_39 = arith.cmpi slt, %jit3A_23, %sign3A_38 : i32
    %sign3A_40 = arith.extui %sign3A_39 : i1 to i32
    %sign3A_41 = arith.subi %sign3A_37, %sign3A_40 : i32
    %ne3A_42 = vector.broadcast %sign3A_41 : i32 to vector<126x1xi32>
    %ne3A_43 = arith.cmpi ne, %sign3A_34, %ne3A_42 : vector<126x1xi32>
    %rem3A_44 = vector.broadcast %jit3A_23 : i32 to vector<126x1xi32>
    %rem3A_45 = arith.remsi %iota3A, %rem3A_44 : vector<126x1xi32>
    %ne3A_46 = arith.constant 0 : i32
    %ne3A_47 = vector.broadcast %ne3A_46 : i32 to vector<126x1xi32>
    %ne3A_48 = arith.cmpi ne, %rem3A_45, %ne3A_47 : vector<126x1xi32>
    %and3A_49 = arith.andi %ne3A_43, %ne3A_48 : vector<126x1xi1>
    %sub3A_50 = arith.constant 1 : i32
    %sub3A_51 = vector.broadcast %sub3A_50 : i32 to vector<126x1xi32>
    %sub3A_52 = arith.subi %div3A_25, %sub3A_51 : vector<126x1xi32>
    %select_n3A_53 = arith.select %and3A_49, %sub3A_52, %div3A_25 : vector<126x1xi1>, vector<126x1xi32>
    %jit3A_54 = arith.constant 7 : i32
    %eq3A = arith.constant 0 : i32
    %eq3A_55 = arith.cmpi eq, %jit3A_54, %eq3A : i32
    %jit3A_56 = arith.constant 1 : i32
    %select_n3A_57 = arith.select %eq3A_55, %jit3A_56, %jit3A_54 : i32
    %rem3A_58 = vector.broadcast %select_n3A_57 : i32 to vector<126x1xi32>
    %rem3A_59 = arith.remsi %select_n3A_53, %rem3A_58 : vector<126x1xi32>
    %ne3A_60 = arith.constant 0 : i32
    %ne3A_61 = vector.broadcast %ne3A_60 : i32 to vector<126x1xi32>
    %ne3A_62 = arith.cmpi ne, %rem3A_59, %ne3A_61 : vector<126x1xi32>
    %lt3A = arith.constant 0 : i32
    %lt3A_63 = vector.broadcast %lt3A : i32 to vector<126x1xi32>
    %lt3A_64 = arith.cmpi slt, %rem3A_59, %lt3A_63 : vector<126x1xi32>
    %lt3A_65 = arith.constant 0 : i32
    %lt3A_66 = arith.cmpi slt, %select_n3A_57, %lt3A_65 : i32
    %ne3A_67 = vector.broadcast %lt3A_66 : i1 to vector<126x1xi1>
    %ne3A_68 = vector.broadcast %ne3A_67 : vector<126x1xi1> to vector<126x1xi1>
    %ne3A_69 = arith.xori %lt3A_64, %ne3A_68 : vector<126x1xi1>
    %and3A_70 = arith.andi %ne3A_69, %ne3A_62 : vector<126x1xi1>
    %add3A = vector.broadcast %select_n3A_57 : i32 to vector<126x1xi32>
    %add3A_71 = arith.addi %rem3A_59, %add3A : vector<126x1xi32>
    %select_n3A_72 = arith.select %and3A_70, %add3A_71, %rem3A_59 : vector<126x1xi1>, vector<126x1xi32>
    %jit3A_73 = arith.constant 3 : i32
    %eq3A_74 = arith.constant 0 : i32
    %eq3A_75 = arith.cmpi eq, %jit3A_73, %eq3A_74 : i32
    %jit3A_76 = arith.constant 1 : i32
    %select_n3A_77 = arith.select %eq3A_75, %jit3A_76, %jit3A_73 : i32
    %rem3A_78 = vector.broadcast %select_n3A_77 : i32 to vector<126x1xi32>
    %rem3A_79 = arith.remsi %iota3A, %rem3A_78 : vector<126x1xi32>
    %ne3A_80 = arith.constant 0 : i32
    %ne3A_81 = vector.broadcast %ne3A_80 : i32 to vector<126x1xi32>
    %ne3A_82 = arith.cmpi ne, %rem3A_79, %ne3A_81 : vector<126x1xi32>
    %lt3A_83 = arith.constant 0 : i32
    %lt3A_84 = vector.broadcast %lt3A_83 : i32 to vector<126x1xi32>
    %lt3A_85 = arith.cmpi slt, %rem3A_79, %lt3A_84 : vector<126x1xi32>
    %lt3A_86 = arith.constant 0 : i32
    %lt3A_87 = arith.cmpi slt, %select_n3A_77, %lt3A_86 : i32
    %ne3A_88 = vector.broadcast %lt3A_87 : i1 to vector<126x1xi1>
    %ne3A_89 = vector.broadcast %ne3A_88 : vector<126x1xi1> to vector<126x1xi1>
    %ne3A_90 = arith.xori %lt3A_85, %ne3A_89 : vector<126x1xi1>
    %and3A_91 = arith.andi %ne3A_90, %ne3A_82 : vector<126x1xi1>
    %add3A_92 = vector.broadcast %select_n3A_77 : i32 to vector<126x1xi32>
    %add3A_93 = arith.addi %rem3A_79, %add3A_92 : vector<126x1xi32>
    %select_n3A_94 = arith.select %and3A_91, %add3A_93, %rem3A_79 : vector<126x1xi1>, vector<126x1xi32>
    %iota3A_95 = tpu.iota {dimensions = array<i32: 1>} : vector<126x6xi32>
    %eq3A_96 = vector.broadcast %select_n3A : vector<126x1xi32> to vector<126x6xi32>
    %eq3A_97 = arith.cmpi eq, %eq3A_96, %iota3A_95 : vector<126x6xi32>
    %convert_element_type3A = arith.extui %eq3A_97 : vector<126x6xi1> to vector<126x6xi32>
    %convert_element_type3A_98 = arith.sitofp %convert_element_type3A : vector<126x6xi32> to vector<126x6xf32>
    %iota3A_99 = tpu.iota {dimensions = array<i32: 1>} : vector<126x7xi32>
    %eq3A_100 = vector.broadcast %select_n3A_72 : vector<126x1xi32> to vector<126x7xi32>
    %eq3A_101 = arith.cmpi eq, %eq3A_100, %iota3A_99 : vector<126x7xi32>
    %convert_element_type3A_102 = arith.extui %eq3A_101 : vector<126x7xi1> to vector<126x7xi32>
    %convert_element_type3A_103 = arith.sitofp %convert_element_type3A_102 : vector<126x7xi32> to vector<126x7xf32>
    %iota3A_104 = tpu.iota {dimensions = array<i32: 1>} : vector<126x3xi32>
    %eq3A_105 = vector.broadcast %select_n3A_94 : vector<126x1xi32> to vector<126x3xi32>
    %eq3A_106 = arith.cmpi eq, %eq3A_105, %iota3A_104 : vector<126x3xi32>
    %convert_element_type3A_107 = arith.extui %eq3A_106 : vector<126x3xi1> to vector<126x3xi32>
    %convert_element_type3A_108 = arith.sitofp %convert_element_type3A_107 : vector<126x3xi32> to vector<126x3xf32>
    %get3A = arith.constant 0 : index
    %get3A_109 = arith.constant 0 : index
    %get3A_110 = vector.load %arg0[%get3A, %get3A_109] : memref<6x128xf32, #tpu.memory_space<vmem>>, vector<6x128xf32>
    %dot_general3A = arith.constant dense<0.000000e+00> : vector<126x128xf32>
    %dot_general3A_111 = tpu.matmul %convert_element_type3A_98, %get3A_110, %dot_general3A {dimension_numbers = #tpu.dot_dimension_numbers<[1], [0], [0], [1], [0, 0, 1, 1], [], []>, transpose_lhs_hint = false} : vector<126x6xf32>, vector<6x128xf32>, vector<126x128xf32> -> vector<126x128xf32>
    %get3A_112 = arith.constant 0 : index
    %get3A_113 = arith.constant 0 : index
    %get3A_114 = vector.load %arg1[%get3A_112, %get3A_113] : memref<7x128xf32, #tpu.memory_space<vmem>>, vector<7x128xf32>
    %dot_general3A_115 = arith.constant dense<0.000000e+00> : vector<126x128xf32>
    %dot_general3A_116 = tpu.matmul %convert_element_type3A_103, %get3A_114, %dot_general3A_115 {dimension_numbers = #tpu.dot_dimension_numbers<[1], [0], [0], [1], [0, 0, 1, 1], [], []>, transpose_lhs_hint = false} : vector<126x7xf32>, vector<7x128xf32>, vector<126x128xf32> -> vector<126x128xf32>
    %add3A_117 = arith.addf %dot_general3A_111, %dot_general3A_116 : vector<126x128xf32>
    %get3A_118 = arith.constant 0 : index
    %get3A_119 = arith.constant 0 : index
    %get3A_120 = vector.load %arg2[%get3A_118, %get3A_119] : memref<3x128xf32, #tpu.memory_space<vmem>>, vector<3x128xf32>
    %dot_general3A_121 = arith.constant dense<0.000000e+00> : vector<126x128xf32>
    %dot_general3A_122 = tpu.matmul %convert_element_type3A_108, %get3A_120, %dot_general3A_121 {dimension_numbers = #tpu.dot_dimension_numbers<[1], [0], [0], [1], [0, 0, 1, 1], [], []>, transpose_lhs_hint = false} : vector<126x3xf32>, vector<3x128xf32>, vector<126x128xf32> -> vector<126x128xf32>
    %add3A_123 = arith.addf %add3A_117, %dot_general3A_122 : vector<126x128xf32>
    %swap3A = arith.constant 0 : index
    %swap3A_124 = arith.constant 0 : index
    %swap3A_125 = vector.load %arg3[%swap3A, %swap3A_124] : memref<126x128xf32, #tpu.memory_space<vmem>>, vector<126x128xf32>
    tpu.vector_store %arg3[%swap3A, %swap3A_124], %add3A_123 {strides = array<i32>} : memref<126x128xf32, #tpu.memory_space<vmem>>, vector<126x128xf32>,
    return
  }
}

</mosaic_0001>

<sc_bundles>
// kernel: kernel.4.cloned.1.call-start
scs
__scs_entry_jumppad:
0x0: {  	(pc) =	sbr.rel $0x88, $3  }
0x1: {  	(tag) =	ssettag $0x0;
	lr =	simm.s32 $0x1  }
0x2: {  	[smem:$0x3F9D] =	sst lr;
	_ =	strace $0xD0000000  }
0x3: {  	_ = 	snop  }
0x4: {  	_ = 	snop  }
0x5: {  	_ = 	snop  }
0x6: {  	_ = 	snop  }
0x7: {  	_ = 	snop  }
__scs_overlays_trampoline_lowered:
0x8: {  	[smem:$0x3FAC] =	sst s0  }
0x9: {  	[smem:$0x3FAD] =	sst s1  }
0xa: {  	[smem:$0x3FAE] =	sst s2  }
0xb: {  	[smem:$0x3FAF] =	sst s3  }
0xc: {  	[smem:$0x3FB0] =	sst s4  }
0xd: {  	[smem:$0x3FB1] =	sst s5  }
0xe: {  	[smem:$0x3FB2] =	sst s6  }
0xf: {  	[smem:$0x3FB3] =	sst s7  }
0x10: {  	[smem:$0x3FB4] =	sst s8  }
0x11: {  	[smem:$0x3FB5] =	sst s9;
	s0 =	simm.s32 @!p0 $0x0  }
0x12: {  	s1 =	sld [smem:$0x3F9B];
	s0 =	simm.s32 @p0 $0x1  }
0x13: {  	[smem:$0x3FB6] =	sst s0;
	s0 =	simm.s32 @!p1 $0x0  }
0x14: {  	s2 =	sld [smem:$0x3F9A];
	s0 =	simm.s32 @p1 $0x1  }
0x15: {  	[smem:$0x3FB7] =	sst s0;
	s0 =	simm.s32 @!p2 $0x0  }
0x16: {  	s3 =	sld [smem:$0x3FDB];
	s0 =	simm.s32 @p2 $0x1  }
0x17: {  	s4 =	simm.s32 $0x1BF5;
	[smem:$0x3FB9] =	sst s0  }
0x18: {  	s0 =	sld [smem:$0x3F9C];
	_ =	swait.ge [sflag:s4], $0x0  }
0x19: {  	s7 =	sld [smem:$0x3F9D]  }
0x1a: {  	s8 =	sadd.s32 $0xFFFFE003, lr  }
0x1b: {  	s9 =	sadd.s32 $0xFFFFFEF7, lr;
	s5 =	simm.s32 $0xFFFFFFFF;
	p2 =	slt.u32 s8, $0xFFFFF086  }
0x1c: {  	p1 =	slt.u32 s9, $0xF7A;
	s5 =	simm.s32 @!p2 $0x0  }
0x1d: {  	s5 =	simm.s32 @p1 $0x1;
	p0 =	seq.s32 s7, s2  }
0x1e: {  	s7 =	smul.u32 @!p0 $0xF7A, s2;
	p2 =	seq.s32 @!p0 s5, $0x0  }
0x1f: {  	s9 =	smul.u32 $0xF7A, s1;
	s8 =	simm.s32 @!p0 $0x1BF5;
	p2 =	por !p2, p0  }
0x20: {  	[sflag:s8] =	ssyncset.s32 @!p0 $0xFFFFF086;
	s6 =	sadd.s32 @!p0 s3, s7;
	s7 =	simm.s32 @!p0 $0x108  }
0x21: {  	s3 =	sadd.s32 s3, s9;
	s6 =	sadd.s32 @!p0 $0x88, s6;
	s7 =	simm.s32 @p2 $0x1082  }
0x22: {  	[simem:s7], [sflag:s8] =	dma.local @!p0 [hbm:s6], $0xF7A  }
0x23: {  	s9 =	sor.u32 $0xD0000000, s2;
	s6 =	simm.s32 $0x108;
	_ =	swait.ge @!p0 [sflag:s8], $0x0  }
0x24: {  	s3 =	sadd.s32 $0x88, s3;
	s6 =	simm.s32 @!p1 $0x1082;
	[sflag:s4] =	ssyncset.s32 $0xFFFFF086  }
0x25: {  	[simem:s6], [sflag:s4] =	dma.local [hbm:s3], $0xF7A  }
0x26: {  	[smem:$0x3F9D] =	sst s1;
	(tag) =	ssettag s2;
	_ =	strace s9  }
0x27: {  	s1 =	sld [smem:$0x3FAD]  }
0x28: {  	s2 =	sld [smem:$0x3FAE]  }
0x29: {  	s4 =	sld [smem:$0x3FB0]  }
0x2a: {  	p0 =	seq.s32 s5, $0x0;
	s5 =	sld [smem:$0x3FB1]  }
0x2b: {  	s6 =	sld [smem:$0x3FB2]  }
0x2c: {  	s7 =	sld [smem:$0x3FB3]  }
0x2d: {  	s3 =	simm.s32 $0x108;
	s8 =	sld [smem:$0x3FB4]  }
0x2e: {  	s3 =	simm.s32 @!p0 $0x1082;
	s9 =	sld [smem:$0x3FB5]  }
0x2f: {  	lr =	sadd.s32 s0, s3;
	s0 =	sld [smem:$0x3FAC]  }
0x30: {  	s3 =	sld [smem:$0x3FAF]  }
0x31: {  	[smem:$0x3FB8] =	sst s10  }
0x32: {  	s10 =	sld [smem:$0x3FB6];
	_ =	sdelay $0x3  }
0x33: {  	p0 =	seq.s32 s10, $0x1;
	s10 =	sld [smem:$0x3FB8];
	_ =	sdelay $0x3  }
0x34: {  	[smem:$0x3FB8] =	sst s10  }
0x35: {  	s10 =	sld [smem:$0x3FB7];
	_ =	sdelay $0x3  }
0x36: {  	p1 =	seq.s32 s10, $0x1;
	s10 =	sld [smem:$0x3FB8];
	_ =	sdelay $0x3  }
0x37: {  	[smem:$0x3FB8] =	sst s10  }
0x38: {  	s10 =	sld [smem:$0x3FB9]  }
0x39: {  	_ = 	snop;
	(pc) =	sbr.ind lr, $3  }
0x3a: {  	_ = 	snop  }
0x3b: {  	_ = 	snop  }
0x3c: {  	p2 =	seq.s32 s10, $0x1;
	s10 =	sld [smem:$0x3FB8]  }
0x3d: {  	_ =	shalt  }
0x3e: {  	_ =	shalt  }
0x3f: {  	_ =	shalt  }
0x40: {  	_ =	shalt  }
0x41: {  	_ =	shalt  }
0x42: {  	_ =	shalt  }
0x43: {  	_ =	shalt  }
0x44: {  	_ =	shalt  }
0x45: {  	_ =	shalt  }
0x46: {  	_ =	shalt  }
0x47: {  	_ =	shalt  }
0x48: {  	_ =	shalt  }
0x49: {  	_ =	shalt  }
0x4a: {  	_ =	shalt  }
0x4b: {  	_ =	shalt  }
0x4c: {  	_ =	shalt  }
0x4d: {  	_ =	shalt  }
0x4e: {  	_ =	shalt  }
0x4f: {  	_ =	shalt  }
0x50: {  	_ =	shalt  }
0x51: {  	_ =	shalt  }
0x52: {  	_ =	shalt  }
0x53: {  	_ =	shalt  }
0x54: {  	_ =	shalt  }
0x55: {  	_ =	shalt  }
0x56: {  	_ =	shalt  }
0x57: {  	_ =	shalt  }
0x58: {  	_ =	shalt  }
0x59: {  	_ =	shalt  }
0x5a: {  	_ =	shalt  }
0x5b: {  	_ =	shalt  }
0x5c: {  	_ =	shalt  }
0x5d: {  	_ =	shalt  }
0x5e: {  	_ =	shalt  }
0x5f: {  	_ =	shalt  }
0x60: {  	_ =	shalt  }
0x61: {  	_ =	shalt  }
0x62: {  	_ =	shalt  }
0x63: {  	_ =	shalt  }
0x64: {  	_ =	shalt  }
0x65: {  	_ =	shalt  }
0x66: {  	_ =	shalt  }
0x67: {  	_ =	shalt  }
0x68: {  	_ =	shalt  }
0x69: {  	_ =	shalt  }
0x6a: {  	_ =	shalt  }
0x6b: {  	_ =	shalt  }
0x6c: {  	_ =	shalt  }
0x6d: {  	_ =	shalt  }
0x6e: {  	_ =	shalt  }
0x6f: {  	_ =	shalt  }
0x70: {  	_ =	shalt  }
0x71: {  	_ =	shalt  }
0x72: {  	_ =	shalt  }
0x73: {  	_ =	shalt  }
0x74: {  	_ =	shalt  }
0x75: {  	_ =	shalt  }
0x76: {  	_ =	shalt  }
0x77: {  	_ =	shalt  }
0x78: {  	_ =	shalt  }
0x79: {  	_ =	shalt  }
0x7a: {  	_ =	shalt  }
0x7b: {  	_ =	shalt  }
0x7c: {  	_ =	shalt  }
0x7d: {  	_ =	shalt  }
0x7e: {  	_ =	shalt  }
0x7f: {  	_ =	shalt  }
0x80: {  	_ =	shalt  }
0x81: {  	_ =	shalt  }
0x82: {  	_ =	shalt  }
0x83: {  	_ =	shalt  }
0x84: {  	_ =	shalt  }
0x85: {  	_ =	shalt  }
0x86: {  	_ =	shalt  }
0x87: {  	_ =	shalt  }
.Lfunc_end0:
.L_simem_size_0:
called_computation_lowered:
.L_overlay_start_0:
0x88: {  	s2 =	sld [smem:$0x3FD9]  }
0x89: {  	s3 =	sld [smem:$0x3FFE];
	_ =	sdelay $0x1  }
0x8a: {  	s1 =	srdreg.scid  }
0x8b: {  	s0 =	sand.u32 $0x1, s1  }
0x8c: {  	s17 =	sshll.u32 s0, $0xA;
	s2 =	sadd.s32 s3, s2  }
0x8d: {  	s2 =	sadd.s32 s2, s17  }
0x8e: {  	[smem:$0x3FC4] =	sst s2  }
0x8f: {  	_ = 	snop  }
0x90: {  	s2 =	sld [smem:$0x3FD0];
	(tm) =	ssettm $0x1  }
0x91: {  	s18 =	sld [smem:$0x3FFB];
	_ =	sdelay $0x3  }
0x92: {  	_ =	strace s18  }
0x93: {  	s3 =	sld [smem:$0x3FFC];
	_ =	sdelay $0x3  }
0x94: {  	_ =	strace s3  }
0x95: {  	s3 =	sld [smem:$0x3FFD];
	_ =	sdelay $0x3  }
0x96: {  	_ =	strace s3  }
0x97: {  	_ =	strace $0x8FFFFFFF  }
0x98: {  	s19 =	sld [smem:$0x3FDB];
	_ =	sdelay $0x1  }
0x99: {  	s4 =	simm.s32 $_scs_section_size  }
0x9a: {  	s5 =	simm.s32 $_size__tile_overlayer_lowered;
	s6 =	simm.s32 $_tile_overlayer_lowered  }
0x9b: {  	s22 =	simm.s32 $0x1BFF;
	s21 =	sshll.u32 s6, $0x1;
	s3 =	sadd.s32 s4, s19  }
0x9c: {  	s7 =	simm.s32 $0x0;
	s20 =	sshll.u32 s5, $0x1;
	s5 =	sadd.s32 s21, s3  }
0x9d: {  	[timem:s7], [sflag:s22] =	dma.local [hbm:s5], s20  }
0x9e: {  	_ =	swait.ge [sflag:s22], s20  }
0x9f: {  	s4 =	ssub.s32 $0x0, s20;
	[sflag:s22] =	ssyncset.done $0x0  }
0xa0: {  	[sflag:s22] =	ssyncadd.s32 s4;
	_ =	sdelay $0x1  }
0xa1: {  	s23 =	simm.s32 $0x1B8B  }
0xa2: {  	_ =	swait.ge [sflag:s23], $0x1  }
0xa3: {  	[sflag:s23] =	ssyncset.done $0x0  }
0xa4: {  	s25 =	simm.s32 $0x1B8E;
	s24 =	sld [smem:$0x3FFE];
	[sflag:s23] =	ssyncadd.s32 $0xFFFFFFFF  }
0xa5: {  	s26 =	simm.s32 $execute0_lowered;
	[smem:$0x3FD2] =	sst s25  }
0xa6: {  	s5 =	sshll.u32 s26, $0x1;
	_ =	strace $0x80000046;
	[dreg:$0x1] =	wrdreg $0xFFFFFFFF  }
0xa7: {  	s28 =	simm.s32 $_size_execute0_lowered;
	s3 =	sadd.s32 s3, s5;
	[dreg:$0x0] =	wrdreg $0x0  }
0xa8: {  	s5 =	sshll.u32 s28, $0x1;
	[dreg:$0x2] =	wrdreg s3  }
0xa9: {  	[dreg:$0x3] =	wrdreg s5  }
0xaa: {  	[dreg:$0x4] =	wrdreg $0xC0  }
0xab: {  	_ =	task [dreg:s7], $0x5FFFF  }
0xac: {  	[dreg:$0x1] =	wrdreg $0xFFFFFFFF  }
0xad: {  	[dreg:$0x0] =	wrdreg $0x60  }
0xae: {  	[dreg:$0x2] =	wrdreg s24  }
0xaf: {  	[dreg:$0x3] =	wrdreg s2  }
0xb0: {  	[dreg:$0x4] =	wrdreg $0x0  }
0xb1: {  	[dreg:$0x5] =	wrdreg $0x9  }
0xb2: {  	_ =	task.clear_ibuf [dreg:s7], $0x6FFFF;
	_ =	strace $0x90000046  }
0xb3: {  	s29 =	simm.s32 $0x9;
	_ =	strace $0x80000048  }
0xb4: {  	_ =	swait.ge [sflag:s29], $0x1  }
0xb5: {  	[sflag:s29] =	ssyncadd.s32 $0xFFFFFFFF  }
0xb6: {  	_ =	strace $0x90000048  }
0xb7: {  	_ =	sfence  }
0xb8: {  	s30 =	sld [smem:$0x0];
	_ =	sdelay $0x2  }
0xb9: {  	s31 =	sshll.u32 s1, $0xD;
	s1 =	sshrl.u32 s1, $0x2  }
0xba: {  	s3 =	sand.u32 $0x4000, s31;
	s1 =	sadd.s32 s1, s30  }
0xbb: {  	s0 =	sor.u32 s3, s0;
	s1 =	sshll.u32 s1, $0x11  }
0xbc: {  	s0 =	sor.u32 s1, s0  }
0xbd: {  	s0 =	sadd.s32 $0x8F2B, s0  }
0xbe: {  	[sflag:s0] =	ssyncadd.remote.s32 $0x1  }
0xbf: {  	_ =	sfence.sel $0xFFFF  }
0xc0: {  	[dreg:$0x0] =	wrdreg $0xFFFFFFFF;
	(pc) =	sbr.abs _section_cstart, $3  }
0xc1: {  	[dreg:$0x1] =	wrdreg $0xFFFFFFFF  }
0xc2: {  	_ =	task.clear_ibuf [dreg:s7], $0x2FFFF;
	_ =	strace $0x9FFFFFFF  }
0xc3: {  	(tm) =	ssettm $0x7FFFFFFF  }
tec
execute0_lowered:
.L_overlay_start_1:
0x0: {  	(tag) =	ssettag $0x1  }
0x1: {  	s0 =	rddreg [dreg:$0x0]  }
0x2: {  	s1 =	rddreg [dreg:$0x1]  }
0x3: {  	s2 =	rddreg [dreg:$0x2]  }
0x4: {  	s4 =	srdreg.scid;
	s3 =	simm.s32 $0x0;
	s29 =	simm.s32 $0xE70  }
0x5: {  	s4 =	sand.u32 $0x1, s4;
	[smem:$0x7FF] =	sst s3;
	s10 =	sadd.s32 $0xC00, s0  }
0x6: {  	s0 =	sadd.s32 $0x1E200, s0;
	s5 =	ssub.s32 $0x2, s4;
	_ =	strace $0x80000047  }
0x7: {  	[dreg:$0x4] =	wrdreg s0;
	s0 =	stileid.u32;
	s8 =	sshll.u32 s4, $0x4  }
0x8: {  	s19 =	sshll.u32 s4, $0x7;
	s4 =	sshll.u32 s4, $0xB;
	s28 =	smov.u32 s10  }
0x9: {  	s6 =	sshrl.u32 s5, $0x1;
	p0 =	slt.u32 s0, $0x2;
	s7 =	sshll.u32 s0, $0x5  }
0xa: {  	s18 =	sshll.u32 s0, $0x8;
	s9 =	sshll.u32 s0, $0xC;
	s5 =	ssub.s32 s5, s6  }
0xb: {  	s6 =	simm.s32 $0x4F;
	s8 =	sor.u32 s8, s7;
	s7 =	simm.s32 $0x51  }
0xc: {  	s4 =	sor.u32 s4, s9;
	s6 =	simm.s32 @!p0 $0x4E;
	s14 =	sadd.s32 s10, s8  }
0xd: {  	s7 =	simm.s32 @!p0 $0x50;
	s5 =	smax.u32 s5, $0x1;
	[dreg:$0x7] =	wrdreg s4  }
0xe: {  	p0 =	sne.s32 s0, $0x0;
	[dreg:$0x6] =	wrdreg s5;
	s5 =	sor.u32 s19, s18  }
0xf: {  	[dreg:$0x5] =	wrdreg s14;
	s20 =	sadd.s32 $0x50200, s5;
	s8 =	sadd.s32 $0x9E400, s5  }
0x10: {  	s21 =	sor.u32 $0x2000, s5;
	s23 =	sadd.s32 $0x56200, s5;
	s24 =	sadd.s32 $0xA4400, s5  }
0x11: {  	s25 =	sor.u32 $0x8000, s5;
	s9 =	sadd.s32 $0x55200, s5;
	s15 =	sadd.s32 $0xA3400, s5  }
0x12: {  	s16 =	sadd.s32 $0x54200, s5;
	s19 =	sadd.s32 $0xA2400, s5;
	s4 =	sshrl.u32 s20, $0x3  }
0x13: {  	s8 =	sshrl.u32 s8, $0x3;
	s22 =	sshrl.u32 s21, $0x3;
	s18 =	sshrl.u32 s16, $0x3  }
0x14: {  	s20 =	sor.u32 $0x6000, s5;
	s21 =	sadd.s32 $0x53200, s5;
	s11 =	sadd.s32 s4, s10  }
0x15: {  	s12 =	sadd.s32 s8, s10;
	s13 =	sadd.s32 s22, s10;
	s4 =	sshrl.u32 s23, $0x3  }
0x16: {  	s8 =	sshrl.u32 s24, $0x3;
	s23 =	sshrl.u32 s21, $0x3;
	s24 =	sadd.s32 $0xA1400, s5  }
0x17: {  	s21 =	sadd.s32 $0x9F400, s5;
	s4 =	sadd.s32 s4, s10;
	s26 =	sadd.s32 s8, s10  }
0x18: {  	s8 =	sshrl.u32 s25, $0x3;
	s25 =	sor.u32 $0x5000, s5;
	[dreg:$0x8] =	wrdreg s4  }
0x19: {  	[dreg:$0x9] =	wrdreg s26;
	s4 =	sadd.s32 s8, s10;
	s8 =	sshrl.u32 s15, $0x3  }
0x1a: {  	s26 =	sshrl.u32 s24, $0x3;
	s0 =	sshrl.u32 s25, $0x3;
	s15 =	sor.u32 $0x4000, s5  }
0x1b: {  	s24 =	sadd.s32 $0x200, s14;
	s25 =	sadd.s32 $0x9E40, s14;
	[dreg:$0xa] =	wrdreg s4  }
0x1c: {  	s4 =	sshrl.u32 s9, $0x3;
	s17 =	sadd.s32 s8, s10;
	[dreg:$0x19] =	wrdreg s24  }
0x1d: {  	s8 =	sshrl.u32 s20, $0x3;
	s0 =	sadd.s32 s0, s10;
	[dreg:$0x1a] =	wrdreg s25  }
0x1e: {  	s9 =	sadd.s32 $0xA0400, s5;
	s20 =	sadd.s32 $0x51200, s5;
	[dreg:$0xc] =	wrdreg s17  }
0x1f: {  	s4 =	sadd.s32 s4, s10;
	s22 =	sadd.s32 s8, s10;
	[dreg:$0x12] =	wrdreg s0  }
0x20: {  	s8 =	sadd.s32 $0x52200, s5;
	s16 =	sshrl.u32 s9, $0x3;
	s17 =	sshrl.u32 s15, $0x3  }
0x21: {  	s9 =	simm.s32 $0x11F0;
	s15 =	simm.s32 $0x8;
	[dreg:$0xb] =	wrdreg s4  }
0x22: {  	s4 =	sadd.s32 s18, s10;
	[dreg:$0xf] =	wrdreg s22;
	s0 =	sshrl.u32 s8, $0x3  }
0x23: {  	s18 =	sadd.s32 s17, s10;
	s22 =	sadd.s32 $0x9C40, s14;
	s8 =	simm.s32 $0x2  }
0x24: {  	s17 =	simm.s32 $0x5;
	[dreg:$0xd] =	wrdreg s4;
	s4 =	sshrl.u32 s19, $0x3  }
0x25: {  	s0 =	sadd.s32 s0, s10;
	[dreg:$0x15] =	wrdreg s18;
	s19 =	sor.u32 $0x7000, s5  }
0x26: {  	s5 =	sor.u32 $0x3000, s5;
	[dreg:$0x17] =	wrdreg s22;
	s18 =	simm.s32 $0x6  }
0x27: {  	s4 =	sadd.s32 s4, s10;
	[dreg:$0x13] =	wrdreg s0;
	s0 =	sadd.s32 s16, s10  }
0x28: {  	[dreg:$0x16] =	wrdreg s19;
	s5 =	sshrl.u32 s5, $0x3;
	s16 =	simm.s32 $0x4  }
0x29: {  	s19 =	simm.s32 $0x7;
	[dreg:$0xe] =	wrdreg s4;
	s4 =	sadd.s32 s23, s10  }
0x2a: {  	[dreg:$0x14] =	wrdreg s0;
	s0 =	sshrl.u32 s20, $0x3;
	s23 =	sadd.s32 $0x13880, s14  }
.Ltmp0:
0x2b: {  	[dreg:$0x10] =	wrdreg s4;
	s4 =	sadd.s32 s26, s10;
	(pc) =	sbr.rel .LBB2_1-.Ltmp0, $4  }
0x2c: {  	s30 =	sadd.s32 s0, s10;
	s0 =	sadd.s32 s5, s10;
	[dreg:$0x18] =	wrdreg s23  }
0x2d: {  	s26 =	sadd.s32 $0x13A80, s14;
	s5 =	simm.s32 $0x80;
	[dreg:$0x11] =	wrdreg s4  }
0x2e: {  	s14 =	simm.s32 $0x3;
	s4 =	sshrl.u32 s21, $0x3;
	[dreg:$0x1b] =	wrdreg s26  }
0x2f: {  	s21 =	simm.s32 $0x0;
	s31 =	sadd.s32 s4, s10;
	s10 =	simm.s32 $0x1  }
.LBB2_15:
0x30: {  	s4 =	simm.s32 $0xF  }
0x31: {  	_ =	swait.ge [sflag:s4], $0x4000  }
0x32: {  	[sflag:s4] =	ssyncset.done $0x0  }
0x33: {  	s21 =	simm.s32 $0x10;
	[sflag:s4] =	ssyncadd.s32 $0xFFFFC000  }
0x34: {  	_ =	swait.ge [sflag:s21], $0x4000  }
0x35: {  	[sflag:s21] =	ssyncset.done $0x0  }
0x36: {  	s22 =	simm.s32 $0x11;
	[sflag:s21] =	ssyncadd.s32 $0xFFFFC000  }
0x37: {  	_ =	swait.ge [sflag:s22], $0x4000  }
0x38: {  	[sflag:s22] =	ssyncset.done $0x0  }
0x39: {  	s23 =	simm.s32 $0x12;
	[sflag:s22] =	ssyncadd.s32 $0xFFFFC000  }
0x3a: {  	_ =	swait.ge [sflag:s23], $0x4000  }
0x3b: {  	[sflag:s23] =	ssyncset.done $0x0  }
0x3c: {  	s24 =	simm.s32 $0x13;
	[sflag:s23] =	ssyncadd.s32 $0xFFFFC000  }
0x3d: {  	_ =	swait.ge [sflag:s24], $0x4000  }
0x3e: {  	[sflag:s24] =	ssyncset.done $0x0  }
0x3f: {  	s25 =	simm.s32 $0x14;
	[sflag:s24] =	ssyncadd.s32 $0xFFFFC000  }
0x40: {  	_ =	swait.ge [sflag:s25], $0x4000  }
0x41: {  	[sflag:s25] =	ssyncset.done $0x0  }
0x42: {  	s20 =	simm.s32 $0x15;
	[sflag:s25] =	ssyncadd.s32 $0xFFFFC000  }
0x43: {  	_ =	swait.ge [sflag:s20], $0x4000  }
0x44: {  	s21 =	rddreg [dreg:$0x1c]  }
0x45: {  	s26 =	rddreg [dreg:$0x6];
	s21 =	sadd.s32 $0x1, s21  }
0x46: {  	p1 =	sne.s32 s21, s26  }
.Ltmp1:
0x47: {  	_ = 	snop;
	(pc) =	sbr.rel @!p1 .LBB2_16-.Ltmp1, $3  }
0x48: {  	_ =	sdelay $0x1  }
0x49: {  	[sflag:s20] =	ssyncset.done $0x0  }
0x4a: {  	[sflag:s20] =	ssyncadd.s32 $0xFFFFC000  }
.LBB2_1:
0x4b: {  	[dreg:$0x1c] =	wrdreg s21  }
0x4c: {  	s4 =	sshrl.u32 @!p0 s2, $0x3;
	s20 =	simm.s32 @!p0 $0x1C16;
	s21 =	rddreg [dreg:$0x4]  }
0x4d: {  	[spmem:s4], [sflag:s20] =	dma.local @!p0 [hbm:s21], $0x7E0  }
0x4e: {  	s4 =	simm.s32 @!p0 $0x16  }
0x4f: {  	_ =	swait.ge @!p0 [sflag:s4], $0x7E0  }
0x50: {  	[sflag:s4] =	ssyncset.done @!p0 $0x0  }
0x51: {  	[sflag:s4] =	ssyncadd.s32 @!p0 $0xFFFFF820  }
0x52: {  	[bflag:$0x0] =	sbarrier.arrive $0xFFFF  }
0x53: {  	s21 =	rddreg [dreg:$0x5]  }
0x54: {  	s22 =	simm.s32 $0x3F0;
	s23 =	rddreg [dreg:$0x17]  }
0x55: {  	[tilespmem:s22], [sflag:$0x1] =	stream.linear.gather [hbm4b:s21+s3], $0x80, $0x38;
	[tilespmem:$0x1D1F0] =	vst v63  }
0x56: {  	s24 =	simm.s32 $0x470;
	s25 =	rddreg [dreg:$0x18]  }
0x57: {  	[tilespmem:s24], [sflag:$0x1] =	stream.linear.gather [hbm4b:s23+s3], $0x80, $0x38;
	[tilespmem:$0x1D1F0] =	vst v63  }
0x58: {  	s26 =	simm.s32 $0x4F0;
	s20 =	rddreg [dreg:$0x16]  }
0x59: {  	[tilespmem:s26], [sflag:$0x1] =	stream.linear.gather [hbm4b:s25+s3], $0x80, $0x38;
	[tilespmem:$0x1D1F0] =	vst v63  }
0x5a: {  	s21 =	rddreg [dreg:$0x19];
	s22 =	simm.s32 $0x570  }
0x5b: {  	[tilespmem:s22], [sflag:$0x2] =	stream.linear.gather [hbm4b:s21+s3], $0x80, $0x38;
	[tilespmem:$0x1D1F0] =	vst v63  }
.Ltmp2:
0x5c: {  	s23 =	rddreg [dreg:$0x1a];
	(pc) =	sbr.rel .LBB2_2-.Ltmp2, $4  }
0x5d: {  	s4 =	simm.s32 $0x0;
	s24 =	simm.s32 $0x5F0;
	s25 =	rddreg [dreg:$0x1b]  }
0x5e: {  	[tilespmem:s24], [sflag:$0x2] =	stream.linear.gather [hbm4b:s23+s3], $0x80, $0x38;
	[tilespmem:$0x1D1F0] =	vst v63  }
0x5f: {  	s26 =	simm.s32 $0x670;
	s21 =	simm.s32 $0x8;
	s22 =	rddreg [dreg:$0x7]  }
0x60: {  	[tilespmem:s26], [sflag:$0x2] =	stream.linear.gather [hbm4b:s25+s3], $0x80, $0x38;
	[tilespmem:$0x1D1F0] =	vst v63  }
.LBB2_14:
0x61: {  	s4 =	sadd.s32 $0xE00, s4  }
0x62: {  	p1 =	sne.s32 s4, $0xA800  }
.Ltmp3:
0x63: {  	_ = 	snop;
	(pc) =	sbr.rel @!p1 .LBB2_15-.Ltmp3, $2  }
0x64: {  	_ =	sdelay $0x2  }
0x65: {  	s22 =	sadd.s32 $0x70000, s22;
	s21 =	sadd.s32 $0x7, s21;
	s20 =	sadd.s32 $0x7000, s20  }
.LBB2_2:
0x66: {  	p1 =	seq.s32 s4, $0x0  }
0x67: {  	s23 =	simm.s32 @!p1 $0xC  }
0x68: {  	_ =	swait.ge @!p1 [sflag:s23], $0x4000  }
0x69: {  	s24 =	sadd.s32 @!p1 $0x1FFD0000, s22;
	[sflag:s23] =	ssyncset.done @!p1 $0x0  }
0x6a: {  	[sflag:s23] =	ssyncadd.s32 @!p1 $0xFFFFC000;
	s23 =	sand.u32 @!p1 $0x1FFFF800, s24  }
0x6b: {  	s25 =	simm.s32 @!p1 $0x111F0;
	s24 =	sadd.s32 @!p1 s1, s23;
	s23 =	simm.s32 @!p1 $0x0  }
0x6c: {  	[hbm4b:s24+s23] =	stream.linear.scatter @!p1 [tilespmem:s25], [sflag:$0x13], $0x4000, $0x38;
	[tilespmem:$0x1D1F0] =	vst v63  }
0x6d: {  	_ =	swait.ge [sflag:s10], $0x180  }
0x6e: {  	[sflag:s10] =	ssyncset.done $0x0  }
0x6f: {  	[sflag:s10] =	ssyncadd.s32 $0xFFFFFE80  }
0x70: {  	v0 =	vld [tilespmem:$0x3F0]  }
0x71: {  	v1 =	vld [tilespmem:$0x470]  }
0x72: {  	v2 =	vld [tilespmem:$0x4F0]  }
0x73: {  	v3 =	vld [tilespmem:$0x400]  }
0x74: {  	v4 =	vld [tilespmem:$0x480]  }
0x75: {  	v5 =	vld [tilespmem:$0x500]  }
0x76: {  	v35 =	vld [tilespmem:$0x410]  }
0x77: {  	v6 =	vld [tilespmem:$0x490]  }
0x78: {  	v7 =	vld [tilespmem:$0x510]  }
0x79: {  	v37 =	vld [tilespmem:$0x420]  }
0x7a: {  	v8 =	vld [tilespmem:$0x4A0]  }
0x7b: {  	v40 =	vld [tilespmem:$0x520]  }
0x7c: {  	v41 =	vld [tilespmem:$0x430]  }
0x7d: {  	v9 =	vld [tilespmem:$0x4B0]  }
0x7e: {  	v43 =	vld [tilespmem:$0x530]  }
0x7f: {  	v44 =	vld [tilespmem:$0x440]  }
0x80: {  	v10 =	vld [tilespmem:$0x4C0];
	vm0 =	vgt.s32 v0, $0x0;
	vm5 =	vgt.s32 v1, $0x0  }
0x81: {  	v11 =	vld [tilespmem:$0x540];
	vm6 =	vgt.s32 v2, $0x0;
	vm7 =	vgt.s32 v3, $0x0;
	vm8 =	vgt.s32 v4, $0x0  }
0x82: {  	v47 =	vld [tilespmem:$0x4D0];
	vm9 =	vgt.s32 v5, $0x0;
	vm10 =	vgt.s32 v35, $0x0;
	vm11 =	vgt.s32 v6, $0x0  }
0x83: {  	v12 =	vld [tilespmem:$0x460];
	vm12 =	vgt.s32 v7, $0x0;
	vm13 =	vgt.s32 v37, $0x0;
	vm14 =	vgt.s32 v8, $0x0  }
0x84: {  	v50 =	vld [tilespmem:$0x550];
	vm15 =	vgt.s32 v40, $0x0;
	vm4 =	vgt.s32 v41, $0x0;
	v0 =	vnsel vm0, $0x0, v0  }
0x85: {  	v52 =	vld [tilespmem:$0x560];
	v1 =	vnsel vm5, $0x0, v1;
	v2 =	vnsel vm6, $0x0, v2;
	v3 =	vnsel vm7, $0x0, v3  }
0x86: {  	v4 =	vnsel vm8, $0x0, v4;
	v5 =	vnsel vm9, $0x0, v5;
	v38 =	vnsel vm11, $0x0, v6  }
0x87: {  	v39 =	vnsel vm12, $0x0, v7;
	v8 =	vnsel vm14, $0x0, v8;
	v7 =	vnsel vm15, $0x0, v40  }
0x88: {  	vm5 =	vgt.s32 v9, $0x0;
	vm6 =	vgt.s32 v43, $0x0;
	vm7 =	vgt.s32 v44, $0x0  }
0x89: {  	vm8 =	vgt.s32 v10, $0x0;
	vm9 =	vgt.s32 v11, $0x0;
	vm11 =	vgt.s32 v47, $0x0  }
0x8a: {  	vm12 =	vgt.s32 v12, $0x0;
	vm14 =	vgt.s32 v50, $0x0;
	vm15 =	vgt.s32 v52, $0x0  }
0x8b: {  	v13 =	vld [tilespmem:$0x4E0];
	v0 =	vmin.u32 v0, $0x5;
	v1 =	vmin.u32 v1, $0x6;
	v2 =	vmin.u32 v2, $0x2  }
0x8c: {  	v36 =	vmin.u32 v3, $0x5;
	v4 =	vmin.u32 v4, $0x6;
	v5 =	vmin.u32 v5, $0x2  }
0x8d: {  	v3 =	vnsel vm13, $0x0, v37;
	v6 =	vmin.u32 v39, $0x2;
	v42 =	vmin.u32 v8, $0x6  }
0x8e: {  	v7 =	vmin.u32 v7, $0x2;
	v45 =	vnsel vm5, $0x0, v9;
	v8 =	vnsel vm6, $0x0, v43  }
0x8f: {  	v48 =	vnsel vm8, $0x0, v10;
	v49 =	vnsel vm9, $0x0, v11;
	v9 =	vnsel vm11, $0x0, v47  }
0x90: {  	v12 =	vnsel vm12, $0x0, v12;
	vm13 =	vgt.s32 v13, $0x0;
	v59 =	vnsel vm14, $0x0, v50  }
0x91: {  	v60 =	vnsel vm15, $0x0, v52;
	v0 =	vmul.u32 $0x7, v0;
	v3 =	vmin.u32 v3, $0x5  }
0x92: {  	v46 =	vld [tilespmem:$0x450];
	v51 =	vnsel vm13, $0x0, v13;
	v12 =	vmin.u32 v12, $0x5;
	v55 =	vmin.u32 v9, $0x6  }
0x93: {  	v62 =	vmin.u32 v60, $0x2;
	v3 =	vmul.u32 $0x7, v3;
	v0 =	vadd.s32 v1, v0  }
0x94: {  	v54 =	vmul.u32 $0x7, v12;
	v1 =	vnsel vm10, $0x0, v35;
	v0 =	vmul.u32 $0x3, v0  }
0x95: {  	v56 =	vmin.u32 v51, $0x6;
	v1 =	vmin.u32 v1, $0x5;
	v3 =	vadd.s32 v42, v3  }
0x96: {  	v3 =	vmul.u32 $0x3, v3;
	v0 =	vadd.s32 v2, v0;
	v2 =	vmul.u32 $0x7, v36  }
0x97: {  	vm10 =	vgt.s32 v46, $0x0;
	v58 =	vadd.s32 v56, v54;
	v1 =	vmul.u32 $0x7, v1  }
0x98: {  	v3 =	vadd.s32 v7, v3;
	v7 =	vnsel vm10, $0x0, v46;
	v2 =	vadd.s32 v4, v2  }
0x99: {  	v4 =	vmin.u32 v38, $0x6;
	v7 =	vmin.u32 v7, $0x5;
	v2 =	vmul.u32 $0x3, v2  }
0x9a: {  	[tilespmem:$0xEA0] =	vst v3;
	v3 =	vmin.u32 v59, $0x2;
	v1 =	vadd.s32 v4, v1;
	v4 =	vnsel vm7, $0x0, v44  }
0x9b: {  	v7 =	vmul.u32 $0x7, v7;
	v2 =	vadd.s32 v5, v2;
	v5 =	vnsel vm4, $0x0, v41  }
0x9c: {  	v1 =	vmul.u32 $0x3, v1;
	v4 =	vmin.u32 v4, $0x5;
	v5 =	vmin.u32 v5, $0x5  }
0x9d: {  	v4 =	vmul.u32 $0x7, v4;
	v57 =	vadd.s32 v55, v7;
	v5 =	vmul.u32 $0x7, v5  }
0x9e: {  	v1 =	vadd.s32 v6, v1;
	v6 =	vmin.u32 v45, $0x6;
	[tilespmem:$0xE80] =	vst v2;
	v2 =	vmul.u32 $0x3, v58  }
0x9f: {  	[tilespmem:$0xE90] =	vst v1;
	v1 =	vmul.u32 $0x3, v57;
	v5 =	vadd.s32 v6, v5;
	v6 =	vmin.u32 v48, $0x6  }
0xa0: {  	[tilespmem:$0xE70] =	vst v0;
	v63 =	vadd.s32 v62, v2;
	v5 =	vmul.u32 $0x3, v5;
	v4 =	vadd.s32 v6, v4  }
0xa1: {  	v8 =	vmin.u32 v8, $0x2;
	v61 =	vadd.s32 v3, v1;
	[tilespmem:$0xEE0] =	vst v63;
	v4 =	vmul.u32 $0x3, v4  }
0xa2: {  	v53 =	vmin.u32 v49, $0x2;
	[tilespmem:$0xED0] =	vst v61;
	v5 =	vadd.s32 v8, v5  }
0xa3: {  	v0 =	vadd.s32 v53, v4;
	[tilespmem:$0xEB0] =	vst v5  }
0xa4: {  	s24 =	simm.s32 @!p1 $0xF;
	[tilespmem:$0xEC0] =	vst v0  }
0xa5: {  	_ =	swait.ge @!p1 [sflag:s24], $0x4000  }
0xa6: {  	s26 =	sadd.s32 $0xFFFFFFFA, s21;
	[sflag:s24] =	ssyncset.done @!p1 $0x0  }
0xa7: {  	p2 =	sge.u32 s26, s6;
	[sflag:s24] =	ssyncadd.s32 @!p1 $0xFFFFC000  }
0xa8: {  	[tilespmem:s9], [sflag:$0x8] =	stream.indirect.gather [spmem:s2], $0x80, s29, s5, $0xb8;
	[tilespmem:$0x1D1F0] =	vst v63  }
0xa9: {  	s26 =	simm.s32 @!p2 $0x6F0;
	s25 =	simm.s32 @!p2 $0x0;
	s24 =	sadd.s32 @!p2 s4, s13  }
0xaa: {  	[tilespmem:s26], [sflag:$0x3] =	stream.linear.gather @!p2 [hbm4b:s24+s25], $0x80, $0x38;
	[tilespmem:$0x1D1F0] =	vst v63  }
0xab: {  	s24 =	sadd.s32 @!p2 s4, s11;
	s26 =	simm.s32 @!p2 $0x770  }
0xac: {  	[tilespmem:s26], [sflag:$0x3] =	stream.linear.gather @!p2 [hbm4b:s24+s25], $0x80, $0x38;
	[tilespmem:$0x1D1F0] =	vst v63  }
0xad: {  	s24 =	sadd.s32 @!p2 s4, s12;
	s26 =	simm.s32 @!p2 $0x7F0  }
0xae: {  	[tilespmem:s26], [sflag:$0x3] =	stream.linear.gather @!p2 [hbm4b:s24+s25], $0x80, $0x38;
	[tilespmem:$0x1D1F0] =	vst v63  }
0xaf: {  	s26 =	sadd.s32 $0xFFFFFFF9, s21  }
0xb0: {  	p3 =	sge.u32 s26, s6  }
.Ltmp4:
0xb1: {  	s24 =	simm.s32 @!p1 $0xD;
	(pc) =	sbr.rel @p3 .LBB2_4-.Ltmp4, $4  }
0xb2: {  	s25 =	sadd.s32 @!p1 $0x1FFE0000, s22;
	_ =	swait.ge @!p1 [sflag:s24], $0x4000  }
0xb3: {  	s25 =	sand.u32 @!p1 $0x1FFFF800, s25;
	[sflag:s24] =	ssyncset.done @!p1 $0x0  }
0xb4: {  	[sflag:s24] =	ssyncadd.s32 @!p1 $0xFFFFC000;
	s24 =	sadd.s32 @!p1 s1, s25;
	s25 =	simm.s32 @!p1 $0x151F0  }
0xb5: {  	[hbm4b:s24+s23] =	stream.linear.scatter @!p1 [tilespmem:s25], [sflag:$0x14], $0x4000, $0x38;
	[tilespmem:$0x1D1F0] =	vst v63  }
0xb6: {  	_ =	swait.ge [sflag:s8], $0x180  }
0xb7: {  	[sflag:s8] =	ssyncset.done $0x0  }
0xb8: {  	[sflag:s8] =	ssyncadd.s32 $0xFFFFFE80  }
0xb9: {  	v0 =	vld [tilespmem:$0x570]  }
0xba: {  	v1 =	vld [tilespmem:$0x5F0]  }
0xbb: {  	v2 =	vld [tilespmem:$0x670]  }
0xbc: {  	v3 =	vld [tilespmem:$0x580]  }
0xbd: {  	v4 =	vld [tilespmem:$0x600]  }
0xbe: {  	v5 =	vld [tilespmem:$0x680]  }
0xbf: {  	v35 =	vld [tilespmem:$0x590]  }
0xc0: {  	v6 =	vld [tilespmem:$0x610]  }
0xc1: {  	v7 =	vld [tilespmem:$0x690]  }
0xc2: {  	v37 =	vld [tilespmem:$0x5A0]  }
0xc3: {  	v8 =	vld [tilespmem:$0x620]  }
0xc4: {  	v40 =	vld [tilespmem:$0x6A0]  }
0xc5: {  	v41 =	vld [tilespmem:$0x5B0]  }
0xc6: {  	v9 =	vld [tilespmem:$0x630]  }
0xc7: {  	v43 =	vld [tilespmem:$0x6B0]  }
0xc8: {  	v44 =	vld [tilespmem:$0x5C0]  }
0xc9: {  	v10 =	vld [tilespmem:$0x640];
	vm0 =	vgt.s32 v0, $0x0;
	vm5 =	vgt.s32 v1, $0x0  }
0xca: {  	v11 =	vld [tilespmem:$0x6C0];
	vm6 =	vgt.s32 v2, $0x0;
	vm7 =	vgt.s32 v3, $0x0;
	vm8 =	vgt.s32 v4, $0x0  }
0xcb: {  	v47 =	vld [tilespmem:$0x650];
	vm9 =	vgt.s32 v5, $0x0;
	vm10 =	vgt.s32 v35, $0x0;
	vm11 =	vgt.s32 v6, $0x0  }
0xcc: {  	v12 =	vld [tilespmem:$0x5E0];
	vm12 =	vgt.s32 v7, $0x0;
	vm13 =	vgt.s32 v37, $0x0;
	vm14 =	vgt.s32 v8, $0x0  }
0xcd: {  	v50 =	vld [tilespmem:$0x6D0];
	vm15 =	vgt.s32 v40, $0x0;
	vm4 =	vgt.s32 v41, $0x0;
	v0 =	vnsel vm0, $0x0, v0  }
0xce: {  	v52 =	vld [tilespmem:$0x6E0];
	v1 =	vnsel vm5, $0x0, v1;
	v2 =	vnsel vm6, $0x0, v2;
	v3 =	vnsel vm7, $0x0, v3  }
0xcf: {  	v4 =	vnsel vm8, $0x0, v4;
	v5 =	vnsel vm9, $0x0, v5;
	v38 =	vnsel vm11, $0x0, v6  }
0xd0: {  	v39 =	vnsel vm12, $0x0, v7;
	v8 =	vnsel vm14, $0x0, v8;
	v7 =	vnsel vm15, $0x0, v40  }
0xd1: {  	vm5 =	vgt.s32 v9, $0x0;
	vm6 =	vgt.s32 v43, $0x0;
	vm7 =	vgt.s32 v44, $0x0  }
0xd2: {  	vm8 =	vgt.s32 v10, $0x0;
	vm9 =	vgt.s32 v11, $0x0;
	vm11 =	vgt.s32 v47, $0x0  }
0xd3: {  	vm12 =	vgt.s32 v12, $0x0;
	vm14 =	vgt.s32 v50, $0x0;
	vm15 =	vgt.s32 v52, $0x0  }
0xd4: {  	v13 =	vld [tilespmem:$0x660];
	v0 =	vmin.u32 v0, $0x5;
	v1 =	vmin.u32 v1, $0x6;
	v2 =	vmin.u32 v2, $0x2  }
0xd5: {  	v36 =	vmin.u32 v3, $0x5;
	v4 =	vmin.u32 v4, $0x6;
	v5 =	vmin.u32 v5, $0x2  }
0xd6: {  	v3 =	vnsel vm13, $0x0, v37;
	v6 =	vmin.u32 v39, $0x2;
	v42 =	vmin.u32 v8, $0x6  }
0xd7: {  	v7 =	vmin.u32 v7, $0x2;
	v45 =	vnsel vm5, $0x0, v9;
	v8 =	vnsel vm6, $0x0, v43  }
0xd8: {  	v48 =	vnsel vm8, $0x0, v10;
	v49 =	vnsel vm9, $0x0, v11;
	v9 =	vnsel vm11, $0x0, v47  }
0xd9: {  	v12 =	vnsel vm12, $0x0, v12;
	vm13 =	vgt.s32 v13, $0x0;
	v59 =	vnsel vm14, $0x0, v50  }
0xda: {  	v60 =	vnsel vm15, $0x0, v52;
	v0 =	vmul.u32 $0x7, v0;
	v3 =	vmin.u32 v3, $0x5  }
0xdb: {  	v46 =	vld [tilespmem:$0x5D0];
	v51 =	vnsel vm13, $0x0, v13;
	v12 =	vmin.u32 v12, $0x5;
	v55 =	vmin.u32 v9, $0x6  }
0xdc: {  	v62 =	vmin.u32 v60, $0x2;
	v3 =	vmul.u32 $0x7, v3;
	v0 =	vadd.s32 v1, v0  }
0xdd: {  	v54 =	vmul.u32 $0x7, v12;
	v1 =	vnsel vm10, $0x0, v35;
	v0 =	vmul.u32 $0x3, v0  }
0xde: {  	v56 =	vmin.u32 v51, $0x6;
	v1 =	vmin.u32 v1, $0x5;
	v3 =	vadd.s32 v42, v3  }
0xdf: {  	v3 =	vmul.u32 $0x3, v3;
	v0 =	vadd.s32 v2, v0;
	v2 =	vmul.u32 $0x7, v36  }
0xe0: {  	vm10 =	vgt.s32 v46, $0x0;
	v58 =	vadd.s32 v56, v54;
	v1 =	vmul.u32 $0x7, v1  }
0xe1: {  	v3 =	vadd.s32 v7, v3;
	v7 =	vnsel vm10, $0x0, v46;
	v2 =	vadd.s32 v4, v2  }
0xe2: {  	v4 =	vmin.u32 v38, $0x6;
	v7 =	vmin.u32 v7, $0x5;
	v2 =	vmul.u32 $0x3, v2  }
0xe3: {  	[tilespmem:$0xF20] =	vst v3;
	v3 =	vmin.u32 v59, $0x2;
	v1 =	vadd.s32 v4, v1;
	v4 =	vnsel vm7, $0x0, v44  }
0xe4: {  	v7 =	vmul.u32 $0x7, v7;
	v2 =	vadd.s32 v5, v2;
	v5 =	vnsel vm4, $0x0, v41  }
0xe5: {  	v1 =	vmul.u32 $0x3, v1;
	v4 =	vmin.u32 v4, $0x5;
	v5 =	vmin.u32 v5, $0x5  }
0xe6: {  	v4 =	vmul.u32 $0x7, v4;
	v57 =	vadd.s32 v55, v7;
	v5 =	vmul.u32 $0x7, v5  }
0xe7: {  	v1 =	vadd.s32 v6, v1;
	v6 =	vmin.u32 v45, $0x6;
	[tilespmem:$0xF00] =	vst v2;
	v2 =	vmul.u32 $0x3, v58  }
0xe8: {  	[tilespmem:$0xF10] =	vst v1;
	v1 =	vmul.u32 $0x3, v57;
	v5 =	vadd.s32 v6, v5;
	v6 =	vmin.u32 v48, $0x6  }
0xe9: {  	[tilespmem:$0xEF0] =	vst v0;
	v63 =	vadd.s32 v62, v2;
	v5 =	vmul.u32 $0x3, v5;
	v4 =	vadd.s32 v6, v4  }
0xea: {  	v8 =	vmin.u32 v8, $0x2;
	v61 =	vadd.s32 v3, v1;
	[tilespmem:$0xF60] =	vst v63;
	v4 =	vmul.u32 $0x3, v4  }
0xeb: {  	v53 =	vmin.u32 v49, $0x2;
	[tilespmem:$0xF50] =	vst v61;
	v5 =	vadd.s32 v8, v5  }
0xec: {  	v0 =	vadd.s32 v53, v4;
	[tilespmem:$0xF30] =	vst v5  }
0xed: {  	s24 =	simm.s32 @!p1 $0x10;
	[tilespmem:$0xF40] =	vst v0  }
0xee: {  	_ =	swait.ge @!p1 [sflag:s24], $0x4000  }
0xef: {  	[sflag:s24] =	ssyncset.done @!p1 $0x0  }
0xf0: {  	s26 =	simm.s32 $0xEF0;
	s25 =	simm.s32 $0x51F0;
	[sflag:s24] =	ssyncadd.s32 @!p1 $0xFFFFC000  }
0xf1: {  	[tilespmem:s25], [sflag:$0x9] =	stream.indirect.gather [spmem:s2], $0x80, s26, s5, $0xb8;
	[tilespmem:$0x1D1F0] =	vst v63  }
0xf2: {  	s26 =	sadd.s32 $0xFFFFFFFB, s21  }
0xf3: {  	p3 =	sge.u32 s26, s6  }
0xf4: {  	s24 =	sadd.s32 @!p3 s4, s0;
	s25 =	simm.s32 @!p3 $0x0;
	s26 =	simm.s32 @!p3 $0x870  }
0xf5: {  	[tilespmem:s26], [sflag:$0x4] =	stream.linear.gather @!p3 [hbm4b:s24+s25], $0x80, $0x38;
	[tilespmem:$0x1D1F0] =	vst v63  }
0xf6: {  	s24 =	sadd.s32 @!p3 s4, s30;
	s26 =	simm.s32 @!p3 $0x8F0  }
0xf7: {  	[tilespmem:s26], [sflag:$0x4] =	stream.linear.gather @!p3 [hbm4b:s24+s25], $0x80, $0x38;
	[tilespmem:$0x1D1F0] =	vst v63  }
0xf8: {  	s24 =	sadd.s32 @!p3 s4, s31;
	s26 =	simm.s32 @!p3 $0x970  }
0xf9: {  	[tilespmem:s26], [sflag:$0x4] =	stream.linear.gather @!p3 [hbm4b:s24+s25], $0x80, $0x38;
	[tilespmem:$0x1D1F0] =	vst v63  }
.LBB2_4:
.Ltmp5:
0xfa: {  	s24 =	simm.s32 @!p1 $0xE;
	(pc) =	sbr.rel @p2 .LBB2_6-.Ltmp5, $4  }
0xfb: {  	s25 =	sadd.s32 @!p1 $0x1FFF0000, s22;
	_ =	swait.ge @!p1 [sflag:s24], $0x4000  }
0xfc: {  	s25 =	sand.u32 @!p1 $0x1FFFF800, s25;
	[sflag:s24] =	ssyncset.done @!p1 $0x0  }
0xfd: {  	[sflag:s24] =	ssyncadd.s32 @!p1 $0xFFFFC000;
	s24 =	sadd.s32 @!p1 s1, s25;
	s25 =	simm.s32 @!p1 $0x191F0  }
0xfe: {  	[hbm4b:s24+s23] =	stream.linear.scatter @!p1 [tilespmem:s25], [sflag:$0x15], $0x4000, $0x38;
	[tilespmem:$0x1D1F0] =	vst v63  }
0xff: {  	_ =	swait.ge [sflag:s14], $0x180  }
0x100: {  	[sflag:s14] =	ssyncset.done $0x0  }
0x101: {  	[sflag:s14] =	ssyncadd.s32 $0xFFFFFE80  }
0x102: {  	v0 =	vld [tilespmem:$0x6F0]  }
0x103: {  	v1 =	vld [tilespmem:$0x770]  }
0x104: {  	v2 =	vld [tilespmem:$0x7F0]  }
0x105: {  	v3 =	vld [tilespmem:$0x700]  }
0x106: {  	v4 =	vld [tilespmem:$0x780]  }
0x107: {  	v5 =	vld [tilespmem:$0x800]  }
0x108: {  	v35 =	vld [tilespmem:$0x710]  }
0x109: {  	v6 =	vld [tilespmem:$0x790]  }
0x10a: {  	v7 =	vld [tilespmem:$0x810]  }
0x10b: {  	v37 =	vld [tilespmem:$0x720]  }
0x10c: {  	v8 =	vld [tilespmem:$0x7A0]  }
0x10d: {  	v40 =	vld [tilespmem:$0x820]  }
0x10e: {  	v41 =	vld [tilespmem:$0x730]  }
0x10f: {  	v9 =	vld [tilespmem:$0x7B0]  }
0x110: {  	v43 =	vld [tilespmem:$0x830]  }
0x111: {  	v44 =	vld [tilespmem:$0x740]  }
0x112: {  	v10 =	vld [tilespmem:$0x7C0];
	vm0 =	vgt.s32 v0, $0x0;
	vm5 =	vgt.s32 v1, $0x0  }
0x113: {  	v11 =	vld [tilespmem:$0x840];
	vm6 =	vgt.s32 v2, $0x0;
	vm7 =	vgt.s32 v3, $0x0;
	vm8 =	vgt.s32 v4, $0x0  }
0x114: {  	v47 =	vld [tilespmem:$0x7D0];
	vm9 =	vgt.s32 v5, $0x0;
	vm10 =	vgt.s32 v35, $0x0;
	vm11 =	vgt.s32 v6, $0x0  }
0x115: {  	v12 =	vld [tilespmem:$0x760];
	vm12 =	vgt.s32 v7, $0x0;
	vm13 =	vgt.s32 v37, $0x0;
	vm14 =	vgt.s32 v8, $0x0  }
0x116: {  	v50 =	vld [tilespmem:$0x850];
	vm15 =	vgt.s32 v40, $0x0;
	vm4 =	vgt.s32 v41, $0x0;
	v0 =	vnsel vm0, $0x0, v0  }
0x117: {  	v52 =	vld [tilespmem:$0x860];
	v1 =	vnsel vm5, $0x0, v1;
	v2 =	vnsel vm6, $0x0, v2;
	v3 =	vnsel vm7, $0x0, v3  }
0x118: {  	v4 =	vnsel vm8, $0x0, v4;
	v5 =	vnsel vm9, $0x0, v5;
	v38 =	vnsel vm11, $0x0, v6  }
0x119: {  	v39 =	vnsel vm12, $0x0, v7;
	v8 =	vnsel vm14, $0x0, v8;
	v7 =	vnsel vm15, $0x0, v40  }
0x11a: {  	vm5 =	vgt.s32 v9, $0x0;
	vm6 =	vgt.s32 v43, $0x0;
	vm7 =	vgt.s32 v44, $0x0  }
0x11b: {  	vm8 =	vgt.s32 v10, $0x0;
	vm9 =	vgt.s32 v11, $0x0;
	vm11 =	vgt.s32 v47, $0x0  }
0x11c: {  	vm12 =	vgt.s32 v12, $0x0;
	vm14 =	vgt.s32 v50, $0x0;
	vm15 =	vgt.s32 v52, $0x0  }
0x11d: {  	v13 =	vld [tilespmem:$0x7E0];
	v0 =	vmin.u32 v0, $0x5;
	v1 =	vmin.u32 v1, $0x6;
	v2 =	vmin.u32 v2, $0x2  }
0x11e: {  	v36 =	vmin.u32 v3, $0x5;
	v4 =	vmin.u32 v4, $0x6;
	v5 =	vmin.u32 v5, $0x2  }
0x11f: {  	v3 =	vnsel vm13, $0x0, v37;
	v6 =	vmin.u32 v39, $0x2;
	v42 =	vmin.u32 v8, $0x6  }
0x120: {  	v7 =	vmin.u32 v7, $0x2;
	v45 =	vnsel vm5, $0x0, v9;
	v8 =	vnsel vm6, $0x0, v43  }
0x121: {  	v48 =	vnsel vm8, $0x0, v10;
	v49 =	vnsel vm9, $0x0, v11;
	v9 =	vnsel vm11, $0x0, v47  }
0x122: {  	v12 =	vnsel vm12, $0x0, v12;
	vm13 =	vgt.s32 v13, $0x0;
	v59 =	vnsel vm14, $0x0, v50  }
0x123: {  	v60 =	vnsel vm15, $0x0, v52;
	v0 =	vmul.u32 $0x7, v0;
	v3 =	vmin.u32 v3, $0x5  }
0x124: {  	v46 =	vld [tilespmem:$0x750];
	v51 =	vnsel vm13, $0x0, v13;
	v12 =	vmin.u32 v12, $0x5;
	v55 =	vmin.u32 v9, $0x6  }
0x125: {  	v62 =	vmin.u32 v60, $0x2;
	v3 =	vmul.u32 $0x7, v3;
	v0 =	vadd.s32 v1, v0  }
0x126: {  	v54 =	vmul.u32 $0x7, v12;
	v1 =	vnsel vm10, $0x0, v35;
	v0 =	vmul.u32 $0x3, v0  }
0x127: {  	v56 =	vmin.u32 v51, $0x6;
	v1 =	vmin.u32 v1, $0x5;
	v3 =	vadd.s32 v42, v3  }
0x128: {  	v3 =	vmul.u32 $0x3, v3;
	v0 =	vadd.s32 v2, v0;
	v2 =	vmul.u32 $0x7, v36  }
0x129: {  	vm10 =	vgt.s32 v46, $0x0;
	v58 =	vadd.s32 v56, v54;
	v1 =	vmul.u32 $0x7, v1  }
0x12a: {  	v3 =	vadd.s32 v7, v3;
	v7 =	vnsel vm10, $0x0, v46;
	v2 =	vadd.s32 v4, v2  }
0x12b: {  	v4 =	vmin.u32 v38, $0x6;
	v7 =	vmin.u32 v7, $0x5;
	v2 =	vmul.u32 $0x3, v2  }
0x12c: {  	[tilespmem:$0xFA0] =	vst v3;
	v3 =	vmin.u32 v59, $0x2;
	v1 =	vadd.s32 v4, v1;
	v4 =	vnsel vm7, $0x0, v44  }
0x12d: {  	v7 =	vmul.u32 $0x7, v7;
	v2 =	vadd.s32 v5, v2;
	v5 =	vnsel vm4, $0x0, v41  }
0x12e: {  	v1 =	vmul.u32 $0x3, v1;
	v4 =	vmin.u32 v4, $0x5;
	v5 =	vmin.u32 v5, $0x5  }
0x12f: {  	v4 =	vmul.u32 $0x7, v4;
	v57 =	vadd.s32 v55, v7;
	v5 =	vmul.u32 $0x7, v5  }
0x130: {  	v1 =	vadd.s32 v6, v1;
	v6 =	vmin.u32 v45, $0x6;
	[tilespmem:$0xF80] =	vst v2;
	v2 =	vmul.u32 $0x3, v58  }
0x131: {  	[tilespmem:$0xF90] =	vst v1;
	v1 =	vmul.u32 $0x3, v57;
	v5 =	vadd.s32 v6, v5;
	v6 =	vmin.u32 v48, $0x6  }
0x132: {  	[tilespmem:$0xF70] =	vst v0;
	v63 =	vadd.s32 v62, v2;
	v5 =	vmul.u32 $0x3, v5;
	v4 =	vadd.s32 v6, v4  }
0x133: {  	v8 =	vmin.u32 v8, $0x2;
	v61 =	vadd.s32 v3, v1;
	[tilespmem:$0xFE0] =	vst v63;
	v4 =	vmul.u32 $0x3, v4  }
0x134: {  	v53 =	vmin.u32 v49, $0x2;
	[tilespmem:$0xFD0] =	vst v61;
	v5 =	vadd.s32 v8, v5  }
0x135: {  	v0 =	vadd.s32 v53, v4;
	[tilespmem:$0xFB0] =	vst v5  }
0x136: {  	s23 =	simm.s32 @!p1 $0x11;
	[tilespmem:$0xFC0] =	vst v0  }
0x137: {  	s25 =	simm.s32 $0xF70;
	_ =	swait.ge @!p1 [sflag:s23], $0x4000  }
0x138: {  	s24 =	simm.s32 $0x91F0;
	s26 =	sadd.s32 $0xFFFFFFFC, s21;
	[sflag:s23] =	ssyncset.done @!p1 $0x0  }
0x139: {  	p2 =	sge.u32 s26, s6;
	[sflag:s23] =	ssyncadd.s32 @!p1 $0xFFFFC000;
	s23 =	rddreg [dreg:$0x15]  }
0x13a: {  	[tilespmem:s24], [sflag:$0xA] =	stream.indirect.gather [spmem:s2], $0x80, s25, s5, $0xb8;
	[tilespmem:$0x1D1F0] =	vst v63  }
0x13b: {  	s23 =	sadd.s32 @!p2 s4, s23;
	s24 =	simm.s32 @!p2 $0x0;
	s25 =	simm.s32 @!p2 $0x9F0  }
0x13c: {  	[tilespmem:s25], [sflag:$0x5] =	stream.linear.gather @!p2 [hbm4b:s23+s24], $0x80, $0x38;
	[tilespmem:$0x1D1F0] =	vst v63  }
0x13d: {  	s23 =	rddreg [dreg:$0x13]  }
0x13e: {  	s25 =	simm.s32 @!p2 $0xA70;
	s23 =	sadd.s32 @!p2 s4, s23  }
0x13f: {  	[tilespmem:s25], [sflag:$0x5] =	stream.linear.gather @!p2 [hbm4b:s23+s24], $0x80, $0x38;
	[tilespmem:$0x1D1F0] =	vst v63  }
0x140: {  	s23 =	rddreg [dreg:$0x14]  }
0x141: {  	s25 =	simm.s32 @!p2 $0xAF0;
	s23 =	sadd.s32 @!p2 s4, s23  }
0x142: {  	[tilespmem:s25], [sflag:$0x5] =	stream.linear.gather @!p2 [hbm4b:s23+s24], $0x80, $0x38;
	[tilespmem:$0x1D1F0] =	vst v63  }
.LBB2_6:
0x143: {  	s23 =	sadd.s32 $0xFFFFFFFB, s21  }
0x144: {  	p2 =	sge.u32 s23, s6  }
.Ltmp6:
0x145: {  	_ = 	snop;
	(pc) =	sbr.rel @p2 .LBB2_8-.Ltmp6, $4  }
0x146: {  	_ =	swait.ge [sflag:s15], $0x4000  }
0x147: {  	[sflag:s15] =	ssyncset.done $0x0  }
0x148: {  	s24 =	sadd.s32 s22, s1;
	[sflag:s15] =	ssyncadd.s32 $0xFFFFC000  }
0x149: {  	[hbm4b:s24+s3] =	stream.linear.scatter [tilespmem:s9], [sflag:$0xF], $0x4000, $0x38;
	[tilespmem:$0x1D1F0] =	vst v63  }
0x14a: {  	_ =	swait.ge [sflag:s16], $0x180  }
0x14b: {  	[sflag:s16] =	ssyncset.done $0x0  }
0x14c: {  	[sflag:s16] =	ssyncadd.s32 $0xFFFFFE80  }
0x14d: {  	v0 =	vld [tilespmem:$0x870]  }
0x14e: {  	v1 =	vld [tilespmem:$0x8F0]  }
0x14f: {  	v2 =	vld [tilespmem:$0x970]  }
0x150: {  	v3 =	vld [tilespmem:$0x880]  }
0x151: {  	v4 =	vld [tilespmem:$0x900]  }
0x152: {  	v5 =	vld [tilespmem:$0x980]  }
0x153: {  	v35 =	vld [tilespmem:$0x890]  }
0x154: {  	v6 =	vld [tilespmem:$0x910]  }
0x155: {  	v7 =	vld [tilespmem:$0x990]  }
0x156: {  	v37 =	vld [tilespmem:$0x8A0]  }
0x157: {  	v8 =	vld [tilespmem:$0x920]  }
0x158: {  	v40 =	vld [tilespmem:$0x9A0]  }
0x159: {  	v41 =	vld [tilespmem:$0x8B0]  }
0x15a: {  	v9 =	vld [tilespmem:$0x930]  }
0x15b: {  	v43 =	vld [tilespmem:$0x9B0]  }
0x15c: {  	v44 =	vld [tilespmem:$0x8C0]  }
0x15d: {  	v10 =	vld [tilespmem:$0x940];
	vm0 =	vgt.s32 v0, $0x0;
	vm5 =	vgt.s32 v1, $0x0  }
0x15e: {  	v11 =	vld [tilespmem:$0x9C0];
	vm6 =	vgt.s32 v2, $0x0;
	vm7 =	vgt.s32 v3, $0x0;
	vm8 =	vgt.s32 v4, $0x0  }
0x15f: {  	v47 =	vld [tilespmem:$0x950];
	vm9 =	vgt.s32 v5, $0x0;
	vm10 =	vgt.s32 v35, $0x0;
	vm11 =	vgt.s32 v6, $0x0  }
0x160: {  	v12 =	vld [tilespmem:$0x8E0];
	vm12 =	vgt.s32 v7, $0x0;
	vm13 =	vgt.s32 v37, $0x0;
	vm14 =	vgt.s32 v8, $0x0  }
0x161: {  	v50 =	vld [tilespmem:$0x9D0];
	vm15 =	vgt.s32 v40, $0x0;
	vm4 =	vgt.s32 v41, $0x0;
	v0 =	vnsel vm0, $0x0, v0  }
0x162: {  	v52 =	vld [tilespmem:$0x9E0];
	v1 =	vnsel vm5, $0x0, v1;
	v2 =	vnsel vm6, $0x0, v2;
	v3 =	vnsel vm7, $0x0, v3  }
0x163: {  	v4 =	vnsel vm8, $0x0, v4;
	v5 =	vnsel vm9, $0x0, v5;
	v38 =	vnsel vm11, $0x0, v6  }
0x164: {  	v39 =	vnsel vm12, $0x0, v7;
	v8 =	vnsel vm14, $0x0, v8;
	v7 =	vnsel vm15, $0x0, v40  }
0x165: {  	vm5 =	vgt.s32 v9, $0x0;
	vm6 =	vgt.s32 v43, $0x0;
	vm7 =	vgt.s32 v44, $0x0  }
0x166: {  	vm8 =	vgt.s32 v10, $0x0;
	vm9 =	vgt.s32 v11, $0x0;
	vm11 =	vgt.s32 v47, $0x0  }
0x167: {  	vm12 =	vgt.s32 v12, $0x0;
	vm14 =	vgt.s32 v50, $0x0;
	vm15 =	vgt.s32 v52, $0x0  }
0x168: {  	v13 =	vld [tilespmem:$0x960];
	v0 =	vmin.u32 v0, $0x5;
	v1 =	vmin.u32 v1, $0x6;
	v2 =	vmin.u32 v2, $0x2  }
0x169: {  	v36 =	vmin.u32 v3, $0x5;
	v4 =	vmin.u32 v4, $0x6;
	v5 =	vmin.u32 v5, $0x2  }
0x16a: {  	v3 =	vnsel vm13, $0x0, v37;
	v6 =	vmin.u32 v39, $0x2;
	v42 =	vmin.u32 v8, $0x6  }
0x16b: {  	v7 =	vmin.u32 v7, $0x2;
	v45 =	vnsel vm5, $0x0, v9;
	v8 =	vnsel vm6, $0x0, v43  }
0x16c: {  	v48 =	vnsel vm8, $0x0, v10;
	v49 =	vnsel vm9, $0x0, v11;
	v9 =	vnsel vm11, $0x0, v47  }
0x16d: {  	v12 =	vnsel vm12, $0x0, v12;
	vm13 =	vgt.s32 v13, $0x0;
	v59 =	vnsel vm14, $0x0, v50  }
0x16e: {  	v60 =	vnsel vm15, $0x0, v52;
	v0 =	vmul.u32 $0x7, v0;
	v3 =	vmin.u32 v3, $0x5  }
0x16f: {  	v46 =	vld [tilespmem:$0x8D0];
	v51 =	vnsel vm13, $0x0, v13;
	v12 =	vmin.u32 v12, $0x5;
	v55 =	vmin.u32 v9, $0x6  }
0x170: {  	v62 =	vmin.u32 v60, $0x2;
	v3 =	vmul.u32 $0x7, v3;
	v0 =	vadd.s32 v1, v0  }
0x171: {  	v54 =	vmul.u32 $0x7, v12;
	v1 =	vnsel vm10, $0x0, v35;
	v0 =	vmul.u32 $0x3, v0  }
0x172: {  	v56 =	vmin.u32 v51, $0x6;
	v1 =	vmin.u32 v1, $0x5;
	v3 =	vadd.s32 v42, v3  }
0x173: {  	v3 =	vmul.u32 $0x3, v3;
	v0 =	vadd.s32 v2, v0;
	v2 =	vmul.u32 $0x7, v36  }
0x174: {  	vm10 =	vgt.s32 v46, $0x0;
	v58 =	vadd.s32 v56, v54;
	v1 =	vmul.u32 $0x7, v1  }
0x175: {  	v3 =	vadd.s32 v7, v3;
	v7 =	vnsel vm10, $0x0, v46;
	v2 =	vadd.s32 v4, v2  }
0x176: {  	v4 =	vmin.u32 v38, $0x6;
	v7 =	vmin.u32 v7, $0x5;
	v2 =	vmul.u32 $0x3, v2  }
0x177: {  	[tilespmem:$0x1020] =	vst v3;
	v3 =	vmin.u32 v59, $0x2;
	v1 =	vadd.s32 v4, v1;
	v4 =	vnsel vm7, $0x0, v44  }
0x178: {  	v7 =	vmul.u32 $0x7, v7;
	v2 =	vadd.s32 v5, v2;
	v5 =	vnsel vm4, $0x0, v41  }
0x179: {  	v1 =	vmul.u32 $0x3, v1;
	v4 =	vmin.u32 v4, $0x5;
	v5 =	vmin.u32 v5, $0x5  }
0x17a: {  	v4 =	vmul.u32 $0x7, v4;
	v57 =	vadd.s32 v55, v7;
	v5 =	vmul.u32 $0x7, v5  }
0x17b: {  	v1 =	vadd.s32 v6, v1;
	v6 =	vmin.u32 v45, $0x6;
	[tilespmem:$0x1000] =	vst v2;
	v2 =	vmul.u32 $0x3, v58  }
0x17c: {  	[tilespmem:$0x1010] =	vst v1;
	v1 =	vmul.u32 $0x3, v57;
	v5 =	vadd.s32 v6, v5;
	v6 =	vmin.u32 v48, $0x6  }
0x17d: {  	[tilespmem:$0xFF0] =	vst v0;
	v63 =	vadd.s32 v62, v2;
	v5 =	vmul.u32 $0x3, v5;
	v4 =	vadd.s32 v6, v4  }
0x17e: {  	v8 =	vmin.u32 v8, $0x2;
	v61 =	vadd.s32 v3, v1;
	[tilespmem:$0x1060] =	vst v63;
	v4 =	vmul.u32 $0x3, v4  }
0x17f: {  	v53 =	vmin.u32 v49, $0x2;
	[tilespmem:$0x1050] =	vst v61;
	v5 =	vadd.s32 v8, v5  }
0x180: {  	v0 =	vadd.s32 v53, v4;
	[tilespmem:$0x1030] =	vst v5  }
0x181: {  	s23 =	simm.s32 @!p1 $0x12;
	[tilespmem:$0x1040] =	vst v0  }
0x182: {  	s25 =	simm.s32 $0xFF0;
	_ =	swait.ge @!p1 [sflag:s23], $0x4000  }
0x183: {  	s24 =	simm.s32 $0xD1F0;
	s26 =	sadd.s32 $0xFFFFFFFD, s21;
	[sflag:s23] =	ssyncset.done @!p1 $0x0  }
0x184: {  	p2 =	sge.u32 s26, s6;
	[sflag:s23] =	ssyncadd.s32 @!p1 $0xFFFFC000;
	s23 =	rddreg [dreg:$0x12]  }
0x185: {  	[tilespmem:s24], [sflag:$0xB] =	stream.indirect.gather [spmem:s2], $0x80, s25, s5, $0xb8;
	[tilespmem:$0x1D1F0] =	vst v63  }
0x186: {  	s23 =	sadd.s32 @!p2 s4, s23;
	s24 =	simm.s32 @!p2 $0x0;
	s25 =	simm.s32 @!p2 $0xB70  }
0x187: {  	[tilespmem:s25], [sflag:$0x6] =	stream.linear.gather @!p2 [hbm4b:s23+s24], $0x80, $0x38;
	[tilespmem:$0x1D1F0] =	vst v63  }
0x188: {  	s23 =	rddreg [dreg:$0x10]  }
0x189: {  	s25 =	simm.s32 @!p2 $0xBF0;
	s23 =	sadd.s32 @!p2 s4, s23  }
0x18a: {  	[tilespmem:s25], [sflag:$0x6] =	stream.linear.gather @!p2 [hbm4b:s23+s24], $0x80, $0x38;
	[tilespmem:$0x1D1F0] =	vst v63  }
0x18b: {  	s23 =	rddreg [dreg:$0x11]  }
0x18c: {  	s25 =	simm.s32 @!p2 $0xC70;
	s23 =	sadd.s32 @!p2 s4, s23  }
0x18d: {  	[tilespmem:s25], [sflag:$0x6] =	stream.linear.gather @!p2 [hbm4b:s23+s24], $0x80, $0x38;
	[tilespmem:$0x1D1F0] =	vst v63  }
.LBB2_8:
0x18e: {  	s23 =	sadd.s32 $0xFFFFFFFC, s21  }
0x18f: {  	p2 =	sgt.u32 s23, s7  }
0x190: {  	s24 =	simm.s32 @!p2 $0x9  }
0x191: {  	_ =	swait.ge @!p2 [sflag:s24], $0x4000  }
0x192: {  	[sflag:s24] =	ssyncset.done @!p2 $0x0  }
0x193: {  	[sflag:s24] =	ssyncadd.s32 @!p2 $0xFFFFC000;
	s24 =	sadd.s32 @!p2 s22, s1  }
0x194: {  	s25 =	simm.s32 @!p2 $0x0;
	s26 =	simm.s32 @!p2 $0x51F0;
	s24 =	sadd.s32 @!p2 $0x10000, s24  }
0x195: {  	[hbm4b:s24+s25] =	stream.linear.scatter @!p2 [tilespmem:s26], [sflag:$0x10], $0x4000, $0x38;
	[tilespmem:$0x1D1F0] =	vst v63  }
0x196: {  	p2 =	sge.u32 s23, s6  }
.Ltmp7:
0x197: {  	_ = 	snop;
	(pc) =	sbr.rel @p2 .LBB2_10-.Ltmp7, $1  }
0x198: {  	_ =	sdelay $0x3  }
0x199: {  	_ =	swait.ge [sflag:s17], $0x180  }
0x19a: {  	[sflag:s17] =	ssyncset.done $0x0  }
0x19b: {  	[sflag:s17] =	ssyncadd.s32 $0xFFFFFE80  }
0x19c: {  	v0 =	vld [tilespmem:$0x9F0]  }
0x19d: {  	v1 =	vld [tilespmem:$0xA70]  }
0x19e: {  	v2 =	vld [tilespmem:$0xAF0]  }
0x19f: {  	v3 =	vld [tilespmem:$0xA00]  }
0x1a0: {  	v4 =	vld [tilespmem:$0xA80]  }
0x1a1: {  	v5 =	vld [tilespmem:$0xB00]  }
0x1a2: {  	v35 =	vld [tilespmem:$0xA10]  }
0x1a3: {  	v6 =	vld [tilespmem:$0xA90]  }
0x1a4: {  	v7 =	vld [tilespmem:$0xB10]  }
0x1a5: {  	v37 =	vld [tilespmem:$0xA20]  }
0x1a6: {  	v8 =	vld [tilespmem:$0xAA0]  }
0x1a7: {  	v40 =	vld [tilespmem:$0xB20]  }
0x1a8: {  	v41 =	vld [tilespmem:$0xA30]  }
0x1a9: {  	v9 =	vld [tilespmem:$0xAB0]  }
0x1aa: {  	v43 =	vld [tilespmem:$0xB30]  }
0x1ab: {  	v44 =	vld [tilespmem:$0xA40]  }
0x1ac: {  	v10 =	vld [tilespmem:$0xAC0];
	vm0 =	vgt.s32 v0, $0x0;
	vm5 =	vgt.s32 v1, $0x0  }
0x1ad: {  	v11 =	vld [tilespmem:$0xB40];
	vm6 =	vgt.s32 v2, $0x0;
	vm7 =	vgt.s32 v3, $0x0;
	vm8 =	vgt.s32 v4, $0x0  }
0x1ae: {  	v47 =	vld [tilespmem:$0xAD0];
	vm9 =	vgt.s32 v5, $0x0;
	vm10 =	vgt.s32 v35, $0x0;
	vm11 =	vgt.s32 v6, $0x0  }
0x1af: {  	v12 =	vld [tilespmem:$0xA60];
	vm12 =	vgt.s32 v7, $0x0;
	vm13 =	vgt.s32 v37, $0x0;
	vm14 =	vgt.s32 v8, $0x0  }
0x1b0: {  	v50 =	vld [tilespmem:$0xB50];
	vm15 =	vgt.s32 v40, $0x0;
	vm4 =	vgt.s32 v41, $0x0;
	v0 =	vnsel vm0, $0x0, v0  }
0x1b1: {  	v52 =	vld [tilespmem:$0xB60];
	v1 =	vnsel vm5, $0x0, v1;
	v2 =	vnsel vm6, $0x0, v2;
	v3 =	vnsel vm7, $0x0, v3  }
0x1b2: {  	v4 =	vnsel vm8, $0x0, v4;
	v5 =	vnsel vm9, $0x0, v5;
	v38 =	vnsel vm11, $0x0, v6  }
0x1b3: {  	v39 =	vnsel vm12, $0x0, v7;
	v8 =	vnsel vm14, $0x0, v8;
	v7 =	vnsel vm15, $0x0, v40  }
0x1b4: {  	vm5 =	vgt.s32 v9, $0x0;
	vm6 =	vgt.s32 v43, $0x0;
	vm7 =	vgt.s32 v44, $0x0  }
0x1b5: {  	vm8 =	vgt.s32 v10, $0x0;
	vm9 =	vgt.s32 v11, $0x0;
	vm11 =	vgt.s32 v47, $0x0  }
0x1b6: {  	vm12 =	vgt.s32 v12, $0x0;
	vm14 =	vgt.s32 v50, $0x0;
	vm15 =	vgt.s32 v52, $0x0  }
0x1b7: {  	v13 =	vld [tilespmem:$0xAE0];
	v0 =	vmin.u32 v0, $0x5;
	v1 =	vmin.u32 v1, $0x6;
	v2 =	vmin.u32 v2, $0x2  }
0x1b8: {  	v36 =	vmin.u32 v3, $0x5;
	v4 =	vmin.u32 v4, $0x6;
	v5 =	vmin.u32 v5, $0x2  }
0x1b9: {  	v3 =	vnsel vm13, $0x0, v37;
	v6 =	vmin.u32 v39, $0x2;
	v42 =	vmin.u32 v8, $0x6  }
0x1ba: {  	v7 =	vmin.u32 v7, $0x2;
	v45 =	vnsel vm5, $0x0, v9;
	v8 =	vnsel vm6, $0x0, v43  }
0x1bb: {  	v48 =	vnsel vm8, $0x0, v10;
	v49 =	vnsel vm9, $0x0, v11;
	v9 =	vnsel vm11, $0x0, v47  }
0x1bc: {  	v12 =	vnsel vm12, $0x0, v12;
	vm13 =	vgt.s32 v13, $0x0;
	v59 =	vnsel vm14, $0x0, v50  }
0x1bd: {  	v60 =	vnsel vm15, $0x0, v52;
	v0 =	vmul.u32 $0x7, v0;
	v3 =	vmin.u32 v3, $0x5  }
0x1be: {  	v46 =	vld [tilespmem:$0xA50];
	v51 =	vnsel vm13, $0x0, v13;
	v12 =	vmin.u32 v12, $0x5;
	v55 =	vmin.u32 v9, $0x6  }
0x1bf: {  	v62 =	vmin.u32 v60, $0x2;
	v3 =	vmul.u32 $0x7, v3;
	v0 =	vadd.s32 v1, v0  }
0x1c0: {  	v54 =	vmul.u32 $0x7, v12;
	v1 =	vnsel vm10, $0x0, v35;
	v0 =	vmul.u32 $0x3, v0  }
0x1c1: {  	v56 =	vmin.u32 v51, $0x6;
	v1 =	vmin.u32 v1, $0x5;
	v3 =	vadd.s32 v42, v3  }
0x1c2: {  	v3 =	vmul.u32 $0x3, v3;
	v0 =	vadd.s32 v2, v0;
	v2 =	vmul.u32 $0x7, v36  }
0x1c3: {  	vm10 =	vgt.s32 v46, $0x0;
	v58 =	vadd.s32 v56, v54;
	v1 =	vmul.u32 $0x7, v1  }
0x1c4: {  	v3 =	vadd.s32 v7, v3;
	v7 =	vnsel vm10, $0x0, v46;
	v2 =	vadd.s32 v4, v2  }
0x1c5: {  	v4 =	vmin.u32 v38, $0x6;
	v7 =	vmin.u32 v7, $0x5;
	v2 =	vmul.u32 $0x3, v2  }
0x1c6: {  	[tilespmem:$0x10A0] =	vst v3;
	v3 =	vmin.u32 v59, $0x2;
	v1 =	vadd.s32 v4, v1;
	v4 =	vnsel vm7, $0x0, v44  }
0x1c7: {  	v7 =	vmul.u32 $0x7, v7;
	v2 =	vadd.s32 v5, v2;
	v5 =	vnsel vm4, $0x0, v41  }
0x1c8: {  	v1 =	vmul.u32 $0x3, v1;
	v4 =	vmin.u32 v4, $0x5;
	v5 =	vmin.u32 v5, $0x5  }
0x1c9: {  	v4 =	vmul.u32 $0x7, v4;
	v57 =	vadd.s32 v55, v7;
	v5 =	vmul.u32 $0x7, v5  }
0x1ca: {  	v1 =	vadd.s32 v6, v1;
	v6 =	vmin.u32 v45, $0x6;
	[tilespmem:$0x1080] =	vst v2;
	v2 =	vmul.u32 $0x3, v58  }
0x1cb: {  	[tilespmem:$0x1090] =	vst v1;
	v1 =	vmul.u32 $0x3, v57;
	v5 =	vadd.s32 v6, v5;
	v6 =	vmin.u32 v48, $0x6  }
0x1cc: {  	[tilespmem:$0x1070] =	vst v0;
	v63 =	vadd.s32 v62, v2;
	v5 =	vmul.u32 $0x3, v5;
	v4 =	vadd.s32 v6, v4  }
0x1cd: {  	v8 =	vmin.u32 v8, $0x2;
	v61 =	vadd.s32 v3, v1;
	[tilespmem:$0x10E0] =	vst v63;
	v4 =	vmul.u32 $0x3, v4  }
0x1ce: {  	v53 =	vmin.u32 v49, $0x2;
	[tilespmem:$0x10D0] =	vst v61;
	v5 =	vadd.s32 v8, v5  }
0x1cf: {  	v0 =	vadd.s32 v53, v4;
	[tilespmem:$0x10B0] =	vst v5  }
0x1d0: {  	s23 =	simm.s32 @!p1 $0x13;
	[tilespmem:$0x10C0] =	vst v0  }
0x1d1: {  	s25 =	simm.s32 $0x1070;
	_ =	swait.ge @!p1 [sflag:s23], $0x4000  }
0x1d2: {  	s24 =	simm.s32 $0x111F0;
	s26 =	sadd.s32 $0xFFFFFFFE, s21;
	[sflag:s23] =	ssyncset.done @!p1 $0x0  }
0x1d3: {  	p2 =	sge.u32 s26, s6;
	[sflag:s23] =	ssyncadd.s32 @!p1 $0xFFFFC000;
	s23 =	rddreg [dreg:$0xf]  }
0x1d4: {  	[tilespmem:s24], [sflag:$0xC] =	stream.indirect.gather [spmem:s2], $0x80, s25, s5, $0xb8;
	[tilespmem:$0x1D1F0] =	vst v63  }
0x1d5: {  	s23 =	sadd.s32 @!p2 s4, s23;
	s24 =	simm.s32 @!p2 $0x0;
	s25 =	simm.s32 @!p2 $0xCF0  }
0x1d6: {  	[tilespmem:s25], [sflag:$0x7] =	stream.linear.gather @!p2 [hbm4b:s23+s24], $0x80, $0x38;
	[tilespmem:$0x1D1F0] =	vst v63  }
0x1d7: {  	s23 =	rddreg [dreg:$0xd]  }
0x1d8: {  	s25 =	simm.s32 @!p2 $0xD70;
	s23 =	sadd.s32 @!p2 s4, s23  }
0x1d9: {  	[tilespmem:s25], [sflag:$0x7] =	stream.linear.gather @!p2 [hbm4b:s23+s24], $0x80, $0x38;
	[tilespmem:$0x1D1F0] =	vst v63  }
0x1da: {  	s23 =	rddreg [dreg:$0xe]  }
0x1db: {  	s25 =	simm.s32 @!p2 $0xDF0;
	s23 =	sadd.s32 @!p2 s4, s23  }
0x1dc: {  	[tilespmem:s25], [sflag:$0x7] =	stream.linear.gather @!p2 [hbm4b:s23+s24], $0x80, $0x38;
	[tilespmem:$0x1D1F0] =	vst v63  }
.LBB2_10:
0x1dd: {  	s23 =	sadd.s32 $0xFFFFFFFD, s21  }
0x1de: {  	p2 =	sgt.u32 s23, s7  }
0x1df: {  	s24 =	simm.s32 @!p2 $0xA  }
0x1e0: {  	_ =	swait.ge @!p2 [sflag:s24], $0x4000  }
0x1e1: {  	[sflag:s24] =	ssyncset.done @!p2 $0x0  }
0x1e2: {  	[sflag:s24] =	ssyncadd.s32 @!p2 $0xFFFFC000;
	s24 =	sadd.s32 @!p2 s22, s1  }
0x1e3: {  	s25 =	simm.s32 @!p2 $0x0;
	s26 =	simm.s32 @!p2 $0x91F0;
	s24 =	sadd.s32 @!p2 $0x20000, s24  }
0x1e4: {  	[hbm4b:s24+s25] =	stream.linear.scatter @!p2 [tilespmem:s26], [sflag:$0x11], $0x4000, $0x38;
	[tilespmem:$0x1D1F0] =	vst v63  }
0x1e5: {  	p2 =	sge.u32 s23, s6  }
.Ltmp8:
0x1e6: {  	_ = 	snop;
	(pc) =	sbr.rel @p2 .LBB2_12-.Ltmp8, $1  }
0x1e7: {  	_ =	sdelay $0x3  }
0x1e8: {  	_ =	swait.ge [sflag:s18], $0x180  }
0x1e9: {  	[sflag:s18] =	ssyncset.done $0x0  }
0x1ea: {  	[sflag:s18] =	ssyncadd.s32 $0xFFFFFE80  }
0x1eb: {  	v0 =	vld [tilespmem:$0xB70]  }
0x1ec: {  	v1 =	vld [tilespmem:$0xBF0]  }
0x1ed: {  	v2 =	vld [tilespmem:$0xC70]  }
0x1ee: {  	v3 =	vld [tilespmem:$0xB80]  }
0x1ef: {  	v4 =	vld [tilespmem:$0xC00]  }
0x1f0: {  	v5 =	vld [tilespmem:$0xC80]  }
0x1f1: {  	v35 =	vld [tilespmem:$0xB90]  }
0x1f2: {  	v6 =	vld [tilespmem:$0xC10]  }
0x1f3: {  	v7 =	vld [tilespmem:$0xC90]  }
0x1f4: {  	v37 =	vld [tilespmem:$0xBA0]  }
0x1f5: {  	v8 =	vld [tilespmem:$0xC20]  }
0x1f6: {  	v40 =	vld [tilespmem:$0xCA0]  }
0x1f7: {  	v41 =	vld [tilespmem:$0xBB0]  }
0x1f8: {  	v9 =	vld [tilespmem:$0xC30]  }
0x1f9: {  	v43 =	vld [tilespmem:$0xCB0]  }
0x1fa: {  	v44 =	vld [tilespmem:$0xBC0]  }
0x1fb: {  	v10 =	vld [tilespmem:$0xC40];
	vm0 =	vgt.s32 v0, $0x0;
	vm5 =	vgt.s32 v1, $0x0  }
0x1fc: {  	v11 =	vld [tilespmem:$0xCC0];
	vm6 =	vgt.s32 v2, $0x0;
	vm7 =	vgt.s32 v3, $0x0;
	vm8 =	vgt.s32 v4, $0x0  }
0x1fd: {  	v47 =	vld [tilespmem:$0xC50];
	vm9 =	vgt.s32 v5, $0x0;
	vm10 =	vgt.s32 v35, $0x0;
	vm11 =	vgt.s32 v6, $0x0  }
0x1fe: {  	v12 =	vld [tilespmem:$0xBE0];
	vm12 =	vgt.s32 v7, $0x0;
	vm13 =	vgt.s32 v37, $0x0;
	vm14 =	vgt.s32 v8, $0x0  }
0x1ff: {  	v50 =	vld [tilespmem:$0xCD0];
	vm15 =	vgt.s32 v40, $0x0;
	vm4 =	vgt.s32 v41, $0x0;
	v0 =	vnsel vm0, $0x0, v0  }
0x200: {  	v52 =	vld [tilespmem:$0xCE0];
	v1 =	vnsel vm5, $0x0, v1;
	v2 =	vnsel vm6, $0x0, v2;
	v3 =	vnsel vm7, $0x0, v3  }
0x201: {  	v4 =	vnsel vm8, $0x0, v4;
	v5 =	vnsel vm9, $0x0, v5;
	v38 =	vnsel vm11, $0x0, v6  }
0x202: {  	v39 =	vnsel vm12, $0x0, v7;
	v8 =	vnsel vm14, $0x0, v8;
	v7 =	vnsel vm15, $0x0, v40  }
0x203: {  	vm5 =	vgt.s32 v9, $0x0;
	vm6 =	vgt.s32 v43, $0x0;
	vm7 =	vgt.s32 v44, $0x0  }
0x204: {  	vm8 =	vgt.s32 v10, $0x0;
	vm9 =	vgt.s32 v11, $0x0;
	vm11 =	vgt.s32 v47, $0x0  }
0x205: {  	vm12 =	vgt.s32 v12, $0x0;
	vm14 =	vgt.s32 v50, $0x0;
	vm15 =	vgt.s32 v52, $0x0  }
0x206: {  	v13 =	vld [tilespmem:$0xC60];
	v0 =	vmin.u32 v0, $0x5;
	v1 =	vmin.u32 v1, $0x6;
	v2 =	vmin.u32 v2, $0x2  }
0x207: {  	v36 =	vmin.u32 v3, $0x5;
	v4 =	vmin.u32 v4, $0x6;
	v5 =	vmin.u32 v5, $0x2  }
0x208: {  	v3 =	vnsel vm13, $0x0, v37;
	v6 =	vmin.u32 v39, $0x2;
	v42 =	vmin.u32 v8, $0x6  }
0x209: {  	v7 =	vmin.u32 v7, $0x2;
	v45 =	vnsel vm5, $0x0, v9;
	v8 =	vnsel vm6, $0x0, v43  }
0x20a: {  	v48 =	vnsel vm8, $0x0, v10;
	v49 =	vnsel vm9, $0x0, v11;
	v9 =	vnsel vm11, $0x0, v47  }
0x20b: {  	v12 =	vnsel vm12, $0x0, v12;
	vm13 =	vgt.s32 v13, $0x0;
	v59 =	vnsel vm14, $0x0, v50  }
0x20c: {  	v60 =	vnsel vm15, $0x0, v52;
	v0 =	vmul.u32 $0x7, v0;
	v3 =	vmin.u32 v3, $0x5  }
0x20d: {  	v46 =	vld [tilespmem:$0xBD0];
	v51 =	vnsel vm13, $0x0, v13;
	v12 =	vmin.u32 v12, $0x5;
	v55 =	vmin.u32 v9, $0x6  }
0x20e: {  	v62 =	vmin.u32 v60, $0x2;
	v3 =	vmul.u32 $0x7, v3;
	v0 =	vadd.s32 v1, v0  }
0x20f: {  	v54 =	vmul.u32 $0x7, v12;
	v1 =	vnsel vm10, $0x0, v35;
	v0 =	vmul.u32 $0x3, v0  }
0x210: {  	v56 =	vmin.u32 v51, $0x6;
	v1 =	vmin.u32 v1, $0x5;
	v3 =	vadd.s32 v42, v3  }
0x211: {  	v3 =	vmul.u32 $0x3, v3;
	v0 =	vadd.s32 v2, v0;
	v2 =	vmul.u32 $0x7, v36  }
0x212: {  	vm10 =	vgt.s32 v46, $0x0;
	v58 =	vadd.s32 v56, v54;
	v1 =	vmul.u32 $0x7, v1  }
0x213: {  	v3 =	vadd.s32 v7, v3;
	v7 =	vnsel vm10, $0x0, v46;
	v2 =	vadd.s32 v4, v2  }
0x214: {  	v4 =	vmin.u32 v38, $0x6;
	v7 =	vmin.u32 v7, $0x5;
	v2 =	vmul.u32 $0x3, v2  }
0x215: {  	[tilespmem:$0x1120] =	vst v3;
	v3 =	vmin.u32 v59, $0x2;
	v1 =	vadd.s32 v4, v1;
	v4 =	vnsel vm7, $0x0, v44  }
0x216: {  	v7 =	vmul.u32 $0x7, v7;
	v2 =	vadd.s32 v5, v2;
	v5 =	vnsel vm4, $0x0, v41  }
0x217: {  	v1 =	vmul.u32 $0x3, v1;
	v4 =	vmin.u32 v4, $0x5;
	v5 =	vmin.u32 v5, $0x5  }
0x218: {  	v4 =	vmul.u32 $0x7, v4;
	v57 =	vadd.s32 v55, v7;
	v5 =	vmul.u32 $0x7, v5  }
0x219: {  	v1 =	vadd.s32 v6, v1;
	v6 =	vmin.u32 v45, $0x6;
	[tilespmem:$0x1100] =	vst v2;
	v2 =	vmul.u32 $0x3, v58  }
0x21a: {  	[tilespmem:$0x1110] =	vst v1;
	v1 =	vmul.u32 $0x3, v57;
	v5 =	vadd.s32 v6, v5;
	v6 =	vmin.u32 v48, $0x6  }
0x21b: {  	[tilespmem:$0x10F0] =	vst v0;
	v63 =	vadd.s32 v62, v2;
	v5 =	vmul.u32 $0x3, v5;
	v4 =	vadd.s32 v6, v4  }
0x21c: {  	v8 =	vmin.u32 v8, $0x2;
	v61 =	vadd.s32 v3, v1;
	[tilespmem:$0x1160] =	vst v63;
	v4 =	vmul.u32 $0x3, v4  }
0x21d: {  	v53 =	vmin.u32 v49, $0x2;
	[tilespmem:$0x1150] =	vst v61;
	v5 =	vadd.s32 v8, v5  }
0x21e: {  	v0 =	vadd.s32 v53, v4;
	[tilespmem:$0x1130] =	vst v5  }
0x21f: {  	s23 =	simm.s32 @!p1 $0x14;
	[tilespmem:$0x1140] =	vst v0  }
0x220: {  	s26 =	sadd.s32 $0xFFFFFFFF, s21;
	_ =	swait.ge @!p1 [sflag:s23], $0x4000  }
0x221: {  	s25 =	simm.s32 $0x10F0;
	p2 =	sge.u32 s26, s6;
	[sflag:s23] =	ssyncset.done @!p1 $0x0  }
0x222: {  	s24 =	simm.s32 $0x151F0;
	[sflag:s23] =	ssyncadd.s32 @!p1 $0xFFFFC000;
	s23 =	sshrl.u32 @!p2 s20, $0x3  }
0x223: {  	[tilespmem:s24], [sflag:$0xD] =	stream.indirect.gather [spmem:s2], $0x80, s25, s5, $0xb8;
	[tilespmem:$0x1D1F0] =	vst v63  }
0x224: {  	s23 =	sadd.s32 @!p2 s28, s23;
	s24 =	simm.s32 @!p2 $0x0;
	s25 =	simm.s32 @!p2 $0x3F0  }
0x225: {  	[tilespmem:s25], [sflag:$0x1] =	stream.linear.gather @!p2 [hbm4b:s23+s24], $0x80, $0x38;
	[tilespmem:$0x1D1F0] =	vst v63  }
0x226: {  	s23 =	rddreg [dreg:$0xb]  }
0x227: {  	s25 =	simm.s32 @!p2 $0x470;
	s23 =	sadd.s32 @!p2 s4, s23  }
0x228: {  	[tilespmem:s25], [sflag:$0x1] =	stream.linear.gather @!p2 [hbm4b:s23+s24], $0x80, $0x38;
	[tilespmem:$0x1D1F0] =	vst v63  }
0x229: {  	s23 =	rddreg [dreg:$0xc]  }
0x22a: {  	s25 =	simm.s32 @!p2 $0x4F0;
	s23 =	sadd.s32 @!p2 s4, s23  }
0x22b: {  	[tilespmem:s25], [sflag:$0x1] =	stream.linear.gather @!p2 [hbm4b:s23+s24], $0x80, $0x38;
	[tilespmem:$0x1D1F0] =	vst v63  }
.LBB2_12:
0x22c: {  	s23 =	sadd.s32 $0xFFFFFFFE, s21  }
0x22d: {  	p2 =	sgt.u32 s23, s7  }
0x22e: {  	s24 =	simm.s32 @!p2 $0xB  }
0x22f: {  	_ =	swait.ge @!p2 [sflag:s24], $0x4000  }
0x230: {  	[sflag:s24] =	ssyncset.done @!p2 $0x0  }
0x231: {  	[sflag:s24] =	ssyncadd.s32 @!p2 $0xFFFFC000;
	s24 =	sadd.s32 @!p2 s22, s1  }
0x232: {  	s25 =	simm.s32 @!p2 $0x0;
	s26 =	simm.s32 @!p2 $0xD1F0;
	s24 =	sadd.s32 @!p2 $0x30000, s24  }
0x233: {  	[hbm4b:s24+s25] =	stream.linear.scatter @!p2 [tilespmem:s26], [sflag:$0x12], $0x4000, $0x38;
	[tilespmem:$0x1D1F0] =	vst v63  }
0x234: {  	p2 =	sge.u32 s23, s6  }
.Ltmp9:
0x235: {  	_ = 	snop;
	(pc) =	sbr.rel @p2 .LBB2_14-.Ltmp9, $1  }
0x236: {  	_ =	sdelay $0x3  }
0x237: {  	_ =	swait.ge [sflag:s19], $0x180  }
0x238: {  	[sflag:s19] =	ssyncset.done $0x0  }
0x239: {  	[sflag:s19] =	ssyncadd.s32 $0xFFFFFE80  }
0x23a: {  	v0 =	vld [tilespmem:$0xCF0]  }
0x23b: {  	v1 =	vld [tilespmem:$0xD70]  }
0x23c: {  	v2 =	vld [tilespmem:$0xDF0]  }
0x23d: {  	v3 =	vld [tilespmem:$0xD00]  }
0x23e: {  	v4 =	vld [tilespmem:$0xD80]  }
0x23f: {  	v5 =	vld [tilespmem:$0xE00]  }
0x240: {  	v35 =	vld [tilespmem:$0xD10]  }
0x241: {  	v6 =	vld [tilespmem:$0xD90]  }
0x242: {  	v7 =	vld [tilespmem:$0xE10]  }
0x243: {  	v37 =	vld [tilespmem:$0xD20]  }
0x244: {  	v8 =	vld [tilespmem:$0xDA0]  }
0x245: {  	v40 =	vld [tilespmem:$0xE20]  }
0x246: {  	v41 =	vld [tilespmem:$0xD30]  }
0x247: {  	v9 =	vld [tilespmem:$0xDB0]  }
0x248: {  	v43 =	vld [tilespmem:$0xE30]  }
0x249: {  	v44 =	vld [tilespmem:$0xD40]  }
0x24a: {  	v10 =	vld [tilespmem:$0xDC0];
	vm0 =	vgt.s32 v0, $0x0;
	vm5 =	vgt.s32 v1, $0x0  }
0x24b: {  	v11 =	vld [tilespmem:$0xE40];
	vm6 =	vgt.s32 v2, $0x0;
	vm7 =	vgt.s32 v3, $0x0;
	vm8 =	vgt.s32 v4, $0x0  }
0x24c: {  	v47 =	vld [tilespmem:$0xDD0];
	vm9 =	vgt.s32 v5, $0x0;
	vm10 =	vgt.s32 v35, $0x0;
	vm11 =	vgt.s32 v6, $0x0  }
0x24d: {  	v12 =	vld [tilespmem:$0xD60];
	vm12 =	vgt.s32 v7, $0x0;
	vm13 =	vgt.s32 v37, $0x0;
	vm14 =	vgt.s32 v8, $0x0  }
0x24e: {  	v50 =	vld [tilespmem:$0xE50];
	vm15 =	vgt.s32 v40, $0x0;
	vm4 =	vgt.s32 v41, $0x0;
	v0 =	vnsel vm0, $0x0, v0  }
0x24f: {  	v52 =	vld [tilespmem:$0xE60];
	v1 =	vnsel vm5, $0x0, v1;
	v2 =	vnsel vm6, $0x0, v2;
	v3 =	vnsel vm7, $0x0, v3  }
0x250: {  	v4 =	vnsel vm8, $0x0, v4;
	v5 =	vnsel vm9, $0x0, v5;
	v38 =	vnsel vm11, $0x0, v6  }
0x251: {  	v39 =	vnsel vm12, $0x0, v7;
	v8 =	vnsel vm14, $0x0, v8;
	v7 =	vnsel vm15, $0x0, v40  }
0x252: {  	vm5 =	vgt.s32 v9, $0x0;
	vm6 =	vgt.s32 v43, $0x0;
	vm7 =	vgt.s32 v44, $0x0  }
0x253: {  	vm8 =	vgt.s32 v10, $0x0;
	vm9 =	vgt.s32 v11, $0x0;
	vm11 =	vgt.s32 v47, $0x0  }
0x254: {  	vm12 =	vgt.s32 v12, $0x0;
	vm14 =	vgt.s32 v50, $0x0;
	vm15 =	vgt.s32 v52, $0x0  }
0x255: {  	v13 =	vld [tilespmem:$0xDE0];
	v0 =	vmin.u32 v0, $0x5;
	v1 =	vmin.u32 v1, $0x6;
	v2 =	vmin.u32 v2, $0x2  }
0x256: {  	v36 =	vmin.u32 v3, $0x5;
	v4 =	vmin.u32 v4, $0x6;
	v5 =	vmin.u32 v5, $0x2  }
0x257: {  	v3 =	vnsel vm13, $0x0, v37;
	v6 =	vmin.u32 v39, $0x2;
	v42 =	vmin.u32 v8, $0x6  }
0x258: {  	v7 =	vmin.u32 v7, $0x2;
	v45 =	vnsel vm5, $0x0, v9;
	v8 =	vnsel vm6, $0x0, v43  }
0x259: {  	v48 =	vnsel vm8, $0x0, v10;
	v49 =	vnsel vm9, $0x0, v11;
	v9 =	vnsel vm11, $0x0, v47  }
0x25a: {  	v12 =	vnsel vm12, $0x0, v12;
	vm13 =	vgt.s32 v13, $0x0;
	v59 =	vnsel vm14, $0x0, v50  }
0x25b: {  	v60 =	vnsel vm15, $0x0, v52;
	v0 =	vmul.u32 $0x7, v0;
	v3 =	vmin.u32 v3, $0x5  }
0x25c: {  	v46 =	vld [tilespmem:$0xD50];
	v51 =	vnsel vm13, $0x0, v13;
	v12 =	vmin.u32 v12, $0x5;
	v55 =	vmin.u32 v9, $0x6  }
0x25d: {  	v62 =	vmin.u32 v60, $0x2;
	v3 =	vmul.u32 $0x7, v3;
	v0 =	vadd.s32 v1, v0  }
0x25e: {  	v54 =	vmul.u32 $0x7, v12;
	v1 =	vnsel vm10, $0x0, v35;
	v0 =	vmul.u32 $0x3, v0  }
0x25f: {  	v56 =	vmin.u32 v51, $0x6;
	v1 =	vmin.u32 v1, $0x5;
	v3 =	vadd.s32 v42, v3  }
0x260: {  	v3 =	vmul.u32 $0x3, v3;
	v0 =	vadd.s32 v2, v0;
	v2 =	vmul.u32 $0x7, v36  }
0x261: {  	vm10 =	vgt.s32 v46, $0x0;
	v58 =	vadd.s32 v56, v54;
	v1 =	vmul.u32 $0x7, v1  }
0x262: {  	v3 =	vadd.s32 v7, v3;
	v7 =	vnsel vm10, $0x0, v46;
	v2 =	vadd.s32 v4, v2  }
0x263: {  	v4 =	vmin.u32 v38, $0x6;
	v7 =	vmin.u32 v7, $0x5;
	v2 =	vmul.u32 $0x3, v2  }
0x264: {  	[tilespmem:$0x11A0] =	vst v3;
	v3 =	vmin.u32 v59, $0x2;
	v1 =	vadd.s32 v4, v1;
	v4 =	vnsel vm7, $0x0, v44  }
0x265: {  	v7 =	vmul.u32 $0x7, v7;
	v2 =	vadd.s32 v5, v2;
	v5 =	vnsel vm4, $0x0, v41  }
0x266: {  	v1 =	vmul.u32 $0x3, v1;
	v4 =	vmin.u32 v4, $0x5;
	v5 =	vmin.u32 v5, $0x5  }
0x267: {  	v4 =	vmul.u32 $0x7, v4;
	v57 =	vadd.s32 v55, v7;
	v5 =	vmul.u32 $0x7, v5  }
0x268: {  	v1 =	vadd.s32 v6, v1;
	v6 =	vmin.u32 v45, $0x6;
	[tilespmem:$0x1180] =	vst v2;
	v2 =	vmul.u32 $0x3, v58  }
0x269: {  	[tilespmem:$0x1190] =	vst v1;
	v1 =	vmul.u32 $0x3, v57;
	v5 =	vadd.s32 v6, v5;
	v6 =	vmin.u32 v48, $0x6  }
0x26a: {  	[tilespmem:$0x1170] =	vst v0;
	v63 =	vadd.s32 v62, v2;
	v5 =	vmul.u32 $0x3, v5;
	v4 =	vadd.s32 v6, v4  }
0x26b: {  	v8 =	vmin.u32 v8, $0x2;
	v61 =	vadd.s32 v3, v1;
	[tilespmem:$0x11E0] =	vst v63;
	v4 =	vmul.u32 $0x3, v4  }
0x26c: {  	v53 =	vmin.u32 v49, $0x2;
	[tilespmem:$0x11D0] =	vst v61;
	v5 =	vadd.s32 v8, v5  }
0x26d: {  	v0 =	vadd.s32 v53, v4;
	[tilespmem:$0x11B0] =	vst v5  }
0x26e: {  	s23 =	simm.s32 @!p1 $0x15;
	[tilespmem:$0x11C0] =	vst v0  }
0x26f: {  	_ =	swait.ge @!p1 [sflag:s23], $0x4000  }
0x270: {  	s26 =	simm.s32 $0x1170;
	s24 =	simm.s32 $0x191F0;
	[sflag:s23] =	ssyncset.done @!p1 $0x0  }
0x271: {  	[sflag:s23] =	ssyncadd.s32 @!p1 $0xFFFFC000;
	p1 =	sge.u32 s21, s6;
	s23 =	rddreg [dreg:$0xa]  }
0x272: {  	[tilespmem:s24], [sflag:$0xE] =	stream.indirect.gather [spmem:s2], $0x80, s26, s5, $0xb8;
	[tilespmem:$0x1D1F0] =	vst v63  }
0x273: {  	s23 =	sadd.s32 @!p1 s4, s23;
	s24 =	simm.s32 @!p1 $0x0;
	s25 =	simm.s32 @!p1 $0x570  }
0x274: {  	[tilespmem:s25], [sflag:$0x2] =	stream.linear.gather @!p1 [hbm4b:s23+s24], $0x80, $0x38;
	[tilespmem:$0x1D1F0] =	vst v63  }
0x275: {  	s23 =	rddreg [dreg:$0x8]  }
.Ltmp10:
0x276: {  	s25 =	simm.s32 @!p1 $0x5F0;
	s23 =	sadd.s32 @!p1 s4, s23;
	(pc) =	sbr.rel .LBB2_14-.Ltmp10, $4  }
0x277: {  	[tilespmem:s25], [sflag:$0x2] =	stream.linear.gather @!p1 [hbm4b:s23+s24], $0x80, $0x38;
	[tilespmem:$0x1D1F0] =	vst v63  }
0x278: {  	s23 =	rddreg [dreg:$0x9]  }
0x279: {  	s25 =	simm.s32 @!p1 $0x670;
	s23 =	sadd.s32 @!p1 s4, s23  }
0x27a: {  	[tilespmem:s25], [sflag:$0x2] =	stream.linear.gather @!p1 [hbm4b:s23+s24], $0x80, $0x38;
	[tilespmem:$0x1D1F0] =	vst v63  }
.LBB2_16:
0x27b: {  	_ =	sfence.sel $0x180000  }
0x27c: {  	[bflag:$0x0] =	sbarrier.arrive $0xFFFF  }
0x27d: {  	_ =	strace $0x90000047  }
0x27e: {  	[bflag:$0x2] =	sbarrier.arrive $0xFFFF  }
0x27f: {  	s0 =	rddreg [dreg:$0x3]  }
0x280: {  	s0 =	sadd.s32 @!p0 $0x100000, s0  }
0x281: {  	[sflag:s0] =	ssyncadd.tile.s32 @!p0 $0x1;
	_ =	shalt  }
.Lfunc_end2:
_tile_overlayer_lowered:
.L_overlay_start_2:
0x282: {  	(tag) =	ssettag $0x2  }
0x283: {  	s0 =	rddreg [dreg:$0x0];
	s2 =	stileid.u32  }
0x284: {  	s1 =	rddreg [dreg:$0x1];
	p0 =	sne.s32 s2, $0x0  }
0x285: {  	s3 =	rddreg [dreg:$0x2];
	[bflag:$0x3] =	sbarrier.arrive $0xFFFF;
	s2 =	simm.s32 @!p0 $0x1C16  }
0x286: {  	[timem:s3], [sflag:s2] =	dma.local @!p0 [hbm:s0], s1  }
0x287: {  	s0 =	simm.s32 @!p0 $0x16  }
0x288: {  	_ =	swait.ge @!p0 [sflag:s0], s1  }
0x289: {  	s1 =	ssub.s32 @!p0 $0x0, s1;
	[sflag:s0] =	ssyncset.done @!p0 $0x0  }
0x28a: {  	[sflag:s0] =	ssyncadd.s32 @!p0 s1  }
0x28b: {  	[bflag:$0x3] =	sbarrier.arrive $0xFFFF  }
0x28c: {  	_ =	shalt  }

</sc_bundles>
